<compile_context>
chip_gen: v7x
topology: tpu7x:2x2x1
jax: 0.10.2.dev20260603
libtpu: 0.0.44.dev20260713+nightly
codegen_flags: <defaults>
</compile_context>

<pallas_src>
import functools
from typing import Any

import jax
import jax.numpy as jnp
from jax import lax
from jax.experimental import pallas as pl
from jax.experimental.pallas import tpu as pltpu
from jax.experimental.pallas import tpu_sc as plsc

RATIO = 0.5
EPS = 1e-5

NW = 32
CHUNK = 96
ZCH = 64


def _round_up(x, m):
    return (x + m - 1) // m * m



def _sc_scatter_body(n_pad, w, n_ch, u_hbm, src_hbm, dst_hbm, out_hbm,
                     sidx_v, didx_v, rows_v, rows_b, acc_sp, semA, semB):
    c = lax.axis_index("c")
    s = lax.axis_index("s")
    wid = s * 2 + c
    stripe = n_pad // 16
    pltpu.sync_copy(src_hbm.at[wid], sidx_v)
    pltpu.sync_copy(dst_hbm.at[wid], didx_v)
    pltpu.sync_copy(u_hbm.at[pl.ds(n_pad - ZCH, ZCH)], rows_v.at[pl.ds(0, ZCH)])
    for z in range(stripe // ZCH):
        pltpu.sync_copy(rows_v.at[pl.ds(0, ZCH)],
                        acc_sp.at[pl.ds(s * stripe + z * ZCH, ZCH)])
    plsc.subcore_barrier()

    pltpu.async_copy(u_hbm.at[sidx_v.at[0]], rows_v, semA)

    def chunk(j2, carry):
        j = j2 * 2
        pltpu.make_async_copy(u_hbm.at[sidx_v.at[j]], rows_v, semA).wait()
        pltpu.async_copy(u_hbm.at[sidx_v.at[j + 1]], rows_b, semB)
        pltpu.sync_copy(rows_v, acc_sp.at[didx_v.at[j]], add=True)
        pltpu.make_async_copy(u_hbm.at[sidx_v.at[j + 1]], rows_b, semB).wait()

        @pl.when(j + 2 < n_ch)
        def _next():
            pltpu.async_copy(u_hbm.at[sidx_v.at[j + 2]], rows_v, semA)
        pltpu.sync_copy(rows_b, acc_sp.at[didx_v.at[j + 1]], add=True)
        return carry
    lax.fori_loop(0, n_ch // 2, chunk, 0)
    plsc.subcore_barrier()
    pltpu.sync_copy(acc_sp.at[pl.ds(s * stripe, stripe)],
                    out_hbm.at[c, pl.ds(s * stripe, stripe)])


def _make_sc_scatter(n_pad, w, n_ch):
    mesh = plsc.VectorSubcoreMesh(core_axis_name="c", subcore_axis_name="s")
    return pl.kernel(
        functools.partial(_sc_scatter_body, n_pad, w, n_ch),
        out_type=jax.ShapeDtypeStruct((2, n_pad, w), jnp.float32),
        mesh=mesh,
        compiler_params=pltpu.CompilerParams(use_tc_tiling_on_sc=False),
        scratch_types=[
            pltpu.VMEM((n_ch, CHUNK), jnp.int32),
            pltpu.VMEM((n_ch, CHUNK), jnp.int32),
            pltpu.VMEM((CHUNK, w), jnp.float32),
            pltpu.VMEM((CHUNK, w), jnp.float32),
            pltpu.VMEM_SHARED((n_pad, w), jnp.float32),
            pltpu.SemaphoreType.DMA,
            pltpu.SemaphoreType.DMA,
        ],
    )



def _mm_body(a_ref, w_ref, o_ref):
    o_ref[...] = jnp.dot(a_ref[...], w_ref[...], preferred_element_type=jnp.float32)


def _matmul(a, w, bn=512):
    n, k = a.shape
    m = w.shape[1]
    return pl.pallas_call(
        _mm_body,
        grid=(n // bn,),
        in_specs=[pl.BlockSpec((bn, k), lambda i: (i, 0)),
                  pl.BlockSpec((k, m), lambda i: (0, 0))],
        out_specs=pl.BlockSpec((bn, m), lambda i: (i, 0)),
        out_shape=jax.ShapeDtypeStruct((n, m), jnp.float32),
    )(a, w)


def _scale_body(hw_ref, c0_ref, c1_ref, act_ref, u_ref, a_ref):
    cnt = c0_ref[:, :1] + c1_ref[:, :1]
    act = act_ref[...]
    a = act / jnp.sqrt(cnt + 1.0)
    a_ref[...] = a
    u_ref[...] = hw_ref[...] * a


def _scale_table(hw_ext, cnt0, cnt1, act, bn=512):
    n, w = hw_ext.shape
    return pl.pallas_call(
        _scale_body,
        grid=(n // bn,),
        in_specs=[pl.BlockSpec((bn, w), lambda i: (i, 0)),
                  pl.BlockSpec((bn, 16), lambda i: (i, 0)),
                  pl.BlockSpec((bn, 16), lambda i: (i, 0)),
                  pl.BlockSpec((bn, 1), lambda i: (i, 0))],
        out_specs=[pl.BlockSpec((bn, w), lambda i: (i, 0)),
                   pl.BlockSpec((bn, 1), lambda i: (i, 0))],
        out_shape=[jax.ShapeDtypeStruct((n, w), jnp.float32),
                   jax.ShapeDtypeStruct((n, 1), jnp.float32)],
    )(hw_ext, cnt0, cnt1, act)


def _post_body(p0_ref, p1_ref, hw_ref, a_ref, act_ref, bias_ref, ws_ref,
               h_ref, sw_ref, us_ref):
    a = a_ref[...]
    conv = a * (p0_ref[...] + p1_ref[...]) + hw_ref[...] * (a * a)
    res = (conv + bias_ref[...]) * act_ref[...]
    h_ref[...] = res
    sw = jnp.dot(res, ws_ref[...], preferred_element_type=jnp.float32)
    sw_ref[...] = sw
    us_ref[...] = jnp.broadcast_to(sw * a, us_ref.shape)


def _post_conv(p0, p1, hw, a, act, bias, ws_row, bn=512):
    n, d = hw.shape
    return pl.pallas_call(
        _post_body,
        grid=(n // bn,),
        in_specs=[pl.BlockSpec((bn, d), lambda i: (i, 0)),
                  pl.BlockSpec((bn, d), lambda i: (i, 0)),
                  pl.BlockSpec((bn, d), lambda i: (i, 0)),
                  pl.BlockSpec((bn, 1), lambda i: (i, 0)),
                  pl.BlockSpec((bn, 1), lambda i: (i, 0)),
                  pl.BlockSpec((1, d), lambda i: (0, 0)),
                  pl.BlockSpec((d, 1), lambda i: (0, 0))],
        out_specs=[pl.BlockSpec((bn, d), lambda i: (i, 0)),
                   pl.BlockSpec((bn, 1), lambda i: (i, 0)),
                   pl.BlockSpec((bn, 16), lambda i: (i, 0))],
        out_shape=[jax.ShapeDtypeStruct((n, d), jnp.float32),
                   jax.ShapeDtypeStruct((n, 1), jnp.float32),
                   jax.ShapeDtypeStruct((n, 16), jnp.float32)],
    )(p0, p1, hw, a, act, bias, ws_row)


def _score_body(q0_ref, q1_ref, sw_ref, a_ref, act_ref, bs_ref, s_ref):
    a = a_ref[...]
    accs = q0_ref[:, :1] + q1_ref[:, :1]
    s_ref[...] = (a * accs + sw_ref[...] * (a * a) + bs_ref[...]) * act_ref[...]


def _score_post(q0, q1, sw, a, act, bs, bn=512):
    n = sw.shape[0]
    return pl.pallas_call(
        _score_body,
        grid=(n // bn,),
        in_specs=[pl.BlockSpec((bn, 16), lambda i: (i, 0)),
                  pl.BlockSpec((bn, 16), lambda i: (i, 0)),
                  pl.BlockSpec((bn, 1), lambda i: (i, 0)),
                  pl.BlockSpec((bn, 1), lambda i: (i, 0)),
                  pl.BlockSpec((bn, 1), lambda i: (i, 0)),
                  pl.BlockSpec((1, 1), lambda i: (0, 0))],
        out_specs=pl.BlockSpec((bn, 1), lambda i: (i, 0)),
        out_shape=jax.ShapeDtypeStruct((n, 1), jnp.float32),
    )(q0, q1, sw, a, act, bs)


def _topk_body(jch, jblk, sc_ref, bc_ref, ac_ref, sr_ref, br_ref, ar_ref,
               ilo_ref, ihi_ref, jlo_ref, jhi_ref, keep_ref):
    p = pl.program_id(0)
    bi = sc_ref.shape[0]
    si = sc_ref[...]
    gi = bc_ref[...]
    ai = ac_ref[...]
    ii = (lax.broadcasted_iota(jnp.int32, (bi, 1), 0).astype(jnp.float32)
          + jnp.float32(bi) * p.astype(jnp.float32))
    my_lo = ilo_ref[p]
    my_hi = ihi_ref[p]

    def jstep(j, carry):
        rank, cnt = carry

        def live(_):
            sj = sr_ref[pl.ds(j, 1), :]
            gj = br_ref[pl.ds(j, 1), :]
            aj = ar_ref[pl.ds(j, 1), :]
            jj = (lax.broadcasted_iota(jnp.int32, (1, jblk), 1).astype(jnp.float32)
                  + jnp.float32(jblk) * j.astype(jnp.float32))
            same = (gi == gj) & (aj > 0.0)
            better = (sj > si) | ((sj == si) & (jj < ii))
            r = jnp.sum(jnp.where(same & better, 1.0, 0.0), axis=1, keepdims=True)
            c = jnp.sum(jnp.where(same, 1.0, 0.0), axis=1, keepdims=True)
            return rank + r, cnt + c

        ov = (my_lo <= jhi_ref[j]) & (jlo_ref[j] <= my_hi)
        return lax.cond(ov, live, lambda _: (rank, cnt), 0)

    rank, cnt = lax.fori_loop(0, jch, jstep, (jnp.zeros((bi, 1), jnp.float32),
                                              jnp.zeros((bi, 1), jnp.float32)))
    k = jnp.ceil(RATIO * cnt)
    keep = jnp.where((ai > 0.0) & (rank < k), 1.0, 0.0)
    keep_ref[...] = jnp.broadcast_to(keep, keep_ref.shape)


def _topk(score_c, batch_c, act_c, score_r, batch_r, act_r, ilo, ihi, jlo, jhi,
          bi=128, jblk=512):
    n = score_c.shape[0]
    jch = n // jblk
    return pl.pallas_call(
        functools.partial(_topk_body, jch, jblk),
        grid=(n // bi,),
        in_specs=[pl.BlockSpec((bi, 1), lambda i: (i, 0)),
                  pl.BlockSpec((bi, 1), lambda i: (i, 0)),
                  pl.BlockSpec((bi, 1), lambda i: (i, 0)),
                  pl.BlockSpec((jch, jblk), lambda i: (0, 0)),
                  pl.BlockSpec((jch, jblk), lambda i: (0, 0)),
                  pl.BlockSpec((jch, jblk), lambda i: (0, 0)),
                  pl.BlockSpec(memory_space=pltpu.SMEM),
                  pl.BlockSpec(memory_space=pltpu.SMEM),
                  pl.BlockSpec(memory_space=pltpu.SMEM),
                  pl.BlockSpec(memory_space=pltpu.SMEM)],
        out_specs=pl.BlockSpec((bi, 16), lambda i: (i, 0)),
        out_shape=jax.ShapeDtypeStruct((n, 16), jnp.float32),
    )(score_c, batch_c, act_c, score_r, batch_r, act_r, ilo, ihi, jlo, jhi)


def _stats_body(h_ref, s_ref, m_ref, sum_ref, sq_ref, c_ref):
    @pl.when(pl.program_id(0) == 0)
    def _init():
        sum_ref[...] = jnp.zeros_like(sum_ref)
        sq_ref[...] = jnp.zeros_like(sq_ref)
        c_ref[...] = jnp.zeros_like(c_ref)
    m = m_ref[...]
    hm = h_ref[...] * jnp.tanh(s_ref[...]) * m
    sum_ref[...] += jnp.sum(hm, axis=0, keepdims=True)
    sq_ref[...] += jnp.sum(hm * hm, axis=0, keepdims=True)
    c_ref[...] += jnp.sum(m, axis=0, keepdims=True)


def _bn_stats(h, score, m, bn=512):
    n, d = h.shape
    return pl.pallas_call(
        _stats_body,
        grid=(n // bn,),
        in_specs=[pl.BlockSpec((bn, d), lambda i: (i, 0)),
                  pl.BlockSpec((bn, 1), lambda i: (i, 0)),
                  pl.BlockSpec((bn, 1), lambda i: (i, 0))],
        out_specs=[pl.BlockSpec((1, d), lambda i: (0, 0)),
                   pl.BlockSpec((1, d), lambda i: (0, 0)),
                   pl.BlockSpec((1, 1), lambda i: (0, 0))],
        out_shape=[jax.ShapeDtypeStruct((1, d), jnp.float32),
                   jax.ShapeDtypeStruct((1, d), jnp.float32),
                   jax.ShapeDtypeStruct((1, 1), jnp.float32)],
    )(h, score, m)


def _bnorm_body(with_mm, h_ref, s_ref, m_ref, sum_ref, sq_ref, c_ref,
                g_ref, be_ref, w_ref, h_out, hw_out):
    cnt = jnp.maximum(c_ref[0, 0], 1.0)
    mean = sum_ref[...] / cnt
    var = sq_ref[...] / cnt - mean * mean
    inv = lax.rsqrt(var + EPS)
    m = m_ref[...]
    hm = h_ref[...] * jnp.tanh(s_ref[...]) * m
    hn = ((hm - mean) * inv * g_ref[...] + be_ref[...]) * m
    hn = jnp.maximum(hn, 0.0)
    h_out[...] = hn
    if with_mm:
        hw_out[...] = jnp.dot(hn, w_ref[...], preferred_element_type=jnp.float32)


def _bn_apply(h, score, m, ssum, ssq, scnt, g, be, wcat=None, bn=512):
    n, d = h.shape
    with_mm = wcat is not None
    in_specs = [pl.BlockSpec((bn, d), lambda i: (i, 0)),
                pl.BlockSpec((bn, 1), lambda i: (i, 0)),
                pl.BlockSpec((bn, 1), lambda i: (i, 0)),
                pl.BlockSpec((1, d), lambda i: (0, 0)),
                pl.BlockSpec((1, d), lambda i: (0, 0)),
                pl.BlockSpec((1, 1), lambda i: (0, 0)),
                pl.BlockSpec((1, d), lambda i: (0, 0)),
                pl.BlockSpec((1, d), lambda i: (0, 0))]
    out_specs = [pl.BlockSpec((bn, d), lambda i: (i, 0))]
    out_shape = [jax.ShapeDtypeStruct((n, d), jnp.float32)]
    args = [h, score, m, ssum, ssq, scnt, g[None, :], be[None, :]]
    if with_mm:
        w = wcat.shape[1]
        in_specs.append(pl.BlockSpec((d, w), lambda i: (0, 0)))
        out_specs.append(pl.BlockSpec((bn, w), lambda i: (i, 0)))
        out_shape.append(jax.ShapeDtypeStruct((n, w), jnp.float32))
        args.append(wcat)
    else:
        in_specs.append(pl.BlockSpec((d, 8), lambda i: (0, 0)))
        args.append(jnp.zeros((d, 8), jnp.float32))
    body = functools.partial(_bnorm_body, with_mm)
    if not with_mm:
        def body(h_ref, s_ref, m_ref, sum_ref, sq_ref, c_ref, g_ref, be_ref,
                 w_ref, h_out):
            _bnorm_body(False, h_ref, s_ref, m_ref, sum_ref, sq_ref, c_ref,
                        g_ref, be_ref, w_ref, h_out, None)
    res = pl.pallas_call(
        body,
        grid=(n // bn,),
        in_specs=in_specs,
        out_specs=out_specs,
        out_shape=out_shape,
    )(*args)
    return res if with_mm else (res[0], None)


def _combine_body(ng, x_ref, h1_ref, h2_ref, b_ref, lw0_ref, lw1_ref, lw2_ref,
                  lb_ref, o_ref, p0_ref, p1_ref, p2_ref):
    @pl.when(pl.program_id(0) == 0)
    def _init():
        p0_ref[...] = jnp.zeros_like(p0_ref)
        p1_ref[...] = jnp.zeros_like(p1_ref)
        p2_ref[...] = jnp.zeros_like(p2_ref)
    hp = jax.lax.Precision.HIGHEST
    gc = lax.broadcasted_iota(jnp.int32, (ng, 1), 0).astype(jnp.float32)
    pt = jnp.where(b_ref[0] == gc, 1.0, 0.0)
    p0_ref[...] += jnp.dot(pt, x_ref[...], preferred_element_type=jnp.float32,
                           precision=hp)
    p1_ref[...] += jnp.dot(pt, h1_ref[...], preferred_element_type=jnp.float32,
                           precision=hp)
    p2_ref[...] += jnp.dot(pt, h2_ref[...], preferred_element_type=jnp.float32,
                           precision=hp)

    @pl.when(pl.program_id(0) == pl.num_programs(0) - 1)
    def _final():
        out = jnp.dot(p0_ref[...], lw0_ref[...],
                      preferred_element_type=jnp.float32)
        out += jnp.dot(p1_ref[...], lw1_ref[...],
                       preferred_element_type=jnp.float32)
        out += jnp.dot(p2_ref[...], lw2_ref[...],
                       preferred_element_type=jnp.float32)
        o_ref[...] = out + lb_ref[...]


def _combine(x, h1, h2, batch_row, lw0, lw1, lw2, lbsum, ng, nc, bn=512):
    n, d = x.shape
    return pl.pallas_call(
        functools.partial(_combine_body, ng),
        grid=(n // bn,),
        in_specs=[pl.BlockSpec((bn, d), lambda i: (i, 0)),
                  pl.BlockSpec((bn, d), lambda i: (i, 0)),
                  pl.BlockSpec((bn, d), lambda i: (i, 0)),
                  pl.BlockSpec((1, 1, bn), lambda i: (i, 0, 0)),
                  pl.BlockSpec((d, nc), lambda i: (0, 0)),
                  pl.BlockSpec((d, nc), lambda i: (0, 0)),
                  pl.BlockSpec((d, nc), lambda i: (0, 0)),
                  pl.BlockSpec((1, nc), lambda i: (0, 0))],
        out_specs=pl.BlockSpec((ng, nc), lambda i: (0, 0)),
        out_shape=jax.ShapeDtypeStruct((ng, nc), jnp.float32),
        scratch_shapes=[pltpu.VMEM((ng, d), jnp.float32)] * 3,
    )(x, h1, h2, batch_row.reshape(n // bn, 1, bn), lw0, lw1, lw2, lbsum)



def kernel(x, edge_index, batch, W0, b0, Ws0, bs0, g0, be0, W1, b1, Ws1, bs1,
           g1, be1, LW0, Lb0, LW1, Lb1, LW2, Lb2):
    n, d = x.shape
    e = edge_index.shape[1]
    nc = LW0.shape[1]
    ng = 64
    n_pad = _round_up(n + ZCH, 2048)
    e_pad = _round_up(e, NW * CHUNK * 2)
    n_ch = e_pad // (NW * CHUNK)
    n_trash = n_pad - n

    xp = jnp.pad(x, ((0, n_pad - n), (0, 0)))
    batch_p = jnp.pad(batch, (0, n_pad - n), constant_values=ng)
    bf = batch_p.astype(jnp.float32)
    batch_c = bf[:, None]
    batch_r = bf.reshape(-1, 512)
    bi_lo = batch_p.reshape(-1, 128)[:, 0]
    bi_hi = batch_p.reshape(-1, 128)[:, 127]
    jc_lo = batch_p.reshape(-1, 512)[:, 0]
    jc_hi = batch_p.reshape(-1, 512)[:, 511]

    npad_e = e_pad - e
    trash = n + (jnp.arange(npad_e, dtype=jnp.int32) % n_trash)
    src3 = jnp.concatenate([edge_index[0], trash]).reshape(NW, n_ch, CHUNK)
    dst3 = jnp.concatenate([edge_index[1], trash]).reshape(NW, n_ch, CHUNK)

    act = jnp.pad(jnp.ones((n, 1), jnp.float32), ((0, n_pad - n), (0, 0)))
    act_r = act.reshape(-1, 512)
    m_tbl = jnp.pad(jnp.ones((n, 16), jnp.float32), ((0, n_pad - n), (0, 0)))

    sc_cnt = _make_sc_scatter(n_pad, 16, n_ch)
    sc_conv = _make_sc_scatter(n_pad, d, n_ch)

    convW = [(b0[None, :], Ws0.reshape(d, 1), bs0.reshape(1, 1)),
             (b1[None, :], Ws1.reshape(d, 1), bs1.reshape(1, 1))]
    bnW = [(g0, be0), (g1, be1)]
    hidden = []
    hw = _matmul(xp, W0)
    for l in range(2):
        bias, ws_row, bs = convW[l]
        cntp = sc_cnt(m_tbl, src3, dst3)
        u, a = _scale_table(hw, cntp[0], cntp[1], act)
        accp = sc_conv(u, src3, dst3)
        hcv, sw, us16 = _post_conv(accp[0], accp[1], hw, a, act, bias, ws_row)
        qp = sc_cnt(us16, src3, dst3)
        score = _score_post(qp[0], qp[1], sw, a, act, bs)
        sr = score.reshape(-1, 512)
        keep16 = _topk(score, batch_c, act, sr, batch_r, act_r,
                       bi_lo, bi_hi, jc_lo, jc_hi)
        m = keep16[:, :1]
        ssum, ssq, scnt = _bn_stats(hcv, score, m)
        g, be = bnW[l]
        if l == 0:
            h, hw = _bn_apply(hcv, score, m, ssum, ssq, scnt, g, be, W1)
        else:
            h, _ = _bn_apply(hcv, score, m, ssum, ssq, scnt, g, be, None)
        hidden.append(h)
        act = m
        act_r = act.reshape(-1, 512)
        m_tbl = keep16

    lbsum = (Lb0 + Lb1 + Lb2)[None, :]
    out = _combine(xp, hidden[0], hidden[1], batch_r, LW0, LW1, LW2, lbsum,
                   ng, nc)
    return out

# --- scband reference (transcript-rebuilt; emitter-appended) ---
"""Pipeline reference for scband-sag-214748365118 (READ-ONLY COPY).

The authoritative reference and input builder live on the scoring server;
editing this copy changes nothing except your own understanding.
"""

import jax, jax.numpy as jnp
import numpy as np

N, E, D, G, C = 10000, 320000, 128, 64, 10
RATIO = 0.5
EPS = 1e-5


def setup_inputs(seed=0):
    key = jax.random.key(seed)
    ks = jax.random.split(key, 12)
    x = jax.random.normal(ks[0], (N, D), jnp.float32)
    edge_index = jax.random.randint(ks[1], (2, E), 0, N, dtype=jnp.int32)
    batch = jnp.sort(jax.random.randint(ks[2], (N,), 0, G, dtype=jnp.int32))

    def lin(k, i, o):
        return (jax.random.normal(k, (i, o), jnp.float32) / np.sqrt(i)).astype(jnp.float32)

    inp = dict(x=x, edge_index=edge_index, batch=batch)
    inp['W0'] = lin(ks[3], D, D); inp['b0'] = jnp.zeros((D,), jnp.float32)
    inp['Ws0'] = lin(ks[4], D, 1); inp['bs0'] = jnp.zeros((1,), jnp.float32)
    inp['g0'] = jnp.ones((D,), jnp.float32); inp['be0'] = jnp.zeros((D,), jnp.float32)
    inp['W1'] = lin(ks[5], D, D); inp['b1'] = jnp.zeros((D,), jnp.float32)
    inp['Ws1'] = lin(ks[6], D, 1); inp['bs1'] = jnp.zeros((1,), jnp.float32)
    inp['g1'] = jnp.ones((D,), jnp.float32); inp['be1'] = jnp.zeros((D,), jnp.float32)
    inp['LW0'] = lin(ks[7], D, C); inp['Lb0'] = jnp.zeros((C,), jnp.float32)
    inp['LW1'] = lin(ks[8], D, C); inp['Lb1'] = jnp.zeros((C,), jnp.float32)
    inp['LW2'] = lin(ks[9], D, C); inp['Lb2'] = jnp.zeros((C,), jnp.float32)
    return inp


def gcn_conv(h, W, b, src, dst, e_act, n_act):
    # GCNConv with self loops and symmetric normalization, restricted to active nodes/edges.
    hw = h @ W
    deg = jnp.zeros((h.shape[0],), h.dtype).at[dst].add(e_act) + n_act
    dinv = jnp.where(deg > 0, 1.0 / jnp.sqrt(jnp.where(deg > 0, deg, 1.0)), 0.0)
    coef = dinv[src] * dinv[dst] * e_act
    out = jnp.zeros_like(hw).at[dst].add(hw[src] * coef[:, None])
    out = out + hw * (dinv * dinv * n_act)[:, None]
    return (out + b) * n_act[:, None]


def topk_mask(score, batch, n_act_bool):
    # Per-graph ratio top-k (pyg topk): keep ceil(RATIO * n_g) highest-score active nodes of each graph.
    n_act = n_act_bool.astype(jnp.float32)
    masked = jnp.where(n_act_bool, score, -jnp.inf)
    order = jnp.lexsort((-masked, batch))  # by graph, then score desc (inactive last)
    counts_all = jnp.bincount(batch, length=G)
    offsets = jnp.concatenate([jnp.zeros((1,), counts_all.dtype), jnp.cumsum(counts_all)[:-1]])
    Nn = score.shape[0]
    ranks = jnp.zeros((Nn,), jnp.int32).at[order].set(
        (jnp.arange(Nn) - offsets[batch[order]]).astype(jnp.int32))
    n_per = jnp.zeros((G,), jnp.float32).at[batch].add(n_act)
    k = jnp.ceil(RATIO * n_per).astype(jnp.int32)
    return n_act_bool & (ranks < k[batch])


def forward(x, edge_index, batch, W0, b0, Ws0, bs0, g0, be0, W1, b1, Ws1, bs1, g1, be1, LW0, Lb0, LW1, Lb1, LW2, Lb2):
    src, dst = edge_index[0], edge_index[1]
    n_act = jnp.ones((x.shape[0],), bool)
    e_act = jnp.ones((src.shape[0],), jnp.float32)
    convW = [(W0, b0), (W1, b1)]
    scoreW = [(Ws0, bs0), (Ws1, bs1)]
    bnW = [(g0, be0), (g1, be1)]
    hidden = [x]
    h = x
    for l in range(2):
        Wc, bc = convW[l]
        h = gcn_conv(h, Wc, bc, src, dst, e_act, n_act.astype(jnp.float32))
        Wsc, bsc = scoreW[l]
        score = gcn_conv(h, Wsc, bsc, src, dst, e_act, n_act.astype(jnp.float32))[:, 0]
        keep = topk_mask(score, batch, n_act)
        m = keep.astype(jnp.float32)
        h = h * jnp.tanh(score)[:, None] * m[:, None]
        n_act = keep
        e_act = e_act * m[src] * m[dst]
        # BatchNorm1d (training-mode batch stats) over kept nodes only
        cnt = jnp.maximum(m.sum(), 1.0)
        mean = (h * m[:, None]).sum(0) / cnt
        var = (((h - mean) ** 2) * m[:, None]).sum(0) / cnt
        g, be = bnW[l]
        h = ((h - mean) / jnp.sqrt(var + EPS) * g + be) * m[:, None]
        h = jax.nn.relu(h)
        hidden.append(h)
    lins = [(LW0, Lb0), (LW1, Lb1), (LW2, Lb2)]
    out = jnp.zeros((G, C), jnp.float32)
    for l, hh in enumerate(hidden):
        pooled = jax.ops.segment_sum(hh, batch, num_segments=G)
        LW, Lb = lins[l]
        out = out + pooled @ LW + Lb
    return out


def reference(x, edge_index, batch, W0, b0, Ws0, bs0, g0, be0, W1, b1, Ws1, bs1, g1, be1, LW0, Lb0, LW1, Lb1, LW2, Lb2):
    return forward(x=x, edge_index=edge_index, batch=batch, W0=W0, b0=b0, Ws0=Ws0, bs0=bs0, g0=g0, be0=be0,
                   W1=W1, b1=b1, Ws1=Ws1, bs1=bs1, g1=g1, be1=be1,
                   LW0=LW0, Lb0=Lb0, LW1=LW1, Lb1=Lb1, LW2=LW2, Lb2=Lb2)

if __name__ == "__main__":
    import jax
    _d = setup_inputs()
    print(jax.jit(kernel)(*tuple(_d.values())))

</pallas_src>

<mosaic_0001>
#map = affine_map<(d0, d1) -> (0, 0)>
#map1 = affine_map<(d0, d1) -> (0, 0, 0)>
module attributes {stable_mosaic.version = 14 : i64} {
  func.func @_sc_scatter_body(%arg0: i32, %arg1: i32, %arg2: memref<10240x16xf32, #tpu.memory_space<hbm>>, %arg3: memref<32x106x96xi32, #tpu.memory_space<hbm>>, %arg4: memref<32x106x96xi32, #tpu.memory_space<hbm>>, %arg5: memref<2x10240x16xf32, #tpu.memory_space<hbm>>, %arg6: memref<106x96xi32, #tpu.memory_space<vmem>>, %arg7: memref<106x96xi32, #tpu.memory_space<vmem>>, %arg8: memref<96x16xf32, #tpu.memory_space<vmem>>, %arg9: memref<96x16xf32, #tpu.memory_space<vmem>>, %arg10: memref<10240x16xf32, #tpu.memory_space<vmem_shared>>, %arg11: memref<!tpu.dma_semaphore, #tpu.memory_space<semaphore_mem>>, %arg12: memref<!tpu.dma_semaphore, #tpu.memory_space<semaphore_mem>>) attributes {dimension_semantics = [#tpu.dimension_semantics<core_parallel>, #tpu.dimension_semantics<subcore_parallel>], iteration_bounds = array<i64: 2, 16>, scalar_prefetch = 0 : i64, scratch_operands = 7 : i64, tpu.core_type = #tpu.core_type<sc_vector_subcore>, window_params = [{transform_indices = #map}, {transform_indices = #map1}, {transform_indices = #map1}, {transform_indices = #map1}]} {
    %mul3A = arith.constant 2 : i32
    %mul3A_0 = arith.muli %arg1, %mul3A : i32
    %add3A = arith.addi %mul3A_0, %arg0 : i32
    "tpu.region"() ({
      %run_scoped3A = tpu.sem_alloc : memref<!tpu.dma_semaphore, #tpu.memory_space<semaphore_mem>>
      %dma_start3A_57 = arith.constant 0 : i32
      %dma_start3A_58 = arith.constant 0 : i32
      %dma_start3A_59 = tpu.memref_slice %arg3[%add3A, %dma_start3A_57, %dma_start3A_58] : memref<32x106x96xi32, #tpu.memory_space<hbm>> -> memref<1x106x96xi32, #tpu.memory_space<hbm>>
      %dma_start3A_60 = tpu.memref_squeeze %dma_start3A_59 : memref<1x106x96xi32, #tpu.memory_space<hbm>> -> memref<106x96xi32, #tpu.memory_space<hbm>>
      %dma_start3A_61 = arith.constant 0 : i32
      %dma_start3A_62 = arith.constant 0 : i32
      %dma_start3A_63 = tpu.memref_slice %arg3[%add3A, %dma_start3A_61, %dma_start3A_62] : memref<32x106x96xi32, #tpu.memory_space<hbm>> -> memref<1x106x96xi32, #tpu.memory_space<hbm>>
      %dma_start3A_64 = tpu.memref_squeeze %dma_start3A_63 : memref<1x106x96xi32, #tpu.memory_space<hbm>> -> memref<106x96xi32, #tpu.memory_space<hbm>>
      tpu.enqueue_dma source(%dma_start3A_64 : memref<106x96xi32, #tpu.memory_space<hbm>>) target(%arg6 : memref<106x96xi32, #tpu.memory_space<vmem>>) target_semaphore(%run_scoped3A : memref<!tpu.dma_semaphore, #tpu.memory_space<semaphore_mem>>)
      %dma_wait3A = arith.constant 0 : i32
      %dma_wait3A_65 = arith.constant 0 : i32
      %dma_wait3A_66 = tpu.memref_slice %arg3[%add3A, %dma_wait3A, %dma_wait3A_65] : memref<32x106x96xi32, #tpu.memory_space<hbm>> -> memref<1x106x96xi32, #tpu.memory_space<hbm>>
      %dma_wait3A_67 = tpu.memref_squeeze %dma_wait3A_66 : memref<1x106x96xi32, #tpu.memory_space<hbm>> -> memref<106x96xi32, #tpu.memory_space<hbm>>
      %dma_wait3A_68 = arith.constant 0 : i32
      %dma_wait3A_69 = arith.constant 0 : i32
      %dma_wait3A_70 = tpu.memref_slice %arg3[%add3A, %dma_wait3A_68, %dma_wait3A_69] : memref<32x106x96xi32, #tpu.memory_space<hbm>> -> memref<1x106x96xi32, #tpu.memory_space<hbm>>
      %dma_wait3A_71 = tpu.memref_squeeze %dma_wait3A_70 : memref<1x106x96xi32, #tpu.memory_space<hbm>> -> memref<106x96xi32, #tpu.memory_space<hbm>>
      tpu.wait_dma2 semaphore(%run_scoped3A : memref<!tpu.dma_semaphore, #tpu.memory_space<semaphore_mem>>) src(%dma_wait3A_71 : memref<106x96xi32, #tpu.memory_space<hbm>>) dst(%arg6 : memref<106x96xi32, #tpu.memory_space<vmem>>)
      tpu.yield
    }) : () -> ()
    "tpu.region"() ({
      %run_scoped3A = tpu.sem_alloc : memref<!tpu.dma_semaphore, #tpu.memory_space<semaphore_mem>>
      %dma_start3A_57 = arith.constant 0 : i32
      %dma_start3A_58 = arith.constant 0 : i32
      %dma_start3A_59 = tpu.memref_slice %arg4[%add3A, %dma_start3A_57, %dma_start3A_58] : memref<32x106x96xi32, #tpu.memory_space<hbm>> -> memref<1x106x96xi32, #tpu.memory_space<hbm>>
      %dma_start3A_60 = tpu.memref_squeeze %dma_start3A_59 : memref<1x106x96xi32, #tpu.memory_space<hbm>> -> memref<106x96xi32, #tpu.memory_space<hbm>>
      %dma_start3A_61 = arith.constant 0 : i32
      %dma_start3A_62 = arith.constant 0 : i32
      %dma_start3A_63 = tpu.memref_slice %arg4[%add3A, %dma_start3A_61, %dma_start3A_62] : memref<32x106x96xi32, #tpu.memory_space<hbm>> -> memref<1x106x96xi32, #tpu.memory_space<hbm>>
      %dma_start3A_64 = tpu.memref_squeeze %dma_start3A_63 : memref<1x106x96xi32, #tpu.memory_space<hbm>> -> memref<106x96xi32, #tpu.memory_space<hbm>>
      tpu.enqueue_dma source(%dma_start3A_64 : memref<106x96xi32, #tpu.memory_space<hbm>>) target(%arg7 : memref<106x96xi32, #tpu.memory_space<vmem>>) target_semaphore(%run_scoped3A : memref<!tpu.dma_semaphore, #tpu.memory_space<semaphore_mem>>)
      %dma_wait3A = arith.constant 0 : i32
      %dma_wait3A_65 = arith.constant 0 : i32
      %dma_wait3A_66 = tpu.memref_slice %arg4[%add3A, %dma_wait3A, %dma_wait3A_65] : memref<32x106x96xi32, #tpu.memory_space<hbm>> -> memref<1x106x96xi32, #tpu.memory_space<hbm>>
      %dma_wait3A_67 = tpu.memref_squeeze %dma_wait3A_66 : memref<1x106x96xi32, #tpu.memory_space<hbm>> -> memref<106x96xi32, #tpu.memory_space<hbm>>
      %dma_wait3A_68 = arith.constant 0 : i32
      %dma_wait3A_69 = arith.constant 0 : i32
      %dma_wait3A_70 = tpu.memref_slice %arg4[%add3A, %dma_wait3A_68, %dma_wait3A_69] : memref<32x106x96xi32, #tpu.memory_space<hbm>> -> memref<1x106x96xi32, #tpu.memory_space<hbm>>
      %dma_wait3A_71 = tpu.memref_squeeze %dma_wait3A_70 : memref<1x106x96xi32, #tpu.memory_space<hbm>> -> memref<106x96xi32, #tpu.memory_space<hbm>>
      tpu.wait_dma2 semaphore(%run_scoped3A : memref<!tpu.dma_semaphore, #tpu.memory_space<semaphore_mem>>) src(%dma_wait3A_71 : memref<106x96xi32, #tpu.memory_space<hbm>>) dst(%arg7 : memref<106x96xi32, #tpu.memory_space<vmem>>)
      tpu.yield
    }) : () -> ()
    "tpu.region"() ({
      %run_scoped3A = tpu.sem_alloc : memref<!tpu.dma_semaphore, #tpu.memory_space<semaphore_mem>>
      %dma_start3A_57 = arith.constant 0 : i32
      %dma_start3A_58 = arith.constant 0 : i32
      %dma_start3A_59 = tpu.memref_slice %arg8[%dma_start3A_57, %dma_start3A_58] : memref<96x16xf32, #tpu.memory_space<vmem>> -> memref<64x16xf32, #tpu.memory_space<vmem>>
      %dma_start3A_60 = arith.constant 10176 : i32
      %dma_start3A_61 = arith.constant 0 : i32
      %dma_start3A_62 = tpu.memref_slice %arg2[%dma_start3A_60, %dma_start3A_61] : memref<10240x16xf32, #tpu.memory_space<hbm>> -> memref<64x16xf32, #tpu.memory_space<hbm>>
      %dma_start3A_63 = arith.constant 0 : i32
      %dma_start3A_64 = arith.constant 0 : i32
      %dma_start3A_65 = tpu.memref_slice %arg8[%dma_start3A_63, %dma_start3A_64] : memref<96x16xf32, #tpu.memory_space<vmem>> -> memref<64x16xf32, #tpu.memory_space<vmem>>
      %dma_start3A_66 = arith.constant 10176 : i32
      %dma_start3A_67 = arith.constant 0 : i32
      %dma_start3A_68 = tpu.memref_slice %arg2[%dma_start3A_66, %dma_start3A_67] : memref<10240x16xf32, #tpu.memory_space<hbm>> -> memref<64x16xf32, #tpu.memory_space<hbm>>
      tpu.enqueue_dma source(%dma_start3A_68 : memref<64x16xf32, #tpu.memory_space<hbm>>) target(%dma_start3A_65 : memref<64x16xf32, #tpu.memory_space<vmem>>) target_semaphore(%run_scoped3A : memref<!tpu.dma_semaphore, #tpu.memory_space<semaphore_mem>>)
      %dma_wait3A = arith.constant 0 : i32
      %dma_wait3A_69 = arith.constant 0 : i32
      %dma_wait3A_70 = tpu.memref_slice %arg8[%dma_wait3A, %dma_wait3A_69] : memref<96x16xf32, #tpu.memory_space<vmem>> -> memref<64x16xf32, #tpu.memory_space<vmem>>
      %dma_wait3A_71 = arith.constant 10176 : i32
      %dma_wait3A_72 = arith.constant 0 : i32
      %dma_wait3A_73 = tpu.memref_slice %arg2[%dma_wait3A_71, %dma_wait3A_72] : memref<10240x16xf32, #tpu.memory_space<hbm>> -> memref<64x16xf32, #tpu.memory_space<hbm>>
      %dma_wait3A_74 = arith.constant 0 : i32
      %dma_wait3A_75 = arith.constant 0 : i32
      %dma_wait3A_76 = tpu.memref_slice %arg8[%dma_wait3A_74, %dma_wait3A_75] : memref<96x16xf32, #tpu.memory_space<vmem>> -> memref<64x16xf32, #tpu.memory_space<vmem>>
      %dma_wait3A_77 = arith.constant 10176 : i32
      %dma_wait3A_78 = arith.constant 0 : i32
      %dma_wait3A_79 = tpu.memref_slice %arg2[%dma_wait3A_77, %dma_wait3A_78] : memref<10240x16xf32, #tpu.memory_space<hbm>> -> memref<64x16xf32, #tpu.memory_space<hbm>>
      tpu.wait_dma2 semaphore(%run_scoped3A : memref<!tpu.dma_semaphore, #tpu.memory_space<semaphore_mem>>) src(%dma_wait3A_79 : memref<64x16xf32, #tpu.memory_space<hbm>>) dst(%dma_wait3A_76 : memref<64x16xf32, #tpu.memory_space<vmem>>)
      tpu.yield
    }) : () -> ()
    %mul3A_1 = arith.constant 640 : i32
    %mul3A_2 = arith.muli %arg1, %mul3A_1 : i32
    %add3A_3 = arith.constant 0 : i32
    %add3A_4 = arith.addi %mul3A_2, %add3A_3 : i32
    "tpu.region"() ({
      %run_scoped3A = tpu.sem_alloc : memref<!tpu.dma_semaphore, #tpu.memory_space<semaphore_mem>>
      %dma_start3A_57 = arith.constant 0 : i32
      %dma_start3A_58 = arith.constant 0 : i32
      %dma_start3A_59 = tpu.memref_slice %arg8[%dma_start3A_57, %dma_start3A_58] : memref<96x16xf32, #tpu.memory_space<vmem>> -> memref<64x16xf32, #tpu.memory_space<vmem>>
      %dma_start3A_60 = arith.constant 0 : i32
      %dma_start3A_61 = tpu.memref_slice %arg10[%add3A_4, %dma_start3A_60] : memref<10240x16xf32, #tpu.memory_space<vmem_shared>> -> memref<64x16xf32, #tpu.memory_space<vmem_shared>>
      %dma_start3A_62 = arith.constant 0 : i32
      %dma_start3A_63 = tpu.memref_slice %arg10[%add3A_4, %dma_start3A_62] : memref<10240x16xf32, #tpu.memory_space<vmem_shared>> -> memref<64x16xf32, #tpu.memory_space<vmem_shared>>
      %dma_start3A_64 = arith.constant 0 : i32
      %dma_start3A_65 = arith.constant 0 : i32
      %dma_start3A_66 = tpu.memref_slice %arg8[%dma_start3A_64, %dma_start3A_65] : memref<96x16xf32, #tpu.memory_space<vmem>> -> memref<64x16xf32, #tpu.memory_space<vmem>>
      tpu.enqueue_dma source(%dma_start3A_66 : memref<64x16xf32, #tpu.memory_space<vmem>>) target(%dma_start3A_63 : memref<64x16xf32, #tpu.memory_space<vmem_shared>>) target_semaphore(%run_scoped3A : memref<!tpu.dma_semaphore, #tpu.memory_space<semaphore_mem>>)
      %dma_wait3A = arith.constant 0 : i32
      %dma_wait3A_67 = arith.constant 0 : i32
      %dma_wait3A_68 = tpu.memref_slice %arg8[%dma_wait3A, %dma_wait3A_67] : memref<96x16xf32, #tpu.memory_space<vmem>> -> memref<64x16xf32, #tpu.memory_space<vmem>>
      %dma_wait3A_69 = arith.constant 0 : i32
      %dma_wait3A_70 = tpu.memref_slice %arg10[%add3A_4, %dma_wait3A_69] : memref<10240x16xf32, #tpu.memory_space<vmem_shared>> -> memref<64x16xf32, #tpu.memory_space<vmem_shared>>
      %dma_wait3A_71 = arith.constant 0 : i32
      %dma_wait3A_72 = tpu.memref_slice %arg10[%add3A_4, %dma_wait3A_71] : memref<10240x16xf32, #tpu.memory_space<vmem_shared>> -> memref<64x16xf32, #tpu.memory_space<vmem_shared>>
      %dma_wait3A_73 = arith.constant 0 : i32
      %dma_wait3A_74 = arith.constant 0 : i32
      %dma_wait3A_75 = tpu.memref_slice %arg8[%dma_wait3A_73, %dma_wait3A_74] : memref<96x16xf32, #tpu.memory_space<vmem>> -> memref<64x16xf32, #tpu.memory_space<vmem>>
      tpu.wait_dma2 semaphore(%run_scoped3A : memref<!tpu.dma_semaphore, #tpu.memory_space<semaphore_mem>>) src(%dma_wait3A_75 : memref<64x16xf32, #tpu.memory_space<vmem>>) dst(%dma_wait3A_72 : memref<64x16xf32, #tpu.memory_space<vmem_shared>>)
      tpu.yield
    }) : () -> ()
    %mul3A_5 = arith.constant 640 : i32
    %mul3A_6 = arith.muli %arg1, %mul3A_5 : i32
    %add3A_7 = arith.constant 64 : i32
    %add3A_8 = arith.addi %mul3A_6, %add3A_7 : i32
    "tpu.region"() ({
      %run_scoped3A = tpu.sem_alloc : memref<!tpu.dma_semaphore, #tpu.memory_space<semaphore_mem>>
      %dma_start3A_57 = arith.constant 0 : i32
      %dma_start3A_58 = arith.constant 0 : i32
      %dma_start3A_59 = tpu.memref_slice %arg8[%dma_start3A_57, %dma_start3A_58] : memref<96x16xf32, #tpu.memory_space<vmem>> -> memref<64x16xf32, #tpu.memory_space<vmem>>
      %dma_start3A_60 = arith.constant 0 : i32
      %dma_start3A_61 = tpu.memref_slice %arg10[%add3A_8, %dma_start3A_60] : memref<10240x16xf32, #tpu.memory_space<vmem_shared>> -> memref<64x16xf32, #tpu.memory_space<vmem_shared>>
      %dma_start3A_62 = arith.constant 0 : i32
      %dma_start3A_63 = tpu.memref_slice %arg10[%add3A_8, %dma_start3A_62] : memref<10240x16xf32, #tpu.memory_space<vmem_shared>> -> memref<64x16xf32, #tpu.memory_space<vmem_shared>>
      %dma_start3A_64 = arith.constant 0 : i32
      %dma_start3A_65 = arith.constant 0 : i32
      %dma_start3A_66 = tpu.memref_slice %arg8[%dma_start3A_64, %dma_start3A_65] : memref<96x16xf32, #tpu.memory_space<vmem>> -> memref<64x16xf32, #tpu.memory_space<vmem>>
      tpu.enqueue_dma source(%dma_start3A_66 : memref<64x16xf32, #tpu.memory_space<vmem>>) target(%dma_start3A_63 : memref<64x16xf32, #tpu.memory_space<vmem_shared>>) target_semaphore(%run_scoped3A : memref<!tpu.dma_semaphore, #tpu.memory_space<semaphore_mem>>)
      %dma_wait3A = arith.constant 0 : i32
      %dma_wait3A_67 = arith.constant 0 : i32
      %dma_wait3A_68 = tpu.memref_slice %arg8[%dma_wait3A, %dma_wait3A_67] : memref<96x16xf32, #tpu.memory_space<vmem>> -> memref<64x16xf32, #tpu.memory_space<vmem>>
      %dma_wait3A_69 = arith.constant 0 : i32
      %dma_wait3A_70 = tpu.memref_slice %arg10[%add3A_8, %dma_wait3A_69] : memref<10240x16xf32, #tpu.memory_space<vmem_shared>> -> memref<64x16xf32, #tpu.memory_space<vmem_shared>>
      %dma_wait3A_71 = arith.constant 0 : i32
      %dma_wait3A_72 = tpu.memref_slice %arg10[%add3A_8, %dma_wait3A_71] : memref<10240x16xf32, #tpu.memory_space<vmem_shared>> -> memref<64x16xf32, #tpu.memory_space<vmem_shared>>
      %dma_wait3A_73 = arith.constant 0 : i32
      %dma_wait3A_74 = arith.constant 0 : i32
      %dma_wait3A_75 = tpu.memref_slice %arg8[%dma_wait3A_73, %dma_wait3A_74] : memref<96x16xf32, #tpu.memory_space<vmem>> -> memref<64x16xf32, #tpu.memory_space<vmem>>
      tpu.wait_dma2 semaphore(%run_scoped3A : memref<!tpu.dma_semaphore, #tpu.memory_space<semaphore_mem>>) src(%dma_wait3A_75 : memref<64x16xf32, #tpu.memory_space<vmem>>) dst(%dma_wait3A_72 : memref<64x16xf32, #tpu.memory_space<vmem_shared>>)
      tpu.yield
    }) : () -> ()
    %mul3A_9 = arith.constant 640 : i32
    %mul3A_10 = arith.muli %arg1, %mul3A_9 : i32
    %add3A_11 = arith.constant 128 : i32
    %add3A_12 = arith.addi %mul3A_10, %add3A_11 : i32
    "tpu.region"() ({
      %run_scoped3A = tpu.sem_alloc : memref<!tpu.dma_semaphore, #tpu.memory_space<semaphore_mem>>
      %dma_start3A_57 = arith.constant 0 : i32
      %dma_start3A_58 = arith.constant 0 : i32
      %dma_start3A_59 = tpu.memref_slice %arg8[%dma_start3A_57, %dma_start3A_58] : memref<96x16xf32, #tpu.memory_space<vmem>> -> memref<64x16xf32, #tpu.memory_space<vmem>>
      %dma_start3A_60 = arith.constant 0 : i32
      %dma_start3A_61 = tpu.memref_slice %arg10[%add3A_12, %dma_start3A_60] : memref<10240x16xf32, #tpu.memory_space<vmem_shared>> -> memref<64x16xf32, #tpu.memory_space<vmem_shared>>
      %dma_start3A_62 = arith.constant 0 : i32
      %dma_start3A_63 = tpu.memref_slice %arg10[%add3A_12, %dma_start3A_62] : memref<10240x16xf32, #tpu.memory_space<vmem_shared>> -> memref<64x16xf32, #tpu.memory_space<vmem_shared>>
      %dma_start3A_64 = arith.constant 0 : i32
      %dma_start3A_65 = arith.constant 0 : i32
      %dma_start3A_66 = tpu.memref_slice %arg8[%dma_start3A_64, %dma_start3A_65] : memref<96x16xf32, #tpu.memory_space<vmem>> -> memref<64x16xf32, #tpu.memory_space<vmem>>
      tpu.enqueue_dma source(%dma_start3A_66 : memref<64x16xf32, #tpu.memory_space<vmem>>) target(%dma_start3A_63 : memref<64x16xf32, #tpu.memory_space<vmem_shared>>) target_semaphore(%run_scoped3A : memref<!tpu.dma_semaphore, #tpu.memory_space<semaphore_mem>>)
      %dma_wait3A = arith.constant 0 : i32
      %dma_wait3A_67 = arith.constant 0 : i32
      %dma_wait3A_68 = tpu.memref_slice %arg8[%dma_wait3A, %dma_wait3A_67] : memref<96x16xf32, #tpu.memory_space<vmem>> -> memref<64x16xf32, #tpu.memory_space<vmem>>
      %dma_wait3A_69 = arith.constant 0 : i32
      %dma_wait3A_70 = tpu.memref_slice %arg10[%add3A_12, %dma_wait3A_69] : memref<10240x16xf32, #tpu.memory_space<vmem_shared>> -> memref<64x16xf32, #tpu.memory_space<vmem_shared>>
      %dma_wait3A_71 = arith.constant 0 : i32
      %dma_wait3A_72 = tpu.memref_slice %arg10[%add3A_12, %dma_wait3A_71] : memref<10240x16xf32, #tpu.memory_space<vmem_shared>> -> memref<64x16xf32, #tpu.memory_space<vmem_shared>>
      %dma_wait3A_73 = arith.constant 0 : i32
      %dma_wait3A_74 = arith.constant 0 : i32
      %dma_wait3A_75 = tpu.memref_slice %arg8[%dma_wait3A_73, %dma_wait3A_74] : memref<96x16xf32, #tpu.memory_space<vmem>> -> memref<64x16xf32, #tpu.memory_space<vmem>>
      tpu.wait_dma2 semaphore(%run_scoped3A : memref<!tpu.dma_semaphore, #tpu.memory_space<semaphore_mem>>) src(%dma_wait3A_75 : memref<64x16xf32, #tpu.memory_space<vmem>>) dst(%dma_wait3A_72 : memref<64x16xf32, #tpu.memory_space<vmem_shared>>)
      tpu.yield
    }) : () -> ()
    %mul3A_13 = arith.constant 640 : i32
    %mul3A_14 = arith.muli %arg1, %mul3A_13 : i32
    %add3A_15 = arith.constant 192 : i32
    %add3A_16 = arith.addi %mul3A_14, %add3A_15 : i32
    "tpu.region"() ({
      %run_scoped3A = tpu.sem_alloc : memref<!tpu.dma_semaphore, #tpu.memory_space<semaphore_mem>>
      %dma_start3A_57 = arith.constant 0 : i32
      %dma_start3A_58 = arith.constant 0 : i32
      %dma_start3A_59 = tpu.memref_slice %arg8[%dma_start3A_57, %dma_start3A_58] : memref<96x16xf32, #tpu.memory_space<vmem>> -> memref<64x16xf32, #tpu.memory_space<vmem>>
      %dma_start3A_60 = arith.constant 0 : i32
      %dma_start3A_61 = tpu.memref_slice %arg10[%add3A_16, %dma_start3A_60] : memref<10240x16xf32, #tpu.memory_space<vmem_shared>> -> memref<64x16xf32, #tpu.memory_space<vmem_shared>>
      %dma_start3A_62 = arith.constant 0 : i32
      %dma_start3A_63 = tpu.memref_slice %arg10[%add3A_16, %dma_start3A_62] : memref<10240x16xf32, #tpu.memory_space<vmem_shared>> -> memref<64x16xf32, #tpu.memory_space<vmem_shared>>
      %dma_start3A_64 = arith.constant 0 : i32
      %dma_start3A_65 = arith.constant 0 : i32
      %dma_start3A_66 = tpu.memref_slice %arg8[%dma_start3A_64, %dma_start3A_65] : memref<96x16xf32, #tpu.memory_space<vmem>> -> memref<64x16xf32, #tpu.memory_space<vmem>>
      tpu.enqueue_dma source(%dma_start3A_66 : memref<64x16xf32, #tpu.memory_space<vmem>>) target(%dma_start3A_63 : memref<64x16xf32, #tpu.memory_space<vmem_shared>>) target_semaphore(%run_scoped3A : memref<!tpu.dma_semaphore, #tpu.memory_space<semaphore_mem>>)
      %dma_wait3A = arith.constant 0 : i32
      %dma_wait3A_67 = arith.constant 0 : i32
      %dma_wait3A_68 = tpu.memref_slice %arg8[%dma_wait3A, %dma_wait3A_67] : memref<96x16xf32, #tpu.memory_space<vmem>> -> memref<64x16xf32, #tpu.memory_space<vmem>>
      %dma_wait3A_69 = arith.constant 0 : i32
      %dma_wait3A_70 = tpu.memref_slice %arg10[%add3A_16, %dma_wait3A_69] : memref<10240x16xf32, #tpu.memory_space<vmem_shared>> -> memref<64x16xf32, #tpu.memory_space<vmem_shared>>
      %dma_wait3A_71 = arith.constant 0 : i32
      %dma_wait3A_72 = tpu.memref_slice %arg10[%add3A_16, %dma_wait3A_71] : memref<10240x16xf32, #tpu.memory_space<vmem_shared>> -> memref<64x16xf32, #tpu.memory_space<vmem_shared>>
      %dma_wait3A_73 = arith.constant 0 : i32
      %dma_wait3A_74 = arith.constant 0 : i32
      %dma_wait3A_75 = tpu.memref_slice %arg8[%dma_wait3A_73, %dma_wait3A_74] : memref<96x16xf32, #tpu.memory_space<vmem>> -> memref<64x16xf32, #tpu.memory_space<vmem>>
      tpu.wait_dma2 semaphore(%run_scoped3A : memref<!tpu.dma_semaphore, #tpu.memory_space<semaphore_mem>>) src(%dma_wait3A_75 : memref<64x16xf32, #tpu.memory_space<vmem>>) dst(%dma_wait3A_72 : memref<64x16xf32, #tpu.memory_space<vmem_shared>>)
      tpu.yield
    }) : () -> ()
    %mul3A_17 = arith.constant 640 : i32
    %mul3A_18 = arith.muli %arg1, %mul3A_17 : i32
    %add3A_19 = arith.constant 256 : i32
    %add3A_20 = arith.addi %mul3A_18, %add3A_19 : i32
    "tpu.region"() ({
      %run_scoped3A = tpu.sem_alloc : memref<!tpu.dma_semaphore, #tpu.memory_space<semaphore_mem>>
      %dma_start3A_57 = arith.constant 0 : i32
      %dma_start3A_58 = arith.constant 0 : i32
      %dma_start3A_59 = tpu.memref_slice %arg8[%dma_start3A_57, %dma_start3A_58] : memref<96x16xf32, #tpu.memory_space<vmem>> -> memref<64x16xf32, #tpu.memory_space<vmem>>
      %dma_start3A_60 = arith.constant 0 : i32
      %dma_start3A_61 = tpu.memref_slice %arg10[%add3A_20, %dma_start3A_60] : memref<10240x16xf32, #tpu.memory_space<vmem_shared>> -> memref<64x16xf32, #tpu.memory_space<vmem_shared>>
      %dma_start3A_62 = arith.constant 0 : i32
      %dma_start3A_63 = tpu.memref_slice %arg10[%add3A_20, %dma_start3A_62] : memref<10240x16xf32, #tpu.memory_space<vmem_shared>> -> memref<64x16xf32, #tpu.memory_space<vmem_shared>>
      %dma_start3A_64 = arith.constant 0 : i32
      %dma_start3A_65 = arith.constant 0 : i32
      %dma_start3A_66 = tpu.memref_slice %arg8[%dma_start3A_64, %dma_start3A_65] : memref<96x16xf32, #tpu.memory_space<vmem>> -> memref<64x16xf32, #tpu.memory_space<vmem>>
      tpu.enqueue_dma source(%dma_start3A_66 : memref<64x16xf32, #tpu.memory_space<vmem>>) target(%dma_start3A_63 : memref<64x16xf32, #tpu.memory_space<vmem_shared>>) target_semaphore(%run_scoped3A : memref<!tpu.dma_semaphore, #tpu.memory_space<semaphore_mem>>)
      %dma_wait3A = arith.constant 0 : i32
      %dma_wait3A_67 = arith.constant 0 : i32
      %dma_wait3A_68 = tpu.memref_slice %arg8[%dma_wait3A, %dma_wait3A_67] : memref<96x16xf32, #tpu.memory_space<vmem>> -> memref<64x16xf32, #tpu.memory_space<vmem>>
      %dma_wait3A_69 = arith.constant 0 : i32
      %dma_wait3A_70 = tpu.memref_slice %arg10[%add3A_20, %dma_wait3A_69] : memref<10240x16xf32, #tpu.memory_space<vmem_shared>> -> memref<64x16xf32, #tpu.memory_space<vmem_shared>>
      %dma_wait3A_71 = arith.constant 0 : i32
      %dma_wait3A_72 = tpu.memref_slice %arg10[%add3A_20, %dma_wait3A_71] : memref<10240x16xf32, #tpu.memory_space<vmem_shared>> -> memref<64x16xf32, #tpu.memory_space<vmem_shared>>
      %dma_wait3A_73 = arith.constant 0 : i32
      %dma_wait3A_74 = arith.constant 0 : i32
      %dma_wait3A_75 = tpu.memref_slice %arg8[%dma_wait3A_73, %dma_wait3A_74] : memref<96x16xf32, #tpu.memory_space<vmem>> -> memref<64x16xf32, #tpu.memory_space<vmem>>
      tpu.wait_dma2 semaphore(%run_scoped3A : memref<!tpu.dma_semaphore, #tpu.memory_space<semaphore_mem>>) src(%dma_wait3A_75 : memref<64x16xf32, #tpu.memory_space<vmem>>) dst(%dma_wait3A_72 : memref<64x16xf32, #tpu.memory_space<vmem_shared>>)
      tpu.yield
    }) : () -> ()
    %mul3A_21 = arith.constant 640 : i32
    %mul3A_22 = arith.muli %arg1, %mul3A_21 : i32
    %add3A_23 = arith.constant 320 : i32
    %add3A_24 = arith.addi %mul3A_22, %add3A_23 : i32
    "tpu.region"() ({
      %run_scoped3A = tpu.sem_alloc : memref<!tpu.dma_semaphore, #tpu.memory_space<semaphore_mem>>
      %dma_start3A_57 = arith.constant 0 : i32
      %dma_start3A_58 = arith.constant 0 : i32
      %dma_start3A_59 = tpu.memref_slice %arg8[%dma_start3A_57, %dma_start3A_58] : memref<96x16xf32, #tpu.memory_space<vmem>> -> memref<64x16xf32, #tpu.memory_space<vmem>>
      %dma_start3A_60 = arith.constant 0 : i32
      %dma_start3A_61 = tpu.memref_slice %arg10[%add3A_24, %dma_start3A_60] : memref<10240x16xf32, #tpu.memory_space<vmem_shared>> -> memref<64x16xf32, #tpu.memory_space<vmem_shared>>
      %dma_start3A_62 = arith.constant 0 : i32
      %dma_start3A_63 = tpu.memref_slice %arg10[%add3A_24, %dma_start3A_62] : memref<10240x16xf32, #tpu.memory_space<vmem_shared>> -> memref<64x16xf32, #tpu.memory_space<vmem_shared>>
      %dma_start3A_64 = arith.constant 0 : i32
      %dma_start3A_65 = arith.constant 0 : i32
      %dma_start3A_66 = tpu.memref_slice %arg8[%dma_start3A_64, %dma_start3A_65] : memref<96x16xf32, #tpu.memory_space<vmem>> -> memref<64x16xf32, #tpu.memory_space<vmem>>
      tpu.enqueue_dma source(%dma_start3A_66 : memref<64x16xf32, #tpu.memory_space<vmem>>) target(%dma_start3A_63 : memref<64x16xf32, #tpu.memory_space<vmem_shared>>) target_semaphore(%run_scoped3A : memref<!tpu.dma_semaphore, #tpu.memory_space<semaphore_mem>>)
      %dma_wait3A = arith.constant 0 : i32
      %dma_wait3A_67 = arith.constant 0 : i32
      %dma_wait3A_68 = tpu.memref_slice %arg8[%dma_wait3A, %dma_wait3A_67] : memref<96x16xf32, #tpu.memory_space<vmem>> -> memref<64x16xf32, #tpu.memory_space<vmem>>
      %dma_wait3A_69 = arith.constant 0 : i32
      %dma_wait3A_70 = tpu.memref_slice %arg10[%add3A_24, %dma_wait3A_69] : memref<10240x16xf32, #tpu.memory_space<vmem_shared>> -> memref<64x16xf32, #tpu.memory_space<vmem_shared>>
      %dma_wait3A_71 = arith.constant 0 : i32
      %dma_wait3A_72 = tpu.memref_slice %arg10[%add3A_24, %dma_wait3A_71] : memref<10240x16xf32, #tpu.memory_space<vmem_shared>> -> memref<64x16xf32, #tpu.memory_space<vmem_shared>>
      %dma_wait3A_73 = arith.constant 0 : i32
      %dma_wait3A_74 = arith.constant 0 : i32
      %dma_wait3A_75 = tpu.memref_slice %arg8[%dma_wait3A_73, %dma_wait3A_74] : memref<96x16xf32, #tpu.memory_space<vmem>> -> memref<64x16xf32, #tpu.memory_space<vmem>>
      tpu.wait_dma2 semaphore(%run_scoped3A : memref<!tpu.dma_semaphore, #tpu.memory_space<semaphore_mem>>) src(%dma_wait3A_75 : memref<64x16xf32, #tpu.memory_space<vmem>>) dst(%dma_wait3A_72 : memref<64x16xf32, #tpu.memory_space<vmem_shared>>)
      tpu.yield
    }) : () -> ()
    %mul3A_25 = arith.constant 640 : i32
    %mul3A_26 = arith.muli %arg1, %mul3A_25 : i32
    %add3A_27 = arith.constant 384 : i32
    %add3A_28 = arith.addi %mul3A_26, %add3A_27 : i32
    "tpu.region"() ({
      %run_scoped3A = tpu.sem_alloc : memref<!tpu.dma_semaphore, #tpu.memory_space<semaphore_mem>>
      %dma_start3A_57 = arith.constant 0 : i32
      %dma_start3A_58 = arith.constant 0 : i32
      %dma_start3A_59 = tpu.memref_slice %arg8[%dma_start3A_57, %dma_start3A_58] : memref<96x16xf32, #tpu.memory_space<vmem>> -> memref<64x16xf32, #tpu.memory_space<vmem>>
      %dma_start3A_60 = arith.constant 0 : i32
      %dma_start3A_61 = tpu.memref_slice %arg10[%add3A_28, %dma_start3A_60] : memref<10240x16xf32, #tpu.memory_space<vmem_shared>> -> memref<64x16xf32, #tpu.memory_space<vmem_shared>>
      %dma_start3A_62 = arith.constant 0 : i32
      %dma_start3A_63 = tpu.memref_slice %arg10[%add3A_28, %dma_start3A_62] : memref<10240x16xf32, #tpu.memory_space<vmem_shared>> -> memref<64x16xf32, #tpu.memory_space<vmem_shared>>
      %dma_start3A_64 = arith.constant 0 : i32
      %dma_start3A_65 = arith.constant 0 : i32
      %dma_start3A_66 = tpu.memref_slice %arg8[%dma_start3A_64, %dma_start3A_65] : memref<96x16xf32, #tpu.memory_space<vmem>> -> memref<64x16xf32, #tpu.memory_space<vmem>>
      tpu.enqueue_dma source(%dma_start3A_66 : memref<64x16xf32, #tpu.memory_space<vmem>>) target(%dma_start3A_63 : memref<64x16xf32, #tpu.memory_space<vmem_shared>>) target_semaphore(%run_scoped3A : memref<!tpu.dma_semaphore, #tpu.memory_space<semaphore_mem>>)
      %dma_wait3A = arith.constant 0 : i32
      %dma_wait3A_67 = arith.constant 0 : i32
      %dma_wait3A_68 = tpu.memref_slice %arg8[%dma_wait3A, %dma_wait3A_67] : memref<96x16xf32, #tpu.memory_space<vmem>> -> memref<64x16xf32, #tpu.memory_space<vmem>>
      %dma_wait3A_69 = arith.constant 0 : i32
      %dma_wait3A_70 = tpu.memref_slice %arg10[%add3A_28, %dma_wait3A_69] : memref<10240x16xf32, #tpu.memory_space<vmem_shared>> -> memref<64x16xf32, #tpu.memory_space<vmem_shared>>
      %dma_wait3A_71 = arith.constant 0 : i32
      %dma_wait3A_72 = tpu.memref_slice %arg10[%add3A_28, %dma_wait3A_71] : memref<10240x16xf32, #tpu.memory_space<vmem_shared>> -> memref<64x16xf32, #tpu.memory_space<vmem_shared>>
      %dma_wait3A_73 = arith.constant 0 : i32
      %dma_wait3A_74 = arith.constant 0 : i32
      %dma_wait3A_75 = tpu.memref_slice %arg8[%dma_wait3A_73, %dma_wait3A_74] : memref<96x16xf32, #tpu.memory_space<vmem>> -> memref<64x16xf32, #tpu.memory_space<vmem>>
      tpu.wait_dma2 semaphore(%run_scoped3A : memref<!tpu.dma_semaphore, #tpu.memory_space<semaphore_mem>>) src(%dma_wait3A_75 : memref<64x16xf32, #tpu.memory_space<vmem>>) dst(%dma_wait3A_72 : memref<64x16xf32, #tpu.memory_space<vmem_shared>>)
      tpu.yield
    }) : () -> ()
    %mul3A_29 = arith.constant 640 : i32
    %mul3A_30 = arith.muli %arg1, %mul3A_29 : i32
    %add3A_31 = arith.constant 448 : i32
    %add3A_32 = arith.addi %mul3A_30, %add3A_31 : i32
    "tpu.region"() ({
      %run_scoped3A = tpu.sem_alloc : memref<!tpu.dma_semaphore, #tpu.memory_space<semaphore_mem>>
      %dma_start3A_57 = arith.constant 0 : i32
      %dma_start3A_58 = arith.constant 0 : i32
      %dma_start3A_59 = tpu.memref_slice %arg8[%dma_start3A_57, %dma_start3A_58] : memref<96x16xf32, #tpu.memory_space<vmem>> -> memref<64x16xf32, #tpu.memory_space<vmem>>
      %dma_start3A_60 = arith.constant 0 : i32
      %dma_start3A_61 = tpu.memref_slice %arg10[%add3A_32, %dma_start3A_60] : memref<10240x16xf32, #tpu.memory_space<vmem_shared>> -> memref<64x16xf32, #tpu.memory_space<vmem_shared>>
      %dma_start3A_62 = arith.constant 0 : i32
      %dma_start3A_63 = tpu.memref_slice %arg10[%add3A_32, %dma_start3A_62] : memref<10240x16xf32, #tpu.memory_space<vmem_shared>> -> memref<64x16xf32, #tpu.memory_space<vmem_shared>>
      %dma_start3A_64 = arith.constant 0 : i32
      %dma_start3A_65 = arith.constant 0 : i32
      %dma_start3A_66 = tpu.memref_slice %arg8[%dma_start3A_64, %dma_start3A_65] : memref<96x16xf32, #tpu.memory_space<vmem>> -> memref<64x16xf32, #tpu.memory_space<vmem>>
      tpu.enqueue_dma source(%dma_start3A_66 : memref<64x16xf32, #tpu.memory_space<vmem>>) target(%dma_start3A_63 : memref<64x16xf32, #tpu.memory_space<vmem_shared>>) target_semaphore(%run_scoped3A : memref<!tpu.dma_semaphore, #tpu.memory_space<semaphore_mem>>)
      %dma_wait3A = arith.constant 0 : i32
      %dma_wait3A_67 = arith.constant 0 : i32
      %dma_wait3A_68 = tpu.memref_slice %arg8[%dma_wait3A, %dma_wait3A_67] : memref<96x16xf32, #tpu.memory_space<vmem>> -> memref<64x16xf32, #tpu.memory_space<vmem>>
      %dma_wait3A_69 = arith.constant 0 : i32
      %dma_wait3A_70 = tpu.memref_slice %arg10[%add3A_32, %dma_wait3A_69] : memref<10240x16xf32, #tpu.memory_space<vmem_shared>> -> memref<64x16xf32, #tpu.memory_space<vmem_shared>>
      %dma_wait3A_71 = arith.constant 0 : i32
      %dma_wait3A_72 = tpu.memref_slice %arg10[%add3A_32, %dma_wait3A_71] : memref<10240x16xf32, #tpu.memory_space<vmem_shared>> -> memref<64x16xf32, #tpu.memory_space<vmem_shared>>
      %dma_wait3A_73 = arith.constant 0 : i32
      %dma_wait3A_74 = arith.constant 0 : i32
      %dma_wait3A_75 = tpu.memref_slice %arg8[%dma_wait3A_73, %dma_wait3A_74] : memref<96x16xf32, #tpu.memory_space<vmem>> -> memref<64x16xf32, #tpu.memory_space<vmem>>
      tpu.wait_dma2 semaphore(%run_scoped3A : memref<!tpu.dma_semaphore, #tpu.memory_space<semaphore_mem>>) src(%dma_wait3A_75 : memref<64x16xf32, #tpu.memory_space<vmem>>) dst(%dma_wait3A_72 : memref<64x16xf32, #tpu.memory_space<vmem_shared>>)
      tpu.yield
    }) : () -> ()
    %mul3A_33 = arith.constant 640 : i32
    %mul3A_34 = arith.muli %arg1, %mul3A_33 : i32
    %add3A_35 = arith.constant 512 : i32
    %add3A_36 = arith.addi %mul3A_34, %add3A_35 : i32
    "tpu.region"() ({
      %run_scoped3A = tpu.sem_alloc : memref<!tpu.dma_semaphore, #tpu.memory_space<semaphore_mem>>
      %dma_start3A_57 = arith.constant 0 : i32
      %dma_start3A_58 = arith.constant 0 : i32
      %dma_start3A_59 = tpu.memref_slice %arg8[%dma_start3A_57, %dma_start3A_58] : memref<96x16xf32, #tpu.memory_space<vmem>> -> memref<64x16xf32, #tpu.memory_space<vmem>>
      %dma_start3A_60 = arith.constant 0 : i32
      %dma_start3A_61 = tpu.memref_slice %arg10[%add3A_36, %dma_start3A_60] : memref<10240x16xf32, #tpu.memory_space<vmem_shared>> -> memref<64x16xf32, #tpu.memory_space<vmem_shared>>
      %dma_start3A_62 = arith.constant 0 : i32
      %dma_start3A_63 = tpu.memref_slice %arg10[%add3A_36, %dma_start3A_62] : memref<10240x16xf32, #tpu.memory_space<vmem_shared>> -> memref<64x16xf32, #tpu.memory_space<vmem_shared>>
      %dma_start3A_64 = arith.constant 0 : i32
      %dma_start3A_65 = arith.constant 0 : i32
      %dma_start3A_66 = tpu.memref_slice %arg8[%dma_start3A_64, %dma_start3A_65] : memref<96x16xf32, #tpu.memory_space<vmem>> -> memref<64x16xf32, #tpu.memory_space<vmem>>
      tpu.enqueue_dma source(%dma_start3A_66 : memref<64x16xf32, #tpu.memory_space<vmem>>) target(%dma_start3A_63 : memref<64x16xf32, #tpu.memory_space<vmem_shared>>) target_semaphore(%run_scoped3A : memref<!tpu.dma_semaphore, #tpu.memory_space<semaphore_mem>>)
      %dma_wait3A = arith.constant 0 : i32
      %dma_wait3A_67 = arith.constant 0 : i32
      %dma_wait3A_68 = tpu.memref_slice %arg8[%dma_wait3A, %dma_wait3A_67] : memref<96x16xf32, #tpu.memory_space<vmem>> -> memref<64x16xf32, #tpu.memory_space<vmem>>
      %dma_wait3A_69 = arith.constant 0 : i32
      %dma_wait3A_70 = tpu.memref_slice %arg10[%add3A_36, %dma_wait3A_69] : memref<10240x16xf32, #tpu.memory_space<vmem_shared>> -> memref<64x16xf32, #tpu.memory_space<vmem_shared>>
      %dma_wait3A_71 = arith.constant 0 : i32
      %dma_wait3A_72 = tpu.memref_slice %arg10[%add3A_36, %dma_wait3A_71] : memref<10240x16xf32, #tpu.memory_space<vmem_shared>> -> memref<64x16xf32, #tpu.memory_space<vmem_shared>>
      %dma_wait3A_73 = arith.constant 0 : i32
      %dma_wait3A_74 = arith.constant 0 : i32
      %dma_wait3A_75 = tpu.memref_slice %arg8[%dma_wait3A_73, %dma_wait3A_74] : memref<96x16xf32, #tpu.memory_space<vmem>> -> memref<64x16xf32, #tpu.memory_space<vmem>>
      tpu.wait_dma2 semaphore(%run_scoped3A : memref<!tpu.dma_semaphore, #tpu.memory_space<semaphore_mem>>) src(%dma_wait3A_75 : memref<64x16xf32, #tpu.memory_space<vmem>>) dst(%dma_wait3A_72 : memref<64x16xf32, #tpu.memory_space<vmem_shared>>)
      tpu.yield
    }) : () -> ()
    %mul3A_37 = arith.constant 640 : i32
    %mul3A_38 = arith.muli %arg1, %mul3A_37 : i32
    %add3A_39 = arith.constant 576 : i32
    %add3A_40 = arith.addi %mul3A_38, %add3A_39 : i32
    "tpu.region"() ({
      %run_scoped3A = tpu.sem_alloc : memref<!tpu.dma_semaphore, #tpu.memory_space<semaphore_mem>>
      %dma_start3A_57 = arith.constant 0 : i32
      %dma_start3A_58 = arith.constant 0 : i32
      %dma_start3A_59 = tpu.memref_slice %arg8[%dma_start3A_57, %dma_start3A_58] : memref<96x16xf32, #tpu.memory_space<vmem>> -> memref<64x16xf32, #tpu.memory_space<vmem>>
      %dma_start3A_60 = arith.constant 0 : i32
      %dma_start3A_61 = tpu.memref_slice %arg10[%add3A_40, %dma_start3A_60] : memref<10240x16xf32, #tpu.memory_space<vmem_shared>> -> memref<64x16xf32, #tpu.memory_space<vmem_shared>>
      %dma_start3A_62 = arith.constant 0 : i32
      %dma_start3A_63 = tpu.memref_slice %arg10[%add3A_40, %dma_start3A_62] : memref<10240x16xf32, #tpu.memory_space<vmem_shared>> -> memref<64x16xf32, #tpu.memory_space<vmem_shared>>
      %dma_start3A_64 = arith.constant 0 : i32
      %dma_start3A_65 = arith.constant 0 : i32
      %dma_start3A_66 = tpu.memref_slice %arg8[%dma_start3A_64, %dma_start3A_65] : memref<96x16xf32, #tpu.memory_space<vmem>> -> memref<64x16xf32, #tpu.memory_space<vmem>>
      tpu.enqueue_dma source(%dma_start3A_66 : memref<64x16xf32, #tpu.memory_space<vmem>>) target(%dma_start3A_63 : memref<64x16xf32, #tpu.memory_space<vmem_shared>>) target_semaphore(%run_scoped3A : memref<!tpu.dma_semaphore, #tpu.memory_space<semaphore_mem>>)
      %dma_wait3A = arith.constant 0 : i32
      %dma_wait3A_67 = arith.constant 0 : i32
      %dma_wait3A_68 = tpu.memref_slice %arg8[%dma_wait3A, %dma_wait3A_67] : memref<96x16xf32, #tpu.memory_space<vmem>> -> memref<64x16xf32, #tpu.memory_space<vmem>>
      %dma_wait3A_69 = arith.constant 0 : i32
      %dma_wait3A_70 = tpu.memref_slice %arg10[%add3A_40, %dma_wait3A_69] : memref<10240x16xf32, #tpu.memory_space<vmem_shared>> -> memref<64x16xf32, #tpu.memory_space<vmem_shared>>
      %dma_wait3A_71 = arith.constant 0 : i32
      %dma_wait3A_72 = tpu.memref_slice %arg10[%add3A_40, %dma_wait3A_71] : memref<10240x16xf32, #tpu.memory_space<vmem_shared>> -> memref<64x16xf32, #tpu.memory_space<vmem_shared>>
      %dma_wait3A_73 = arith.constant 0 : i32
      %dma_wait3A_74 = arith.constant 0 : i32
      %dma_wait3A_75 = tpu.memref_slice %arg8[%dma_wait3A_73, %dma_wait3A_74] : memref<96x16xf32, #tpu.memory_space<vmem>> -> memref<64x16xf32, #tpu.memory_space<vmem>>
      tpu.wait_dma2 semaphore(%run_scoped3A : memref<!tpu.dma_semaphore, #tpu.memory_space<semaphore_mem>>) src(%dma_wait3A_75 : memref<64x16xf32, #tpu.memory_space<vmem>>) dst(%dma_wait3A_72 : memref<64x16xf32, #tpu.memory_space<vmem_shared>>)
      tpu.yield
    }) : () -> ()
    %barrier3A = arith.constant 0 : index
    tpu.barrier barrier_id(%barrier3A)
    %dma_start3A = arith.constant 0 : i32
    %dma_start3A_41 = arith.constant 0 : i32
    %dma_start3A_42 = tpu.memref_slice %arg6[%dma_start3A, %dma_start3A_41] : memref<106x96xi32, #tpu.memory_space<vmem>> -> memref<1x96xi32, #tpu.memory_space<vmem>>
    %dma_start3A_43 = tpu.memref_squeeze %dma_start3A_42 : memref<1x96xi32, #tpu.memory_space<vmem>> -> memref<96xi32, #tpu.memory_space<vmem>>
    %dma_start3A_44 = arith.constant 0 : i32
    %dma_start3A_45 = arith.constant 0 : i32
    %dma_start3A_46 = tpu.memref_slice %arg2[%dma_start3A_44, %dma_start3A_45] : memref<10240x16xf32, #tpu.memory_space<hbm>> -> memref<10240x16xf32, #tpu.memory_space<hbm>>
    tpu.enqueue_indirect_dma source(%dma_start3A_46 : memref<10240x16xf32, #tpu.memory_space<hbm>>) target(%arg8 : memref<96x16xf32, #tpu.memory_space<vmem>>) offsets(%dma_start3A_43 : memref<96xi32, #tpu.memory_space<vmem>>) semaphore(%arg11 : memref<!tpu.dma_semaphore, #tpu.memory_space<semaphore_mem>>)
    %scan3A = arith.constant 0 : i32
    %scan3A_47 = arith.constant 0 : i32
    %scan3A_48 = arith.constant 53 : i32
    %scan3A_49 = arith.addi %scan3A_47, %scan3A_48 : i32
    %scan3A_50 = arith.constant 1 : i32
    scf.for %scan3A_57 = %scan3A_47 to %scan3A_49 step %scan3A_50  : i32 {
      %mul3A_58 = arith.constant 2 : i32
      %mul3A_59 = arith.muli %scan3A_57, %mul3A_58 : i32
      %dma_wait3A = arith.constant 0 : i32
      %dma_wait3A_60 = tpu.memref_slice %arg6[%mul3A_59, %dma_wait3A] : memref<106x96xi32, #tpu.memory_space<vmem>> -> memref<1x96xi32, #tpu.memory_space<vmem>>
      %dma_wait3A_61 = tpu.memref_squeeze %dma_wait3A_60 : memref<1x96xi32, #tpu.memory_space<vmem>> -> memref<96xi32, #tpu.memory_space<vmem>>
      %dma_wait3A_62 = arith.constant 0 : i32
      %dma_wait3A_63 = arith.constant 0 : i32
      %dma_wait3A_64 = tpu.memref_slice %arg2[%dma_wait3A_62, %dma_wait3A_63] : memref<10240x16xf32, #tpu.memory_space<hbm>> -> memref<10240x16xf32, #tpu.memory_space<hbm>>
      tpu.wait_indirect_dma semaphore(%arg11 : memref<!tpu.dma_semaphore, #tpu.memory_space<semaphore_mem>>) src(%dma_wait3A_64 : memref<10240x16xf32, #tpu.memory_space<hbm>>) dst(%arg8 : memref<96x16xf32, #tpu.memory_space<vmem>>)
      %add3A_65 = arith.constant 1 : i32
      %add3A_66 = arith.addi %mul3A_59, %add3A_65 : i32
      %dma_start3A_67 = arith.constant 0 : i32
      %dma_start3A_68 = tpu.memref_slice %arg6[%add3A_66, %dma_start3A_67] : memref<106x96xi32, #tpu.memory_space<vmem>> -> memref<1x96xi32, #tpu.memory_space<vmem>>
      %dma_start3A_69 = tpu.memref_squeeze %dma_start3A_68 : memref<1x96xi32, #tpu.memory_space<vmem>> -> memref<96xi32, #tpu.memory_space<vmem>>
      %dma_start3A_70 = arith.constant 0 : i32
      %dma_start3A_71 = arith.constant 0 : i32
      %dma_start3A_72 = tpu.memref_slice %arg2[%dma_start3A_70, %dma_start3A_71] : memref<10240x16xf32, #tpu.memory_space<hbm>> -> memref<10240x16xf32, #tpu.memory_space<hbm>>
      tpu.enqueue_indirect_dma source(%dma_start3A_72 : memref<10240x16xf32, #tpu.memory_space<hbm>>) target(%arg9 : memref<96x16xf32, #tpu.memory_space<vmem>>) offsets(%dma_start3A_69 : memref<96xi32, #tpu.memory_space<vmem>>) semaphore(%arg12 : memref<!tpu.dma_semaphore, #tpu.memory_space<semaphore_mem>>)
      "tpu.region"() ({
        %run_scoped3A = tpu.sem_alloc : memref<!tpu.dma_semaphore, #tpu.memory_space<semaphore_mem>>
        %dma_start3A_87 = arith.constant 0 : i32
        %dma_start3A_88 = tpu.memref_slice %arg7[%mul3A_59, %dma_start3A_87] : memref<106x96xi32, #tpu.memory_space<vmem>> -> memref<1x96xi32, #tpu.memory_space<vmem>>
        %dma_start3A_89 = tpu.memref_squeeze %dma_start3A_88 : memref<1x96xi32, #tpu.memory_space<vmem>> -> memref<96xi32, #tpu.memory_space<vmem>>
        %dma_start3A_90 = arith.constant 0 : i32
        %dma_start3A_91 = arith.constant 0 : i32
        %dma_start3A_92 = tpu.memref_slice %arg10[%dma_start3A_90, %dma_start3A_91] : memref<10240x16xf32, #tpu.memory_space<vmem_shared>> -> memref<10240x16xf32, #tpu.memory_space<vmem_shared>>
        tpu.enqueue_indirect_dma source(%arg8 : memref<96x16xf32, #tpu.memory_space<vmem>>) target(%dma_start3A_92 : memref<10240x16xf32, #tpu.memory_space<vmem_shared>>) offsets(%dma_start3A_89 : memref<96xi32, #tpu.memory_space<vmem>>) semaphore(%run_scoped3A : memref<!tpu.dma_semaphore, #tpu.memory_space<semaphore_mem>>) {add = true}
        %dma_wait3A_93 = arith.constant 0 : i32
        %dma_wait3A_94 = tpu.memref_slice %arg7[%mul3A_59, %dma_wait3A_93] : memref<106x96xi32, #tpu.memory_space<vmem>> -> memref<1x96xi32, #tpu.memory_space<vmem>>
        %dma_wait3A_95 = tpu.memref_squeeze %dma_wait3A_94 : memref<1x96xi32, #tpu.memory_space<vmem>> -> memref<96xi32, #tpu.memory_space<vmem>>
        %dma_wait3A_96 = arith.constant 0 : i32
        %dma_wait3A_97 = arith.constant 0 : i32
        %dma_wait3A_98 = tpu.memref_slice %arg10[%dma_wait3A_96, %dma_wait3A_97] : memref<10240x16xf32, #tpu.memory_space<vmem_shared>> -> memref<10240x16xf32, #tpu.memory_space<vmem_shared>>
        tpu.wait_indirect_dma semaphore(%run_scoped3A : memref<!tpu.dma_semaphore, #tpu.memory_space<semaphore_mem>>) src(%arg8 : memref<96x16xf32, #tpu.memory_space<vmem>>) dst(%dma_wait3A_98 : memref<10240x16xf32, #tpu.memory_space<vmem_shared>>)
        tpu.yield
      }) : () -> ()
      %add3A_73 = arith.constant 1 : i32
      %add3A_74 = arith.addi %mul3A_59, %add3A_73 : i32
      %dma_wait3A_75 = arith.constant 0 : i32
      %dma_wait3A_76 = tpu.memref_slice %arg6[%add3A_74, %dma_wait3A_75] : memref<106x96xi32, #tpu.memory_space<vmem>> -> memref<1x96xi32, #tpu.memory_space<vmem>>
      %dma_wait3A_77 = tpu.memref_squeeze %dma_wait3A_76 : memref<1x96xi32, #tpu.memory_space<vmem>> -> memref<96xi32, #tpu.memory_space<vmem>>
      %dma_wait3A_78 = arith.constant 0 : i32
      %dma_wait3A_79 = arith.constant 0 : i32
      %dma_wait3A_80 = tpu.memref_slice %arg2[%dma_wait3A_78, %dma_wait3A_79] : memref<10240x16xf32, #tpu.memory_space<hbm>> -> memref<10240x16xf32, #tpu.memory_space<hbm>>
      tpu.wait_indirect_dma semaphore(%arg12 : memref<!tpu.dma_semaphore, #tpu.memory_space<semaphore_mem>>) src(%dma_wait3A_80 : memref<10240x16xf32, #tpu.memory_space<hbm>>) dst(%arg9 : memref<96x16xf32, #tpu.memory_space<vmem>>)
      %add3A_81 = arith.constant 2 : i32
      %add3A_82 = arith.addi %mul3A_59, %add3A_81 : i32
      %lt3A = arith.constant 106 : i32
      %lt3A_83 = arith.cmpi slt, %add3A_82, %lt3A : i32
      %convert_element_type3A = arith.extui %lt3A_83 : i1 to i32
      %cond3A = arith.constant 0 : i32
      %cond3A_84 = arith.cmpi ne, %convert_element_type3A, %cond3A : i32
      scf.if %cond3A_84 {
        %add3A_87 = arith.constant 2 : i32
        %add3A_88 = arith.addi %mul3A_59, %add3A_87 : i32
        %dma_start3A_89 = arith.constant 0 : i32
        %dma_start3A_90 = tpu.memref_slice %arg6[%add3A_88, %dma_start3A_89] : memref<106x96xi32, #tpu.memory_space<vmem>> -> memref<1x96xi32, #tpu.memory_space<vmem>>
        %dma_start3A_91 = tpu.memref_squeeze %dma_start3A_90 : memref<1x96xi32, #tpu.memory_space<vmem>> -> memref<96xi32, #tpu.memory_space<vmem>>
        %dma_start3A_92 = arith.constant 0 : i32
        %dma_start3A_93 = arith.constant 0 : i32
        %dma_start3A_94 = tpu.memref_slice %arg2[%dma_start3A_92, %dma_start3A_93] : memref<10240x16xf32, #tpu.memory_space<hbm>> -> memref<10240x16xf32, #tpu.memory_space<hbm>>
        tpu.enqueue_indirect_dma source(%dma_start3A_94 : memref<10240x16xf32, #tpu.memory_space<hbm>>) target(%arg8 : memref<96x16xf32, #tpu.memory_space<vmem>>) offsets(%dma_start3A_91 : memref<96xi32, #tpu.memory_space<vmem>>) semaphore(%arg11 : memref<!tpu.dma_semaphore, #tpu.memory_space<semaphore_mem>>)
      } else {
      }
      %add3A_85 = arith.constant 1 : i32
      %add3A_86 = arith.addi %mul3A_59, %add3A_85 : i32
      "tpu.region"() ({
        %run_scoped3A = tpu.sem_alloc : memref<!tpu.dma_semaphore, #tpu.memory_space<semaphore_mem>>
        %dma_start3A_87 = arith.constant 0 : i32
        %dma_start3A_88 = tpu.memref_slice %arg7[%add3A_86, %dma_start3A_87] : memref<106x96xi32, #tpu.memory_space<vmem>> -> memref<1x96xi32, #tpu.memory_space<vmem>>
        %dma_start3A_89 = tpu.memref_squeeze %dma_start3A_88 : memref<1x96xi32, #tpu.memory_space<vmem>> -> memref<96xi32, #tpu.memory_space<vmem>>
        %dma_start3A_90 = arith.constant 0 : i32
        %dma_start3A_91 = arith.constant 0 : i32
        %dma_start3A_92 = tpu.memref_slice %arg10[%dma_start3A_90, %dma_start3A_91] : memref<10240x16xf32, #tpu.memory_space<vmem_shared>> -> memref<10240x16xf32, #tpu.memory_space<vmem_shared>>
        tpu.enqueue_indirect_dma source(%arg9 : memref<96x16xf32, #tpu.memory_space<vmem>>) target(%dma_start3A_92 : memref<10240x16xf32, #tpu.memory_space<vmem_shared>>) offsets(%dma_start3A_89 : memref<96xi32, #tpu.memory_space<vmem>>) semaphore(%run_scoped3A : memref<!tpu.dma_semaphore, #tpu.memory_space<semaphore_mem>>) {add = true}
        %dma_wait3A_93 = arith.constant 0 : i32
        %dma_wait3A_94 = tpu.memref_slice %arg7[%add3A_86, %dma_wait3A_93] : memref<106x96xi32, #tpu.memory_space<vmem>> -> memref<1x96xi32, #tpu.memory_space<vmem>>
        %dma_wait3A_95 = tpu.memref_squeeze %dma_wait3A_94 : memref<1x96xi32, #tpu.memory_space<vmem>> -> memref<96xi32, #tpu.memory_space<vmem>>
        %dma_wait3A_96 = arith.constant 0 : i32
        %dma_wait3A_97 = arith.constant 0 : i32
        %dma_wait3A_98 = tpu.memref_slice %arg10[%dma_wait3A_96, %dma_wait3A_97] : memref<10240x16xf32, #tpu.memory_space<vmem_shared>> -> memref<10240x16xf32, #tpu.memory_space<vmem_shared>>
        tpu.wait_indirect_dma semaphore(%run_scoped3A : memref<!tpu.dma_semaphore, #tpu.memory_space<semaphore_mem>>) src(%arg9 : memref<96x16xf32, #tpu.memory_space<vmem>>) dst(%dma_wait3A_98 : memref<10240x16xf32, #tpu.memory_space<vmem_shared>>)
        tpu.yield
      }) : () -> ()
    }
    %scan3A_51 = arith.constant 53 : i32
    %barrier3A_52 = arith.constant 0 : index
    tpu.barrier barrier_id(%barrier3A_52)
    %mul3A_53 = arith.constant 640 : i32
    %mul3A_54 = arith.muli %arg1, %mul3A_53 : i32
    %mul3A_55 = arith.constant 640 : i32
    %mul3A_56 = arith.muli %arg1, %mul3A_55 : i32
    "tpu.region"() ({
      %run_scoped3A = tpu.sem_alloc : memref<!tpu.dma_semaphore, #tpu.memory_space<semaphore_mem>>
      %dma_start3A_57 = arith.constant 0 : i32
      %dma_start3A_58 = tpu.memref_slice %arg5[%arg0, %mul3A_56, %dma_start3A_57] : memref<2x10240x16xf32, #tpu.memory_space<hbm>> -> memref<1x640x16xf32, #tpu.memory_space<hbm>>
      %dma_start3A_59 = tpu.memref_squeeze %dma_start3A_58 : memref<1x640x16xf32, #tpu.memory_space<hbm>> -> memref<640x16xf32, #tpu.memory_space<hbm>>
      %dma_start3A_60 = arith.constant 0 : i32
      %dma_start3A_61 = tpu.memref_slice %arg10[%mul3A_54, %dma_start3A_60] : memref<10240x16xf32, #tpu.memory_space<vmem_shared>> -> memref<640x16xf32, #tpu.memory_space<vmem_shared>>
      tpu.enqueue_dma source(%dma_start3A_61 : memref<640x16xf32, #tpu.memory_space<vmem_shared>>) target(%dma_start3A_59 : memref<640x16xf32, #tpu.memory_space<hbm>>) target_semaphore(%run_scoped3A : memref<!tpu.dma_semaphore, #tpu.memory_space<semaphore_mem>>)
      %dma_wait3A = arith.constant 0 : i32
      %dma_wait3A_62 = tpu.memref_slice %arg5[%arg0, %mul3A_56, %dma_wait3A] : memref<2x10240x16xf32, #tpu.memory_space<hbm>> -> memref<1x640x16xf32, #tpu.memory_space<hbm>>
      %dma_wait3A_63 = tpu.memref_squeeze %dma_wait3A_62 : memref<1x640x16xf32, #tpu.memory_space<hbm>> -> memref<640x16xf32, #tpu.memory_space<hbm>>
      %dma_wait3A_64 = arith.constant 0 : i32
      %dma_wait3A_65 = tpu.memref_slice %arg10[%mul3A_54, %dma_wait3A_64] : memref<10240x16xf32, #tpu.memory_space<vmem_shared>> -> memref<640x16xf32, #tpu.memory_space<vmem_shared>>
      tpu.wait_dma2 semaphore(%run_scoped3A : memref<!tpu.dma_semaphore, #tpu.memory_space<semaphore_mem>>) src(%dma_wait3A_65 : memref<640x16xf32, #tpu.memory_space<vmem_shared>>) dst(%dma_wait3A_63 : memref<640x16xf32, #tpu.memory_space<hbm>>)
      tpu.yield
    }) : () -> ()
    return
  }
}

#map = affine_map<(d0, d1) -> (0, 0)>
#map1 = affine_map<(d0, d1) -> (0, 0, 0)>
module attributes {stable_mosaic.version = 14 : i64} {
  func.func @_sc_scatter_body(%arg0: i32, %arg1: i32, %arg2: memref<10240x128xf32, #tpu.memory_space<hbm>>, %arg3: memref<32x106x96xi32, #tpu.memory_space<hbm>>, %arg4: memref<32x106x96xi32, #tpu.memory_space<hbm>>, %arg5: memref<2x10240x128xf32, #tpu.memory_space<hbm>>, %arg6: memref<106x96xi32, #tpu.memory_space<vmem>>, %arg7: memref<106x96xi32, #tpu.memory_space<vmem>>, %arg8: memref<96x128xf32, #tpu.memory_space<vmem>>, %arg9: memref<96x128xf32, #tpu.memory_space<vmem>>, %arg10: memref<10240x128xf32, #tpu.memory_space<vmem_shared>>, %arg11: memref<!tpu.dma_semaphore, #tpu.memory_space<semaphore_mem>>, %arg12: memref<!tpu.dma_semaphore, #tpu.memory_space<semaphore_mem>>) attributes {dimension_semantics = [#tpu.dimension_semantics<core_parallel>, #tpu.dimension_semantics<subcore_parallel>], iteration_bounds = array<i64: 2, 16>, scalar_prefetch = 0 : i64, scratch_operands = 7 : i64, tpu.core_type = #tpu.core_type<sc_vector_subcore>, window_params = [{transform_indices = #map}, {transform_indices = #map1}, {transform_indices = #map1}, {transform_indices = #map1}]} {
    %mul3A = arith.constant 2 : i32
    %mul3A_0 = arith.muli %arg1, %mul3A : i32
    %add3A = arith.addi %mul3A_0, %arg0 : i32
    "tpu.region"() ({
      %run_scoped3A = tpu.sem_alloc : memref<!tpu.dma_semaphore, #tpu.memory_space<semaphore_mem>>
      %dma_start3A_57 = arith.constant 0 : i32
      %dma_start3A_58 = arith.constant 0 : i32
      %dma_start3A_59 = tpu.memref_slice %arg3[%add3A, %dma_start3A_57, %dma_start3A_58] : memref<32x106x96xi32, #tpu.memory_space<hbm>> -> memref<1x106x96xi32, #tpu.memory_space<hbm>>
      %dma_start3A_60 = tpu.memref_squeeze %dma_start3A_59 : memref<1x106x96xi32, #tpu.memory_space<hbm>> -> memref<106x96xi32, #tpu.memory_space<hbm>>
      %dma_start3A_61 = arith.constant 0 : i32
      %dma_start3A_62 = arith.constant 0 : i32
      %dma_start3A_63 = tpu.memref_slice %arg3[%add3A, %dma_start3A_61, %dma_start3A_62] : memref<32x106x96xi32, #tpu.memory_space<hbm>> -> memref<1x106x96xi32, #tpu.memory_space<hbm>>
      %dma_start3A_64 = tpu.memref_squeeze %dma_start3A_63 : memref<1x106x96xi32, #tpu.memory_space<hbm>> -> memref<106x96xi32, #tpu.memory_space<hbm>>
      tpu.enqueue_dma source(%dma_start3A_64 : memref<106x96xi32, #tpu.memory_space<hbm>>) target(%arg6 : memref<106x96xi32, #tpu.memory_space<vmem>>) target_semaphore(%run_scoped3A : memref<!tpu.dma_semaphore, #tpu.memory_space<semaphore_mem>>)
      %dma_wait3A = arith.constant 0 : i32
      %dma_wait3A_65 = arith.constant 0 : i32
      %dma_wait3A_66 = tpu.memref_slice %arg3[%add3A, %dma_wait3A, %dma_wait3A_65] : memref<32x106x96xi32, #tpu.memory_space<hbm>> -> memref<1x106x96xi32, #tpu.memory_space<hbm>>
      %dma_wait3A_67 = tpu.memref_squeeze %dma_wait3A_66 : memref<1x106x96xi32, #tpu.memory_space<hbm>> -> memref<106x96xi32, #tpu.memory_space<hbm>>
      %dma_wait3A_68 = arith.constant 0 : i32
      %dma_wait3A_69 = arith.constant 0 : i32
      %dma_wait3A_70 = tpu.memref_slice %arg3[%add3A, %dma_wait3A_68, %dma_wait3A_69] : memref<32x106x96xi32, #tpu.memory_space<hbm>> -> memref<1x106x96xi32, #tpu.memory_space<hbm>>
      %dma_wait3A_71 = tpu.memref_squeeze %dma_wait3A_70 : memref<1x106x96xi32, #tpu.memory_space<hbm>> -> memref<106x96xi32, #tpu.memory_space<hbm>>
      tpu.wait_dma2 semaphore(%run_scoped3A : memref<!tpu.dma_semaphore, #tpu.memory_space<semaphore_mem>>) src(%dma_wait3A_71 : memref<106x96xi32, #tpu.memory_space<hbm>>) dst(%arg6 : memref<106x96xi32, #tpu.memory_space<vmem>>)
      tpu.yield
    }) : () -> ()
    "tpu.region"() ({
      %run_scoped3A = tpu.sem_alloc : memref<!tpu.dma_semaphore, #tpu.memory_space<semaphore_mem>>
      %dma_start3A_57 = arith.constant 0 : i32
      %dma_start3A_58 = arith.constant 0 : i32
      %dma_start3A_59 = tpu.memref_slice %arg4[%add3A, %dma_start3A_57, %dma_start3A_58] : memref<32x106x96xi32, #tpu.memory_space<hbm>> -> memref<1x106x96xi32, #tpu.memory_space<hbm>>
      %dma_start3A_60 = tpu.memref_squeeze %dma_start3A_59 : memref<1x106x96xi32, #tpu.memory_space<hbm>> -> memref<106x96xi32, #tpu.memory_space<hbm>>
      %dma_start3A_61 = arith.constant 0 : i32
      %dma_start3A_62 = arith.constant 0 : i32
      %dma_start3A_63 = tpu.memref_slice %arg4[%add3A, %dma_start3A_61, %dma_start3A_62] : memref<32x106x96xi32, #tpu.memory_space<hbm>> -> memref<1x106x96xi32, #tpu.memory_space<hbm>>
      %dma_start3A_64 = tpu.memref_squeeze %dma_start3A_63 : memref<1x106x96xi32, #tpu.memory_space<hbm>> -> memref<106x96xi32, #tpu.memory_space<hbm>>
      tpu.enqueue_dma source(%dma_start3A_64 : memref<106x96xi32, #tpu.memory_space<hbm>>) target(%arg7 : memref<106x96xi32, #tpu.memory_space<vmem>>) target_semaphore(%run_scoped3A : memref<!tpu.dma_semaphore, #tpu.memory_space<semaphore_mem>>)
      %dma_wait3A = arith.constant 0 : i32
      %dma_wait3A_65 = arith.constant 0 : i32
      %dma_wait3A_66 = tpu.memref_slice %arg4[%add3A, %dma_wait3A, %dma_wait3A_65] : memref<32x106x96xi32, #tpu.memory_space<hbm>> -> memref<1x106x96xi32, #tpu.memory_space<hbm>>
      %dma_wait3A_67 = tpu.memref_squeeze %dma_wait3A_66 : memref<1x106x96xi32, #tpu.memory_space<hbm>> -> memref<106x96xi32, #tpu.memory_space<hbm>>
      %dma_wait3A_68 = arith.constant 0 : i32
      %dma_wait3A_69 = arith.constant 0 : i32
      %dma_wait3A_70 = tpu.memref_slice %arg4[%add3A, %dma_wait3A_68, %dma_wait3A_69] : memref<32x106x96xi32, #tpu.memory_space<hbm>> -> memref<1x106x96xi32, #tpu.memory_space<hbm>>
      %dma_wait3A_71 = tpu.memref_squeeze %dma_wait3A_70 : memref<1x106x96xi32, #tpu.memory_space<hbm>> -> memref<106x96xi32, #tpu.memory_space<hbm>>
      tpu.wait_dma2 semaphore(%run_scoped3A : memref<!tpu.dma_semaphore, #tpu.memory_space<semaphore_mem>>) src(%dma_wait3A_71 : memref<106x96xi32, #tpu.memory_space<hbm>>) dst(%arg7 : memref<106x96xi32, #tpu.memory_space<vmem>>)
      tpu.yield
    }) : () -> ()
    "tpu.region"() ({
      %run_scoped3A = tpu.sem_alloc : memref<!tpu.dma_semaphore, #tpu.memory_space<semaphore_mem>>
      %dma_start3A_57 = arith.constant 0 : i32
      %dma_start3A_58 = arith.constant 0 : i32
      %dma_start3A_59 = tpu.memref_slice %arg8[%dma_start3A_57, %dma_start3A_58] : memref<96x128xf32, #tpu.memory_space<vmem>> -> memref<64x128xf32, #tpu.memory_space<vmem>>
      %dma_start3A_60 = arith.constant 10176 : i32
      %dma_start3A_61 = arith.constant 0 : i32
      %dma_start3A_62 = tpu.memref_slice %arg2[%dma_start3A_60, %dma_start3A_61] : memref<10240x128xf32, #tpu.memory_space<hbm>> -> memref<64x128xf32, #tpu.memory_space<hbm>>
      %dma_start3A_63 = arith.constant 0 : i32
      %dma_start3A_64 = arith.constant 0 : i32
      %dma_start3A_65 = tpu.memref_slice %arg8[%dma_start3A_63, %dma_start3A_64] : memref<96x128xf32, #tpu.memory_space<vmem>> -> memref<64x128xf32, #tpu.memory_space<vmem>>
      %dma_start3A_66 = arith.constant 10176 : i32
      %dma_start3A_67 = arith.constant 0 : i32
      %dma_start3A_68 = tpu.memref_slice %arg2[%dma_start3A_66, %dma_start3A_67] : memref<10240x128xf32, #tpu.memory_space<hbm>> -> memref<64x128xf32, #tpu.memory_space<hbm>>
      tpu.enqueue_dma source(%dma_start3A_68 : memref<64x128xf32, #tpu.memory_space<hbm>>) target(%dma_start3A_65 : memref<64x128xf32, #tpu.memory_space<vmem>>) target_semaphore(%run_scoped3A : memref<!tpu.dma_semaphore, #tpu.memory_space<semaphore_mem>>)
      %dma_wait3A = arith.constant 0 : i32
      %dma_wait3A_69 = arith.constant 0 : i32
      %dma_wait3A_70 = tpu.memref_slice %arg8[%dma_wait3A, %dma_wait3A_69] : memref<96x128xf32, #tpu.memory_space<vmem>> -> memref<64x128xf32, #tpu.memory_space<vmem>>
      %dma_wait3A_71 = arith.constant 10176 : i32
      %dma_wait3A_72 = arith.constant 0 : i32
      %dma_wait3A_73 = tpu.memref_slice %arg2[%dma_wait3A_71, %dma_wait3A_72] : memref<10240x128xf32, #tpu.memory_space<hbm>> -> memref<64x128xf32, #tpu.memory_space<hbm>>
      %dma_wait3A_74 = arith.constant 0 : i32
      %dma_wait3A_75 = arith.constant 0 : i32
      %dma_wait3A_76 = tpu.memref_slice %arg8[%dma_wait3A_74, %dma_wait3A_75] : memref<96x128xf32, #tpu.memory_space<vmem>> -> memref<64x128xf32, #tpu.memory_space<vmem>>
      %dma_wait3A_77 = arith.constant 10176 : i32
      %dma_wait3A_78 = arith.constant 0 : i32
      %dma_wait3A_79 = tpu.memref_slice %arg2[%dma_wait3A_77, %dma_wait3A_78] : memref<10240x128xf32, #tpu.memory_space<hbm>> -> memref<64x128xf32, #tpu.memory_space<hbm>>
      tpu.wait_dma2 semaphore(%run_scoped3A : memref<!tpu.dma_semaphore, #tpu.memory_space<semaphore_mem>>) src(%dma_wait3A_79 : memref<64x128xf32, #tpu.memory_space<hbm>>) dst(%dma_wait3A_76 : memref<64x128xf32, #tpu.memory_space<vmem>>)
      tpu.yield
    }) : () -> ()
    %mul3A_1 = arith.constant 640 : i32
    %mul3A_2 = arith.muli %arg1, %mul3A_1 : i32
    %add3A_3 = arith.constant 0 : i32
    %add3A_4 = arith.addi %mul3A_2, %add3A_3 : i32
    "tpu.region"() ({
      %run_scoped3A = tpu.sem_alloc : memref<!tpu.dma_semaphore, #tpu.memory_space<semaphore_mem>>
      %dma_start3A_57 = arith.constant 0 : i32
      %dma_start3A_58 = arith.constant 0 : i32
      %dma_start3A_59 = tpu.memref_slice %arg8[%dma_start3A_57, %dma_start3A_58] : memref<96x128xf32, #tpu.memory_space<vmem>> -> memref<64x128xf32, #tpu.memory_space<vmem>>
      %dma_start3A_60 = arith.constant 0 : i32
      %dma_start3A_61 = tpu.memref_slice %arg10[%add3A_4, %dma_start3A_60] : memref<10240x128xf32, #tpu.memory_space<vmem_shared>> -> memref<64x128xf32, #tpu.memory_space<vmem_shared>>
      %dma_start3A_62 = arith.constant 0 : i32
      %dma_start3A_63 = tpu.memref_slice %arg10[%add3A_4, %dma_start3A_62] : memref<10240x128xf32, #tpu.memory_space<vmem_shared>> -> memref<64x128xf32, #tpu.memory_space<vmem_shared>>
      %dma_start3A_64 = arith.constant 0 : i32
      %dma_start3A_65 = arith.constant 0 : i32
      %dma_start3A_66 = tpu.memref_slice %arg8[%dma_start3A_64, %dma_start3A_65] : memref<96x128xf32, #tpu.memory_space<vmem>> -> memref<64x128xf32, #tpu.memory_space<vmem>>
      tpu.enqueue_dma source(%dma_start3A_66 : memref<64x128xf32, #tpu.memory_space<vmem>>) target(%dma_start3A_63 : memref<64x128xf32, #tpu.memory_space<vmem_shared>>) target_semaphore(%run_scoped3A : memref<!tpu.dma_semaphore, #tpu.memory_space<semaphore_mem>>)
      %dma_wait3A = arith.constant 0 : i32
      %dma_wait3A_67 = arith.constant 0 : i32
      %dma_wait3A_68 = tpu.memref_slice %arg8[%dma_wait3A, %dma_wait3A_67] : memref<96x128xf32, #tpu.memory_space<vmem>> -> memref<64x128xf32, #tpu.memory_space<vmem>>
      %dma_wait3A_69 = arith.constant 0 : i32
      %dma_wait3A_70 = tpu.memref_slice %arg10[%add3A_4, %dma_wait3A_69] : memref<10240x128xf32, #tpu.memory_space<vmem_shared>> -> memref<64x128xf32, #tpu.memory_space<vmem_shared>>
      %dma_wait3A_71 = arith.constant 0 : i32
      %dma_wait3A_72 = tpu.memref_slice %arg10[%add3A_4, %dma_wait3A_71] : memref<10240x128xf32, #tpu.memory_space<vmem_shared>> -> memref<64x128xf32, #tpu.memory_space<vmem_shared>>
      %dma_wait3A_73 = arith.constant 0 : i32
      %dma_wait3A_74 = arith.constant 0 : i32
      %dma_wait3A_75 = tpu.memref_slice %arg8[%dma_wait3A_73, %dma_wait3A_74] : memref<96x128xf32, #tpu.memory_space<vmem>> -> memref<64x128xf32, #tpu.memory_space<vmem>>
      tpu.wait_dma2 semaphore(%run_scoped3A : memref<!tpu.dma_semaphore, #tpu.memory_space<semaphore_mem>>) src(%dma_wait3A_75 : memref<64x128xf32, #tpu.memory_space<vmem>>) dst(%dma_wait3A_72 : memref<64x128xf32, #tpu.memory_space<vmem_shared>>)
      tpu.yield
    }) : () -> ()
    %mul3A_5 = arith.constant 640 : i32
    %mul3A_6 = arith.muli %arg1, %mul3A_5 : i32
    %add3A_7 = arith.constant 64 : i32
    %add3A_8 = arith.addi %mul3A_6, %add3A_7 : i32
    "tpu.region"() ({
      %run_scoped3A = tpu.sem_alloc : memref<!tpu.dma_semaphore, #tpu.memory_space<semaphore_mem>>
      %dma_start3A_57 = arith.constant 0 : i32
      %dma_start3A_58 = arith.constant 0 : i32
      %dma_start3A_59 = tpu.memref_slice %arg8[%dma_start3A_57, %dma_start3A_58] : memref<96x128xf32, #tpu.memory_space<vmem>> -> memref<64x128xf32, #tpu.memory_space<vmem>>
      %dma_start3A_60 = arith.constant 0 : i32
      %dma_start3A_61 = tpu.memref_slice %arg10[%add3A_8, %dma_start3A_60] : memref<10240x128xf32, #tpu.memory_space<vmem_shared>> -> memref<64x128xf32, #tpu.memory_space<vmem_shared>>
      %dma_start3A_62 = arith.constant 0 : i32
      %dma_start3A_63 = tpu.memref_slice %arg10[%add3A_8, %dma_start3A_62] : memref<10240x128xf32, #tpu.memory_space<vmem_shared>> -> memref<64x128xf32, #tpu.memory_space<vmem_shared>>
      %dma_start3A_64 = arith.constant 0 : i32
      %dma_start3A_65 = arith.constant 0 : i32
      %dma_start3A_66 = tpu.memref_slice %arg8[%dma_start3A_64, %dma_start3A_65] : memref<96x128xf32, #tpu.memory_space<vmem>> -> memref<64x128xf32, #tpu.memory_space<vmem>>
      tpu.enqueue_dma source(%dma_start3A_66 : memref<64x128xf32, #tpu.memory_space<vmem>>) target(%dma_start3A_63 : memref<64x128xf32, #tpu.memory_space<vmem_shared>>) target_semaphore(%run_scoped3A : memref<!tpu.dma_semaphore, #tpu.memory_space<semaphore_mem>>)
      %dma_wait3A = arith.constant 0 : i32
      %dma_wait3A_67 = arith.constant 0 : i32
      %dma_wait3A_68 = tpu.memref_slice %arg8[%dma_wait3A, %dma_wait3A_67] : memref<96x128xf32, #tpu.memory_space<vmem>> -> memref<64x128xf32, #tpu.memory_space<vmem>>
      %dma_wait3A_69 = arith.constant 0 : i32
      %dma_wait3A_70 = tpu.memref_slice %arg10[%add3A_8, %dma_wait3A_69] : memref<10240x128xf32, #tpu.memory_space<vmem_shared>> -> memref<64x128xf32, #tpu.memory_space<vmem_shared>>
      %dma_wait3A_71 = arith.constant 0 : i32
      %dma_wait3A_72 = tpu.memref_slice %arg10[%add3A_8, %dma_wait3A_71] : memref<10240x128xf32, #tpu.memory_space<vmem_shared>> -> memref<64x128xf32, #tpu.memory_space<vmem_shared>>
      %dma_wait3A_73 = arith.constant 0 : i32
      %dma_wait3A_74 = arith.constant 0 : i32
      %dma_wait3A_75 = tpu.memref_slice %arg8[%dma_wait3A_73, %dma_wait3A_74] : memref<96x128xf32, #tpu.memory_space<vmem>> -> memref<64x128xf32, #tpu.memory_space<vmem>>
      tpu.wait_dma2 semaphore(%run_scoped3A : memref<!tpu.dma_semaphore, #tpu.memory_space<semaphore_mem>>) src(%dma_wait3A_75 : memref<64x128xf32, #tpu.memory_space<vmem>>) dst(%dma_wait3A_72 : memref<64x128xf32, #tpu.memory_space<vmem_shared>>)
      tpu.yield
    }) : () -> ()
    %mul3A_9 = arith.constant 640 : i32
    %mul3A_10 = arith.muli %arg1, %mul3A_9 : i32
    %add3A_11 = arith.constant 128 : i32
    %add3A_12 = arith.addi %mul3A_10, %add3A_11 : i32
    "tpu.region"() ({
      %run_scoped3A = tpu.sem_alloc : memref<!tpu.dma_semaphore, #tpu.memory_space<semaphore_mem>>
      %dma_start3A_57 = arith.constant 0 : i32
      %dma_start3A_58 = arith.constant 0 : i32
      %dma_start3A_59 = tpu.memref_slice %arg8[%dma_start3A_57, %dma_start3A_58] : memref<96x128xf32, #tpu.memory_space<vmem>> -> memref<64x128xf32, #tpu.memory_space<vmem>>
      %dma_start3A_60 = arith.constant 0 : i32
      %dma_start3A_61 = tpu.memref_slice %arg10[%add3A_12, %dma_start3A_60] : memref<10240x128xf32, #tpu.memory_space<vmem_shared>> -> memref<64x128xf32, #tpu.memory_space<vmem_shared>>
      %dma_start3A_62 = arith.constant 0 : i32
      %dma_start3A_63 = tpu.memref_slice %arg10[%add3A_12, %dma_start3A_62] : memref<10240x128xf32, #tpu.memory_space<vmem_shared>> -> memref<64x128xf32, #tpu.memory_space<vmem_shared>>
      %dma_start3A_64 = arith.constant 0 : i32
      %dma_start3A_65 = arith.constant 0 : i32
      %dma_start3A_66 = tpu.memref_slice %arg8[%dma_start3A_64, %dma_start3A_65] : memref<96x128xf32, #tpu.memory_space<vmem>> -> memref<64x128xf32, #tpu.memory_space<vmem>>
      tpu.enqueue_dma source(%dma_start3A_66 : memref<64x128xf32, #tpu.memory_space<vmem>>) target(%dma_start3A_63 : memref<64x128xf32, #tpu.memory_space<vmem_shared>>) target_semaphore(%run_scoped3A : memref<!tpu.dma_semaphore, #tpu.memory_space<semaphore_mem>>)
      %dma_wait3A = arith.constant 0 : i32
      %dma_wait3A_67 = arith.constant 0 : i32
      %dma_wait3A_68 = tpu.memref_slice %arg8[%dma_wait3A, %dma_wait3A_67] : memref<96x128xf32, #tpu.memory_space<vmem>> -> memref<64x128xf32, #tpu.memory_space<vmem>>
      %dma_wait3A_69 = arith.constant 0 : i32
      %dma_wait3A_70 = tpu.memref_slice %arg10[%add3A_12, %dma_wait3A_69] : memref<10240x128xf32, #tpu.memory_space<vmem_shared>> -> memref<64x128xf32, #tpu.memory_space<vmem_shared>>
      %dma_wait3A_71 = arith.constant 0 : i32
      %dma_wait3A_72 = tpu.memref_slice %arg10[%add3A_12, %dma_wait3A_71] : memref<10240x128xf32, #tpu.memory_space<vmem_shared>> -> memref<64x128xf32, #tpu.memory_space<vmem_shared>>
      %dma_wait3A_73 = arith.constant 0 : i32
      %dma_wait3A_74 = arith.constant 0 : i32
      %dma_wait3A_75 = tpu.memref_slice %arg8[%dma_wait3A_73, %dma_wait3A_74] : memref<96x128xf32, #tpu.memory_space<vmem>> -> memref<64x128xf32, #tpu.memory_space<vmem>>
      tpu.wait_dma2 semaphore(%run_scoped3A : memref<!tpu.dma_semaphore, #tpu.memory_space<semaphore_mem>>) src(%dma_wait3A_75 : memref<64x128xf32, #tpu.memory_space<vmem>>) dst(%dma_wait3A_72 : memref<64x128xf32, #tpu.memory_space<vmem_shared>>)
      tpu.yield
    }) : () -> ()
    %mul3A_13 = arith.constant 640 : i32
    %mul3A_14 = arith.muli %arg1, %mul3A_13 : i32
    %add3A_15 = arith.constant 192 : i32
    %add3A_16 = arith.addi %mul3A_14, %add3A_15 : i32
    "tpu.region"() ({
      %run_scoped3A = tpu.sem_alloc : memref<!tpu.dma_semaphore, #tpu.memory_space<semaphore_mem>>
      %dma_start3A_57 = arith.constant 0 : i32
      %dma_start3A_58 = arith.constant 0 : i32
      %dma_start3A_59 = tpu.memref_slice %arg8[%dma_start3A_57, %dma_start3A_58] : memref<96x128xf32, #tpu.memory_space<vmem>> -> memref<64x128xf32, #tpu.memory_space<vmem>>
      %dma_start3A_60 = arith.constant 0 : i32
      %dma_start3A_61 = tpu.memref_slice %arg10[%add3A_16, %dma_start3A_60] : memref<10240x128xf32, #tpu.memory_space<vmem_shared>> -> memref<64x128xf32, #tpu.memory_space<vmem_shared>>
      %dma_start3A_62 = arith.constant 0 : i32
      %dma_start3A_63 = tpu.memref_slice %arg10[%add3A_16, %dma_start3A_62] : memref<10240x128xf32, #tpu.memory_space<vmem_shared>> -> memref<64x128xf32, #tpu.memory_space<vmem_shared>>
      %dma_start3A_64 = arith.constant 0 : i32
      %dma_start3A_65 = arith.constant 0 : i32
      %dma_start3A_66 = tpu.memref_slice %arg8[%dma_start3A_64, %dma_start3A_65] : memref<96x128xf32, #tpu.memory_space<vmem>> -> memref<64x128xf32, #tpu.memory_space<vmem>>
      tpu.enqueue_dma source(%dma_start3A_66 : memref<64x128xf32, #tpu.memory_space<vmem>>) target(%dma_start3A_63 : memref<64x128xf32, #tpu.memory_space<vmem_shared>>) target_semaphore(%run_scoped3A : memref<!tpu.dma_semaphore, #tpu.memory_space<semaphore_mem>>)
      %dma_wait3A = arith.constant 0 : i32
      %dma_wait3A_67 = arith.constant 0 : i32
      %dma_wait3A_68 = tpu.memref_slice %arg8[%dma_wait3A, %dma_wait3A_67] : memref<96x128xf32, #tpu.memory_space<vmem>> -> memref<64x128xf32, #tpu.memory_space<vmem>>
      %dma_wait3A_69 = arith.constant 0 : i32
      %dma_wait3A_70 = tpu.memref_slice %arg10[%add3A_16, %dma_wait3A_69] : memref<10240x128xf32, #tpu.memory_space<vmem_shared>> -> memref<64x128xf32, #tpu.memory_space<vmem_shared>>
      %dma_wait3A_71 = arith.constant 0 : i32
      %dma_wait3A_72 = tpu.memref_slice %arg10[%add3A_16, %dma_wait3A_71] : memref<10240x128xf32, #tpu.memory_space<vmem_shared>> -> memref<64x128xf32, #tpu.memory_space<vmem_shared>>
      %dma_wait3A_73 = arith.constant 0 : i32
      %dma_wait3A_74 = arith.constant 0 : i32
      %dma_wait3A_75 = tpu.memref_slice %arg8[%dma_wait3A_73, %dma_wait3A_74] : memref<96x128xf32, #tpu.memory_space<vmem>> -> memref<64x128xf32, #tpu.memory_space<vmem>>
      tpu.wait_dma2 semaphore(%run_scoped3A : memref<!tpu.dma_semaphore, #tpu.memory_space<semaphore_mem>>) src(%dma_wait3A_75 : memref<64x128xf32, #tpu.memory_space<vmem>>) dst(%dma_wait3A_72 : memref<64x128xf32, #tpu.memory_space<vmem_shared>>)
      tpu.yield
    }) : () -> ()
    %mul3A_17 = arith.constant 640 : i32
    %mul3A_18 = arith.muli %arg1, %mul3A_17 : i32
    %add3A_19 = arith.constant 256 : i32
    %add3A_20 = arith.addi %mul3A_18, %add3A_19 : i32
    "tpu.region"() ({
      %run_scoped3A = tpu.sem_alloc : memref<!tpu.dma_semaphore, #tpu.memory_space<semaphore_mem>>
      %dma_start3A_57 = arith.constant 0 : i32
      %dma_start3A_58 = arith.constant 0 : i32
      %dma_start3A_59 = tpu.memref_slice %arg8[%dma_start3A_57, %dma_start3A_58] : memref<96x128xf32, #tpu.memory_space<vmem>> -> memref<64x128xf32, #tpu.memory_space<vmem>>
      %dma_start3A_60 = arith.constant 0 : i32
      %dma_start3A_61 = tpu.memref_slice %arg10[%add3A_20, %dma_start3A_60] : memref<10240x128xf32, #tpu.memory_space<vmem_shared>> -> memref<64x128xf32, #tpu.memory_space<vmem_shared>>
      %dma_start3A_62 = arith.constant 0 : i32
      %dma_start3A_63 = tpu.memref_slice %arg10[%add3A_20, %dma_start3A_62] : memref<10240x128xf32, #tpu.memory_space<vmem_shared>> -> memref<64x128xf32, #tpu.memory_space<vmem_shared>>
      %dma_start3A_64 = arith.constant 0 : i32
      %dma_start3A_65 = arith.constant 0 : i32
      %dma_start3A_66 = tpu.memref_slice %arg8[%dma_start3A_64, %dma_start3A_65] : memref<96x128xf32, #tpu.memory_space<vmem>> -> memref<64x128xf32, #tpu.memory_space<vmem>>
      tpu.enqueue_dma source(%dma_start3A_66 : memref<64x128xf32, #tpu.memory_space<vmem>>) target(%dma_start3A_63 : memref<64x128xf32, #tpu.memory_space<vmem_shared>>) target_semaphore(%run_scoped3A : memref<!tpu.dma_semaphore, #tpu.memory_space<semaphore_mem>>)
      %dma_wait3A = arith.constant 0 : i32
      %dma_wait3A_67 = arith.constant 0 : i32
      %dma_wait3A_68 = tpu.memref_slice %arg8[%dma_wait3A, %dma_wait3A_67] : memref<96x128xf32, #tpu.memory_space<vmem>> -> memref<64x128xf32, #tpu.memory_space<vmem>>
      %dma_wait3A_69 = arith.constant 0 : i32
      %dma_wait3A_70 = tpu.memref_slice %arg10[%add3A_20, %dma_wait3A_69] : memref<10240x128xf32, #tpu.memory_space<vmem_shared>> -> memref<64x128xf32, #tpu.memory_space<vmem_shared>>
      %dma_wait3A_71 = arith.constant 0 : i32
      %dma_wait3A_72 = tpu.memref_slice %arg10[%add3A_20, %dma_wait3A_71] : memref<10240x128xf32, #tpu.memory_space<vmem_shared>> -> memref<64x128xf32, #tpu.memory_space<vmem_shared>>
      %dma_wait3A_73 = arith.constant 0 : i32
      %dma_wait3A_74 = arith.constant 0 : i32
      %dma_wait3A_75 = tpu.memref_slice %arg8[%dma_wait3A_73, %dma_wait3A_74] : memref<96x128xf32, #tpu.memory_space<vmem>> -> memref<64x128xf32, #tpu.memory_space<vmem>>
      tpu.wait_dma2 semaphore(%run_scoped3A : memref<!tpu.dma_semaphore, #tpu.memory_space<semaphore_mem>>) src(%dma_wait3A_75 : memref<64x128xf32, #tpu.memory_space<vmem>>) dst(%dma_wait3A_72 : memref<64x128xf32, #tpu.memory_space<vmem_shared>>)
      tpu.yield
    }) : () -> ()
    %mul3A_21 = arith.constant 640 : i32
    %mul3A_22 = arith.muli %arg1, %mul3A_21 : i32
    %add3A_23 = arith.constant 320 : i32
    %add3A_24 = arith.addi %mul3A_22, %add3A_23 : i32
    "tpu.region"() ({
      %run_scoped3A = tpu.sem_alloc : memref<!tpu.dma_semaphore, #tpu.memory_space<semaphore_mem>>
      %dma_start3A_57 = arith.constant 0 : i32
      %dma_start3A_58 = arith.constant 0 : i32
      %dma_start3A_59 = tpu.memref_slice %arg8[%dma_start3A_57, %dma_start3A_58] : memref<96x128xf32, #tpu.memory_space<vmem>> -> memref<64x128xf32, #tpu.memory_space<vmem>>
      %dma_start3A_60 = arith.constant 0 : i32
      %dma_start3A_61 = tpu.memref_slice %arg10[%add3A_24, %dma_start3A_60] : memref<10240x128xf32, #tpu.memory_space<vmem_shared>> -> memref<64x128xf32, #tpu.memory_space<vmem_shared>>
      %dma_start3A_62 = arith.constant 0 : i32
      %dma_start3A_63 = tpu.memref_slice %arg10[%add3A_24, %dma_start3A_62] : memref<10240x128xf32, #tpu.memory_space<vmem_shared>> -> memref<64x128xf32, #tpu.memory_space<vmem_shared>>
      %dma_start3A_64 = arith.constant 0 : i32
      %dma_start3A_65 = arith.constant 0 : i32
      %dma_start3A_66 = tpu.memref_slice %arg8[%dma_start3A_64, %dma_start3A_65] : memref<96x128xf32, #tpu.memory_space<vmem>> -> memref<64x128xf32, #tpu.memory_space<vmem>>
      tpu.enqueue_dma source(%dma_start3A_66 : memref<64x128xf32, #tpu.memory_space<vmem>>) target(%dma_start3A_63 : memref<64x128xf32, #tpu.memory_space<vmem_shared>>) target_semaphore(%run_scoped3A : memref<!tpu.dma_semaphore, #tpu.memory_space<semaphore_mem>>)
      %dma_wait3A = arith.constant 0 : i32
      %dma_wait3A_67 = arith.constant 0 : i32
      %dma_wait3A_68 = tpu.memref_slice %arg8[%dma_wait3A, %dma_wait3A_67] : memref<96x128xf32, #tpu.memory_space<vmem>> -> memref<64x128xf32, #tpu.memory_space<vmem>>
      %dma_wait3A_69 = arith.constant 0 : i32
      %dma_wait3A_70 = tpu.memref_slice %arg10[%add3A_24, %dma_wait3A_69] : memref<10240x128xf32, #tpu.memory_space<vmem_shared>> -> memref<64x128xf32, #tpu.memory_space<vmem_shared>>
      %dma_wait3A_71 = arith.constant 0 : i32
      %dma_wait3A_72 = tpu.memref_slice %arg10[%add3A_24, %dma_wait3A_71] : memref<10240x128xf32, #tpu.memory_space<vmem_shared>> -> memref<64x128xf32, #tpu.memory_space<vmem_shared>>
      %dma_wait3A_73 = arith.constant 0 : i32
      %dma_wait3A_74 = arith.constant 0 : i32
      %dma_wait3A_75 = tpu.memref_slice %arg8[%dma_wait3A_73, %dma_wait3A_74] : memref<96x128xf32, #tpu.memory_space<vmem>> -> memref<64x128xf32, #tpu.memory_space<vmem>>
      tpu.wait_dma2 semaphore(%run_scoped3A : memref<!tpu.dma_semaphore, #tpu.memory_space<semaphore_mem>>) src(%dma_wait3A_75 : memref<64x128xf32, #tpu.memory_space<vmem>>) dst(%dma_wait3A_72 : memref<64x128xf32, #tpu.memory_space<vmem_shared>>)
      tpu.yield
    }) : () -> ()
    %mul3A_25 = arith.constant 640 : i32
    %mul3A_26 = arith.muli %arg1, %mul3A_25 : i32
    %add3A_27 = arith.constant 384 : i32
    %add3A_28 = arith.addi %mul3A_26, %add3A_27 : i32
    "tpu.region"() ({
      %run_scoped3A = tpu.sem_alloc : memref<!tpu.dma_semaphore, #tpu.memory_space<semaphore_mem>>
      %dma_start3A_57 = arith.constant 0 : i32
      %dma_start3A_58 = arith.constant 0 : i32
      %dma_start3A_59 = tpu.memref_slice %arg8[%dma_start3A_57, %dma_start3A_58] : memref<96x128xf32, #tpu.memory_space<vmem>> -> memref<64x128xf32, #tpu.memory_space<vmem>>
      %dma_start3A_60 = arith.constant 0 : i32
      %dma_start3A_61 = tpu.memref_slice %arg10[%add3A_28, %dma_start3A_60] : memref<10240x128xf32, #tpu.memory_space<vmem_shared>> -> memref<64x128xf32, #tpu.memory_space<vmem_shared>>
      %dma_start3A_62 = arith.constant 0 : i32
      %dma_start3A_63 = tpu.memref_slice %arg10[%add3A_28, %dma_start3A_62] : memref<10240x128xf32, #tpu.memory_space<vmem_shared>> -> memref<64x128xf32, #tpu.memory_space<vmem_shared>>
      %dma_start3A_64 = arith.constant 0 : i32
      %dma_start3A_65 = arith.constant 0 : i32
      %dma_start3A_66 = tpu.memref_slice %arg8[%dma_start3A_64, %dma_start3A_65] : memref<96x128xf32, #tpu.memory_space<vmem>> -> memref<64x128xf32, #tpu.memory_space<vmem>>
      tpu.enqueue_dma source(%dma_start3A_66 : memref<64x128xf32, #tpu.memory_space<vmem>>) target(%dma_start3A_63 : memref<64x128xf32, #tpu.memory_space<vmem_shared>>) target_semaphore(%run_scoped3A : memref<!tpu.dma_semaphore, #tpu.memory_space<semaphore_mem>>)
      %dma_wait3A = arith.constant 0 : i32
      %dma_wait3A_67 = arith.constant 0 : i32
      %dma_wait3A_68 = tpu.memref_slice %arg8[%dma_wait3A, %dma_wait3A_67] : memref<96x128xf32, #tpu.memory_space<vmem>> -> memref<64x128xf32, #tpu.memory_space<vmem>>
      %dma_wait3A_69 = arith.constant 0 : i32
      %dma_wait3A_70 = tpu.memref_slice %arg10[%add3A_28, %dma_wait3A_69] : memref<10240x128xf32, #tpu.memory_space<vmem_shared>> -> memref<64x128xf32, #tpu.memory_space<vmem_shared>>
      %dma_wait3A_71 = arith.constant 0 : i32
      %dma_wait3A_72 = tpu.memref_slice %arg10[%add3A_28, %dma_wait3A_71] : memref<10240x128xf32, #tpu.memory_space<vmem_shared>> -> memref<64x128xf32, #tpu.memory_space<vmem_shared>>
      %dma_wait3A_73 = arith.constant 0 : i32
      %dma_wait3A_74 = arith.constant 0 : i32
      %dma_wait3A_75 = tpu.memref_slice %arg8[%dma_wait3A_73, %dma_wait3A_74] : memref<96x128xf32, #tpu.memory_space<vmem>> -> memref<64x128xf32, #tpu.memory_space<vmem>>
      tpu.wait_dma2 semaphore(%run_scoped3A : memref<!tpu.dma_semaphore, #tpu.memory_space<semaphore_mem>>) src(%dma_wait3A_75 : memref<64x128xf32, #tpu.memory_space<vmem>>) dst(%dma_wait3A_72 : memref<64x128xf32, #tpu.memory_space<vmem_shared>>)
      tpu.yield
    }) : () -> ()
    %mul3A_29 = arith.constant 640 : i32
    %mul3A_30 = arith.muli %arg1, %mul3A_29 : i32
    %add3A_31 = arith.constant 448 : i32
    %add3A_32 = arith.addi %mul3A_30, %add3A_31 : i32
    "tpu.region"() ({
      %run_scoped3A = tpu.sem_alloc : memref<!tpu.dma_semaphore, #tpu.memory_space<semaphore_mem>>
      %dma_start3A_57 = arith.constant 0 : i32
      %dma_start3A_58 = arith.constant 0 : i32
      %dma_start3A_59 = tpu.memref_slice %arg8[%dma_start3A_57, %dma_start3A_58] : memref<96x128xf32, #tpu.memory_space<vmem>> -> memref<64x128xf32, #tpu.memory_space<vmem>>
      %dma_start3A_60 = arith.constant 0 : i32
      %dma_start3A_61 = tpu.memref_slice %arg10[%add3A_32, %dma_start3A_60] : memref<10240x128xf32, #tpu.memory_space<vmem_shared>> -> memref<64x128xf32, #tpu.memory_space<vmem_shared>>
      %dma_start3A_62 = arith.constant 0 : i32
      %dma_start3A_63 = tpu.memref_slice %arg10[%add3A_32, %dma_start3A_62] : memref<10240x128xf32, #tpu.memory_space<vmem_shared>> -> memref<64x128xf32, #tpu.memory_space<vmem_shared>>
      %dma_start3A_64 = arith.constant 0 : i32
      %dma_start3A_65 = arith.constant 0 : i32
      %dma_start3A_66 = tpu.memref_slice %arg8[%dma_start3A_64, %dma_start3A_65] : memref<96x128xf32, #tpu.memory_space<vmem>> -> memref<64x128xf32, #tpu.memory_space<vmem>>
      tpu.enqueue_dma source(%dma_start3A_66 : memref<64x128xf32, #tpu.memory_space<vmem>>) target(%dma_start3A_63 : memref<64x128xf32, #tpu.memory_space<vmem_shared>>) target_semaphore(%run_scoped3A : memref<!tpu.dma_semaphore, #tpu.memory_space<semaphore_mem>>)
      %dma_wait3A = arith.constant 0 : i32
      %dma_wait3A_67 = arith.constant 0 : i32
      %dma_wait3A_68 = tpu.memref_slice %arg8[%dma_wait3A, %dma_wait3A_67] : memref<96x128xf32, #tpu.memory_space<vmem>> -> memref<64x128xf32, #tpu.memory_space<vmem>>
      %dma_wait3A_69 = arith.constant 0 : i32
      %dma_wait3A_70 = tpu.memref_slice %arg10[%add3A_32, %dma_wait3A_69] : memref<10240x128xf32, #tpu.memory_space<vmem_shared>> -> memref<64x128xf32, #tpu.memory_space<vmem_shared>>
      %dma_wait3A_71 = arith.constant 0 : i32
      %dma_wait3A_72 = tpu.memref_slice %arg10[%add3A_32, %dma_wait3A_71] : memref<10240x128xf32, #tpu.memory_space<vmem_shared>> -> memref<64x128xf32, #tpu.memory_space<vmem_shared>>
      %dma_wait3A_73 = arith.constant 0 : i32
      %dma_wait3A_74 = arith.constant 0 : i32
      %dma_wait3A_75 = tpu.memref_slice %arg8[%dma_wait3A_73, %dma_wait3A_74] : memref<96x128xf32, #tpu.memory_space<vmem>> -> memref<64x128xf32, #tpu.memory_space<vmem>>
      tpu.wait_dma2 semaphore(%run_scoped3A : memref<!tpu.dma_semaphore, #tpu.memory_space<semaphore_mem>>) src(%dma_wait3A_75 : memref<64x128xf32, #tpu.memory_space<vmem>>) dst(%dma_wait3A_72 : memref<64x128xf32, #tpu.memory_space<vmem_shared>>)
      tpu.yield
    }) : () -> ()
    %mul3A_33 = arith.constant 640 : i32
    %mul3A_34 = arith.muli %arg1, %mul3A_33 : i32
    %add3A_35 = arith.constant 512 : i32
    %add3A_36 = arith.addi %mul3A_34, %add3A_35 : i32
    "tpu.region"() ({
      %run_scoped3A = tpu.sem_alloc : memref<!tpu.dma_semaphore, #tpu.memory_space<semaphore_mem>>
      %dma_start3A_57 = arith.constant 0 : i32
      %dma_start3A_58 = arith.constant 0 : i32
      %dma_start3A_59 = tpu.memref_slice %arg8[%dma_start3A_57, %dma_start3A_58] : memref<96x128xf32, #tpu.memory_space<vmem>> -> memref<64x128xf32, #tpu.memory_space<vmem>>
      %dma_start3A_60 = arith.constant 0 : i32
      %dma_start3A_61 = tpu.memref_slice %arg10[%add3A_36, %dma_start3A_60] : memref<10240x128xf32, #tpu.memory_space<vmem_shared>> -> memref<64x128xf32, #tpu.memory_space<vmem_shared>>
      %dma_start3A_62 = arith.constant 0 : i32
      %dma_start3A_63 = tpu.memref_slice %arg10[%add3A_36, %dma_start3A_62] : memref<10240x128xf32, #tpu.memory_space<vmem_shared>> -> memref<64x128xf32, #tpu.memory_space<vmem_shared>>
      %dma_start3A_64 = arith.constant 0 : i32
      %dma_start3A_65 = arith.constant 0 : i32
      %dma_start3A_66 = tpu.memref_slice %arg8[%dma_start3A_64, %dma_start3A_65] : memref<96x128xf32, #tpu.memory_space<vmem>> -> memref<64x128xf32, #tpu.memory_space<vmem>>
      tpu.enqueue_dma source(%dma_start3A_66 : memref<64x128xf32, #tpu.memory_space<vmem>>) target(%dma_start3A_63 : memref<64x128xf32, #tpu.memory_space<vmem_shared>>) target_semaphore(%run_scoped3A : memref<!tpu.dma_semaphore, #tpu.memory_space<semaphore_mem>>)
      %dma_wait3A = arith.constant 0 : i32
      %dma_wait3A_67 = arith.constant 0 : i32
      %dma_wait3A_68 = tpu.memref_slice %arg8[%dma_wait3A, %dma_wait3A_67] : memref<96x128xf32, #tpu.memory_space<vmem>> -> memref<64x128xf32, #tpu.memory_space<vmem>>
      %dma_wait3A_69 = arith.constant 0 : i32
      %dma_wait3A_70 = tpu.memref_slice %arg10[%add3A_36, %dma_wait3A_69] : memref<10240x128xf32, #tpu.memory_space<vmem_shared>> -> memref<64x128xf32, #tpu.memory_space<vmem_shared>>
      %dma_wait3A_71 = arith.constant 0 : i32
      %dma_wait3A_72 = tpu.memref_slice %arg10[%add3A_36, %dma_wait3A_71] : memref<10240x128xf32, #tpu.memory_space<vmem_shared>> -> memref<64x128xf32, #tpu.memory_space<vmem_shared>>
      %dma_wait3A_73 = arith.constant 0 : i32
      %dma_wait3A_74 = arith.constant 0 : i32
      %dma_wait3A_75 = tpu.memref_slice %arg8[%dma_wait3A_73, %dma_wait3A_74] : memref<96x128xf32, #tpu.memory_space<vmem>> -> memref<64x128xf32, #tpu.memory_space<vmem>>
      tpu.wait_dma2 semaphore(%run_scoped3A : memref<!tpu.dma_semaphore, #tpu.memory_space<semaphore_mem>>) src(%dma_wait3A_75 : memref<64x128xf32, #tpu.memory_space<vmem>>) dst(%dma_wait3A_72 : memref<64x128xf32, #tpu.memory_space<vmem_shared>>)
      tpu.yield
    }) : () -> ()
    %mul3A_37 = arith.constant 640 : i32
    %mul3A_38 = arith.muli %arg1, %mul3A_37 : i32
    %add3A_39 = arith.constant 576 : i32
    %add3A_40 = arith.addi %mul3A_38, %add3A_39 : i32
    "tpu.region"() ({
      %run_scoped3A = tpu.sem_alloc : memref<!tpu.dma_semaphore, #tpu.memory_space<semaphore_mem>>
      %dma_start3A_57 = arith.constant 0 : i32
      %dma_start3A_58 = arith.constant 0 : i32
      %dma_start3A_59 = tpu.memref_slice %arg8[%dma_start3A_57, %dma_start3A_58] : memref<96x128xf32, #tpu.memory_space<vmem>> -> memref<64x128xf32, #tpu.memory_space<vmem>>
      %dma_start3A_60 = arith.constant 0 : i32
      %dma_start3A_61 = tpu.memref_slice %arg10[%add3A_40, %dma_start3A_60] : memref<10240x128xf32, #tpu.memory_space<vmem_shared>> -> memref<64x128xf32, #tpu.memory_space<vmem_shared>>
      %dma_start3A_62 = arith.constant 0 : i32
      %dma_start3A_63 = tpu.memref_slice %arg10[%add3A_40, %dma_start3A_62] : memref<10240x128xf32, #tpu.memory_space<vmem_shared>> -> memref<64x128xf32, #tpu.memory_space<vmem_shared>>
      %dma_start3A_64 = arith.constant 0 : i32
      %dma_start3A_65 = arith.constant 0 : i32
      %dma_start3A_66 = tpu.memref_slice %arg8[%dma_start3A_64, %dma_start3A_65] : memref<96x128xf32, #tpu.memory_space<vmem>> -> memref<64x128xf32, #tpu.memory_space<vmem>>
      tpu.enqueue_dma source(%dma_start3A_66 : memref<64x128xf32, #tpu.memory_space<vmem>>) target(%dma_start3A_63 : memref<64x128xf32, #tpu.memory_space<vmem_shared>>) target_semaphore(%run_scoped3A : memref<!tpu.dma_semaphore, #tpu.memory_space<semaphore_mem>>)
      %dma_wait3A = arith.constant 0 : i32
      %dma_wait3A_67 = arith.constant 0 : i32
      %dma_wait3A_68 = tpu.memref_slice %arg8[%dma_wait3A, %dma_wait3A_67] : memref<96x128xf32, #tpu.memory_space<vmem>> -> memref<64x128xf32, #tpu.memory_space<vmem>>
      %dma_wait3A_69 = arith.constant 0 : i32
      %dma_wait3A_70 = tpu.memref_slice %arg10[%add3A_40, %dma_wait3A_69] : memref<10240x128xf32, #tpu.memory_space<vmem_shared>> -> memref<64x128xf32, #tpu.memory_space<vmem_shared>>
      %dma_wait3A_71 = arith.constant 0 : i32
      %dma_wait3A_72 = tpu.memref_slice %arg10[%add3A_40, %dma_wait3A_71] : memref<10240x128xf32, #tpu.memory_space<vmem_shared>> -> memref<64x128xf32, #tpu.memory_space<vmem_shared>>
      %dma_wait3A_73 = arith.constant 0 : i32
      %dma_wait3A_74 = arith.constant 0 : i32
      %dma_wait3A_75 = tpu.memref_slice %arg8[%dma_wait3A_73, %dma_wait3A_74] : memref<96x128xf32, #tpu.memory_space<vmem>> -> memref<64x128xf32, #tpu.memory_space<vmem>>
      tpu.wait_dma2 semaphore(%run_scoped3A : memref<!tpu.dma_semaphore, #tpu.memory_space<semaphore_mem>>) src(%dma_wait3A_75 : memref<64x128xf32, #tpu.memory_space<vmem>>) dst(%dma_wait3A_72 : memref<64x128xf32, #tpu.memory_space<vmem_shared>>)
      tpu.yield
    }) : () -> ()
    %barrier3A = arith.constant 0 : index
    tpu.barrier barrier_id(%barrier3A)
    %dma_start3A = arith.constant 0 : i32
    %dma_start3A_41 = arith.constant 0 : i32
    %dma_start3A_42 = tpu.memref_slice %arg6[%dma_start3A, %dma_start3A_41] : memref<106x96xi32, #tpu.memory_space<vmem>> -> memref<1x96xi32, #tpu.memory_space<vmem>>
    %dma_start3A_43 = tpu.memref_squeeze %dma_start3A_42 : memref<1x96xi32, #tpu.memory_space<vmem>> -> memref<96xi32, #tpu.memory_space<vmem>>
    %dma_start3A_44 = arith.constant 0 : i32
    %dma_start3A_45 = arith.constant 0 : i32
    %dma_start3A_46 = tpu.memref_slice %arg2[%dma_start3A_44, %dma_start3A_45] : memref<10240x128xf32, #tpu.memory_space<hbm>> -> memref<10240x128xf32, #tpu.memory_space<hbm>>
    tpu.enqueue_indirect_dma source(%dma_start3A_46 : memref<10240x128xf32, #tpu.memory_space<hbm>>) target(%arg8 : memref<96x128xf32, #tpu.memory_space<vmem>>) offsets(%dma_start3A_43 : memref<96xi32, #tpu.memory_space<vmem>>) semaphore(%arg11 : memref<!tpu.dma_semaphore, #tpu.memory_space<semaphore_mem>>)
    %scan3A = arith.constant 0 : i32
    %scan3A_47 = arith.constant 0 : i32
    %scan3A_48 = arith.constant 53 : i32
    %scan3A_49 = arith.addi %scan3A_47, %scan3A_48 : i32
    %scan3A_50 = arith.constant 1 : i32
    scf.for %scan3A_57 = %scan3A_47 to %scan3A_49 step %scan3A_50  : i32 {
      %mul3A_58 = arith.constant 2 : i32
      %mul3A_59 = arith.muli %scan3A_57, %mul3A_58 : i32
      %dma_wait3A = arith.constant 0 : i32
      %dma_wait3A_60 = tpu.memref_slice %arg6[%mul3A_59, %dma_wait3A] : memref<106x96xi32, #tpu.memory_space<vmem>> -> memref<1x96xi32, #tpu.memory_space<vmem>>
      %dma_wait3A_61 = tpu.memref_squeeze %dma_wait3A_60 : memref<1x96xi32, #tpu.memory_space<vmem>> -> memref<96xi32, #tpu.memory_space<vmem>>
      %dma_wait3A_62 = arith.constant 0 : i32
      %dma_wait3A_63 = arith.constant 0 : i32
      %dma_wait3A_64 = tpu.memref_slice %arg2[%dma_wait3A_62, %dma_wait3A_63] : memref<10240x128xf32, #tpu.memory_space<hbm>> -> memref<10240x128xf32, #tpu.memory_space<hbm>>
      tpu.wait_indirect_dma semaphore(%arg11 : memref<!tpu.dma_semaphore, #tpu.memory_space<semaphore_mem>>) src(%dma_wait3A_64 : memref<10240x128xf32, #tpu.memory_space<hbm>>) dst(%arg8 : memref<96x128xf32, #tpu.memory_space<vmem>>)
      %add3A_65 = arith.constant 1 : i32
      %add3A_66 = arith.addi %mul3A_59, %add3A_65 : i32
      %dma_start3A_67 = arith.constant 0 : i32
      %dma_start3A_68 = tpu.memref_slice %arg6[%add3A_66, %dma_start3A_67] : memref<106x96xi32, #tpu.memory_space<vmem>> -> memref<1x96xi32, #tpu.memory_space<vmem>>
      %dma_start3A_69 = tpu.memref_squeeze %dma_start3A_68 : memref<1x96xi32, #tpu.memory_space<vmem>> -> memref<96xi32, #tpu.memory_space<vmem>>
      %dma_start3A_70 = arith.constant 0 : i32
      %dma_start3A_71 = arith.constant 0 : i32
      %dma_start3A_72 = tpu.memref_slice %arg2[%dma_start3A_70, %dma_start3A_71] : memref<10240x128xf32, #tpu.memory_space<hbm>> -> memref<10240x128xf32, #tpu.memory_space<hbm>>
      tpu.enqueue_indirect_dma source(%dma_start3A_72 : memref<10240x128xf32, #tpu.memory_space<hbm>>) target(%arg9 : memref<96x128xf32, #tpu.memory_space<vmem>>) offsets(%dma_start3A_69 : memref<96xi32, #tpu.memory_space<vmem>>) semaphore(%arg12 : memref<!tpu.dma_semaphore, #tpu.memory_space<semaphore_mem>>)
      "tpu.region"() ({
        %run_scoped3A = tpu.sem_alloc : memref<!tpu.dma_semaphore, #tpu.memory_space<semaphore_mem>>
        %dma_start3A_87 = arith.constant 0 : i32
        %dma_start3A_88 = tpu.memref_slice %arg7[%mul3A_59, %dma_start3A_87] : memref<106x96xi32, #tpu.memory_space<vmem>> -> memref<1x96xi32, #tpu.memory_space<vmem>>
        %dma_start3A_89 = tpu.memref_squeeze %dma_start3A_88 : memref<1x96xi32, #tpu.memory_space<vmem>> -> memref<96xi32, #tpu.memory_space<vmem>>
        %dma_start3A_90 = arith.constant 0 : i32
        %dma_start3A_91 = arith.constant 0 : i32
        %dma_start3A_92 = tpu.memref_slice %arg10[%dma_start3A_90, %dma_start3A_91] : memref<10240x128xf32, #tpu.memory_space<vmem_shared>> -> memref<10240x128xf32, #tpu.memory_space<vmem_shared>>
        tpu.enqueue_indirect_dma source(%arg8 : memref<96x128xf32, #tpu.memory_space<vmem>>) target(%dma_start3A_92 : memref<10240x128xf32, #tpu.memory_space<vmem_shared>>) offsets(%dma_start3A_89 : memref<96xi32, #tpu.memory_space<vmem>>) semaphore(%run_scoped3A : memref<!tpu.dma_semaphore, #tpu.memory_space<semaphore_mem>>) {add = true}
        %dma_wait3A_93 = arith.constant 0 : i32
        %dma_wait3A_94 = tpu.memref_slice %arg7[%mul3A_59, %dma_wait3A_93] : memref<106x96xi32, #tpu.memory_space<vmem>> -> memref<1x96xi32, #tpu.memory_space<vmem>>
        %dma_wait3A_95 = tpu.memref_squeeze %dma_wait3A_94 : memref<1x96xi32, #tpu.memory_space<vmem>> -> memref<96xi32, #tpu.memory_space<vmem>>
        %dma_wait3A_96 = arith.constant 0 : i32
        %dma_wait3A_97 = arith.constant 0 : i32
        %dma_wait3A_98 = tpu.memref_slice %arg10[%dma_wait3A_96, %dma_wait3A_97] : memref<10240x128xf32, #tpu.memory_space<vmem_shared>> -> memref<10240x128xf32, #tpu.memory_space<vmem_shared>>
        tpu.wait_indirect_dma semaphore(%run_scoped3A : memref<!tpu.dma_semaphore, #tpu.memory_space<semaphore_mem>>) src(%arg8 : memref<96x128xf32, #tpu.memory_space<vmem>>) dst(%dma_wait3A_98 : memref<10240x128xf32, #tpu.memory_space<vmem_shared>>)
        tpu.yield
      }) : () -> ()
      %add3A_73 = arith.constant 1 : i32
      %add3A_74 = arith.addi %mul3A_59, %add3A_73 : i32
      %dma_wait3A_75 = arith.constant 0 : i32
      %dma_wait3A_76 = tpu.memref_slice %arg6[%add3A_74, %dma_wait3A_75] : memref<106x96xi32, #tpu.memory_space<vmem>> -> memref<1x96xi32, #tpu.memory_space<vmem>>
      %dma_wait3A_77 = tpu.memref_squeeze %dma_wait3A_76 : memref<1x96xi32, #tpu.memory_space<vmem>> -> memref<96xi32, #tpu.memory_space<vmem>>
      %dma_wait3A_78 = arith.constant 0 : i32
      %dma_wait3A_79 = arith.constant 0 : i32
      %dma_wait3A_80 = tpu.memref_slice %arg2[%dma_wait3A_78, %dma_wait3A_79] : memref<10240x128xf32, #tpu.memory_space<hbm>> -> memref<10240x128xf32, #tpu.memory_space<hbm>>
      tpu.wait_indirect_dma semaphore(%arg12 : memref<!tpu.dma_semaphore, #tpu.memory_space<semaphore_mem>>) src(%dma_wait3A_80 : memref<10240x128xf32, #tpu.memory_space<hbm>>) dst(%arg9 : memref<96x128xf32, #tpu.memory_space<vmem>>)
      %add3A_81 = arith.constant 2 : i32
      %add3A_82 = arith.addi %mul3A_59, %add3A_81 : i32
      %lt3A = arith.constant 106 : i32
      %lt3A_83 = arith.cmpi slt, %add3A_82, %lt3A : i32
      %convert_element_type3A = arith.extui %lt3A_83 : i1 to i32
      %cond3A = arith.constant 0 : i32
      %cond3A_84 = arith.cmpi ne, %convert_element_type3A, %cond3A : i32
      scf.if %cond3A_84 {
        %add3A_87 = arith.constant 2 : i32
        %add3A_88 = arith.addi %mul3A_59, %add3A_87 : i32
        %dma_start3A_89 = arith.constant 0 : i32
        %dma_start3A_90 = tpu.memref_slice %arg6[%add3A_88, %dma_start3A_89] : memref<106x96xi32, #tpu.memory_space<vmem>> -> memref<1x96xi32, #tpu.memory_space<vmem>>
        %dma_start3A_91 = tpu.memref_squeeze %dma_start3A_90 : memref<1x96xi32, #tpu.memory_space<vmem>> -> memref<96xi32, #tpu.memory_space<vmem>>
        %dma_start3A_92 = arith.constant 0 : i32
        %dma_start3A_93 = arith.constant 0 : i32
        %dma_start3A_94 = tpu.memref_slice %arg2[%dma_start3A_92, %dma_start3A_93] : memref<10240x128xf32, #tpu.memory_space<hbm>> -> memref<10240x128xf32, #tpu.memory_space<hbm>>
        tpu.enqueue_indirect_dma source(%dma_start3A_94 : memref<10240x128xf32, #tpu.memory_space<hbm>>) target(%arg8 : memref<96x128xf32, #tpu.memory_space<vmem>>) offsets(%dma_start3A_91 : memref<96xi32, #tpu.memory_space<vmem>>) semaphore(%arg11 : memref<!tpu.dma_semaphore, #tpu.memory_space<semaphore_mem>>)
      } else {
      }
      %add3A_85 = arith.constant 1 : i32
      %add3A_86 = arith.addi %mul3A_59, %add3A_85 : i32
      "tpu.region"() ({
        %run_scoped3A = tpu.sem_alloc : memref<!tpu.dma_semaphore, #tpu.memory_space<semaphore_mem>>
        %dma_start3A_87 = arith.constant 0 : i32
        %dma_start3A_88 = tpu.memref_slice %arg7[%add3A_86, %dma_start3A_87] : memref<106x96xi32, #tpu.memory_space<vmem>> -> memref<1x96xi32, #tpu.memory_space<vmem>>
        %dma_start3A_89 = tpu.memref_squeeze %dma_start3A_88 : memref<1x96xi32, #tpu.memory_space<vmem>> -> memref<96xi32, #tpu.memory_space<vmem>>
        %dma_start3A_90 = arith.constant 0 : i32
        %dma_start3A_91 = arith.constant 0 : i32
        %dma_start3A_92 = tpu.memref_slice %arg10[%dma_start3A_90, %dma_start3A_91] : memref<10240x128xf32, #tpu.memory_space<vmem_shared>> -> memref<10240x128xf32, #tpu.memory_space<vmem_shared>>
        tpu.enqueue_indirect_dma source(%arg9 : memref<96x128xf32, #tpu.memory_space<vmem>>) target(%dma_start3A_92 : memref<10240x128xf32, #tpu.memory_space<vmem_shared>>) offsets(%dma_start3A_89 : memref<96xi32, #tpu.memory_space<vmem>>) semaphore(%run_scoped3A : memref<!tpu.dma_semaphore, #tpu.memory_space<semaphore_mem>>) {add = true}
        %dma_wait3A_93 = arith.constant 0 : i32
        %dma_wait3A_94 = tpu.memref_slice %arg7[%add3A_86, %dma_wait3A_93] : memref<106x96xi32, #tpu.memory_space<vmem>> -> memref<1x96xi32, #tpu.memory_space<vmem>>
        %dma_wait3A_95 = tpu.memref_squeeze %dma_wait3A_94 : memref<1x96xi32, #tpu.memory_space<vmem>> -> memref<96xi32, #tpu.memory_space<vmem>>
        %dma_wait3A_96 = arith.constant 0 : i32
        %dma_wait3A_97 = arith.constant 0 : i32
        %dma_wait3A_98 = tpu.memref_slice %arg10[%dma_wait3A_96, %dma_wait3A_97] : memref<10240x128xf32, #tpu.memory_space<vmem_shared>> -> memref<10240x128xf32, #tpu.memory_space<vmem_shared>>
        tpu.wait_indirect_dma semaphore(%run_scoped3A : memref<!tpu.dma_semaphore, #tpu.memory_space<semaphore_mem>>) src(%arg9 : memref<96x128xf32, #tpu.memory_space<vmem>>) dst(%dma_wait3A_98 : memref<10240x128xf32, #tpu.memory_space<vmem_shared>>)
        tpu.yield
      }) : () -> ()
    }
    %scan3A_51 = arith.constant 53 : i32
    %barrier3A_52 = arith.constant 0 : index
    tpu.barrier barrier_id(%barrier3A_52)
    %mul3A_53 = arith.constant 640 : i32
    %mul3A_54 = arith.muli %arg1, %mul3A_53 : i32
    %mul3A_55 = arith.constant 640 : i32
    %mul3A_56 = arith.muli %arg1, %mul3A_55 : i32
    "tpu.region"() ({
      %run_scoped3A = tpu.sem_alloc : memref<!tpu.dma_semaphore, #tpu.memory_space<semaphore_mem>>
      %dma_start3A_57 = arith.constant 0 : i32
      %dma_start3A_58 = tpu.memref_slice %arg5[%arg0, %mul3A_56, %dma_start3A_57] : memref<2x10240x128xf32, #tpu.memory_space<hbm>> -> memref<1x640x128xf32, #tpu.memory_space<hbm>>
      %dma_start3A_59 = tpu.memref_squeeze %dma_start3A_58 : memref<1x640x128xf32, #tpu.memory_space<hbm>> -> memref<640x128xf32, #tpu.memory_space<hbm>>
      %dma_start3A_60 = arith.constant 0 : i32
      %dma_start3A_61 = tpu.memref_slice %arg10[%mul3A_54, %dma_start3A_60] : memref<10240x128xf32, #tpu.memory_space<vmem_shared>> -> memref<640x128xf32, #tpu.memory_space<vmem_shared>>
      tpu.enqueue_dma source(%dma_start3A_61 : memref<640x128xf32, #tpu.memory_space<vmem_shared>>) target(%dma_start3A_59 : memref<640x128xf32, #tpu.memory_space<hbm>>) target_semaphore(%run_scoped3A : memref<!tpu.dma_semaphore, #tpu.memory_space<semaphore_mem>>)
      %dma_wait3A = arith.constant 0 : i32
      %dma_wait3A_62 = tpu.memref_slice %arg5[%arg0, %mul3A_56, %dma_wait3A] : memref<2x10240x128xf32, #tpu.memory_space<hbm>> -> memref<1x640x128xf32, #tpu.memory_space<hbm>>
      %dma_wait3A_63 = tpu.memref_squeeze %dma_wait3A_62 : memref<1x640x128xf32, #tpu.memory_space<hbm>> -> memref<640x128xf32, #tpu.memory_space<hbm>>
      %dma_wait3A_64 = arith.constant 0 : i32
      %dma_wait3A_65 = tpu.memref_slice %arg10[%mul3A_54, %dma_wait3A_64] : memref<10240x128xf32, #tpu.memory_space<vmem_shared>> -> memref<640x128xf32, #tpu.memory_space<vmem_shared>>
      tpu.wait_dma2 semaphore(%run_scoped3A : memref<!tpu.dma_semaphore, #tpu.memory_space<semaphore_mem>>) src(%dma_wait3A_65 : memref<640x128xf32, #tpu.memory_space<vmem_shared>>) dst(%dma_wait3A_63 : memref<640x128xf32, #tpu.memory_space<hbm>>)
      tpu.yield
    }) : () -> ()
    return
  }
}

#map = affine_map<(d0, d1) -> (0, 0)>
#map1 = affine_map<(d0, d1) -> (0, 0, 0)>
module attributes {stable_mosaic.version = 14 : i64} {
  func.func @_sc_scatter_body(%arg0: i32, %arg1: i32, %arg2: memref<10240x16xf32, #tpu.memory_space<hbm>>, %arg3: memref<32x106x96xi32, #tpu.memory_space<hbm>>, %arg4: memref<32x106x96xi32, #tpu.memory_space<hbm>>, %arg5: memref<2x10240x16xf32, #tpu.memory_space<hbm>>, %arg6: memref<106x96xi32, #tpu.memory_space<vmem>>, %arg7: memref<106x96xi32, #tpu.memory_space<vmem>>, %arg8: memref<96x16xf32, #tpu.memory_space<vmem>>, %arg9: memref<96x16xf32, #tpu.memory_space<vmem>>, %arg10: memref<10240x16xf32, #tpu.memory_space<vmem_shared>>, %arg11: memref<!tpu.dma_semaphore, #tpu.memory_space<semaphore_mem>>, %arg12: memref<!tpu.dma_semaphore, #tpu.memory_space<semaphore_mem>>) attributes {dimension_semantics = [#tpu.dimension_semantics<core_parallel>, #tpu.dimension_semantics<subcore_parallel>], iteration_bounds = array<i64: 2, 16>, scalar_prefetch = 0 : i64, scratch_operands = 7 : i64, tpu.core_type = #tpu.core_type<sc_vector_subcore>, window_params = [{transform_indices = #map}, {transform_indices = #map1}, {transform_indices = #map1}, {transform_indices = #map1}]} {
    %mul3A = arith.constant 2 : i32
    %mul3A_0 = arith.muli %arg1, %mul3A : i32
    %add3A = arith.addi %mul3A_0, %arg0 : i32
    "tpu.region"() ({
      %run_scoped3A = tpu.sem_alloc : memref<!tpu.dma_semaphore, #tpu.memory_space<semaphore_mem>>
      %dma_start3A_57 = arith.constant 0 : i32
      %dma_start3A_58 = arith.constant 0 : i32
      %dma_start3A_59 = tpu.memref_slice %arg3[%add3A, %dma_start3A_57, %dma_start3A_58] : memref<32x106x96xi32, #tpu.memory_space<hbm>> -> memref<1x106x96xi32, #tpu.memory_space<hbm>>
      %dma_start3A_60 = tpu.memref_squeeze %dma_start3A_59 : memref<1x106x96xi32, #tpu.memory_space<hbm>> -> memref<106x96xi32, #tpu.memory_space<hbm>>
      %dma_start3A_61 = arith.constant 0 : i32
      %dma_start3A_62 = arith.constant 0 : i32
      %dma_start3A_63 = tpu.memref_slice %arg3[%add3A, %dma_start3A_61, %dma_start3A_62] : memref<32x106x96xi32, #tpu.memory_space<hbm>> -> memref<1x106x96xi32, #tpu.memory_space<hbm>>
      %dma_start3A_64 = tpu.memref_squeeze %dma_start3A_63 : memref<1x106x96xi32, #tpu.memory_space<hbm>> -> memref<106x96xi32, #tpu.memory_space<hbm>>
      tpu.enqueue_dma source(%dma_start3A_64 : memref<106x96xi32, #tpu.memory_space<hbm>>) target(%arg6 : memref<106x96xi32, #tpu.memory_space<vmem>>) target_semaphore(%run_scoped3A : memref<!tpu.dma_semaphore, #tpu.memory_space<semaphore_mem>>)
      %dma_wait3A = arith.constant 0 : i32
      %dma_wait3A_65 = arith.constant 0 : i32
      %dma_wait3A_66 = tpu.memref_slice %arg3[%add3A, %dma_wait3A, %dma_wait3A_65] : memref<32x106x96xi32, #tpu.memory_space<hbm>> -> memref<1x106x96xi32, #tpu.memory_space<hbm>>
      %dma_wait3A_67 = tpu.memref_squeeze %dma_wait3A_66 : memref<1x106x96xi32, #tpu.memory_space<hbm>> -> memref<106x96xi32, #tpu.memory_space<hbm>>
      %dma_wait3A_68 = arith.constant 0 : i32
      %dma_wait3A_69 = arith.constant 0 : i32
      %dma_wait3A_70 = tpu.memref_slice %arg3[%add3A, %dma_wait3A_68, %dma_wait3A_69] : memref<32x106x96xi32, #tpu.memory_space<hbm>> -> memref<1x106x96xi32, #tpu.memory_space<hbm>>
      %dma_wait3A_71 = tpu.memref_squeeze %dma_wait3A_70 : memref<1x106x96xi32, #tpu.memory_space<hbm>> -> memref<106x96xi32, #tpu.memory_space<hbm>>
      tpu.wait_dma2 semaphore(%run_scoped3A : memref<!tpu.dma_semaphore, #tpu.memory_space<semaphore_mem>>) src(%dma_wait3A_71 : memref<106x96xi32, #tpu.memory_space<hbm>>) dst(%arg6 : memref<106x96xi32, #tpu.memory_space<vmem>>)
      tpu.yield
    }) : () -> ()
    "tpu.region"() ({
      %run_scoped3A = tpu.sem_alloc : memref<!tpu.dma_semaphore, #tpu.memory_space<semaphore_mem>>
      %dma_start3A_57 = arith.constant 0 : i32
      %dma_start3A_58 = arith.constant 0 : i32
      %dma_start3A_59 = tpu.memref_slice %arg4[%add3A, %dma_start3A_57, %dma_start3A_58] : memref<32x106x96xi32, #tpu.memory_space<hbm>> -> memref<1x106x96xi32, #tpu.memory_space<hbm>>
      %dma_start3A_60 = tpu.memref_squeeze %dma_start3A_59 : memref<1x106x96xi32, #tpu.memory_space<hbm>> -> memref<106x96xi32, #tpu.memory_space<hbm>>
      %dma_start3A_61 = arith.constant 0 : i32
      %dma_start3A_62 = arith.constant 0 : i32
      %dma_start3A_63 = tpu.memref_slice %arg4[%add3A, %dma_start3A_61, %dma_start3A_62] : memref<32x106x96xi32, #tpu.memory_space<hbm>> -> memref<1x106x96xi32, #tpu.memory_space<hbm>>
      %dma_start3A_64 = tpu.memref_squeeze %dma_start3A_63 : memref<1x106x96xi32, #tpu.memory_space<hbm>> -> memref<106x96xi32, #tpu.memory_space<hbm>>
      tpu.enqueue_dma source(%dma_start3A_64 : memref<106x96xi32, #tpu.memory_space<hbm>>) target(%arg7 : memref<106x96xi32, #tpu.memory_space<vmem>>) target_semaphore(%run_scoped3A : memref<!tpu.dma_semaphore, #tpu.memory_space<semaphore_mem>>)
      %dma_wait3A = arith.constant 0 : i32
      %dma_wait3A_65 = arith.constant 0 : i32
      %dma_wait3A_66 = tpu.memref_slice %arg4[%add3A, %dma_wait3A, %dma_wait3A_65] : memref<32x106x96xi32, #tpu.memory_space<hbm>> -> memref<1x106x96xi32, #tpu.memory_space<hbm>>
      %dma_wait3A_67 = tpu.memref_squeeze %dma_wait3A_66 : memref<1x106x96xi32, #tpu.memory_space<hbm>> -> memref<106x96xi32, #tpu.memory_space<hbm>>
      %dma_wait3A_68 = arith.constant 0 : i32
      %dma_wait3A_69 = arith.constant 0 : i32
      %dma_wait3A_70 = tpu.memref_slice %arg4[%add3A, %dma_wait3A_68, %dma_wait3A_69] : memref<32x106x96xi32, #tpu.memory_space<hbm>> -> memref<1x106x96xi32, #tpu.memory_space<hbm>>
      %dma_wait3A_71 = tpu.memref_squeeze %dma_wait3A_70 : memref<1x106x96xi32, #tpu.memory_space<hbm>> -> memref<106x96xi32, #tpu.memory_space<hbm>>
      tpu.wait_dma2 semaphore(%run_scoped3A : memref<!tpu.dma_semaphore, #tpu.memory_space<semaphore_mem>>) src(%dma_wait3A_71 : memref<106x96xi32, #tpu.memory_space<hbm>>) dst(%arg7 : memref<106x96xi32, #tpu.memory_space<vmem>>)
      tpu.yield
    }) : () -> ()
    "tpu.region"() ({
      %run_scoped3A = tpu.sem_alloc : memref<!tpu.dma_semaphore, #tpu.memory_space<semaphore_mem>>
      %dma_start3A_57 = arith.constant 0 : i32
      %dma_start3A_58 = arith.constant 0 : i32
      %dma_start3A_59 = tpu.memref_slice %arg8[%dma_start3A_57, %dma_start3A_58] : memref<96x16xf32, #tpu.memory_space<vmem>> -> memref<64x16xf32, #tpu.memory_space<vmem>>
      %dma_start3A_60 = arith.constant 10176 : i32
      %dma_start3A_61 = arith.constant 0 : i32
      %dma_start3A_62 = tpu.memref_slice %arg2[%dma_start3A_60, %dma_start3A_61] : memref<10240x16xf32, #tpu.memory_space<hbm>> -> memref<64x16xf32, #tpu.memory_space<hbm>>
      %dma_start3A_63 = arith.constant 0 : i32
      %dma_start3A_64 = arith.constant 0 : i32
      %dma_start3A_65 = tpu.memref_slice %arg8[%dma_start3A_63, %dma_start3A_64] : memref<96x16xf32, #tpu.memory_space<vmem>> -> memref<64x16xf32, #tpu.memory_space<vmem>>
      %dma_start3A_66 = arith.constant 10176 : i32
      %dma_start3A_67 = arith.constant 0 : i32
      %dma_start3A_68 = tpu.memref_slice %arg2[%dma_start3A_66, %dma_start3A_67] : memref<10240x16xf32, #tpu.memory_space<hbm>> -> memref<64x16xf32, #tpu.memory_space<hbm>>
      tpu.enqueue_dma source(%dma_start3A_68 : memref<64x16xf32, #tpu.memory_space<hbm>>) target(%dma_start3A_65 : memref<64x16xf32, #tpu.memory_space<vmem>>) target_semaphore(%run_scoped3A : memref<!tpu.dma_semaphore, #tpu.memory_space<semaphore_mem>>)
      %dma_wait3A = arith.constant 0 : i32
      %dma_wait3A_69 = arith.constant 0 : i32
      %dma_wait3A_70 = tpu.memref_slice %arg8[%dma_wait3A, %dma_wait3A_69] : memref<96x16xf32, #tpu.memory_space<vmem>> -> memref<64x16xf32, #tpu.memory_space<vmem>>
      %dma_wait3A_71 = arith.constant 10176 : i32
      %dma_wait3A_72 = arith.constant 0 : i32
      %dma_wait3A_73 = tpu.memref_slice %arg2[%dma_wait3A_71, %dma_wait3A_72] : memref<10240x16xf32, #tpu.memory_space<hbm>> -> memref<64x16xf32, #tpu.memory_space<hbm>>
      %dma_wait3A_74 = arith.constant 0 : i32
      %dma_wait3A_75 = arith.constant 0 : i32
      %dma_wait3A_76 = tpu.memref_slice %arg8[%dma_wait3A_74, %dma_wait3A_75] : memref<96x16xf32, #tpu.memory_space<vmem>> -> memref<64x16xf32, #tpu.memory_space<vmem>>
      %dma_wait3A_77 = arith.constant 10176 : i32
      %dma_wait3A_78 = arith.constant 0 : i32
      %dma_wait3A_79 = tpu.memref_slice %arg2[%dma_wait3A_77, %dma_wait3A_78] : memref<10240x16xf32, #tpu.memory_space<hbm>> -> memref<64x16xf32, #tpu.memory_space<hbm>>
      tpu.wait_dma2 semaphore(%run_scoped3A : memref<!tpu.dma_semaphore, #tpu.memory_space<semaphore_mem>>) src(%dma_wait3A_79 : memref<64x16xf32, #tpu.memory_space<hbm>>) dst(%dma_wait3A_76 : memref<64x16xf32, #tpu.memory_space<vmem>>)
      tpu.yield
    }) : () -> ()
    %mul3A_1 = arith.constant 640 : i32
    %mul3A_2 = arith.muli %arg1, %mul3A_1 : i32
    %add3A_3 = arith.constant 0 : i32
    %add3A_4 = arith.addi %mul3A_2, %add3A_3 : i32
    "tpu.region"() ({
      %run_scoped3A = tpu.sem_alloc : memref<!tpu.dma_semaphore, #tpu.memory_space<semaphore_mem>>
      %dma_start3A_57 = arith.constant 0 : i32
      %dma_start3A_58 = arith.constant 0 : i32
      %dma_start3A_59 = tpu.memref_slice %arg8[%dma_start3A_57, %dma_start3A_58] : memref<96x16xf32, #tpu.memory_space<vmem>> -> memref<64x16xf32, #tpu.memory_space<vmem>>
      %dma_start3A_60 = arith.constant 0 : i32
      %dma_start3A_61 = tpu.memref_slice %arg10[%add3A_4, %dma_start3A_60] : memref<10240x16xf32, #tpu.memory_space<vmem_shared>> -> memref<64x16xf32, #tpu.memory_space<vmem_shared>>
      %dma_start3A_62 = arith.constant 0 : i32
      %dma_start3A_63 = tpu.memref_slice %arg10[%add3A_4, %dma_start3A_62] : memref<10240x16xf32, #tpu.memory_space<vmem_shared>> -> memref<64x16xf32, #tpu.memory_space<vmem_shared>>
      %dma_start3A_64 = arith.constant 0 : i32
      %dma_start3A_65 = arith.constant 0 : i32
      %dma_start3A_66 = tpu.memref_slice %arg8[%dma_start3A_64, %dma_start3A_65] : memref<96x16xf32, #tpu.memory_space<vmem>> -> memref<64x16xf32, #tpu.memory_space<vmem>>
      tpu.enqueue_dma source(%dma_start3A_66 : memref<64x16xf32, #tpu.memory_space<vmem>>) target(%dma_start3A_63 : memref<64x16xf32, #tpu.memory_space<vmem_shared>>) target_semaphore(%run_scoped3A : memref<!tpu.dma_semaphore, #tpu.memory_space<semaphore_mem>>)
      %dma_wait3A = arith.constant 0 : i32
      %dma_wait3A_67 = arith.constant 0 : i32
      %dma_wait3A_68 = tpu.memref_slice %arg8[%dma_wait3A, %dma_wait3A_67] : memref<96x16xf32, #tpu.memory_space<vmem>> -> memref<64x16xf32, #tpu.memory_space<vmem>>
      %dma_wait3A_69 = arith.constant 0 : i32
      %dma_wait3A_70 = tpu.memref_slice %arg10[%add3A_4, %dma_wait3A_69] : memref<10240x16xf32, #tpu.memory_space<vmem_shared>> -> memref<64x16xf32, #tpu.memory_space<vmem_shared>>
      %dma_wait3A_71 = arith.constant 0 : i32
      %dma_wait3A_72 = tpu.memref_slice %arg10[%add3A_4, %dma_wait3A_71] : memref<10240x16xf32, #tpu.memory_space<vmem_shared>> -> memref<64x16xf32, #tpu.memory_space<vmem_shared>>
      %dma_wait3A_73 = arith.constant 0 : i32
      %dma_wait3A_74 = arith.constant 0 : i32
      %dma_wait3A_75 = tpu.memref_slice %arg8[%dma_wait3A_73, %dma_wait3A_74] : memref<96x16xf32, #tpu.memory_space<vmem>> -> memref<64x16xf32, #tpu.memory_space<vmem>>
      tpu.wait_dma2 semaphore(%run_scoped3A : memref<!tpu.dma_semaphore, #tpu.memory_space<semaphore_mem>>) src(%dma_wait3A_75 : memref<64x16xf32, #tpu.memory_space<vmem>>) dst(%dma_wait3A_72 : memref<64x16xf32, #tpu.memory_space<vmem_shared>>)
      tpu.yield
    }) : () -> ()
    %mul3A_5 = arith.constant 640 : i32
    %mul3A_6 = arith.muli %arg1, %mul3A_5 : i32
    %add3A_7 = arith.constant 64 : i32
    %add3A_8 = arith.addi %mul3A_6, %add3A_7 : i32
    "tpu.region"() ({
      %run_scoped3A = tpu.sem_alloc : memref<!tpu.dma_semaphore, #tpu.memory_space<semaphore_mem>>
      %dma_start3A_57 = arith.constant 0 : i32
      %dma_start3A_58 = arith.constant 0 : i32
      %dma_start3A_59 = tpu.memref_slice %arg8[%dma_start3A_57, %dma_start3A_58] : memref<96x16xf32, #tpu.memory_space<vmem>> -> memref<64x16xf32, #tpu.memory_space<vmem>>
      %dma_start3A_60 = arith.constant 0 : i32
      %dma_start3A_61 = tpu.memref_slice %arg10[%add3A_8, %dma_start3A_60] : memref<10240x16xf32, #tpu.memory_space<vmem_shared>> -> memref<64x16xf32, #tpu.memory_space<vmem_shared>>
      %dma_start3A_62 = arith.constant 0 : i32
      %dma_start3A_63 = tpu.memref_slice %arg10[%add3A_8, %dma_start3A_62] : memref<10240x16xf32, #tpu.memory_space<vmem_shared>> -> memref<64x16xf32, #tpu.memory_space<vmem_shared>>
      %dma_start3A_64 = arith.constant 0 : i32
      %dma_start3A_65 = arith.constant 0 : i32
      %dma_start3A_66 = tpu.memref_slice %arg8[%dma_start3A_64, %dma_start3A_65] : memref<96x16xf32, #tpu.memory_space<vmem>> -> memref<64x16xf32, #tpu.memory_space<vmem>>
      tpu.enqueue_dma source(%dma_start3A_66 : memref<64x16xf32, #tpu.memory_space<vmem>>) target(%dma_start3A_63 : memref<64x16xf32, #tpu.memory_space<vmem_shared>>) target_semaphore(%run_scoped3A : memref<!tpu.dma_semaphore, #tpu.memory_space<semaphore_mem>>)
      %dma_wait3A = arith.constant 0 : i32
      %dma_wait3A_67 = arith.constant 0 : i32
      %dma_wait3A_68 = tpu.memref_slice %arg8[%dma_wait3A, %dma_wait3A_67] : memref<96x16xf32, #tpu.memory_space<vmem>> -> memref<64x16xf32, #tpu.memory_space<vmem>>
      %dma_wait3A_69 = arith.constant 0 : i32
      %dma_wait3A_70 = tpu.memref_slice %arg10[%add3A_8, %dma_wait3A_69] : memref<10240x16xf32, #tpu.memory_space<vmem_shared>> -> memref<64x16xf32, #tpu.memory_space<vmem_shared>>
      %dma_wait3A_71 = arith.constant 0 : i32
      %dma_wait3A_72 = tpu.memref_slice %arg10[%add3A_8, %dma_wait3A_71] : memref<10240x16xf32, #tpu.memory_space<vmem_shared>> -> memref<64x16xf32, #tpu.memory_space<vmem_shared>>
      %dma_wait3A_73 = arith.constant 0 : i32
      %dma_wait3A_74 = arith.constant 0 : i32
      %dma_wait3A_75 = tpu.memref_slice %arg8[%dma_wait3A_73, %dma_wait3A_74] : memref<96x16xf32, #tpu.memory_space<vmem>> -> memref<64x16xf32, #tpu.memory_space<vmem>>
      tpu.wait_dma2 semaphore(%run_scoped3A : memref<!tpu.dma_semaphore, #tpu.memory_space<semaphore_mem>>) src(%dma_wait3A_75 : memref<64x16xf32, #tpu.memory_space<vmem>>) dst(%dma_wait3A_72 : memref<64x16xf32, #tpu.memory_space<vmem_shared>>)
      tpu.yield
    }) : () -> ()
    %mul3A_9 = arith.constant 640 : i32
    %mul3A_10 = arith.muli %arg1, %mul3A_9 : i32
    %add3A_11 = arith.constant 128 : i32
    %add3A_12 = arith.addi %mul3A_10, %add3A_11 : i32
    "tpu.region"() ({
      %run_scoped3A = tpu.sem_alloc : memref<!tpu.dma_semaphore, #tpu.memory_space<semaphore_mem>>
      %dma_start3A_57 = arith.constant 0 : i32
      %dma_start3A_58 = arith.constant 0 : i32
      %dma_start3A_59 = tpu.memref_slice %arg8[%dma_start3A_57, %dma_start3A_58] : memref<96x16xf32, #tpu.memory_space<vmem>> -> memref<64x16xf32, #tpu.memory_space<vmem>>
      %dma_start3A_60 = arith.constant 0 : i32
      %dma_start3A_61 = tpu.memref_slice %arg10[%add3A_12, %dma_start3A_60] : memref<10240x16xf32, #tpu.memory_space<vmem_shared>> -> memref<64x16xf32, #tpu.memory_space<vmem_shared>>
      %dma_start3A_62 = arith.constant 0 : i32
      %dma_start3A_63 = tpu.memref_slice %arg10[%add3A_12, %dma_start3A_62] : memref<10240x16xf32, #tpu.memory_space<vmem_shared>> -> memref<64x16xf32, #tpu.memory_space<vmem_shared>>
      %dma_start3A_64 = arith.constant 0 : i32
      %dma_start3A_65 = arith.constant 0 : i32
      %dma_start3A_66 = tpu.memref_slice %arg8[%dma_start3A_64, %dma_start3A_65] : memref<96x16xf32, #tpu.memory_space<vmem>> -> memref<64x16xf32, #tpu.memory_space<vmem>>
      tpu.enqueue_dma source(%dma_start3A_66 : memref<64x16xf32, #tpu.memory_space<vmem>>) target(%dma_start3A_63 : memref<64x16xf32, #tpu.memory_space<vmem_shared>>) target_semaphore(%run_scoped3A : memref<!tpu.dma_semaphore, #tpu.memory_space<semaphore_mem>>)
      %dma_wait3A = arith.constant 0 : i32
      %dma_wait3A_67 = arith.constant 0 : i32
      %dma_wait3A_68 = tpu.memref_slice %arg8[%dma_wait3A, %dma_wait3A_67] : memref<96x16xf32, #tpu.memory_space<vmem>> -> memref<64x16xf32, #tpu.memory_space<vmem>>
      %dma_wait3A_69 = arith.constant 0 : i32
      %dma_wait3A_70 = tpu.memref_slice %arg10[%add3A_12, %dma_wait3A_69] : memref<10240x16xf32, #tpu.memory_space<vmem_shared>> -> memref<64x16xf32, #tpu.memory_space<vmem_shared>>
      %dma_wait3A_71 = arith.constant 0 : i32
      %dma_wait3A_72 = tpu.memref_slice %arg10[%add3A_12, %dma_wait3A_71] : memref<10240x16xf32, #tpu.memory_space<vmem_shared>> -> memref<64x16xf32, #tpu.memory_space<vmem_shared>>
      %dma_wait3A_73 = arith.constant 0 : i32
      %dma_wait3A_74 = arith.constant 0 : i32
      %dma_wait3A_75 = tpu.memref_slice %arg8[%dma_wait3A_73, %dma_wait3A_74] : memref<96x16xf32, #tpu.memory_space<vmem>> -> memref<64x16xf32, #tpu.memory_space<vmem>>
      tpu.wait_dma2 semaphore(%run_scoped3A : memref<!tpu.dma_semaphore, #tpu.memory_space<semaphore_mem>>) src(%dma_wait3A_75 : memref<64x16xf32, #tpu.memory_space<vmem>>) dst(%dma_wait3A_72 : memref<64x16xf32, #tpu.memory_space<vmem_shared>>)
      tpu.yield
    }) : () -> ()
    %mul3A_13 = arith.constant 640 : i32
    %mul3A_14 = arith.muli %arg1, %mul3A_13 : i32
    %add3A_15 = arith.constant 192 : i32
    %add3A_16 = arith.addi %mul3A_14, %add3A_15 : i32
    "tpu.region"() ({
      %run_scoped3A = tpu.sem_alloc : memref<!tpu.dma_semaphore, #tpu.memory_space<semaphore_mem>>
      %dma_start3A_57 = arith.constant 0 : i32
      %dma_start3A_58 = arith.constant 0 : i32
      %dma_start3A_59 = tpu.memref_slice %arg8[%dma_start3A_57, %dma_start3A_58] : memref<96x16xf32, #tpu.memory_space<vmem>> -> memref<64x16xf32, #tpu.memory_space<vmem>>
      %dma_start3A_60 = arith.constant 0 : i32
      %dma_start3A_61 = tpu.memref_slice %arg10[%add3A_16, %dma_start3A_60] : memref<10240x16xf32, #tpu.memory_space<vmem_shared>> -> memref<64x16xf32, #tpu.memory_space<vmem_shared>>
      %dma_start3A_62 = arith.constant 0 : i32
      %dma_start3A_63 = tpu.memref_slice %arg10[%add3A_16, %dma_start3A_62] : memref<10240x16xf32, #tpu.memory_space<vmem_shared>> -> memref<64x16xf32, #tpu.memory_space<vmem_shared>>
      %dma_start3A_64 = arith.constant 0 : i32
      %dma_start3A_65 = arith.constant 0 : i32
      %dma_start3A_66 = tpu.memref_slice %arg8[%dma_start3A_64, %dma_start3A_65] : memref<96x16xf32, #tpu.memory_space<vmem>> -> memref<64x16xf32, #tpu.memory_space<vmem>>
      tpu.enqueue_dma source(%dma_start3A_66 : memref<64x16xf32, #tpu.memory_space<vmem>>) target(%dma_start3A_63 : memref<64x16xf32, #tpu.memory_space<vmem_shared>>) target_semaphore(%run_scoped3A : memref<!tpu.dma_semaphore, #tpu.memory_space<semaphore_mem>>)
      %dma_wait3A = arith.constant 0 : i32
      %dma_wait3A_67 = arith.constant 0 : i32
      %dma_wait3A_68 = tpu.memref_slice %arg8[%dma_wait3A, %dma_wait3A_67] : memref<96x16xf32, #tpu.memory_space<vmem>> -> memref<64x16xf32, #tpu.memory_space<vmem>>
      %dma_wait3A_69 = arith.constant 0 : i32
      %dma_wait3A_70 = tpu.memref_slice %arg10[%add3A_16, %dma_wait3A_69] : memref<10240x16xf32, #tpu.memory_space<vmem_shared>> -> memref<64x16xf32, #tpu.memory_space<vmem_shared>>
      %dma_wait3A_71 = arith.constant 0 : i32
      %dma_wait3A_72 = tpu.memref_slice %arg10[%add3A_16, %dma_wait3A_71] : memref<10240x16xf32, #tpu.memory_space<vmem_shared>> -> memref<64x16xf32, #tpu.memory_space<vmem_shared>>
      %dma_wait3A_73 = arith.constant 0 : i32
      %dma_wait3A_74 = arith.constant 0 : i32
      %dma_wait3A_75 = tpu.memref_slice %arg8[%dma_wait3A_73, %dma_wait3A_74] : memref<96x16xf32, #tpu.memory_space<vmem>> -> memref<64x16xf32, #tpu.memory_space<vmem>>
      tpu.wait_dma2 semaphore(%run_scoped3A : memref<!tpu.dma_semaphore, #tpu.memory_space<semaphore_mem>>) src(%dma_wait3A_75 : memref<64x16xf32, #tpu.memory_space<vmem>>) dst(%dma_wait3A_72 : memref<64x16xf32, #tpu.memory_space<vmem_shared>>)
      tpu.yield
    }) : () -> ()
    %mul3A_17 = arith.constant 640 : i32
    %mul3A_18 = arith.muli %arg1, %mul3A_17 : i32
    %add3A_19 = arith.constant 256 : i32
    %add3A_20 = arith.addi %mul3A_18, %add3A_19 : i32
    "tpu.region"() ({
      %run_scoped3A = tpu.sem_alloc : memref<!tpu.dma_semaphore, #tpu.memory_space<semaphore_mem>>
      %dma_start3A_57 = arith.constant 0 : i32
      %dma_start3A_58 = arith.constant 0 : i32
      %dma_start3A_59 = tpu.memref_slice %arg8[%dma_start3A_57, %dma_start3A_58] : memref<96x16xf32, #tpu.memory_space<vmem>> -> memref<64x16xf32, #tpu.memory_space<vmem>>
      %dma_start3A_60 = arith.constant 0 : i32
      %dma_start3A_61 = tpu.memref_slice %arg10[%add3A_20, %dma_start3A_60] : memref<10240x16xf32, #tpu.memory_space<vmem_shared>> -> memref<64x16xf32, #tpu.memory_space<vmem_shared>>
      %dma_start3A_62 = arith.constant 0 : i32
      %dma_start3A_63 = tpu.memref_slice %arg10[%add3A_20, %dma_start3A_62] : memref<10240x16xf32, #tpu.memory_space<vmem_shared>> -> memref<64x16xf32, #tpu.memory_space<vmem_shared>>
      %dma_start3A_64 = arith.constant 0 : i32
      %dma_start3A_65 = arith.constant 0 : i32
      %dma_start3A_66 = tpu.memref_slice %arg8[%dma_start3A_64, %dma_start3A_65] : memref<96x16xf32, #tpu.memory_space<vmem>> -> memref<64x16xf32, #tpu.memory_space<vmem>>
      tpu.enqueue_dma source(%dma_start3A_66 : memref<64x16xf32, #tpu.memory_space<vmem>>) target(%dma_start3A_63 : memref<64x16xf32, #tpu.memory_space<vmem_shared>>) target_semaphore(%run_scoped3A : memref<!tpu.dma_semaphore, #tpu.memory_space<semaphore_mem>>)
      %dma_wait3A = arith.constant 0 : i32
      %dma_wait3A_67 = arith.constant 0 : i32
      %dma_wait3A_68 = tpu.memref_slice %arg8[%dma_wait3A, %dma_wait3A_67] : memref<96x16xf32, #tpu.memory_space<vmem>> -> memref<64x16xf32, #tpu.memory_space<vmem>>
      %dma_wait3A_69 = arith.constant 0 : i32
      %dma_wait3A_70 = tpu.memref_slice %arg10[%add3A_20, %dma_wait3A_69] : memref<10240x16xf32, #tpu.memory_space<vmem_shared>> -> memref<64x16xf32, #tpu.memory_space<vmem_shared>>
      %dma_wait3A_71 = arith.constant 0 : i32
      %dma_wait3A_72 = tpu.memref_slice %arg10[%add3A_20, %dma_wait3A_71] : memref<10240x16xf32, #tpu.memory_space<vmem_shared>> -> memref<64x16xf32, #tpu.memory_space<vmem_shared>>
      %dma_wait3A_73 = arith.constant 0 : i32
      %dma_wait3A_74 = arith.constant 0 : i32
      %dma_wait3A_75 = tpu.memref_slice %arg8[%dma_wait3A_73, %dma_wait3A_74] : memref<96x16xf32, #tpu.memory_space<vmem>> -> memref<64x16xf32, #tpu.memory_space<vmem>>
      tpu.wait_dma2 semaphore(%run_scoped3A : memref<!tpu.dma_semaphore, #tpu.memory_space<semaphore_mem>>) src(%dma_wait3A_75 : memref<64x16xf32, #tpu.memory_space<vmem>>) dst(%dma_wait3A_72 : memref<64x16xf32, #tpu.memory_space<vmem_shared>>)
      tpu.yield
    }) : () -> ()
    %mul3A_21 = arith.constant 640 : i32
    %mul3A_22 = arith.muli %arg1, %mul3A_21 : i32
    %add3A_23 = arith.constant 320 : i32
    %add3A_24 = arith.addi %mul3A_22, %add3A_23 : i32
    "tpu.region"() ({
      %run_scoped3A = tpu.sem_alloc : memref<!tpu.dma_semaphore, #tpu.memory_space<semaphore_mem>>
      %dma_start3A_57 = arith.constant 0 : i32
      %dma_start3A_58 = arith.constant 0 : i32
      %dma_start3A_59 = tpu.memref_slice %arg8[%dma_start3A_57, %dma_start3A_58] : memref<96x16xf32, #tpu.memory_space<vmem>> -> memref<64x16xf32, #tpu.memory_space<vmem>>
      %dma_start3A_60 = arith.constant 0 : i32
      %dma_start3A_61 = tpu.memref_slice %arg10[%add3A_24, %dma_start3A_60] : memref<10240x16xf32, #tpu.memory_space<vmem_shared>> -> memref<64x16xf32, #tpu.memory_space<vmem_shared>>
      %dma_start3A_62 = arith.constant 0 : i32
      %dma_start3A_63 = tpu.memref_slice %arg10[%add3A_24, %dma_start3A_62] : memref<10240x16xf32, #tpu.memory_space<vmem_shared>> -> memref<64x16xf32, #tpu.memory_space<vmem_shared>>
      %dma_start3A_64 = arith.constant 0 : i32
      %dma_start3A_65 = arith.constant 0 : i32
      %dma_start3A_66 = tpu.memref_slice %arg8[%dma_start3A_64, %dma_start3A_65] : memref<96x16xf32, #tpu.memory_space<vmem>> -> memref<64x16xf32, #tpu.memory_space<vmem>>
      tpu.enqueue_dma source(%dma_start3A_66 : memref<64x16xf32, #tpu.memory_space<vmem>>) target(%dma_start3A_63 : memref<64x16xf32, #tpu.memory_space<vmem_shared>>) target_semaphore(%run_scoped3A : memref<!tpu.dma_semaphore, #tpu.memory_space<semaphore_mem>>)
      %dma_wait3A = arith.constant 0 : i32
      %dma_wait3A_67 = arith.constant 0 : i32
      %dma_wait3A_68 = tpu.memref_slice %arg8[%dma_wait3A, %dma_wait3A_67] : memref<96x16xf32, #tpu.memory_space<vmem>> -> memref<64x16xf32, #tpu.memory_space<vmem>>
      %dma_wait3A_69 = arith.constant 0 : i32
      %dma_wait3A_70 = tpu.memref_slice %arg10[%add3A_24, %dma_wait3A_69] : memref<10240x16xf32, #tpu.memory_space<vmem_shared>> -> memref<64x16xf32, #tpu.memory_space<vmem_shared>>
      %dma_wait3A_71 = arith.constant 0 : i32
      %dma_wait3A_72 = tpu.memref_slice %arg10[%add3A_24, %dma_wait3A_71] : memref<10240x16xf32, #tpu.memory_space<vmem_shared>> -> memref<64x16xf32, #tpu.memory_space<vmem_shared>>
      %dma_wait3A_73 = arith.constant 0 : i32
      %dma_wait3A_74 = arith.constant 0 : i32
      %dma_wait3A_75 = tpu.memref_slice %arg8[%dma_wait3A_73, %dma_wait3A_74] : memref<96x16xf32, #tpu.memory_space<vmem>> -> memref<64x16xf32, #tpu.memory_space<vmem>>
      tpu.wait_dma2 semaphore(%run_scoped3A : memref<!tpu.dma_semaphore, #tpu.memory_space<semaphore_mem>>) src(%dma_wait3A_75 : memref<64x16xf32, #tpu.memory_space<vmem>>) dst(%dma_wait3A_72 : memref<64x16xf32, #tpu.memory_space<vmem_shared>>)
      tpu.yield
    }) : () -> ()
    %mul3A_25 = arith.constant 640 : i32
    %mul3A_26 = arith.muli %arg1, %mul3A_25 : i32
    %add3A_27 = arith.constant 384 : i32
    %add3A_28 = arith.addi %mul3A_26, %add3A_27 : i32
    "tpu.region"() ({
      %run_scoped3A = tpu.sem_alloc : memref<!tpu.dma_semaphore, #tpu.memory_space<semaphore_mem>>
      %dma_start3A_57 = arith.constant 0 : i32
      %dma_start3A_58 = arith.constant 0 : i32
      %dma_start3A_59 = tpu.memref_slice %arg8[%dma_start3A_57, %dma_start3A_58] : memref<96x16xf32, #tpu.memory_space<vmem>> -> memref<64x16xf32, #tpu.memory_space<vmem>>
      %dma_start3A_60 = arith.constant 0 : i32
      %dma_start3A_61 = tpu.memref_slice %arg10[%add3A_28, %dma_start3A_60] : memref<10240x16xf32, #tpu.memory_space<vmem_shared>> -> memref<64x16xf32, #tpu.memory_space<vmem_shared>>
      %dma_start3A_62 = arith.constant 0 : i32
      %dma_start3A_63 = tpu.memref_slice %arg10[%add3A_28, %dma_start3A_62] : memref<10240x16xf32, #tpu.memory_space<vmem_shared>> -> memref<64x16xf32, #tpu.memory_space<vmem_shared>>
      %dma_start3A_64 = arith.constant 0 : i32
      %dma_start3A_65 = arith.constant 0 : i32
      %dma_start3A_66 = tpu.memref_slice %arg8[%dma_start3A_64, %dma_start3A_65] : memref<96x16xf32, #tpu.memory_space<vmem>> -> memref<64x16xf32, #tpu.memory_space<vmem>>
      tpu.enqueue_dma source(%dma_start3A_66 : memref<64x16xf32, #tpu.memory_space<vmem>>) target(%dma_start3A_63 : memref<64x16xf32, #tpu.memory_space<vmem_shared>>) target_semaphore(%run_scoped3A : memref<!tpu.dma_semaphore, #tpu.memory_space<semaphore_mem>>)
      %dma_wait3A = arith.constant 0 : i32
      %dma_wait3A_67 = arith.constant 0 : i32
      %dma_wait3A_68 = tpu.memref_slice %arg8[%dma_wait3A, %dma_wait3A_67] : memref<96x16xf32, #tpu.memory_space<vmem>> -> memref<64x16xf32, #tpu.memory_space<vmem>>
      %dma_wait3A_69 = arith.constant 0 : i32
      %dma_wait3A_70 = tpu.memref_slice %arg10[%add3A_28, %dma_wait3A_69] : memref<10240x16xf32, #tpu.memory_space<vmem_shared>> -> memref<64x16xf32, #tpu.memory_space<vmem_shared>>
      %dma_wait3A_71 = arith.constant 0 : i32
      %dma_wait3A_72 = tpu.memref_slice %arg10[%add3A_28, %dma_wait3A_71] : memref<10240x16xf32, #tpu.memory_space<vmem_shared>> -> memref<64x16xf32, #tpu.memory_space<vmem_shared>>
      %dma_wait3A_73 = arith.constant 0 : i32
      %dma_wait3A_74 = arith.constant 0 : i32
      %dma_wait3A_75 = tpu.memref_slice %arg8[%dma_wait3A_73, %dma_wait3A_74] : memref<96x16xf32, #tpu.memory_space<vmem>> -> memref<64x16xf32, #tpu.memory_space<vmem>>
      tpu.wait_dma2 semaphore(%run_scoped3A : memref<!tpu.dma_semaphore, #tpu.memory_space<semaphore_mem>>) src(%dma_wait3A_75 : memref<64x16xf32, #tpu.memory_space<vmem>>) dst(%dma_wait3A_72 : memref<64x16xf32, #tpu.memory_space<vmem_shared>>)
      tpu.yield
    }) : () -> ()
    %mul3A_29 = arith.constant 640 : i32
    %mul3A_30 = arith.muli %arg1, %mul3A_29 : i32
    %add3A_31 = arith.constant 448 : i32
    %add3A_32 = arith.addi %mul3A_30, %add3A_31 : i32
    "tpu.region"() ({
      %run_scoped3A = tpu.sem_alloc : memref<!tpu.dma_semaphore, #tpu.memory_space<semaphore_mem>>
      %dma_start3A_57 = arith.constant 0 : i32
      %dma_start3A_58 = arith.constant 0 : i32
      %dma_start3A_59 = tpu.memref_slice %arg8[%dma_start3A_57, %dma_start3A_58] : memref<96x16xf32, #tpu.memory_space<vmem>> -> memref<64x16xf32, #tpu.memory_space<vmem>>
      %dma_start3A_60 = arith.constant 0 : i32
      %dma_start3A_61 = tpu.memref_slice %arg10[%add3A_32, %dma_start3A_60] : memref<10240x16xf32, #tpu.memory_space<vmem_shared>> -> memref<64x16xf32, #tpu.memory_space<vmem_shared>>
      %dma_start3A_62 = arith.constant 0 : i32
      %dma_start3A_63 = tpu.memref_slice %arg10[%add3A_32, %dma_start3A_62] : memref<10240x16xf32, #tpu.memory_space<vmem_shared>> -> memref<64x16xf32, #tpu.memory_space<vmem_shared>>
      %dma_start3A_64 = arith.constant 0 : i32
      %dma_start3A_65 = arith.constant 0 : i32
      %dma_start3A_66 = tpu.memref_slice %arg8[%dma_start3A_64, %dma_start3A_65] : memref<96x16xf32, #tpu.memory_space<vmem>> -> memref<64x16xf32, #tpu.memory_space<vmem>>
      tpu.enqueue_dma source(%dma_start3A_66 : memref<64x16xf32, #tpu.memory_space<vmem>>) target(%dma_start3A_63 : memref<64x16xf32, #tpu.memory_space<vmem_shared>>) target_semaphore(%run_scoped3A : memref<!tpu.dma_semaphore, #tpu.memory_space<semaphore_mem>>)
      %dma_wait3A = arith.constant 0 : i32
      %dma_wait3A_67 = arith.constant 0 : i32
      %dma_wait3A_68 = tpu.memref_slice %arg8[%dma_wait3A, %dma_wait3A_67] : memref<96x16xf32, #tpu.memory_space<vmem>> -> memref<64x16xf32, #tpu.memory_space<vmem>>
      %dma_wait3A_69 = arith.constant 0 : i32
      %dma_wait3A_70 = tpu.memref_slice %arg10[%add3A_32, %dma_wait3A_69] : memref<10240x16xf32, #tpu.memory_space<vmem_shared>> -> memref<64x16xf32, #tpu.memory_space<vmem_shared>>
      %dma_wait3A_71 = arith.constant 0 : i32
      %dma_wait3A_72 = tpu.memref_slice %arg10[%add3A_32, %dma_wait3A_71] : memref<10240x16xf32, #tpu.memory_space<vmem_shared>> -> memref<64x16xf32, #tpu.memory_space<vmem_shared>>
      %dma_wait3A_73 = arith.constant 0 : i32
      %dma_wait3A_74 = arith.constant 0 : i32
      %dma_wait3A_75 = tpu.memref_slice %arg8[%dma_wait3A_73, %dma_wait3A_74] : memref<96x16xf32, #tpu.memory_space<vmem>> -> memref<64x16xf32, #tpu.memory_space<vmem>>
      tpu.wait_dma2 semaphore(%run_scoped3A : memref<!tpu.dma_semaphore, #tpu.memory_space<semaphore_mem>>) src(%dma_wait3A_75 : memref<64x16xf32, #tpu.memory_space<vmem>>) dst(%dma_wait3A_72 : memref<64x16xf32, #tpu.memory_space<vmem_shared>>)
      tpu.yield
    }) : () -> ()
    %mul3A_33 = arith.constant 640 : i32
    %mul3A_34 = arith.muli %arg1, %mul3A_33 : i32
    %add3A_35 = arith.constant 512 : i32
    %add3A_36 = arith.addi %mul3A_34, %add3A_35 : i32
    "tpu.region"() ({
      %run_scoped3A = tpu.sem_alloc : memref<!tpu.dma_semaphore, #tpu.memory_space<semaphore_mem>>
      %dma_start3A_57 = arith.constant 0 : i32
      %dma_start3A_58 = arith.constant 0 : i32
      %dma_start3A_59 = tpu.memref_slice %arg8[%dma_start3A_57, %dma_start3A_58] : memref<96x16xf32, #tpu.memory_space<vmem>> -> memref<64x16xf32, #tpu.memory_space<vmem>>
      %dma_start3A_60 = arith.constant 0 : i32
      %dma_start3A_61 = tpu.memref_slice %arg10[%add3A_36, %dma_start3A_60] : memref<10240x16xf32, #tpu.memory_space<vmem_shared>> -> memref<64x16xf32, #tpu.memory_space<vmem_shared>>
      %dma_start3A_62 = arith.constant 0 : i32
      %dma_start3A_63 = tpu.memref_slice %arg10[%add3A_36, %dma_start3A_62] : memref<10240x16xf32, #tpu.memory_space<vmem_shared>> -> memref<64x16xf32, #tpu.memory_space<vmem_shared>>
      %dma_start3A_64 = arith.constant 0 : i32
      %dma_start3A_65 = arith.constant 0 : i32
      %dma_start3A_66 = tpu.memref_slice %arg8[%dma_start3A_64, %dma_start3A_65] : memref<96x16xf32, #tpu.memory_space<vmem>> -> memref<64x16xf32, #tpu.memory_space<vmem>>
      tpu.enqueue_dma source(%dma_start3A_66 : memref<64x16xf32, #tpu.memory_space<vmem>>) target(%dma_start3A_63 : memref<64x16xf32, #tpu.memory_space<vmem_shared>>) target_semaphore(%run_scoped3A : memref<!tpu.dma_semaphore, #tpu.memory_space<semaphore_mem>>)
      %dma_wait3A = arith.constant 0 : i32
      %dma_wait3A_67 = arith.constant 0 : i32
      %dma_wait3A_68 = tpu.memref_slice %arg8[%dma_wait3A, %dma_wait3A_67] : memref<96x16xf32, #tpu.memory_space<vmem>> -> memref<64x16xf32, #tpu.memory_space<vmem>>
      %dma_wait3A_69 = arith.constant 0 : i32
      %dma_wait3A_70 = tpu.memref_slice %arg10[%add3A_36, %dma_wait3A_69] : memref<10240x16xf32, #tpu.memory_space<vmem_shared>> -> memref<64x16xf32, #tpu.memory_space<vmem_shared>>
      %dma_wait3A_71 = arith.constant 0 : i32
      %dma_wait3A_72 = tpu.memref_slice %arg10[%add3A_36, %dma_wait3A_71] : memref<10240x16xf32, #tpu.memory_space<vmem_shared>> -> memref<64x16xf32, #tpu.memory_space<vmem_shared>>
      %dma_wait3A_73 = arith.constant 0 : i32
      %dma_wait3A_74 = arith.constant 0 : i32
      %dma_wait3A_75 = tpu.memref_slice %arg8[%dma_wait3A_73, %dma_wait3A_74] : memref<96x16xf32, #tpu.memory_space<vmem>> -> memref<64x16xf32, #tpu.memory_space<vmem>>
      tpu.wait_dma2 semaphore(%run_scoped3A : memref<!tpu.dma_semaphore, #tpu.memory_space<semaphore_mem>>) src(%dma_wait3A_75 : memref<64x16xf32, #tpu.memory_space<vmem>>) dst(%dma_wait3A_72 : memref<64x16xf32, #tpu.memory_space<vmem_shared>>)
      tpu.yield
    }) : () -> ()
    %mul3A_37 = arith.constant 640 : i32
    %mul3A_38 = arith.muli %arg1, %mul3A_37 : i32
    %add3A_39 = arith.constant 576 : i32
    %add3A_40 = arith.addi %mul3A_38, %add3A_39 : i32
    "tpu.region"() ({
      %run_scoped3A = tpu.sem_alloc : memref<!tpu.dma_semaphore, #tpu.memory_space<semaphore_mem>>
      %dma_start3A_57 = arith.constant 0 : i32
      %dma_start3A_58 = arith.constant 0 : i32
      %dma_start3A_59 = tpu.memref_slice %arg8[%dma_start3A_57, %dma_start3A_58] : memref<96x16xf32, #tpu.memory_space<vmem>> -> memref<64x16xf32, #tpu.memory_space<vmem>>
      %dma_start3A_60 = arith.constant 0 : i32
      %dma_start3A_61 = tpu.memref_slice %arg10[%add3A_40, %dma_start3A_60] : memref<10240x16xf32, #tpu.memory_space<vmem_shared>> -> memref<64x16xf32, #tpu.memory_space<vmem_shared>>
      %dma_start3A_62 = arith.constant 0 : i32
      %dma_start3A_63 = tpu.memref_slice %arg10[%add3A_40, %dma_start3A_62] : memref<10240x16xf32, #tpu.memory_space<vmem_shared>> -> memref<64x16xf32, #tpu.memory_space<vmem_shared>>
      %dma_start3A_64 = arith.constant 0 : i32
      %dma_start3A_65 = arith.constant 0 : i32
      %dma_start3A_66 = tpu.memref_slice %arg8[%dma_start3A_64, %dma_start3A_65] : memref<96x16xf32, #tpu.memory_space<vmem>> -> memref<64x16xf32, #tpu.memory_space<vmem>>
      tpu.enqueue_dma source(%dma_start3A_66 : memref<64x16xf32, #tpu.memory_space<vmem>>) target(%dma_start3A_63 : memref<64x16xf32, #tpu.memory_space<vmem_shared>>) target_semaphore(%run_scoped3A : memref<!tpu.dma_semaphore, #tpu.memory_space<semaphore_mem>>)
      %dma_wait3A = arith.constant 0 : i32
      %dma_wait3A_67 = arith.constant 0 : i32
      %dma_wait3A_68 = tpu.memref_slice %arg8[%dma_wait3A, %dma_wait3A_67] : memref<96x16xf32, #tpu.memory_space<vmem>> -> memref<64x16xf32, #tpu.memory_space<vmem>>
      %dma_wait3A_69 = arith.constant 0 : i32
      %dma_wait3A_70 = tpu.memref_slice %arg10[%add3A_40, %dma_wait3A_69] : memref<10240x16xf32, #tpu.memory_space<vmem_shared>> -> memref<64x16xf32, #tpu.memory_space<vmem_shared>>
      %dma_wait3A_71 = arith.constant 0 : i32
      %dma_wait3A_72 = tpu.memref_slice %arg10[%add3A_40, %dma_wait3A_71] : memref<10240x16xf32, #tpu.memory_space<vmem_shared>> -> memref<64x16xf32, #tpu.memory_space<vmem_shared>>
      %dma_wait3A_73 = arith.constant 0 : i32
      %dma_wait3A_74 = arith.constant 0 : i32
      %dma_wait3A_75 = tpu.memref_slice %arg8[%dma_wait3A_73, %dma_wait3A_74] : memref<96x16xf32, #tpu.memory_space<vmem>> -> memref<64x16xf32, #tpu.memory_space<vmem>>
      tpu.wait_dma2 semaphore(%run_scoped3A : memref<!tpu.dma_semaphore, #tpu.memory_space<semaphore_mem>>) src(%dma_wait3A_75 : memref<64x16xf32, #tpu.memory_space<vmem>>) dst(%dma_wait3A_72 : memref<64x16xf32, #tpu.memory_space<vmem_shared>>)
      tpu.yield
    }) : () -> ()
    %barrier3A = arith.constant 0 : index
    tpu.barrier barrier_id(%barrier3A)
    %dma_start3A = arith.constant 0 : i32
    %dma_start3A_41 = arith.constant 0 : i32
    %dma_start3A_42 = tpu.memref_slice %arg6[%dma_start3A, %dma_start3A_41] : memref<106x96xi32, #tpu.memory_space<vmem>> -> memref<1x96xi32, #tpu.memory_space<vmem>>
    %dma_start3A_43 = tpu.memref_squeeze %dma_start3A_42 : memref<1x96xi32, #tpu.memory_space<vmem>> -> memref<96xi32, #tpu.memory_space<vmem>>
    %dma_start3A_44 = arith.constant 0 : i32
    %dma_start3A_45 = arith.constant 0 : i32
    %dma_start3A_46 = tpu.memref_slice %arg2[%dma_start3A_44, %dma_start3A_45] : memref<10240x16xf32, #tpu.memory_space<hbm>> -> memref<10240x16xf32, #tpu.memory_space<hbm>>
    tpu.enqueue_indirect_dma source(%dma_start3A_46 : memref<10240x16xf32, #tpu.memory_space<hbm>>) target(%arg8 : memref<96x16xf32, #tpu.memory_space<vmem>>) offsets(%dma_start3A_43 : memref<96xi32, #tpu.memory_space<vmem>>) semaphore(%arg11 : memref<!tpu.dma_semaphore, #tpu.memory_space<semaphore_mem>>)
    %scan3A = arith.constant 0 : i32
    %scan3A_47 = arith.constant 0 : i32
    %scan3A_48 = arith.constant 53 : i32
    %scan3A_49 = arith.addi %scan3A_47, %scan3A_48 : i32
    %scan3A_50 = arith.constant 1 : i32
    scf.for %scan3A_57 = %scan3A_47 to %scan3A_49 step %scan3A_50  : i32 {
      %mul3A_58 = arith.constant 2 : i32
      %mul3A_59 = arith.muli %scan3A_57, %mul3A_58 : i32
      %dma_wait3A = arith.constant 0 : i32
      %dma_wait3A_60 = tpu.memref_slice %arg6[%mul3A_59, %dma_wait3A] : memref<106x96xi32, #tpu.memory_space<vmem>> -> memref<1x96xi32, #tpu.memory_space<vmem>>
      %dma_wait3A_61 = tpu.memref_squeeze %dma_wait3A_60 : memref<1x96xi32, #tpu.memory_space<vmem>> -> memref<96xi32, #tpu.memory_space<vmem>>
      %dma_wait3A_62 = arith.constant 0 : i32
      %dma_wait3A_63 = arith.constant 0 : i32
      %dma_wait3A_64 = tpu.memref_slice %arg2[%dma_wait3A_62, %dma_wait3A_63] : memref<10240x16xf32, #tpu.memory_space<hbm>> -> memref<10240x16xf32, #tpu.memory_space<hbm>>
      tpu.wait_indirect_dma semaphore(%arg11 : memref<!tpu.dma_semaphore, #tpu.memory_space<semaphore_mem>>) src(%dma_wait3A_64 : memref<10240x16xf32, #tpu.memory_space<hbm>>) dst(%arg8 : memref<96x16xf32, #tpu.memory_space<vmem>>)
      %add3A_65 = arith.constant 1 : i32
      %add3A_66 = arith.addi %mul3A_59, %add3A_65 : i32
      %dma_start3A_67 = arith.constant 0 : i32
      %dma_start3A_68 = tpu.memref_slice %arg6[%add3A_66, %dma_start3A_67] : memref<106x96xi32, #tpu.memory_space<vmem>> -> memref<1x96xi32, #tpu.memory_space<vmem>>
      %dma_start3A_69 = tpu.memref_squeeze %dma_start3A_68 : memref<1x96xi32, #tpu.memory_space<vmem>> -> memref<96xi32, #tpu.memory_space<vmem>>
      %dma_start3A_70 = arith.constant 0 : i32
      %dma_start3A_71 = arith.constant 0 : i32
      %dma_start3A_72 = tpu.memref_slice %arg2[%dma_start3A_70, %dma_start3A_71] : memref<10240x16xf32, #tpu.memory_space<hbm>> -> memref<10240x16xf32, #tpu.memory_space<hbm>>
      tpu.enqueue_indirect_dma source(%dma_start3A_72 : memref<10240x16xf32, #tpu.memory_space<hbm>>) target(%arg9 : memref<96x16xf32, #tpu.memory_space<vmem>>) offsets(%dma_start3A_69 : memref<96xi32, #tpu.memory_space<vmem>>) semaphore(%arg12 : memref<!tpu.dma_semaphore, #tpu.memory_space<semaphore_mem>>)
      "tpu.region"() ({
        %run_scoped3A = tpu.sem_alloc : memref<!tpu.dma_semaphore, #tpu.memory_space<semaphore_mem>>
        %dma_start3A_87 = arith.constant 0 : i32
        %dma_start3A_88 = tpu.memref_slice %arg7[%mul3A_59, %dma_start3A_87] : memref<106x96xi32, #tpu.memory_space<vmem>> -> memref<1x96xi32, #tpu.memory_space<vmem>>
        %dma_start3A_89 = tpu.memref_squeeze %dma_start3A_88 : memref<1x96xi32, #tpu.memory_space<vmem>> -> memref<96xi32, #tpu.memory_space<vmem>>
        %dma_start3A_90 = arith.constant 0 : i32
        %dma_start3A_91 = arith.constant 0 : i32
        %dma_start3A_92 = tpu.memref_slice %arg10[%dma_start3A_90, %dma_start3A_91] : memref<10240x16xf32, #tpu.memory_space<vmem_shared>> -> memref<10240x16xf32, #tpu.memory_space<vmem_shared>>
        tpu.enqueue_indirect_dma source(%arg8 : memref<96x16xf32, #tpu.memory_space<vmem>>) target(%dma_start3A_92 : memref<10240x16xf32, #tpu.memory_space<vmem_shared>>) offsets(%dma_start3A_89 : memref<96xi32, #tpu.memory_space<vmem>>) semaphore(%run_scoped3A : memref<!tpu.dma_semaphore, #tpu.memory_space<semaphore_mem>>) {add = true}
        %dma_wait3A_93 = arith.constant 0 : i32
        %dma_wait3A_94 = tpu.memref_slice %arg7[%mul3A_59, %dma_wait3A_93] : memref<106x96xi32, #tpu.memory_space<vmem>> -> memref<1x96xi32, #tpu.memory_space<vmem>>
        %dma_wait3A_95 = tpu.memref_squeeze %dma_wait3A_94 : memref<1x96xi32, #tpu.memory_space<vmem>> -> memref<96xi32, #tpu.memory_space<vmem>>
        %dma_wait3A_96 = arith.constant 0 : i32
        %dma_wait3A_97 = arith.constant 0 : i32
        %dma_wait3A_98 = tpu.memref_slice %arg10[%dma_wait3A_96, %dma_wait3A_97] : memref<10240x16xf32, #tpu.memory_space<vmem_shared>> -> memref<10240x16xf32, #tpu.memory_space<vmem_shared>>
        tpu.wait_indirect_dma semaphore(%run_scoped3A : memref<!tpu.dma_semaphore, #tpu.memory_space<semaphore_mem>>) src(%arg8 : memref<96x16xf32, #tpu.memory_space<vmem>>) dst(%dma_wait3A_98 : memref<10240x16xf32, #tpu.memory_space<vmem_shared>>)
        tpu.yield
      }) : () -> ()
      %add3A_73 = arith.constant 1 : i32
      %add3A_74 = arith.addi %mul3A_59, %add3A_73 : i32
      %dma_wait3A_75 = arith.constant 0 : i32
      %dma_wait3A_76 = tpu.memref_slice %arg6[%add3A_74, %dma_wait3A_75] : memref<106x96xi32, #tpu.memory_space<vmem>> -> memref<1x96xi32, #tpu.memory_space<vmem>>
      %dma_wait3A_77 = tpu.memref_squeeze %dma_wait3A_76 : memref<1x96xi32, #tpu.memory_space<vmem>> -> memref<96xi32, #tpu.memory_space<vmem>>
      %dma_wait3A_78 = arith.constant 0 : i32
      %dma_wait3A_79 = arith.constant 0 : i32
      %dma_wait3A_80 = tpu.memref_slice %arg2[%dma_wait3A_78, %dma_wait3A_79] : memref<10240x16xf32, #tpu.memory_space<hbm>> -> memref<10240x16xf32, #tpu.memory_space<hbm>>
      tpu.wait_indirect_dma semaphore(%arg12 : memref<!tpu.dma_semaphore, #tpu.memory_space<semaphore_mem>>) src(%dma_wait3A_80 : memref<10240x16xf32, #tpu.memory_space<hbm>>) dst(%arg9 : memref<96x16xf32, #tpu.memory_space<vmem>>)
      %add3A_81 = arith.constant 2 : i32
      %add3A_82 = arith.addi %mul3A_59, %add3A_81 : i32
      %lt3A = arith.constant 106 : i32
      %lt3A_83 = arith.cmpi slt, %add3A_82, %lt3A : i32
      %convert_element_type3A = arith.extui %lt3A_83 : i1 to i32
      %cond3A = arith.constant 0 : i32
      %cond3A_84 = arith.cmpi ne, %convert_element_type3A, %cond3A : i32
      scf.if %cond3A_84 {
        %add3A_87 = arith.constant 2 : i32
        %add3A_88 = arith.addi %mul3A_59, %add3A_87 : i32
        %dma_start3A_89 = arith.constant 0 : i32
        %dma_start3A_90 = tpu.memref_slice %arg6[%add3A_88, %dma_start3A_89] : memref<106x96xi32, #tpu.memory_space<vmem>> -> memref<1x96xi32, #tpu.memory_space<vmem>>
        %dma_start3A_91 = tpu.memref_squeeze %dma_start3A_90 : memref<1x96xi32, #tpu.memory_space<vmem>> -> memref<96xi32, #tpu.memory_space<vmem>>
        %dma_start3A_92 = arith.constant 0 : i32
        %dma_start3A_93 = arith.constant 0 : i32
        %dma_start3A_94 = tpu.memref_slice %arg2[%dma_start3A_92, %dma_start3A_93] : memref<10240x16xf32, #tpu.memory_space<hbm>> -> memref<10240x16xf32, #tpu.memory_space<hbm>>
        tpu.enqueue_indirect_dma source(%dma_start3A_94 : memref<10240x16xf32, #tpu.memory_space<hbm>>) target(%arg8 : memref<96x16xf32, #tpu.memory_space<vmem>>) offsets(%dma_start3A_91 : memref<96xi32, #tpu.memory_space<vmem>>) semaphore(%arg11 : memref<!tpu.dma_semaphore, #tpu.memory_space<semaphore_mem>>)
      } else {
      }
      %add3A_85 = arith.constant 1 : i32
      %add3A_86 = arith.addi %mul3A_59, %add3A_85 : i32
      "tpu.region"() ({
        %run_scoped3A = tpu.sem_alloc : memref<!tpu.dma_semaphore, #tpu.memory_space<semaphore_mem>>
        %dma_start3A_87 = arith.constant 0 : i32
        %dma_start3A_88 = tpu.memref_slice %arg7[%add3A_86, %dma_start3A_87] : memref<106x96xi32, #tpu.memory_space<vmem>> -> memref<1x96xi32, #tpu.memory_space<vmem>>
        %dma_start3A_89 = tpu.memref_squeeze %dma_start3A_88 : memref<1x96xi32, #tpu.memory_space<vmem>> -> memref<96xi32, #tpu.memory_space<vmem>>
        %dma_start3A_90 = arith.constant 0 : i32
        %dma_start3A_91 = arith.constant 0 : i32
        %dma_start3A_92 = tpu.memref_slice %arg10[%dma_start3A_90, %dma_start3A_91] : memref<10240x16xf32, #tpu.memory_space<vmem_shared>> -> memref<10240x16xf32, #tpu.memory_space<vmem_shared>>
        tpu.enqueue_indirect_dma source(%arg9 : memref<96x16xf32, #tpu.memory_space<vmem>>) target(%dma_start3A_92 : memref<10240x16xf32, #tpu.memory_space<vmem_shared>>) offsets(%dma_start3A_89 : memref<96xi32, #tpu.memory_space<vmem>>) semaphore(%run_scoped3A : memref<!tpu.dma_semaphore, #tpu.memory_space<semaphore_mem>>) {add = true}
        %dma_wait3A_93 = arith.constant 0 : i32
        %dma_wait3A_94 = tpu.memref_slice %arg7[%add3A_86, %dma_wait3A_93] : memref<106x96xi32, #tpu.memory_space<vmem>> -> memref<1x96xi32, #tpu.memory_space<vmem>>
        %dma_wait3A_95 = tpu.memref_squeeze %dma_wait3A_94 : memref<1x96xi32, #tpu.memory_space<vmem>> -> memref<96xi32, #tpu.memory_space<vmem>>
        %dma_wait3A_96 = arith.constant 0 : i32
        %dma_wait3A_97 = arith.constant 0 : i32
        %dma_wait3A_98 = tpu.memref_slice %arg10[%dma_wait3A_96, %dma_wait3A_97] : memref<10240x16xf32, #tpu.memory_space<vmem_shared>> -> memref<10240x16xf32, #tpu.memory_space<vmem_shared>>
        tpu.wait_indirect_dma semaphore(%run_scoped3A : memref<!tpu.dma_semaphore, #tpu.memory_space<semaphore_mem>>) src(%arg9 : memref<96x16xf32, #tpu.memory_space<vmem>>) dst(%dma_wait3A_98 : memref<10240x16xf32, #tpu.memory_space<vmem_shared>>)
        tpu.yield
      }) : () -> ()
    }
    %scan3A_51 = arith.constant 53 : i32
    %barrier3A_52 = arith.constant 0 : index
    tpu.barrier barrier_id(%barrier3A_52)
    %mul3A_53 = arith.constant 640 : i32
    %mul3A_54 = arith.muli %arg1, %mul3A_53 : i32
    %mul3A_55 = arith.constant 640 : i32
    %mul3A_56 = arith.muli %arg1, %mul3A_55 : i32
    "tpu.region"() ({
      %run_scoped3A = tpu.sem_alloc : memref<!tpu.dma_semaphore, #tpu.memory_space<semaphore_mem>>
      %dma_start3A_57 = arith.constant 0 : i32
      %dma_start3A_58 = tpu.memref_slice %arg5[%arg0, %mul3A_56, %dma_start3A_57] : memref<2x10240x16xf32, #tpu.memory_space<hbm>> -> memref<1x640x16xf32, #tpu.memory_space<hbm>>
      %dma_start3A_59 = tpu.memref_squeeze %dma_start3A_58 : memref<1x640x16xf32, #tpu.memory_space<hbm>> -> memref<640x16xf32, #tpu.memory_space<hbm>>
      %dma_start3A_60 = arith.constant 0 : i32
      %dma_start3A_61 = tpu.memref_slice %arg10[%mul3A_54, %dma_start3A_60] : memref<10240x16xf32, #tpu.memory_space<vmem_shared>> -> memref<640x16xf32, #tpu.memory_space<vmem_shared>>
      tpu.enqueue_dma source(%dma_start3A_61 : memref<640x16xf32, #tpu.memory_space<vmem_shared>>) target(%dma_start3A_59 : memref<640x16xf32, #tpu.memory_space<hbm>>) target_semaphore(%run_scoped3A : memref<!tpu.dma_semaphore, #tpu.memory_space<semaphore_mem>>)
      %dma_wait3A = arith.constant 0 : i32
      %dma_wait3A_62 = tpu.memref_slice %arg5[%arg0, %mul3A_56, %dma_wait3A] : memref<2x10240x16xf32, #tpu.memory_space<hbm>> -> memref<1x640x16xf32, #tpu.memory_space<hbm>>
      %dma_wait3A_63 = tpu.memref_squeeze %dma_wait3A_62 : memref<1x640x16xf32, #tpu.memory_space<hbm>> -> memref<640x16xf32, #tpu.memory_space<hbm>>
      %dma_wait3A_64 = arith.constant 0 : i32
      %dma_wait3A_65 = tpu.memref_slice %arg10[%mul3A_54, %dma_wait3A_64] : memref<10240x16xf32, #tpu.memory_space<vmem_shared>> -> memref<640x16xf32, #tpu.memory_space<vmem_shared>>
      tpu.wait_dma2 semaphore(%run_scoped3A : memref<!tpu.dma_semaphore, #tpu.memory_space<semaphore_mem>>) src(%dma_wait3A_65 : memref<640x16xf32, #tpu.memory_space<vmem_shared>>) dst(%dma_wait3A_63 : memref<640x16xf32, #tpu.memory_space<hbm>>)
      tpu.yield
    }) : () -> ()
    return
  }
}

#map = affine_map<(d0, d1) -> (0, 0)>
#map1 = affine_map<(d0, d1) -> (0, 0, 0)>
module attributes {stable_mosaic.version = 14 : i64} {
  func.func @_sc_scatter_body(%arg0: i32, %arg1: i32, %arg2: memref<10240x16xf32, #tpu.memory_space<hbm>>, %arg3: memref<32x106x96xi32, #tpu.memory_space<hbm>>, %arg4: memref<32x106x96xi32, #tpu.memory_space<hbm>>, %arg5: memref<2x10240x16xf32, #tpu.memory_space<hbm>>, %arg6: memref<106x96xi32, #tpu.memory_space<vmem>>, %arg7: memref<106x96xi32, #tpu.memory_space<vmem>>, %arg8: memref<96x16xf32, #tpu.memory_space<vmem>>, %arg9: memref<96x16xf32, #tpu.memory_space<vmem>>, %arg10: memref<10240x16xf32, #tpu.memory_space<vmem_shared>>, %arg11: memref<!tpu.dma_semaphore, #tpu.memory_space<semaphore_mem>>, %arg12: memref<!tpu.dma_semaphore, #tpu.memory_space<semaphore_mem>>) attributes {dimension_semantics = [#tpu.dimension_semantics<core_parallel>, #tpu.dimension_semantics<subcore_parallel>], iteration_bounds = array<i64: 2, 16>, scalar_prefetch = 0 : i64, scratch_operands = 7 : i64, tpu.core_type = #tpu.core_type<sc_vector_subcore>, window_params = [{transform_indices = #map}, {transform_indices = #map1}, {transform_indices = #map1}, {transform_indices = #map1}]} {
    %mul3A = arith.constant 2 : i32
    %mul3A_0 = arith.muli %arg1, %mul3A : i32
    %add3A = arith.addi %mul3A_0, %arg0 : i32
    "tpu.region"() ({
      %run_scoped3A = tpu.sem_alloc : memref<!tpu.dma_semaphore, #tpu.memory_space<semaphore_mem>>
      %dma_start3A_57 = arith.constant 0 : i32
      %dma_start3A_58 = arith.constant 0 : i32
      %dma_start3A_59 = tpu.memref_slice %arg3[%add3A, %dma_start3A_57, %dma_start3A_58] : memref<32x106x96xi32, #tpu.memory_space<hbm>> -> memref<1x106x96xi32, #tpu.memory_space<hbm>>
      %dma_start3A_60 = tpu.memref_squeeze %dma_start3A_59 : memref<1x106x96xi32, #tpu.memory_space<hbm>> -> memref<106x96xi32, #tpu.memory_space<hbm>>
      %dma_start3A_61 = arith.constant 0 : i32
      %dma_start3A_62 = arith.constant 0 : i32
      %dma_start3A_63 = tpu.memref_slice %arg3[%add3A, %dma_start3A_61, %dma_start3A_62] : memref<32x106x96xi32, #tpu.memory_space<hbm>> -> memref<1x106x96xi32, #tpu.memory_space<hbm>>
      %dma_start3A_64 = tpu.memref_squeeze %dma_start3A_63 : memref<1x106x96xi32, #tpu.memory_space<hbm>> -> memref<106x96xi32, #tpu.memory_space<hbm>>
      tpu.enqueue_dma source(%dma_start3A_64 : memref<106x96xi32, #tpu.memory_space<hbm>>) target(%arg6 : memref<106x96xi32, #tpu.memory_space<vmem>>) target_semaphore(%run_scoped3A : memref<!tpu.dma_semaphore, #tpu.memory_space<semaphore_mem>>)
      %dma_wait3A = arith.constant 0 : i32
      %dma_wait3A_65 = arith.constant 0 : i32
      %dma_wait3A_66 = tpu.memref_slice %arg3[%add3A, %dma_wait3A, %dma_wait3A_65] : memref<32x106x96xi32, #tpu.memory_space<hbm>> -> memref<1x106x96xi32, #tpu.memory_space<hbm>>
      %dma_wait3A_67 = tpu.memref_squeeze %dma_wait3A_66 : memref<1x106x96xi32, #tpu.memory_space<hbm>> -> memref<106x96xi32, #tpu.memory_space<hbm>>
      %dma_wait3A_68 = arith.constant 0 : i32
      %dma_wait3A_69 = arith.constant 0 : i32
      %dma_wait3A_70 = tpu.memref_slice %arg3[%add3A, %dma_wait3A_68, %dma_wait3A_69] : memref<32x106x96xi32, #tpu.memory_space<hbm>> -> memref<1x106x96xi32, #tpu.memory_space<hbm>>
      %dma_wait3A_71 = tpu.memref_squeeze %dma_wait3A_70 : memref<1x106x96xi32, #tpu.memory_space<hbm>> -> memref<106x96xi32, #tpu.memory_space<hbm>>
      tpu.wait_dma2 semaphore(%run_scoped3A : memref<!tpu.dma_semaphore, #tpu.memory_space<semaphore_mem>>) src(%dma_wait3A_71 : memref<106x96xi32, #tpu.memory_space<hbm>>) dst(%arg6 : memref<106x96xi32, #tpu.memory_space<vmem>>)
      tpu.yield
    }) : () -> ()
    "tpu.region"() ({
      %run_scoped3A = tpu.sem_alloc : memref<!tpu.dma_semaphore, #tpu.memory_space<semaphore_mem>>
      %dma_start3A_57 = arith.constant 0 : i32
      %dma_start3A_58 = arith.constant 0 : i32
      %dma_start3A_59 = tpu.memref_slice %arg4[%add3A, %dma_start3A_57, %dma_start3A_58] : memref<32x106x96xi32, #tpu.memory_space<hbm>> -> memref<1x106x96xi32, #tpu.memory_space<hbm>>
      %dma_start3A_60 = tpu.memref_squeeze %dma_start3A_59 : memref<1x106x96xi32, #tpu.memory_space<hbm>> -> memref<106x96xi32, #tpu.memory_space<hbm>>
      %dma_start3A_61 = arith.constant 0 : i32
      %dma_start3A_62 = arith.constant 0 : i32
      %dma_start3A_63 = tpu.memref_slice %arg4[%add3A, %dma_start3A_61, %dma_start3A_62] : memref<32x106x96xi32, #tpu.memory_space<hbm>> -> memref<1x106x96xi32, #tpu.memory_space<hbm>>
      %dma_start3A_64 = tpu.memref_squeeze %dma_start3A_63 : memref<1x106x96xi32, #tpu.memory_space<hbm>> -> memref<106x96xi32, #tpu.memory_space<hbm>>
      tpu.enqueue_dma source(%dma_start3A_64 : memref<106x96xi32, #tpu.memory_space<hbm>>) target(%arg7 : memref<106x96xi32, #tpu.memory_space<vmem>>) target_semaphore(%run_scoped3A : memref<!tpu.dma_semaphore, #tpu.memory_space<semaphore_mem>>)
      %dma_wait3A = arith.constant 0 : i32
      %dma_wait3A_65 = arith.constant 0 : i32
      %dma_wait3A_66 = tpu.memref_slice %arg4[%add3A, %dma_wait3A, %dma_wait3A_65] : memref<32x106x96xi32, #tpu.memory_space<hbm>> -> memref<1x106x96xi32, #tpu.memory_space<hbm>>
      %dma_wait3A_67 = tpu.memref_squeeze %dma_wait3A_66 : memref<1x106x96xi32, #tpu.memory_space<hbm>> -> memref<106x96xi32, #tpu.memory_space<hbm>>
      %dma_wait3A_68 = arith.constant 0 : i32
      %dma_wait3A_69 = arith.constant 0 : i32
      %dma_wait3A_70 = tpu.memref_slice %arg4[%add3A, %dma_wait3A_68, %dma_wait3A_69] : memref<32x106x96xi32, #tpu.memory_space<hbm>> -> memref<1x106x96xi32, #tpu.memory_space<hbm>>
      %dma_wait3A_71 = tpu.memref_squeeze %dma_wait3A_70 : memref<1x106x96xi32, #tpu.memory_space<hbm>> -> memref<106x96xi32, #tpu.memory_space<hbm>>
      tpu.wait_dma2 semaphore(%run_scoped3A : memref<!tpu.dma_semaphore, #tpu.memory_space<semaphore_mem>>) src(%dma_wait3A_71 : memref<106x96xi32, #tpu.memory_space<hbm>>) dst(%arg7 : memref<106x96xi32, #tpu.memory_space<vmem>>)
      tpu.yield
    }) : () -> ()
    "tpu.region"() ({
      %run_scoped3A = tpu.sem_alloc : memref<!tpu.dma_semaphore, #tpu.memory_space<semaphore_mem>>
      %dma_start3A_57 = arith.constant 0 : i32
      %dma_start3A_58 = arith.constant 0 : i32
      %dma_start3A_59 = tpu.memref_slice %arg8[%dma_start3A_57, %dma_start3A_58] : memref<96x16xf32, #tpu.memory_space<vmem>> -> memref<64x16xf32, #tpu.memory_space<vmem>>
      %dma_start3A_60 = arith.constant 10176 : i32
      %dma_start3A_61 = arith.constant 0 : i32
      %dma_start3A_62 = tpu.memref_slice %arg2[%dma_start3A_60, %dma_start3A_61] : memref<10240x16xf32, #tpu.memory_space<hbm>> -> memref<64x16xf32, #tpu.memory_space<hbm>>
      %dma_start3A_63 = arith.constant 0 : i32
      %dma_start3A_64 = arith.constant 0 : i32
      %dma_start3A_65 = tpu.memref_slice %arg8[%dma_start3A_63, %dma_start3A_64] : memref<96x16xf32, #tpu.memory_space<vmem>> -> memref<64x16xf32, #tpu.memory_space<vmem>>
      %dma_start3A_66 = arith.constant 10176 : i32
      %dma_start3A_67 = arith.constant 0 : i32
      %dma_start3A_68 = tpu.memref_slice %arg2[%dma_start3A_66, %dma_start3A_67] : memref<10240x16xf32, #tpu.memory_space<hbm>> -> memref<64x16xf32, #tpu.memory_space<hbm>>
      tpu.enqueue_dma source(%dma_start3A_68 : memref<64x16xf32, #tpu.memory_space<hbm>>) target(%dma_start3A_65 : memref<64x16xf32, #tpu.memory_space<vmem>>) target_semaphore(%run_scoped3A : memref<!tpu.dma_semaphore, #tpu.memory_space<semaphore_mem>>)
      %dma_wait3A = arith.constant 0 : i32
      %dma_wait3A_69 = arith.constant 0 : i32
      %dma_wait3A_70 = tpu.memref_slice %arg8[%dma_wait3A, %dma_wait3A_69] : memref<96x16xf32, #tpu.memory_space<vmem>> -> memref<64x16xf32, #tpu.memory_space<vmem>>
      %dma_wait3A_71 = arith.constant 10176 : i32
      %dma_wait3A_72 = arith.constant 0 : i32
      %dma_wait3A_73 = tpu.memref_slice %arg2[%dma_wait3A_71, %dma_wait3A_72] : memref<10240x16xf32, #tpu.memory_space<hbm>> -> memref<64x16xf32, #tpu.memory_space<hbm>>
      %dma_wait3A_74 = arith.constant 0 : i32
      %dma_wait3A_75 = arith.constant 0 : i32
      %dma_wait3A_76 = tpu.memref_slice %arg8[%dma_wait3A_74, %dma_wait3A_75] : memref<96x16xf32, #tpu.memory_space<vmem>> -> memref<64x16xf32, #tpu.memory_space<vmem>>
      %dma_wait3A_77 = arith.constant 10176 : i32
      %dma_wait3A_78 = arith.constant 0 : i32
      %dma_wait3A_79 = tpu.memref_slice %arg2[%dma_wait3A_77, %dma_wait3A_78] : memref<10240x16xf32, #tpu.memory_space<hbm>> -> memref<64x16xf32, #tpu.memory_space<hbm>>
      tpu.wait_dma2 semaphore(%run_scoped3A : memref<!tpu.dma_semaphore, #tpu.memory_space<semaphore_mem>>) src(%dma_wait3A_79 : memref<64x16xf32, #tpu.memory_space<hbm>>) dst(%dma_wait3A_76 : memref<64x16xf32, #tpu.memory_space<vmem>>)
      tpu.yield
    }) : () -> ()
    %mul3A_1 = arith.constant 640 : i32
    %mul3A_2 = arith.muli %arg1, %mul3A_1 : i32
    %add3A_3 = arith.constant 0 : i32
    %add3A_4 = arith.addi %mul3A_2, %add3A_3 : i32
    "tpu.region"() ({
      %run_scoped3A = tpu.sem_alloc : memref<!tpu.dma_semaphore, #tpu.memory_space<semaphore_mem>>
      %dma_start3A_57 = arith.constant 0 : i32
      %dma_start3A_58 = arith.constant 0 : i32
      %dma_start3A_59 = tpu.memref_slice %arg8[%dma_start3A_57, %dma_start3A_58] : memref<96x16xf32, #tpu.memory_space<vmem>> -> memref<64x16xf32, #tpu.memory_space<vmem>>
      %dma_start3A_60 = arith.constant 0 : i32
      %dma_start3A_61 = tpu.memref_slice %arg10[%add3A_4, %dma_start3A_60] : memref<10240x16xf32, #tpu.memory_space<vmem_shared>> -> memref<64x16xf32, #tpu.memory_space<vmem_shared>>
      %dma_start3A_62 = arith.constant 0 : i32
      %dma_start3A_63 = tpu.memref_slice %arg10[%add3A_4, %dma_start3A_62] : memref<10240x16xf32, #tpu.memory_space<vmem_shared>> -> memref<64x16xf32, #tpu.memory_space<vmem_shared>>
      %dma_start3A_64 = arith.constant 0 : i32
      %dma_start3A_65 = arith.constant 0 : i32
      %dma_start3A_66 = tpu.memref_slice %arg8[%dma_start3A_64, %dma_start3A_65] : memref<96x16xf32, #tpu.memory_space<vmem>> -> memref<64x16xf32, #tpu.memory_space<vmem>>
      tpu.enqueue_dma source(%dma_start3A_66 : memref<64x16xf32, #tpu.memory_space<vmem>>) target(%dma_start3A_63 : memref<64x16xf32, #tpu.memory_space<vmem_shared>>) target_semaphore(%run_scoped3A : memref<!tpu.dma_semaphore, #tpu.memory_space<semaphore_mem>>)
      %dma_wait3A = arith.constant 0 : i32
      %dma_wait3A_67 = arith.constant 0 : i32
      %dma_wait3A_68 = tpu.memref_slice %arg8[%dma_wait3A, %dma_wait3A_67] : memref<96x16xf32, #tpu.memory_space<vmem>> -> memref<64x16xf32, #tpu.memory_space<vmem>>
      %dma_wait3A_69 = arith.constant 0 : i32
      %dma_wait3A_70 = tpu.memref_slice %arg10[%add3A_4, %dma_wait3A_69] : memref<10240x16xf32, #tpu.memory_space<vmem_shared>> -> memref<64x16xf32, #tpu.memory_space<vmem_shared>>
      %dma_wait3A_71 = arith.constant 0 : i32
      %dma_wait3A_72 = tpu.memref_slice %arg10[%add3A_4, %dma_wait3A_71] : memref<10240x16xf32, #tpu.memory_space<vmem_shared>> -> memref<64x16xf32, #tpu.memory_space<vmem_shared>>
      %dma_wait3A_73 = arith.constant 0 : i32
      %dma_wait3A_74 = arith.constant 0 : i32
      %dma_wait3A_75 = tpu.memref_slice %arg8[%dma_wait3A_73, %dma_wait3A_74] : memref<96x16xf32, #tpu.memory_space<vmem>> -> memref<64x16xf32, #tpu.memory_space<vmem>>
      tpu.wait_dma2 semaphore(%run_scoped3A : memref<!tpu.dma_semaphore, #tpu.memory_space<semaphore_mem>>) src(%dma_wait3A_75 : memref<64x16xf32, #tpu.memory_space<vmem>>) dst(%dma_wait3A_72 : memref<64x16xf32, #tpu.memory_space<vmem_shared>>)
      tpu.yield
    }) : () -> ()
    %mul3A_5 = arith.constant 640 : i32
    %mul3A_6 = arith.muli %arg1, %mul3A_5 : i32
    %add3A_7 = arith.constant 64 : i32
    %add3A_8 = arith.addi %mul3A_6, %add3A_7 : i32
    "tpu.region"() ({
      %run_scoped3A = tpu.sem_alloc : memref<!tpu.dma_semaphore, #tpu.memory_space<semaphore_mem>>
      %dma_start3A_57 = arith.constant 0 : i32
      %dma_start3A_58 = arith.constant 0 : i32
      %dma_start3A_59 = tpu.memref_slice %arg8[%dma_start3A_57, %dma_start3A_58] : memref<96x16xf32, #tpu.memory_space<vmem>> -> memref<64x16xf32, #tpu.memory_space<vmem>>
      %dma_start3A_60 = arith.constant 0 : i32
      %dma_start3A_61 = tpu.memref_slice %arg10[%add3A_8, %dma_start3A_60] : memref<10240x16xf32, #tpu.memory_space<vmem_shared>> -> memref<64x16xf32, #tpu.memory_space<vmem_shared>>
      %dma_start3A_62 = arith.constant 0 : i32
      %dma_start3A_63 = tpu.memref_slice %arg10[%add3A_8, %dma_start3A_62] : memref<10240x16xf32, #tpu.memory_space<vmem_shared>> -> memref<64x16xf32, #tpu.memory_space<vmem_shared>>
      %dma_start3A_64 = arith.constant 0 : i32
      %dma_start3A_65 = arith.constant 0 : i32
      %dma_start3A_66 = tpu.memref_slice %arg8[%dma_start3A_64, %dma_start3A_65] : memref<96x16xf32, #tpu.memory_space<vmem>> -> memref<64x16xf32, #tpu.memory_space<vmem>>
      tpu.enqueue_dma source(%dma_start3A_66 : memref<64x16xf32, #tpu.memory_space<vmem>>) target(%dma_start3A_63 : memref<64x16xf32, #tpu.memory_space<vmem_shared>>) target_semaphore(%run_scoped3A : memref<!tpu.dma_semaphore, #tpu.memory_space<semaphore_mem>>)
      %dma_wait3A = arith.constant 0 : i32
      %dma_wait3A_67 = arith.constant 0 : i32
      %dma_wait3A_68 = tpu.memref_slice %arg8[%dma_wait3A, %dma_wait3A_67] : memref<96x16xf32, #tpu.memory_space<vmem>> -> memref<64x16xf32, #tpu.memory_space<vmem>>
      %dma_wait3A_69 = arith.constant 0 : i32
      %dma_wait3A_70 = tpu.memref_slice %arg10[%add3A_8, %dma_wait3A_69] : memref<10240x16xf32, #tpu.memory_space<vmem_shared>> -> memref<64x16xf32, #tpu.memory_space<vmem_shared>>
      %dma_wait3A_71 = arith.constant 0 : i32
      %dma_wait3A_72 = tpu.memref_slice %arg10[%add3A_8, %dma_wait3A_71] : memref<10240x16xf32, #tpu.memory_space<vmem_shared>> -> memref<64x16xf32, #tpu.memory_space<vmem_shared>>
      %dma_wait3A_73 = arith.constant 0 : i32
      %dma_wait3A_74 = arith.constant 0 : i32
      %dma_wait3A_75 = tpu.memref_slice %arg8[%dma_wait3A_73, %dma_wait3A_74] : memref<96x16xf32, #tpu.memory_space<vmem>> -> memref<64x16xf32, #tpu.memory_space<vmem>>
      tpu.wait_dma2 semaphore(%run_scoped3A : memref<!tpu.dma_semaphore, #tpu.memory_space<semaphore_mem>>) src(%dma_wait3A_75 : memref<64x16xf32, #tpu.memory_space<vmem>>) dst(%dma_wait3A_72 : memref<64x16xf32, #tpu.memory_space<vmem_shared>>)
      tpu.yield
    }) : () -> ()
    %mul3A_9 = arith.constant 640 : i32
    %mul3A_10 = arith.muli %arg1, %mul3A_9 : i32
    %add3A_11 = arith.constant 128 : i32
    %add3A_12 = arith.addi %mul3A_10, %add3A_11 : i32
    "tpu.region"() ({
      %run_scoped3A = tpu.sem_alloc : memref<!tpu.dma_semaphore, #tpu.memory_space<semaphore_mem>>
      %dma_start3A_57 = arith.constant 0 : i32
      %dma_start3A_58 = arith.constant 0 : i32
      %dma_start3A_59 = tpu.memref_slice %arg8[%dma_start3A_57, %dma_start3A_58] : memref<96x16xf32, #tpu.memory_space<vmem>> -> memref<64x16xf32, #tpu.memory_space<vmem>>
      %dma_start3A_60 = arith.constant 0 : i32
      %dma_start3A_61 = tpu.memref_slice %arg10[%add3A_12, %dma_start3A_60] : memref<10240x16xf32, #tpu.memory_space<vmem_shared>> -> memref<64x16xf32, #tpu.memory_space<vmem_shared>>
      %dma_start3A_62 = arith.constant 0 : i32
      %dma_start3A_63 = tpu.memref_slice %arg10[%add3A_12, %dma_start3A_62] : memref<10240x16xf32, #tpu.memory_space<vmem_shared>> -> memref<64x16xf32, #tpu.memory_space<vmem_shared>>
      %dma_start3A_64 = arith.constant 0 : i32
      %dma_start3A_65 = arith.constant 0 : i32
      %dma_start3A_66 = tpu.memref_slice %arg8[%dma_start3A_64, %dma_start3A_65] : memref<96x16xf32, #tpu.memory_space<vmem>> -> memref<64x16xf32, #tpu.memory_space<vmem>>
      tpu.enqueue_dma source(%dma_start3A_66 : memref<64x16xf32, #tpu.memory_space<vmem>>) target(%dma_start3A_63 : memref<64x16xf32, #tpu.memory_space<vmem_shared>>) target_semaphore(%run_scoped3A : memref<!tpu.dma_semaphore, #tpu.memory_space<semaphore_mem>>)
      %dma_wait3A = arith.constant 0 : i32
      %dma_wait3A_67 = arith.constant 0 : i32
      %dma_wait3A_68 = tpu.memref_slice %arg8[%dma_wait3A, %dma_wait3A_67] : memref<96x16xf32, #tpu.memory_space<vmem>> -> memref<64x16xf32, #tpu.memory_space<vmem>>
      %dma_wait3A_69 = arith.constant 0 : i32
      %dma_wait3A_70 = tpu.memref_slice %arg10[%add3A_12, %dma_wait3A_69] : memref<10240x16xf32, #tpu.memory_space<vmem_shared>> -> memref<64x16xf32, #tpu.memory_space<vmem_shared>>
      %dma_wait3A_71 = arith.constant 0 : i32
      %dma_wait3A_72 = tpu.memref_slice %arg10[%add3A_12, %dma_wait3A_71] : memref<10240x16xf32, #tpu.memory_space<vmem_shared>> -> memref<64x16xf32, #tpu.memory_space<vmem_shared>>
      %dma_wait3A_73 = arith.constant 0 : i32
      %dma_wait3A_74 = arith.constant 0 : i32
      %dma_wait3A_75 = tpu.memref_slice %arg8[%dma_wait3A_73, %dma_wait3A_74] : memref<96x16xf32, #tpu.memory_space<vmem>> -> memref<64x16xf32, #tpu.memory_space<vmem>>
      tpu.wait_dma2 semaphore(%run_scoped3A : memref<!tpu.dma_semaphore, #tpu.memory_space<semaphore_mem>>) src(%dma_wait3A_75 : memref<64x16xf32, #tpu.memory_space<vmem>>) dst(%dma_wait3A_72 : memref<64x16xf32, #tpu.memory_space<vmem_shared>>)
      tpu.yield
    }) : () -> ()
    %mul3A_13 = arith.constant 640 : i32
    %mul3A_14 = arith.muli %arg1, %mul3A_13 : i32
    %add3A_15 = arith.constant 192 : i32
    %add3A_16 = arith.addi %mul3A_14, %add3A_15 : i32
    "tpu.region"() ({
      %run_scoped3A = tpu.sem_alloc : memref<!tpu.dma_semaphore, #tpu.memory_space<semaphore_mem>>
      %dma_start3A_57 = arith.constant 0 : i32
      %dma_start3A_58 = arith.constant 0 : i32
      %dma_start3A_59 = tpu.memref_slice %arg8[%dma_start3A_57, %dma_start3A_58] : memref<96x16xf32, #tpu.memory_space<vmem>> -> memref<64x16xf32, #tpu.memory_space<vmem>>
      %dma_start3A_60 = arith.constant 0 : i32
      %dma_start3A_61 = tpu.memref_slice %arg10[%add3A_16, %dma_start3A_60] : memref<10240x16xf32, #tpu.memory_space<vmem_shared>> -> memref<64x16xf32, #tpu.memory_space<vmem_shared>>
      %dma_start3A_62 = arith.constant 0 : i32
      %dma_start3A_63 = tpu.memref_slice %arg10[%add3A_16, %dma_start3A_62] : memref<10240x16xf32, #tpu.memory_space<vmem_shared>> -> memref<64x16xf32, #tpu.memory_space<vmem_shared>>
      %dma_start3A_64 = arith.constant 0 : i32
      %dma_start3A_65 = arith.constant 0 : i32
      %dma_start3A_66 = tpu.memref_slice %arg8[%dma_start3A_64, %dma_start3A_65] : memref<96x16xf32, #tpu.memory_space<vmem>> -> memref<64x16xf32, #tpu.memory_space<vmem>>
      tpu.enqueue_dma source(%dma_start3A_66 : memref<64x16xf32, #tpu.memory_space<vmem>>) target(%dma_start3A_63 : memref<64x16xf32, #tpu.memory_space<vmem_shared>>) target_semaphore(%run_scoped3A : memref<!tpu.dma_semaphore, #tpu.memory_space<semaphore_mem>>)
      %dma_wait3A = arith.constant 0 : i32
      %dma_wait3A_67 = arith.constant 0 : i32
      %dma_wait3A_68 = tpu.memref_slice %arg8[%dma_wait3A, %dma_wait3A_67] : memref<96x16xf32, #tpu.memory_space<vmem>> -> memref<64x16xf32, #tpu.memory_space<vmem>>
      %dma_wait3A_69 = arith.constant 0 : i32
      %dma_wait3A_70 = tpu.memref_slice %arg10[%add3A_16, %dma_wait3A_69] : memref<10240x16xf32, #tpu.memory_space<vmem_shared>> -> memref<64x16xf32, #tpu.memory_space<vmem_shared>>
      %dma_wait3A_71 = arith.constant 0 : i32
      %dma_wait3A_72 = tpu.memref_slice %arg10[%add3A_16, %dma_wait3A_71] : memref<10240x16xf32, #tpu.memory_space<vmem_shared>> -> memref<64x16xf32, #tpu.memory_space<vmem_shared>>
      %dma_wait3A_73 = arith.constant 0 : i32
      %dma_wait3A_74 = arith.constant 0 : i32
      %dma_wait3A_75 = tpu.memref_slice %arg8[%dma_wait3A_73, %dma_wait3A_74] : memref<96x16xf32, #tpu.memory_space<vmem>> -> memref<64x16xf32, #tpu.memory_space<vmem>>
      tpu.wait_dma2 semaphore(%run_scoped3A : memref<!tpu.dma_semaphore, #tpu.memory_space<semaphore_mem>>) src(%dma_wait3A_75 : memref<64x16xf32, #tpu.memory_space<vmem>>) dst(%dma_wait3A_72 : memref<64x16xf32, #tpu.memory_space<vmem_shared>>)
      tpu.yield
    }) : () -> ()
    %mul3A_17 = arith.constant 640 : i32
    %mul3A_18 = arith.muli %arg1, %mul3A_17 : i32
    %add3A_19 = arith.constant 256 : i32
    %add3A_20 = arith.addi %mul3A_18, %add3A_19 : i32
    "tpu.region"() ({
      %run_scoped3A = tpu.sem_alloc : memref<!tpu.dma_semaphore, #tpu.memory_space<semaphore_mem>>
      %dma_start3A_57 = arith.constant 0 : i32
      %dma_start3A_58 = arith.constant 0 : i32
      %dma_start3A_59 = tpu.memref_slice %arg8[%dma_start3A_57, %dma_start3A_58] : memref<96x16xf32, #tpu.memory_space<vmem>> -> memref<64x16xf32, #tpu.memory_space<vmem>>
      %dma_start3A_60 = arith.constant 0 : i32
      %dma_start3A_61 = tpu.memref_slice %arg10[%add3A_20, %dma_start3A_60] : memref<10240x16xf32, #tpu.memory_space<vmem_shared>> -> memref<64x16xf32, #tpu.memory_space<vmem_shared>>
      %dma_start3A_62 = arith.constant 0 : i32
      %dma_start3A_63 = tpu.memref_slice %arg10[%add3A_20, %dma_start3A_62] : memref<10240x16xf32, #tpu.memory_space<vmem_shared>> -> memref<64x16xf32, #tpu.memory_space<vmem_shared>>
      %dma_start3A_64 = arith.constant 0 : i32
      %dma_start3A_65 = arith.constant 0 : i32
      %dma_start3A_66 = tpu.memref_slice %arg8[%dma_start3A_64, %dma_start3A_65] : memref<96x16xf32, #tpu.memory_space<vmem>> -> memref<64x16xf32, #tpu.memory_space<vmem>>
      tpu.enqueue_dma source(%dma_start3A_66 : memref<64x16xf32, #tpu.memory_space<vmem>>) target(%dma_start3A_63 : memref<64x16xf32, #tpu.memory_space<vmem_shared>>) target_semaphore(%run_scoped3A : memref<!tpu.dma_semaphore, #tpu.memory_space<semaphore_mem>>)
      %dma_wait3A = arith.constant 0 : i32
      %dma_wait3A_67 = arith.constant 0 : i32
      %dma_wait3A_68 = tpu.memref_slice %arg8[%dma_wait3A, %dma_wait3A_67] : memref<96x16xf32, #tpu.memory_space<vmem>> -> memref<64x16xf32, #tpu.memory_space<vmem>>
      %dma_wait3A_69 = arith.constant 0 : i32
      %dma_wait3A_70 = tpu.memref_slice %arg10[%add3A_20, %dma_wait3A_69] : memref<10240x16xf32, #tpu.memory_space<vmem_shared>> -> memref<64x16xf32, #tpu.memory_space<vmem_shared>>
      %dma_wait3A_71 = arith.constant 0 : i32
      %dma_wait3A_72 = tpu.memref_slice %arg10[%add3A_20, %dma_wait3A_71] : memref<10240x16xf32, #tpu.memory_space<vmem_shared>> -> memref<64x16xf32, #tpu.memory_space<vmem_shared>>
      %dma_wait3A_73 = arith.constant 0 : i32
      %dma_wait3A_74 = arith.constant 0 : i32
      %dma_wait3A_75 = tpu.memref_slice %arg8[%dma_wait3A_73, %dma_wait3A_74] : memref<96x16xf32, #tpu.memory_space<vmem>> -> memref<64x16xf32, #tpu.memory_space<vmem>>
      tpu.wait_dma2 semaphore(%run_scoped3A : memref<!tpu.dma_semaphore, #tpu.memory_space<semaphore_mem>>) src(%dma_wait3A_75 : memref<64x16xf32, #tpu.memory_space<vmem>>) dst(%dma_wait3A_72 : memref<64x16xf32, #tpu.memory_space<vmem_shared>>)
      tpu.yield
    }) : () -> ()
    %mul3A_21 = arith.constant 640 : i32
    %mul3A_22 = arith.muli %arg1, %mul3A_21 : i32
    %add3A_23 = arith.constant 320 : i32
    %add3A_24 = arith.addi %mul3A_22, %add3A_23 : i32
    "tpu.region"() ({
      %run_scoped3A = tpu.sem_alloc : memref<!tpu.dma_semaphore, #tpu.memory_space<semaphore_mem>>
      %dma_start3A_57 = arith.constant 0 : i32
      %dma_start3A_58 = arith.constant 0 : i32
      %dma_start3A_59 = tpu.memref_slice %arg8[%dma_start3A_57, %dma_start3A_58] : memref<96x16xf32, #tpu.memory_space<vmem>> -> memref<64x16xf32, #tpu.memory_space<vmem>>
      %dma_start3A_60 = arith.constant 0 : i32
      %dma_start3A_61 = tpu.memref_slice %arg10[%add3A_24, %dma_start3A_60] : memref<10240x16xf32, #tpu.memory_space<vmem_shared>> -> memref<64x16xf32, #tpu.memory_space<vmem_shared>>
      %dma_start3A_62 = arith.constant 0 : i32
      %dma_start3A_63 = tpu.memref_slice %arg10[%add3A_24, %dma_start3A_62] : memref<10240x16xf32, #tpu.memory_space<vmem_shared>> -> memref<64x16xf32, #tpu.memory_space<vmem_shared>>
      %dma_start3A_64 = arith.constant 0 : i32
      %dma_start3A_65 = arith.constant 0 : i32
      %dma_start3A_66 = tpu.memref_slice %arg8[%dma_start3A_64, %dma_start3A_65] : memref<96x16xf32, #tpu.memory_space<vmem>> -> memref<64x16xf32, #tpu.memory_space<vmem>>
      tpu.enqueue_dma source(%dma_start3A_66 : memref<64x16xf32, #tpu.memory_space<vmem>>) target(%dma_start3A_63 : memref<64x16xf32, #tpu.memory_space<vmem_shared>>) target_semaphore(%run_scoped3A : memref<!tpu.dma_semaphore, #tpu.memory_space<semaphore_mem>>)
      %dma_wait3A = arith.constant 0 : i32
      %dma_wait3A_67 = arith.constant 0 : i32
      %dma_wait3A_68 = tpu.memref_slice %arg8[%dma_wait3A, %dma_wait3A_67] : memref<96x16xf32, #tpu.memory_space<vmem>> -> memref<64x16xf32, #tpu.memory_space<vmem>>
      %dma_wait3A_69 = arith.constant 0 : i32
      %dma_wait3A_70 = tpu.memref_slice %arg10[%add3A_24, %dma_wait3A_69] : memref<10240x16xf32, #tpu.memory_space<vmem_shared>> -> memref<64x16xf32, #tpu.memory_space<vmem_shared>>
      %dma_wait3A_71 = arith.constant 0 : i32
      %dma_wait3A_72 = tpu.memref_slice %arg10[%add3A_24, %dma_wait3A_71] : memref<10240x16xf32, #tpu.memory_space<vmem_shared>> -> memref<64x16xf32, #tpu.memory_space<vmem_shared>>
      %dma_wait3A_73 = arith.constant 0 : i32
      %dma_wait3A_74 = arith.constant 0 : i32
      %dma_wait3A_75 = tpu.memref_slice %arg8[%dma_wait3A_73, %dma_wait3A_74] : memref<96x16xf32, #tpu.memory_space<vmem>> -> memref<64x16xf32, #tpu.memory_space<vmem>>
      tpu.wait_dma2 semaphore(%run_scoped3A : memref<!tpu.dma_semaphore, #tpu.memory_space<semaphore_mem>>) src(%dma_wait3A_75 : memref<64x16xf32, #tpu.memory_space<vmem>>) dst(%dma_wait3A_72 : memref<64x16xf32, #tpu.memory_space<vmem_shared>>)
      tpu.yield
    }) : () -> ()
    %mul3A_25 = arith.constant 640 : i32
    %mul3A_26 = arith.muli %arg1, %mul3A_25 : i32
    %add3A_27 = arith.constant 384 : i32
    %add3A_28 = arith.addi %mul3A_26, %add3A_27 : i32
    "tpu.region"() ({
      %run_scoped3A = tpu.sem_alloc : memref<!tpu.dma_semaphore, #tpu.memory_space<semaphore_mem>>
      %dma_start3A_57 = arith.constant 0 : i32
      %dma_start3A_58 = arith.constant 0 : i32
      %dma_start3A_59 = tpu.memref_slice %arg8[%dma_start3A_57, %dma_start3A_58] : memref<96x16xf32, #tpu.memory_space<vmem>> -> memref<64x16xf32, #tpu.memory_space<vmem>>
      %dma_start3A_60 = arith.constant 0 : i32
      %dma_start3A_61 = tpu.memref_slice %arg10[%add3A_28, %dma_start3A_60] : memref<10240x16xf32, #tpu.memory_space<vmem_shared>> -> memref<64x16xf32, #tpu.memory_space<vmem_shared>>
      %dma_start3A_62 = arith.constant 0 : i32
      %dma_start3A_63 = tpu.memref_slice %arg10[%add3A_28, %dma_start3A_62] : memref<10240x16xf32, #tpu.memory_space<vmem_shared>> -> memref<64x16xf32, #tpu.memory_space<vmem_shared>>
      %dma_start3A_64 = arith.constant 0 : i32
      %dma_start3A_65 = arith.constant 0 : i32
      %dma_start3A_66 = tpu.memref_slice %arg8[%dma_start3A_64, %dma_start3A_65] : memref<96x16xf32, #tpu.memory_space<vmem>> -> memref<64x16xf32, #tpu.memory_space<vmem>>
      tpu.enqueue_dma source(%dma_start3A_66 : memref<64x16xf32, #tpu.memory_space<vmem>>) target(%dma_start3A_63 : memref<64x16xf32, #tpu.memory_space<vmem_shared>>) target_semaphore(%run_scoped3A : memref<!tpu.dma_semaphore, #tpu.memory_space<semaphore_mem>>)
      %dma_wait3A = arith.constant 0 : i32
      %dma_wait3A_67 = arith.constant 0 : i32
      %dma_wait3A_68 = tpu.memref_slice %arg8[%dma_wait3A, %dma_wait3A_67] : memref<96x16xf32, #tpu.memory_space<vmem>> -> memref<64x16xf32, #tpu.memory_space<vmem>>
      %dma_wait3A_69 = arith.constant 0 : i32
      %dma_wait3A_70 = tpu.memref_slice %arg10[%add3A_28, %dma_wait3A_69] : memref<10240x16xf32, #tpu.memory_space<vmem_shared>> -> memref<64x16xf32, #tpu.memory_space<vmem_shared>>
      %dma_wait3A_71 = arith.constant 0 : i32
      %dma_wait3A_72 = tpu.memref_slice %arg10[%add3A_28, %dma_wait3A_71] : memref<10240x16xf32, #tpu.memory_space<vmem_shared>> -> memref<64x16xf32, #tpu.memory_space<vmem_shared>>
      %dma_wait3A_73 = arith.constant 0 : i32
      %dma_wait3A_74 = arith.constant 0 : i32
      %dma_wait3A_75 = tpu.memref_slice %arg8[%dma_wait3A_73, %dma_wait3A_74] : memref<96x16xf32, #tpu.memory_space<vmem>> -> memref<64x16xf32, #tpu.memory_space<vmem>>
      tpu.wait_dma2 semaphore(%run_scoped3A : memref<!tpu.dma_semaphore, #tpu.memory_space<semaphore_mem>>) src(%dma_wait3A_75 : memref<64x16xf32, #tpu.memory_space<vmem>>) dst(%dma_wait3A_72 : memref<64x16xf32, #tpu.memory_space<vmem_shared>>)
      tpu.yield
    }) : () -> ()
    %mul3A_29 = arith.constant 640 : i32
    %mul3A_30 = arith.muli %arg1, %mul3A_29 : i32
    %add3A_31 = arith.constant 448 : i32
    %add3A_32 = arith.addi %mul3A_30, %add3A_31 : i32
    "tpu.region"() ({
      %run_scoped3A = tpu.sem_alloc : memref<!tpu.dma_semaphore, #tpu.memory_space<semaphore_mem>>
      %dma_start3A_57 = arith.constant 0 : i32
      %dma_start3A_58 = arith.constant 0 : i32
      %dma_start3A_59 = tpu.memref_slice %arg8[%dma_start3A_57, %dma_start3A_58] : memref<96x16xf32, #tpu.memory_space<vmem>> -> memref<64x16xf32, #tpu.memory_space<vmem>>
      %dma_start3A_60 = arith.constant 0 : i32
      %dma_start3A_61 = tpu.memref_slice %arg10[%add3A_32, %dma_start3A_60] : memref<10240x16xf32, #tpu.memory_space<vmem_shared>> -> memref<64x16xf32, #tpu.memory_space<vmem_shared>>
      %dma_start3A_62 = arith.constant 0 : i32
      %dma_start3A_63 = tpu.memref_slice %arg10[%add3A_32, %dma_start3A_62] : memref<10240x16xf32, #tpu.memory_space<vmem_shared>> -> memref<64x16xf32, #tpu.memory_space<vmem_shared>>
      %dma_start3A_64 = arith.constant 0 : i32
      %dma_start3A_65 = arith.constant 0 : i32
      %dma_start3A_66 = tpu.memref_slice %arg8[%dma_start3A_64, %dma_start3A_65] : memref<96x16xf32, #tpu.memory_space<vmem>> -> memref<64x16xf32, #tpu.memory_space<vmem>>
      tpu.enqueue_dma source(%dma_start3A_66 : memref<64x16xf32, #tpu.memory_space<vmem>>) target(%dma_start3A_63 : memref<64x16xf32, #tpu.memory_space<vmem_shared>>) target_semaphore(%run_scoped3A : memref<!tpu.dma_semaphore, #tpu.memory_space<semaphore_mem>>)
      %dma_wait3A = arith.constant 0 : i32
      %dma_wait3A_67 = arith.constant 0 : i32
      %dma_wait3A_68 = tpu.memref_slice %arg8[%dma_wait3A, %dma_wait3A_67] : memref<96x16xf32, #tpu.memory_space<vmem>> -> memref<64x16xf32, #tpu.memory_space<vmem>>
      %dma_wait3A_69 = arith.constant 0 : i32
      %dma_wait3A_70 = tpu.memref_slice %arg10[%add3A_32, %dma_wait3A_69] : memref<10240x16xf32, #tpu.memory_space<vmem_shared>> -> memref<64x16xf32, #tpu.memory_space<vmem_shared>>
      %dma_wait3A_71 = arith.constant 0 : i32
      %dma_wait3A_72 = tpu.memref_slice %arg10[%add3A_32, %dma_wait3A_71] : memref<10240x16xf32, #tpu.memory_space<vmem_shared>> -> memref<64x16xf32, #tpu.memory_space<vmem_shared>>
      %dma_wait3A_73 = arith.constant 0 : i32
      %dma_wait3A_74 = arith.constant 0 : i32
      %dma_wait3A_75 = tpu.memref_slice %arg8[%dma_wait3A_73, %dma_wait3A_74] : memref<96x16xf32, #tpu.memory_space<vmem>> -> memref<64x16xf32, #tpu.memory_space<vmem>>
      tpu.wait_dma2 semaphore(%run_scoped3A : memref<!tpu.dma_semaphore, #tpu.memory_space<semaphore_mem>>) src(%dma_wait3A_75 : memref<64x16xf32, #tpu.memory_space<vmem>>) dst(%dma_wait3A_72 : memref<64x16xf32, #tpu.memory_space<vmem_shared>>)
      tpu.yield
    }) : () -> ()
    %mul3A_33 = arith.constant 640 : i32
    %mul3A_34 = arith.muli %arg1, %mul3A_33 : i32
    %add3A_35 = arith.constant 512 : i32
    %add3A_36 = arith.addi %mul3A_34, %add3A_35 : i32
    "tpu.region"() ({
      %run_scoped3A = tpu.sem_alloc : memref<!tpu.dma_semaphore, #tpu.memory_space<semaphore_mem>>
      %dma_start3A_57 = arith.constant 0 : i32
      %dma_start3A_58 = arith.constant 0 : i32
      %dma_start3A_59 = tpu.memref_slice %arg8[%dma_start3A_57, %dma_start3A_58] : memref<96x16xf32, #tpu.memory_space<vmem>> -> memref<64x16xf32, #tpu.memory_space<vmem>>
      %dma_start3A_60 = arith.constant 0 : i32
      %dma_start3A_61 = tpu.memref_slice %arg10[%add3A_36, %dma_start3A_60] : memref<10240x16xf32, #tpu.memory_space<vmem_shared>> -> memref<64x16xf32, #tpu.memory_space<vmem_shared>>
      %dma_start3A_62 = arith.constant 0 : i32
      %dma_start3A_63 = tpu.memref_slice %arg10[%add3A_36, %dma_start3A_62] : memref<10240x16xf32, #tpu.memory_space<vmem_shared>> -> memref<64x16xf32, #tpu.memory_space<vmem_shared>>
      %dma_start3A_64 = arith.constant 0 : i32
      %dma_start3A_65 = arith.constant 0 : i32
      %dma_start3A_66 = tpu.memref_slice %arg8[%dma_start3A_64, %dma_start3A_65] : memref<96x16xf32, #tpu.memory_space<vmem>> -> memref<64x16xf32, #tpu.memory_space<vmem>>
      tpu.enqueue_dma source(%dma_start3A_66 : memref<64x16xf32, #tpu.memory_space<vmem>>) target(%dma_start3A_63 : memref<64x16xf32, #tpu.memory_space<vmem_shared>>) target_semaphore(%run_scoped3A : memref<!tpu.dma_semaphore, #tpu.memory_space<semaphore_mem>>)
      %dma_wait3A = arith.constant 0 : i32
      %dma_wait3A_67 = arith.constant 0 : i32
      %dma_wait3A_68 = tpu.memref_slice %arg8[%dma_wait3A, %dma_wait3A_67] : memref<96x16xf32, #tpu.memory_space<vmem>> -> memref<64x16xf32, #tpu.memory_space<vmem>>
      %dma_wait3A_69 = arith.constant 0 : i32
      %dma_wait3A_70 = tpu.memref_slice %arg10[%add3A_36, %dma_wait3A_69] : memref<10240x16xf32, #tpu.memory_space<vmem_shared>> -> memref<64x16xf32, #tpu.memory_space<vmem_shared>>
      %dma_wait3A_71 = arith.constant 0 : i32
      %dma_wait3A_72 = tpu.memref_slice %arg10[%add3A_36, %dma_wait3A_71] : memref<10240x16xf32, #tpu.memory_space<vmem_shared>> -> memref<64x16xf32, #tpu.memory_space<vmem_shared>>
      %dma_wait3A_73 = arith.constant 0 : i32
      %dma_wait3A_74 = arith.constant 0 : i32
      %dma_wait3A_75 = tpu.memref_slice %arg8[%dma_wait3A_73, %dma_wait3A_74] : memref<96x16xf32, #tpu.memory_space<vmem>> -> memref<64x16xf32, #tpu.memory_space<vmem>>
      tpu.wait_dma2 semaphore(%run_scoped3A : memref<!tpu.dma_semaphore, #tpu.memory_space<semaphore_mem>>) src(%dma_wait3A_75 : memref<64x16xf32, #tpu.memory_space<vmem>>) dst(%dma_wait3A_72 : memref<64x16xf32, #tpu.memory_space<vmem_shared>>)
      tpu.yield
    }) : () -> ()
    %mul3A_37 = arith.constant 640 : i32
    %mul3A_38 = arith.muli %arg1, %mul3A_37 : i32
    %add3A_39 = arith.constant 576 : i32
    %add3A_40 = arith.addi %mul3A_38, %add3A_39 : i32
    "tpu.region"() ({
      %run_scoped3A = tpu.sem_alloc : memref<!tpu.dma_semaphore, #tpu.memory_space<semaphore_mem>>
      %dma_start3A_57 = arith.constant 0 : i32
      %dma_start3A_58 = arith.constant 0 : i32
      %dma_start3A_59 = tpu.memref_slice %arg8[%dma_start3A_57, %dma_start3A_58] : memref<96x16xf32, #tpu.memory_space<vmem>> -> memref<64x16xf32, #tpu.memory_space<vmem>>
      %dma_start3A_60 = arith.constant 0 : i32
      %dma_start3A_61 = tpu.memref_slice %arg10[%add3A_40, %dma_start3A_60] : memref<10240x16xf32, #tpu.memory_space<vmem_shared>> -> memref<64x16xf32, #tpu.memory_space<vmem_shared>>
      %dma_start3A_62 = arith.constant 0 : i32
      %dma_start3A_63 = tpu.memref_slice %arg10[%add3A_40, %dma_start3A_62] : memref<10240x16xf32, #tpu.memory_space<vmem_shared>> -> memref<64x16xf32, #tpu.memory_space<vmem_shared>>
      %dma_start3A_64 = arith.constant 0 : i32
      %dma_start3A_65 = arith.constant 0 : i32
      %dma_start3A_66 = tpu.memref_slice %arg8[%dma_start3A_64, %dma_start3A_65] : memref<96x16xf32, #tpu.memory_space<vmem>> -> memref<64x16xf32, #tpu.memory_space<vmem>>
      tpu.enqueue_dma source(%dma_start3A_66 : memref<64x16xf32, #tpu.memory_space<vmem>>) target(%dma_start3A_63 : memref<64x16xf32, #tpu.memory_space<vmem_shared>>) target_semaphore(%run_scoped3A : memref<!tpu.dma_semaphore, #tpu.memory_space<semaphore_mem>>)
      %dma_wait3A = arith.constant 0 : i32
      %dma_wait3A_67 = arith.constant 0 : i32
      %dma_wait3A_68 = tpu.memref_slice %arg8[%dma_wait3A, %dma_wait3A_67] : memref<96x16xf32, #tpu.memory_space<vmem>> -> memref<64x16xf32, #tpu.memory_space<vmem>>
      %dma_wait3A_69 = arith.constant 0 : i32
      %dma_wait3A_70 = tpu.memref_slice %arg10[%add3A_40, %dma_wait3A_69] : memref<10240x16xf32, #tpu.memory_space<vmem_shared>> -> memref<64x16xf32, #tpu.memory_space<vmem_shared>>
      %dma_wait3A_71 = arith.constant 0 : i32
      %dma_wait3A_72 = tpu.memref_slice %arg10[%add3A_40, %dma_wait3A_71] : memref<10240x16xf32, #tpu.memory_space<vmem_shared>> -> memref<64x16xf32, #tpu.memory_space<vmem_shared>>
      %dma_wait3A_73 = arith.constant 0 : i32
      %dma_wait3A_74 = arith.constant 0 : i32
      %dma_wait3A_75 = tpu.memref_slice %arg8[%dma_wait3A_73, %dma_wait3A_74] : memref<96x16xf32, #tpu.memory_space<vmem>> -> memref<64x16xf32, #tpu.memory_space<vmem>>
      tpu.wait_dma2 semaphore(%run_scoped3A : memref<!tpu.dma_semaphore, #tpu.memory_space<semaphore_mem>>) src(%dma_wait3A_75 : memref<64x16xf32, #tpu.memory_space<vmem>>) dst(%dma_wait3A_72 : memref<64x16xf32, #tpu.memory_space<vmem_shared>>)
      tpu.yield
    }) : () -> ()
    %barrier3A = arith.constant 0 : index
    tpu.barrier barrier_id(%barrier3A)
    %dma_start3A = arith.constant 0 : i32
    %dma_start3A_41 = arith.constant 0 : i32
    %dma_start3A_42 = tpu.memref_slice %arg6[%dma_start3A, %dma_start3A_41] : memref<106x96xi32, #tpu.memory_space<vmem>> -> memref<1x96xi32, #tpu.memory_space<vmem>>
    %dma_start3A_43 = tpu.memref_squeeze %dma_start3A_42 : memref<1x96xi32, #tpu.memory_space<vmem>> -> memref<96xi32, #tpu.memory_space<vmem>>
    %dma_start3A_44 = arith.constant 0 : i32
    %dma_start3A_45 = arith.constant 0 : i32
    %dma_start3A_46 = tpu.memref_slice %arg2[%dma_start3A_44, %dma_start3A_45] : memref<10240x16xf32, #tpu.memory_space<hbm>> -> memref<10240x16xf32, #tpu.memory_space<hbm>>
    tpu.enqueue_indirect_dma source(%dma_start3A_46 : memref<10240x16xf32, #tpu.memory_space<hbm>>) target(%arg8 : memref<96x16xf32, #tpu.memory_space<vmem>>) offsets(%dma_start3A_43 : memref<96xi32, #tpu.memory_space<vmem>>) semaphore(%arg11 : memref<!tpu.dma_semaphore, #tpu.memory_space<semaphore_mem>>)
    %scan3A = arith.constant 0 : i32
    %scan3A_47 = arith.constant 0 : i32
    %scan3A_48 = arith.constant 53 : i32
    %scan3A_49 = arith.addi %scan3A_47, %scan3A_48 : i32
    %scan3A_50 = arith.constant 1 : i32
    scf.for %scan3A_57 = %scan3A_47 to %scan3A_49 step %scan3A_50  : i32 {
      %mul3A_58 = arith.constant 2 : i32
      %mul3A_59 = arith.muli %scan3A_57, %mul3A_58 : i32
      %dma_wait3A = arith.constant 0 : i32
      %dma_wait3A_60 = tpu.memref_slice %arg6[%mul3A_59, %dma_wait3A] : memref<106x96xi32, #tpu.memory_space<vmem>> -> memref<1x96xi32, #tpu.memory_space<vmem>>
      %dma_wait3A_61 = tpu.memref_squeeze %dma_wait3A_60 : memref<1x96xi32, #tpu.memory_space<vmem>> -> memref<96xi32, #tpu.memory_space<vmem>>
      %dma_wait3A_62 = arith.constant 0 : i32
      %dma_wait3A_63 = arith.constant 0 : i32
      %dma_wait3A_64 = tpu.memref_slice %arg2[%dma_wait3A_62, %dma_wait3A_63] : memref<10240x16xf32, #tpu.memory_space<hbm>> -> memref<10240x16xf32, #tpu.memory_space<hbm>>
      tpu.wait_indirect_dma semaphore(%arg11 : memref<!tpu.dma_semaphore, #tpu.memory_space<semaphore_mem>>) src(%dma_wait3A_64 : memref<10240x16xf32, #tpu.memory_space<hbm>>) dst(%arg8 : memref<96x16xf32, #tpu.memory_space<vmem>>)
      %add3A_65 = arith.constant 1 : i32
      %add3A_66 = arith.addi %mul3A_59, %add3A_65 : i32
      %dma_start3A_67 = arith.constant 0 : i32
      %dma_start3A_68 = tpu.memref_slice %arg6[%add3A_66, %dma_start3A_67] : memref<106x96xi32, #tpu.memory_space<vmem>> -> memref<1x96xi32, #tpu.memory_space<vmem>>
      %dma_start3A_69 = tpu.memref_squeeze %dma_start3A_68 : memref<1x96xi32, #tpu.memory_space<vmem>> -> memref<96xi32, #tpu.memory_space<vmem>>
      %dma_start3A_70 = arith.constant 0 : i32
      %dma_start3A_71 = arith.constant 0 : i32
      %dma_start3A_72 = tpu.memref_slice %arg2[%dma_start3A_70, %dma_start3A_71] : memref<10240x16xf32, #tpu.memory_space<hbm>> -> memref<10240x16xf32, #tpu.memory_space<hbm>>
      tpu.enqueue_indirect_dma source(%dma_start3A_72 : memref<10240x16xf32, #tpu.memory_space<hbm>>) target(%arg9 : memref<96x16xf32, #tpu.memory_space<vmem>>) offsets(%dma_start3A_69 : memref<96xi32, #tpu.memory_space<vmem>>) semaphore(%arg12 : memref<!tpu.dma_semaphore, #tpu.memory_space<semaphore_mem>>)
      "tpu.region"() ({
        %run_scoped3A = tpu.sem_alloc : memref<!tpu.dma_semaphore, #tpu.memory_space<semaphore_mem>>
        %dma_start3A_87 = arith.constant 0 : i32
        %dma_start3A_88 = tpu.memref_slice %arg7[%mul3A_59, %dma_start3A_87] : memref<106x96xi32, #tpu.memory_space<vmem>> -> memref<1x96xi32, #tpu.memory_space<vmem>>
        %dma_start3A_89 = tpu.memref_squeeze %dma_start3A_88 : memref<1x96xi32, #tpu.memory_space<vmem>> -> memref<96xi32, #tpu.memory_space<vmem>>
        %dma_start3A_90 = arith.constant 0 : i32
        %dma_start3A_91 = arith.constant 0 : i32
        %dma_start3A_92 = tpu.memref_slice %arg10[%dma_start3A_90, %dma_start3A_91] : memref<10240x16xf32, #tpu.memory_space<vmem_shared>> -> memref<10240x16xf32, #tpu.memory_space<vmem_shared>>
        tpu.enqueue_indirect_dma source(%arg8 : memref<96x16xf32, #tpu.memory_space<vmem>>) target(%dma_start3A_92 : memref<10240x16xf32, #tpu.memory_space<vmem_shared>>) offsets(%dma_start3A_89 : memref<96xi32, #tpu.memory_space<vmem>>) semaphore(%run_scoped3A : memref<!tpu.dma_semaphore, #tpu.memory_space<semaphore_mem>>) {add = true}
        %dma_wait3A_93 = arith.constant 0 : i32
        %dma_wait3A_94 = tpu.memref_slice %arg7[%mul3A_59, %dma_wait3A_93] : memref<106x96xi32, #tpu.memory_space<vmem>> -> memref<1x96xi32, #tpu.memory_space<vmem>>
        %dma_wait3A_95 = tpu.memref_squeeze %dma_wait3A_94 : memref<1x96xi32, #tpu.memory_space<vmem>> -> memref<96xi32, #tpu.memory_space<vmem>>
        %dma_wait3A_96 = arith.constant 0 : i32
        %dma_wait3A_97 = arith.constant 0 : i32
        %dma_wait3A_98 = tpu.memref_slice %arg10[%dma_wait3A_96, %dma_wait3A_97] : memref<10240x16xf32, #tpu.memory_space<vmem_shared>> -> memref<10240x16xf32, #tpu.memory_space<vmem_shared>>
        tpu.wait_indirect_dma semaphore(%run_scoped3A : memref<!tpu.dma_semaphore, #tpu.memory_space<semaphore_mem>>) src(%arg8 : memref<96x16xf32, #tpu.memory_space<vmem>>) dst(%dma_wait3A_98 : memref<10240x16xf32, #tpu.memory_space<vmem_shared>>)
        tpu.yield
      }) : () -> ()
      %add3A_73 = arith.constant 1 : i32
      %add3A_74 = arith.addi %mul3A_59, %add3A_73 : i32
      %dma_wait3A_75 = arith.constant 0 : i32
      %dma_wait3A_76 = tpu.memref_slice %arg6[%add3A_74, %dma_wait3A_75] : memref<106x96xi32, #tpu.memory_space<vmem>> -> memref<1x96xi32, #tpu.memory_space<vmem>>
      %dma_wait3A_77 = tpu.memref_squeeze %dma_wait3A_76 : memref<1x96xi32, #tpu.memory_space<vmem>> -> memref<96xi32, #tpu.memory_space<vmem>>
      %dma_wait3A_78 = arith.constant 0 : i32
      %dma_wait3A_79 = arith.constant 0 : i32
      %dma_wait3A_80 = tpu.memref_slice %arg2[%dma_wait3A_78, %dma_wait3A_79] : memref<10240x16xf32, #tpu.memory_space<hbm>> -> memref<10240x16xf32, #tpu.memory_space<hbm>>
      tpu.wait_indirect_dma semaphore(%arg12 : memref<!tpu.dma_semaphore, #tpu.memory_space<semaphore_mem>>) src(%dma_wait3A_80 : memref<10240x16xf32, #tpu.memory_space<hbm>>) dst(%arg9 : memref<96x16xf32, #tpu.memory_space<vmem>>)
      %add3A_81 = arith.constant 2 : i32
      %add3A_82 = arith.addi %mul3A_59, %add3A_81 : i32
      %lt3A = arith.constant 106 : i32
      %lt3A_83 = arith.cmpi slt, %add3A_82, %lt3A : i32
      %convert_element_type3A = arith.extui %lt3A_83 : i1 to i32
      %cond3A = arith.constant 0 : i32
      %cond3A_84 = arith.cmpi ne, %convert_element_type3A, %cond3A : i32
      scf.if %cond3A_84 {
        %add3A_87 = arith.constant 2 : i32
        %add3A_88 = arith.addi %mul3A_59, %add3A_87 : i32
        %dma_start3A_89 = arith.constant 0 : i32
        %dma_start3A_90 = tpu.memref_slice %arg6[%add3A_88, %dma_start3A_89] : memref<106x96xi32, #tpu.memory_space<vmem>> -> memref<1x96xi32, #tpu.memory_space<vmem>>
        %dma_start3A_91 = tpu.memref_squeeze %dma_start3A_90 : memref<1x96xi32, #tpu.memory_space<vmem>> -> memref<96xi32, #tpu.memory_space<vmem>>
        %dma_start3A_92 = arith.constant 0 : i32
        %dma_start3A_93 = arith.constant 0 : i32
        %dma_start3A_94 = tpu.memref_slice %arg2[%dma_start3A_92, %dma_start3A_93] : memref<10240x16xf32, #tpu.memory_space<hbm>> -> memref<10240x16xf32, #tpu.memory_space<hbm>>
        tpu.enqueue_indirect_dma source(%dma_start3A_94 : memref<10240x16xf32, #tpu.memory_space<hbm>>) target(%arg8 : memref<96x16xf32, #tpu.memory_space<vmem>>) offsets(%dma_start3A_91 : memref<96xi32, #tpu.memory_space<vmem>>) semaphore(%arg11 : memref<!tpu.dma_semaphore, #tpu.memory_space<semaphore_mem>>)
      } else {
      }
      %add3A_85 = arith.constant 1 : i32
      %add3A_86 = arith.addi %mul3A_59, %add3A_85 : i32
      "tpu.region"() ({
        %run_scoped3A = tpu.sem_alloc : memref<!tpu.dma_semaphore, #tpu.memory_space<semaphore_mem>>
        %dma_start3A_87 = arith.constant 0 : i32
        %dma_start3A_88 = tpu.memref_slice %arg7[%add3A_86, %dma_start3A_87] : memref<106x96xi32, #tpu.memory_space<vmem>> -> memref<1x96xi32, #tpu.memory_space<vmem>>
        %dma_start3A_89 = tpu.memref_squeeze %dma_start3A_88 : memref<1x96xi32, #tpu.memory_space<vmem>> -> memref<96xi32, #tpu.memory_space<vmem>>
        %dma_start3A_90 = arith.constant 0 : i32
        %dma_start3A_91 = arith.constant 0 : i32
        %dma_start3A_92 = tpu.memref_slice %arg10[%dma_start3A_90, %dma_start3A_91] : memref<10240x16xf32, #tpu.memory_space<vmem_shared>> -> memref<10240x16xf32, #tpu.memory_space<vmem_shared>>
        tpu.enqueue_indirect_dma source(%arg9 : memref<96x16xf32, #tpu.memory_space<vmem>>) target(%dma_start3A_92 : memref<10240x16xf32, #tpu.memory_space<vmem_shared>>) offsets(%dma_start3A_89 : memref<96xi32, #tpu.memory_space<vmem>>) semaphore(%run_scoped3A : memref<!tpu.dma_semaphore, #tpu.memory_space<semaphore_mem>>) {add = true}
        %dma_wait3A_93 = arith.constant 0 : i32
        %dma_wait3A_94 = tpu.memref_slice %arg7[%add3A_86, %dma_wait3A_93] : memref<106x96xi32, #tpu.memory_space<vmem>> -> memref<1x96xi32, #tpu.memory_space<vmem>>
        %dma_wait3A_95 = tpu.memref_squeeze %dma_wait3A_94 : memref<1x96xi32, #tpu.memory_space<vmem>> -> memref<96xi32, #tpu.memory_space<vmem>>
        %dma_wait3A_96 = arith.constant 0 : i32
        %dma_wait3A_97 = arith.constant 0 : i32
        %dma_wait3A_98 = tpu.memref_slice %arg10[%dma_wait3A_96, %dma_wait3A_97] : memref<10240x16xf32, #tpu.memory_space<vmem_shared>> -> memref<10240x16xf32, #tpu.memory_space<vmem_shared>>
        tpu.wait_indirect_dma semaphore(%run_scoped3A : memref<!tpu.dma_semaphore, #tpu.memory_space<semaphore_mem>>) src(%arg9 : memref<96x16xf32, #tpu.memory_space<vmem>>) dst(%dma_wait3A_98 : memref<10240x16xf32, #tpu.memory_space<vmem_shared>>)
        tpu.yield
      }) : () -> ()
    }
    %scan3A_51 = arith.constant 53 : i32
    %barrier3A_52 = arith.constant 0 : index
    tpu.barrier barrier_id(%barrier3A_52)
    %mul3A_53 = arith.constant 640 : i32
    %mul3A_54 = arith.muli %arg1, %mul3A_53 : i32
    %mul3A_55 = arith.constant 640 : i32
    %mul3A_56 = arith.muli %arg1, %mul3A_55 : i32
    "tpu.region"() ({
      %run_scoped3A = tpu.sem_alloc : memref<!tpu.dma_semaphore, #tpu.memory_space<semaphore_mem>>
      %dma_start3A_57 = arith.constant 0 : i32
      %dma_start3A_58 = tpu.memref_slice %arg5[%arg0, %mul3A_56, %dma_start3A_57] : memref<2x10240x16xf32, #tpu.memory_space<hbm>> -> memref<1x640x16xf32, #tpu.memory_space<hbm>>
      %dma_start3A_59 = tpu.memref_squeeze %dma_start3A_58 : memref<1x640x16xf32, #tpu.memory_space<hbm>> -> memref<640x16xf32, #tpu.memory_space<hbm>>
      %dma_start3A_60 = arith.constant 0 : i32
      %dma_start3A_61 = tpu.memref_slice %arg10[%mul3A_54, %dma_start3A_60] : memref<10240x16xf32, #tpu.memory_space<vmem_shared>> -> memref<640x16xf32, #tpu.memory_space<vmem_shared>>
      tpu.enqueue_dma source(%dma_start3A_61 : memref<640x16xf32, #tpu.memory_space<vmem_shared>>) target(%dma_start3A_59 : memref<640x16xf32, #tpu.memory_space<hbm>>) target_semaphore(%run_scoped3A : memref<!tpu.dma_semaphore, #tpu.memory_space<semaphore_mem>>)
      %dma_wait3A = arith.constant 0 : i32
      %dma_wait3A_62 = tpu.memref_slice %arg5[%arg0, %mul3A_56, %dma_wait3A] : memref<2x10240x16xf32, #tpu.memory_space<hbm>> -> memref<1x640x16xf32, #tpu.memory_space<hbm>>
      %dma_wait3A_63 = tpu.memref_squeeze %dma_wait3A_62 : memref<1x640x16xf32, #tpu.memory_space<hbm>> -> memref<640x16xf32, #tpu.memory_space<hbm>>
      %dma_wait3A_64 = arith.constant 0 : i32
      %dma_wait3A_65 = tpu.memref_slice %arg10[%mul3A_54, %dma_wait3A_64] : memref<10240x16xf32, #tpu.memory_space<vmem_shared>> -> memref<640x16xf32, #tpu.memory_space<vmem_shared>>
      tpu.wait_dma2 semaphore(%run_scoped3A : memref<!tpu.dma_semaphore, #tpu.memory_space<semaphore_mem>>) src(%dma_wait3A_65 : memref<640x16xf32, #tpu.memory_space<vmem_shared>>) dst(%dma_wait3A_63 : memref<640x16xf32, #tpu.memory_space<hbm>>)
      tpu.yield
    }) : () -> ()
    return
  }
}

#map = affine_map<(d0, d1) -> (0, 0)>
#map1 = affine_map<(d0, d1) -> (0, 0, 0)>
module attributes {stable_mosaic.version = 14 : i64} {
  func.func @_sc_scatter_body(%arg0: i32, %arg1: i32, %arg2: memref<10240x128xf32, #tpu.memory_space<hbm>>, %arg3: memref<32x106x96xi32, #tpu.memory_space<hbm>>, %arg4: memref<32x106x96xi32, #tpu.memory_space<hbm>>, %arg5: memref<2x10240x128xf32, #tpu.memory_space<hbm>>, %arg6: memref<106x96xi32, #tpu.memory_space<vmem>>, %arg7: memref<106x96xi32, #tpu.memory_space<vmem>>, %arg8: memref<96x128xf32, #tpu.memory_space<vmem>>, %arg9: memref<96x128xf32, #tpu.memory_space<vmem>>, %arg10: memref<10240x128xf32, #tpu.memory_space<vmem_shared>>, %arg11: memref<!tpu.dma_semaphore, #tpu.memory_space<semaphore_mem>>, %arg12: memref<!tpu.dma_semaphore, #tpu.memory_space<semaphore_mem>>) attributes {dimension_semantics = [#tpu.dimension_semantics<core_parallel>, #tpu.dimension_semantics<subcore_parallel>], iteration_bounds = array<i64: 2, 16>, scalar_prefetch = 0 : i64, scratch_operands = 7 : i64, tpu.core_type = #tpu.core_type<sc_vector_subcore>, window_params = [{transform_indices = #map}, {transform_indices = #map1}, {transform_indices = #map1}, {transform_indices = #map1}]} {
    %mul3A = arith.constant 2 : i32
    %mul3A_0 = arith.muli %arg1, %mul3A : i32
    %add3A = arith.addi %mul3A_0, %arg0 : i32
    "tpu.region"() ({
      %run_scoped3A = tpu.sem_alloc : memref<!tpu.dma_semaphore, #tpu.memory_space<semaphore_mem>>
      %dma_start3A_57 = arith.constant 0 : i32
      %dma_start3A_58 = arith.constant 0 : i32
      %dma_start3A_59 = tpu.memref_slice %arg3[%add3A, %dma_start3A_57, %dma_start3A_58] : memref<32x106x96xi32, #tpu.memory_space<hbm>> -> memref<1x106x96xi32, #tpu.memory_space<hbm>>
      %dma_start3A_60 = tpu.memref_squeeze %dma_start3A_59 : memref<1x106x96xi32, #tpu.memory_space<hbm>> -> memref<106x96xi32, #tpu.memory_space<hbm>>
      %dma_start3A_61 = arith.constant 0 : i32
      %dma_start3A_62 = arith.constant 0 : i32
      %dma_start3A_63 = tpu.memref_slice %arg3[%add3A, %dma_start3A_61, %dma_start3A_62] : memref<32x106x96xi32, #tpu.memory_space<hbm>> -> memref<1x106x96xi32, #tpu.memory_space<hbm>>
      %dma_start3A_64 = tpu.memref_squeeze %dma_start3A_63 : memref<1x106x96xi32, #tpu.memory_space<hbm>> -> memref<106x96xi32, #tpu.memory_space<hbm>>
      tpu.enqueue_dma source(%dma_start3A_64 : memref<106x96xi32, #tpu.memory_space<hbm>>) target(%arg6 : memref<106x96xi32, #tpu.memory_space<vmem>>) target_semaphore(%run_scoped3A : memref<!tpu.dma_semaphore, #tpu.memory_space<semaphore_mem>>)
      %dma_wait3A = arith.constant 0 : i32
      %dma_wait3A_65 = arith.constant 0 : i32
      %dma_wait3A_66 = tpu.memref_slice %arg3[%add3A, %dma_wait3A, %dma_wait3A_65] : memref<32x106x96xi32, #tpu.memory_space<hbm>> -> memref<1x106x96xi32, #tpu.memory_space<hbm>>
      %dma_wait3A_67 = tpu.memref_squeeze %dma_wait3A_66 : memref<1x106x96xi32, #tpu.memory_space<hbm>> -> memref<106x96xi32, #tpu.memory_space<hbm>>
      %dma_wait3A_68 = arith.constant 0 : i32
      %dma_wait3A_69 = arith.constant 0 : i32
      %dma_wait3A_70 = tpu.memref_slice %arg3[%add3A, %dma_wait3A_68, %dma_wait3A_69] : memref<32x106x96xi32, #tpu.memory_space<hbm>> -> memref<1x106x96xi32, #tpu.memory_space<hbm>>
      %dma_wait3A_71 = tpu.memref_squeeze %dma_wait3A_70 : memref<1x106x96xi32, #tpu.memory_space<hbm>> -> memref<106x96xi32, #tpu.memory_space<hbm>>
      tpu.wait_dma2 semaphore(%run_scoped3A : memref<!tpu.dma_semaphore, #tpu.memory_space<semaphore_mem>>) src(%dma_wait3A_71 : memref<106x96xi32, #tpu.memory_space<hbm>>) dst(%arg6 : memref<106x96xi32, #tpu.memory_space<vmem>>)
      tpu.yield
    }) : () -> ()
    "tpu.region"() ({
      %run_scoped3A = tpu.sem_alloc : memref<!tpu.dma_semaphore, #tpu.memory_space<semaphore_mem>>
      %dma_start3A_57 = arith.constant 0 : i32
      %dma_start3A_58 = arith.constant 0 : i32
      %dma_start3A_59 = tpu.memref_slice %arg4[%add3A, %dma_start3A_57, %dma_start3A_58] : memref<32x106x96xi32, #tpu.memory_space<hbm>> -> memref<1x106x96xi32, #tpu.memory_space<hbm>>
      %dma_start3A_60 = tpu.memref_squeeze %dma_start3A_59 : memref<1x106x96xi32, #tpu.memory_space<hbm>> -> memref<106x96xi32, #tpu.memory_space<hbm>>
      %dma_start3A_61 = arith.constant 0 : i32
      %dma_start3A_62 = arith.constant 0 : i32
      %dma_start3A_63 = tpu.memref_slice %arg4[%add3A, %dma_start3A_61, %dma_start3A_62] : memref<32x106x96xi32, #tpu.memory_space<hbm>> -> memref<1x106x96xi32, #tpu.memory_space<hbm>>
      %dma_start3A_64 = tpu.memref_squeeze %dma_start3A_63 : memref<1x106x96xi32, #tpu.memory_space<hbm>> -> memref<106x96xi32, #tpu.memory_space<hbm>>
      tpu.enqueue_dma source(%dma_start3A_64 : memref<106x96xi32, #tpu.memory_space<hbm>>) target(%arg7 : memref<106x96xi32, #tpu.memory_space<vmem>>) target_semaphore(%run_scoped3A : memref<!tpu.dma_semaphore, #tpu.memory_space<semaphore_mem>>)
      %dma_wait3A = arith.constant 0 : i32
      %dma_wait3A_65 = arith.constant 0 : i32
      %dma_wait3A_66 = tpu.memref_slice %arg4[%add3A, %dma_wait3A, %dma_wait3A_65] : memref<32x106x96xi32, #tpu.memory_space<hbm>> -> memref<1x106x96xi32, #tpu.memory_space<hbm>>
      %dma_wait3A_67 = tpu.memref_squeeze %dma_wait3A_66 : memref<1x106x96xi32, #tpu.memory_space<hbm>> -> memref<106x96xi32, #tpu.memory_space<hbm>>
      %dma_wait3A_68 = arith.constant 0 : i32
      %dma_wait3A_69 = arith.constant 0 : i32
      %dma_wait3A_70 = tpu.memref_slice %arg4[%add3A, %dma_wait3A_68, %dma_wait3A_69] : memref<32x106x96xi32, #tpu.memory_space<hbm>> -> memref<1x106x96xi32, #tpu.memory_space<hbm>>
      %dma_wait3A_71 = tpu.memref_squeeze %dma_wait3A_70 : memref<1x106x96xi32, #tpu.memory_space<hbm>> -> memref<106x96xi32, #tpu.memory_space<hbm>>
      tpu.wait_dma2 semaphore(%run_scoped3A : memref<!tpu.dma_semaphore, #tpu.memory_space<semaphore_mem>>) src(%dma_wait3A_71 : memref<106x96xi32, #tpu.memory_space<hbm>>) dst(%arg7 : memref<106x96xi32, #tpu.memory_space<vmem>>)
      tpu.yield
    }) : () -> ()
    "tpu.region"() ({
      %run_scoped3A = tpu.sem_alloc : memref<!tpu.dma_semaphore, #tpu.memory_space<semaphore_mem>>
      %dma_start3A_57 = arith.constant 0 : i32
      %dma_start3A_58 = arith.constant 0 : i32
      %dma_start3A_59 = tpu.memref_slice %arg8[%dma_start3A_57, %dma_start3A_58] : memref<96x128xf32, #tpu.memory_space<vmem>> -> memref<64x128xf32, #tpu.memory_space<vmem>>
      %dma_start3A_60 = arith.constant 10176 : i32
      %dma_start3A_61 = arith.constant 0 : i32
      %dma_start3A_62 = tpu.memref_slice %arg2[%dma_start3A_60, %dma_start3A_61] : memref<10240x128xf32, #tpu.memory_space<hbm>> -> memref<64x128xf32, #tpu.memory_space<hbm>>
      %dma_start3A_63 = arith.constant 0 : i32
      %dma_start3A_64 = arith.constant 0 : i32
      %dma_start3A_65 = tpu.memref_slice %arg8[%dma_start3A_63, %dma_start3A_64] : memref<96x128xf32, #tpu.memory_space<vmem>> -> memref<64x128xf32, #tpu.memory_space<vmem>>
      %dma_start3A_66 = arith.constant 10176 : i32
      %dma_start3A_67 = arith.constant 0 : i32
      %dma_start3A_68 = tpu.memref_slice %arg2[%dma_start3A_66, %dma_start3A_67] : memref<10240x128xf32, #tpu.memory_space<hbm>> -> memref<64x128xf32, #tpu.memory_space<hbm>>
      tpu.enqueue_dma source(%dma_start3A_68 : memref<64x128xf32, #tpu.memory_space<hbm>>) target(%dma_start3A_65 : memref<64x128xf32, #tpu.memory_space<vmem>>) target_semaphore(%run_scoped3A : memref<!tpu.dma_semaphore, #tpu.memory_space<semaphore_mem>>)
      %dma_wait3A = arith.constant 0 : i32
      %dma_wait3A_69 = arith.constant 0 : i32
      %dma_wait3A_70 = tpu.memref_slice %arg8[%dma_wait3A, %dma_wait3A_69] : memref<96x128xf32, #tpu.memory_space<vmem>> -> memref<64x128xf32, #tpu.memory_space<vmem>>
      %dma_wait3A_71 = arith.constant 10176 : i32
      %dma_wait3A_72 = arith.constant 0 : i32
      %dma_wait3A_73 = tpu.memref_slice %arg2[%dma_wait3A_71, %dma_wait3A_72] : memref<10240x128xf32, #tpu.memory_space<hbm>> -> memref<64x128xf32, #tpu.memory_space<hbm>>
      %dma_wait3A_74 = arith.constant 0 : i32
      %dma_wait3A_75 = arith.constant 0 : i32
      %dma_wait3A_76 = tpu.memref_slice %arg8[%dma_wait3A_74, %dma_wait3A_75] : memref<96x128xf32, #tpu.memory_space<vmem>> -> memref<64x128xf32, #tpu.memory_space<vmem>>
      %dma_wait3A_77 = arith.constant 10176 : i32
      %dma_wait3A_78 = arith.constant 0 : i32
      %dma_wait3A_79 = tpu.memref_slice %arg2[%dma_wait3A_77, %dma_wait3A_78] : memref<10240x128xf32, #tpu.memory_space<hbm>> -> memref<64x128xf32, #tpu.memory_space<hbm>>
      tpu.wait_dma2 semaphore(%run_scoped3A : memref<!tpu.dma_semaphore, #tpu.memory_space<semaphore_mem>>) src(%dma_wait3A_79 : memref<64x128xf32, #tpu.memory_space<hbm>>) dst(%dma_wait3A_76 : memref<64x128xf32, #tpu.memory_space<vmem>>)
      tpu.yield
    }) : () -> ()
    %mul3A_1 = arith.constant 640 : i32
    %mul3A_2 = arith.muli %arg1, %mul3A_1 : i32
    %add3A_3 = arith.constant 0 : i32
    %add3A_4 = arith.addi %mul3A_2, %add3A_3 : i32
    "tpu.region"() ({
      %run_scoped3A = tpu.sem_alloc : memref<!tpu.dma_semaphore, #tpu.memory_space<semaphore_mem>>
      %dma_start3A_57 = arith.constant 0 : i32
      %dma_start3A_58 = arith.constant 0 : i32
      %dma_start3A_59 = tpu.memref_slice %arg8[%dma_start3A_57, %dma_start3A_58] : memref<96x128xf32, #tpu.memory_space<vmem>> -> memref<64x128xf32, #tpu.memory_space<vmem>>
      %dma_start3A_60 = arith.constant 0 : i32
      %dma_start3A_61 = tpu.memref_slice %arg10[%add3A_4, %dma_start3A_60] : memref<10240x128xf32, #tpu.memory_space<vmem_shared>> -> memref<64x128xf32, #tpu.memory_space<vmem_shared>>
      %dma_start3A_62 = arith.constant 0 : i32
      %dma_start3A_63 = tpu.memref_slice %arg10[%add3A_4, %dma_start3A_62] : memref<10240x128xf32, #tpu.memory_space<vmem_shared>> -> memref<64x128xf32, #tpu.memory_space<vmem_shared>>
      %dma_start3A_64 = arith.constant 0 : i32
      %dma_start3A_65 = arith.constant 0 : i32
      %dma_start3A_66 = tpu.memref_slice %arg8[%dma_start3A_64, %dma_start3A_65] : memref<96x128xf32, #tpu.memory_space<vmem>> -> memref<64x128xf32, #tpu.memory_space<vmem>>
      tpu.enqueue_dma source(%dma_start3A_66 : memref<64x128xf32, #tpu.memory_space<vmem>>) target(%dma_start3A_63 : memref<64x128xf32, #tpu.memory_space<vmem_shared>>) target_semaphore(%run_scoped3A : memref<!tpu.dma_semaphore, #tpu.memory_space<semaphore_mem>>)
      %dma_wait3A = arith.constant 0 : i32
      %dma_wait3A_67 = arith.constant 0 : i32
      %dma_wait3A_68 = tpu.memref_slice %arg8[%dma_wait3A, %dma_wait3A_67] : memref<96x128xf32, #tpu.memory_space<vmem>> -> memref<64x128xf32, #tpu.memory_space<vmem>>
      %dma_wait3A_69 = arith.constant 0 : i32
      %dma_wait3A_70 = tpu.memref_slice %arg10[%add3A_4, %dma_wait3A_69] : memref<10240x128xf32, #tpu.memory_space<vmem_shared>> -> memref<64x128xf32, #tpu.memory_space<vmem_shared>>
      %dma_wait3A_71 = arith.constant 0 : i32
      %dma_wait3A_72 = tpu.memref_slice %arg10[%add3A_4, %dma_wait3A_71] : memref<10240x128xf32, #tpu.memory_space<vmem_shared>> -> memref<64x128xf32, #tpu.memory_space<vmem_shared>>
      %dma_wait3A_73 = arith.constant 0 : i32
      %dma_wait3A_74 = arith.constant 0 : i32
      %dma_wait3A_75 = tpu.memref_slice %arg8[%dma_wait3A_73, %dma_wait3A_74] : memref<96x128xf32, #tpu.memory_space<vmem>> -> memref<64x128xf32, #tpu.memory_space<vmem>>
      tpu.wait_dma2 semaphore(%run_scoped3A : memref<!tpu.dma_semaphore, #tpu.memory_space<semaphore_mem>>) src(%dma_wait3A_75 : memref<64x128xf32, #tpu.memory_space<vmem>>) dst(%dma_wait3A_72 : memref<64x128xf32, #tpu.memory_space<vmem_shared>>)
      tpu.yield
    }) : () -> ()
    %mul3A_5 = arith.constant 640 : i32
    %mul3A_6 = arith.muli %arg1, %mul3A_5 : i32
    %add3A_7 = arith.constant 64 : i32
    %add3A_8 = arith.addi %mul3A_6, %add3A_7 : i32
    "tpu.region"() ({
      %run_scoped3A = tpu.sem_alloc : memref<!tpu.dma_semaphore, #tpu.memory_space<semaphore_mem>>
      %dma_start3A_57 = arith.constant 0 : i32
      %dma_start3A_58 = arith.constant 0 : i32
      %dma_start3A_59 = tpu.memref_slice %arg8[%dma_start3A_57, %dma_start3A_58] : memref<96x128xf32, #tpu.memory_space<vmem>> -> memref<64x128xf32, #tpu.memory_space<vmem>>
      %dma_start3A_60 = arith.constant 0 : i32
      %dma_start3A_61 = tpu.memref_slice %arg10[%add3A_8, %dma_start3A_60] : memref<10240x128xf32, #tpu.memory_space<vmem_shared>> -> memref<64x128xf32, #tpu.memory_space<vmem_shared>>
      %dma_start3A_62 = arith.constant 0 : i32
      %dma_start3A_63 = tpu.memref_slice %arg10[%add3A_8, %dma_start3A_62] : memref<10240x128xf32, #tpu.memory_space<vmem_shared>> -> memref<64x128xf32, #tpu.memory_space<vmem_shared>>
      %dma_start3A_64 = arith.constant 0 : i32
      %dma_start3A_65 = arith.constant 0 : i32
      %dma_start3A_66 = tpu.memref_slice %arg8[%dma_start3A_64, %dma_start3A_65] : memref<96x128xf32, #tpu.memory_space<vmem>> -> memref<64x128xf32, #tpu.memory_space<vmem>>
      tpu.enqueue_dma source(%dma_start3A_66 : memref<64x128xf32, #tpu.memory_space<vmem>>) target(%dma_start3A_63 : memref<64x128xf32, #tpu.memory_space<vmem_shared>>) target_semaphore(%run_scoped3A : memref<!tpu.dma_semaphore, #tpu.memory_space<semaphore_mem>>)
      %dma_wait3A = arith.constant 0 : i32
      %dma_wait3A_67 = arith.constant 0 : i32
      %dma_wait3A_68 = tpu.memref_slice %arg8[%dma_wait3A, %dma_wait3A_67] : memref<96x128xf32, #tpu.memory_space<vmem>> -> memref<64x128xf32, #tpu.memory_space<vmem>>
      %dma_wait3A_69 = arith.constant 0 : i32
      %dma_wait3A_70 = tpu.memref_slice %arg10[%add3A_8, %dma_wait3A_69] : memref<10240x128xf32, #tpu.memory_space<vmem_shared>> -> memref<64x128xf32, #tpu.memory_space<vmem_shared>>
      %dma_wait3A_71 = arith.constant 0 : i32
      %dma_wait3A_72 = tpu.memref_slice %arg10[%add3A_8, %dma_wait3A_71] : memref<10240x128xf32, #tpu.memory_space<vmem_shared>> -> memref<64x128xf32, #tpu.memory_space<vmem_shared>>
      %dma_wait3A_73 = arith.constant 0 : i32
      %dma_wait3A_74 = arith.constant 0 : i32
      %dma_wait3A_75 = tpu.memref_slice %arg8[%dma_wait3A_73, %dma_wait3A_74] : memref<96x128xf32, #tpu.memory_space<vmem>> -> memref<64x128xf32, #tpu.memory_space<vmem>>
      tpu.wait_dma2 semaphore(%run_scoped3A : memref<!tpu.dma_semaphore, #tpu.memory_space<semaphore_mem>>) src(%dma_wait3A_75 : memref<64x128xf32, #tpu.memory_space<vmem>>) dst(%dma_wait3A_72 : memref<64x128xf32, #tpu.memory_space<vmem_shared>>)
      tpu.yield
    }) : () -> ()
    %mul3A_9 = arith.constant 640 : i32
    %mul3A_10 = arith.muli %arg1, %mul3A_9 : i32
    %add3A_11 = arith.constant 128 : i32
    %add3A_12 = arith.addi %mul3A_10, %add3A_11 : i32
    "tpu.region"() ({
      %run_scoped3A = tpu.sem_alloc : memref<!tpu.dma_semaphore, #tpu.memory_space<semaphore_mem>>
      %dma_start3A_57 = arith.constant 0 : i32
      %dma_start3A_58 = arith.constant 0 : i32
      %dma_start3A_59 = tpu.memref_slice %arg8[%dma_start3A_57, %dma_start3A_58] : memref<96x128xf32, #tpu.memory_space<vmem>> -> memref<64x128xf32, #tpu.memory_space<vmem>>
      %dma_start3A_60 = arith.constant 0 : i32
      %dma_start3A_61 = tpu.memref_slice %arg10[%add3A_12, %dma_start3A_60] : memref<10240x128xf32, #tpu.memory_space<vmem_shared>> -> memref<64x128xf32, #tpu.memory_space<vmem_shared>>
      %dma_start3A_62 = arith.constant 0 : i32
      %dma_start3A_63 = tpu.memref_slice %arg10[%add3A_12, %dma_start3A_62] : memref<10240x128xf32, #tpu.memory_space<vmem_shared>> -> memref<64x128xf32, #tpu.memory_space<vmem_shared>>
      %dma_start3A_64 = arith.constant 0 : i32
      %dma_start3A_65 = arith.constant 0 : i32
      %dma_start3A_66 = tpu.memref_slice %arg8[%dma_start3A_64, %dma_start3A_65] : memref<96x128xf32, #tpu.memory_space<vmem>> -> memref<64x128xf32, #tpu.memory_space<vmem>>
      tpu.enqueue_dma source(%dma_start3A_66 : memref<64x128xf32, #tpu.memory_space<vmem>>) target(%dma_start3A_63 : memref<64x128xf32, #tpu.memory_space<vmem_shared>>) target_semaphore(%run_scoped3A : memref<!tpu.dma_semaphore, #tpu.memory_space<semaphore_mem>>)
      %dma_wait3A = arith.constant 0 : i32
      %dma_wait3A_67 = arith.constant 0 : i32
      %dma_wait3A_68 = tpu.memref_slice %arg8[%dma_wait3A, %dma_wait3A_67] : memref<96x128xf32, #tpu.memory_space<vmem>> -> memref<64x128xf32, #tpu.memory_space<vmem>>
      %dma_wait3A_69 = arith.constant 0 : i32
      %dma_wait3A_70 = tpu.memref_slice %arg10[%add3A_12, %dma_wait3A_69] : memref<10240x128xf32, #tpu.memory_space<vmem_shared>> -> memref<64x128xf32, #tpu.memory_space<vmem_shared>>
      %dma_wait3A_71 = arith.constant 0 : i32
      %dma_wait3A_72 = tpu.memref_slice %arg10[%add3A_12, %dma_wait3A_71] : memref<10240x128xf32, #tpu.memory_space<vmem_shared>> -> memref<64x128xf32, #tpu.memory_space<vmem_shared>>
      %dma_wait3A_73 = arith.constant 0 : i32
      %dma_wait3A_74 = arith.constant 0 : i32
      %dma_wait3A_75 = tpu.memref_slice %arg8[%dma_wait3A_73, %dma_wait3A_74] : memref<96x128xf32, #tpu.memory_space<vmem>> -> memref<64x128xf32, #tpu.memory_space<vmem>>
      tpu.wait_dma2 semaphore(%run_scoped3A : memref<!tpu.dma_semaphore, #tpu.memory_space<semaphore_mem>>) src(%dma_wait3A_75 : memref<64x128xf32, #tpu.memory_space<vmem>>) dst(%dma_wait3A_72 : memref<64x128xf32, #tpu.memory_space<vmem_shared>>)
      tpu.yield
    }) : () -> ()
    %mul3A_13 = arith.constant 640 : i32
    %mul3A_14 = arith.muli %arg1, %mul3A_13 : i32
    %add3A_15 = arith.constant 192 : i32
    %add3A_16 = arith.addi %mul3A_14, %add3A_15 : i32
    "tpu.region"() ({
      %run_scoped3A = tpu.sem_alloc : memref<!tpu.dma_semaphore, #tpu.memory_space<semaphore_mem>>
      %dma_start3A_57 = arith.constant 0 : i32
      %dma_start3A_58 = arith.constant 0 : i32
      %dma_start3A_59 = tpu.memref_slice %arg8[%dma_start3A_57, %dma_start3A_58] : memref<96x128xf32, #tpu.memory_space<vmem>> -> memref<64x128xf32, #tpu.memory_space<vmem>>
      %dma_start3A_60 = arith.constant 0 : i32
      %dma_start3A_61 = tpu.memref_slice %arg10[%add3A_16, %dma_start3A_60] : memref<10240x128xf32, #tpu.memory_space<vmem_shared>> -> memref<64x128xf32, #tpu.memory_space<vmem_shared>>
      %dma_start3A_62 = arith.constant 0 : i32
      %dma_start3A_63 = tpu.memref_slice %arg10[%add3A_16, %dma_start3A_62] : memref<10240x128xf32, #tpu.memory_space<vmem_shared>> -> memref<64x128xf32, #tpu.memory_space<vmem_shared>>
      %dma_start3A_64 = arith.constant 0 : i32
      %dma_start3A_65 = arith.constant 0 : i32
      %dma_start3A_66 = tpu.memref_slice %arg8[%dma_start3A_64, %dma_start3A_65] : memref<96x128xf32, #tpu.memory_space<vmem>> -> memref<64x128xf32, #tpu.memory_space<vmem>>
      tpu.enqueue_dma source(%dma_start3A_66 : memref<64x128xf32, #tpu.memory_space<vmem>>) target(%dma_start3A_63 : memref<64x128xf32, #tpu.memory_space<vmem_shared>>) target_semaphore(%run_scoped3A : memref<!tpu.dma_semaphore, #tpu.memory_space<semaphore_mem>>)
      %dma_wait3A = arith.constant 0 : i32
      %dma_wait3A_67 = arith.constant 0 : i32
      %dma_wait3A_68 = tpu.memref_slice %arg8[%dma_wait3A, %dma_wait3A_67] : memref<96x128xf32, #tpu.memory_space<vmem>> -> memref<64x128xf32, #tpu.memory_space<vmem>>
      %dma_wait3A_69 = arith.constant 0 : i32
      %dma_wait3A_70 = tpu.memref_slice %arg10[%add3A_16, %dma_wait3A_69] : memref<10240x128xf32, #tpu.memory_space<vmem_shared>> -> memref<64x128xf32, #tpu.memory_space<vmem_shared>>
      %dma_wait3A_71 = arith.constant 0 : i32
      %dma_wait3A_72 = tpu.memref_slice %arg10[%add3A_16, %dma_wait3A_71] : memref<10240x128xf32, #tpu.memory_space<vmem_shared>> -> memref<64x128xf32, #tpu.memory_space<vmem_shared>>
      %dma_wait3A_73 = arith.constant 0 : i32
      %dma_wait3A_74 = arith.constant 0 : i32
      %dma_wait3A_75 = tpu.memref_slice %arg8[%dma_wait3A_73, %dma_wait3A_74] : memref<96x128xf32, #tpu.memory_space<vmem>> -> memref<64x128xf32, #tpu.memory_space<vmem>>
      tpu.wait_dma2 semaphore(%run_scoped3A : memref<!tpu.dma_semaphore, #tpu.memory_space<semaphore_mem>>) src(%dma_wait3A_75 : memref<64x128xf32, #tpu.memory_space<vmem>>) dst(%dma_wait3A_72 : memref<64x128xf32, #tpu.memory_space<vmem_shared>>)
      tpu.yield
    }) : () -> ()
    %mul3A_17 = arith.constant 640 : i32
    %mul3A_18 = arith.muli %arg1, %mul3A_17 : i32
    %add3A_19 = arith.constant 256 : i32
    %add3A_20 = arith.addi %mul3A_18, %add3A_19 : i32
    "tpu.region"() ({
      %run_scoped3A = tpu.sem_alloc : memref<!tpu.dma_semaphore, #tpu.memory_space<semaphore_mem>>
      %dma_start3A_57 = arith.constant 0 : i32
      %dma_start3A_58 = arith.constant 0 : i32
      %dma_start3A_59 = tpu.memref_slice %arg8[%dma_start3A_57, %dma_start3A_58] : memref<96x128xf32, #tpu.memory_space<vmem>> -> memref<64x128xf32, #tpu.memory_space<vmem>>
      %dma_start3A_60 = arith.constant 0 : i32
      %dma_start3A_61 = tpu.memref_slice %arg10[%add3A_20, %dma_start3A_60] : memref<10240x128xf32, #tpu.memory_space<vmem_shared>> -> memref<64x128xf32, #tpu.memory_space<vmem_shared>>
      %dma_start3A_62 = arith.constant 0 : i32
      %dma_start3A_63 = tpu.memref_slice %arg10[%add3A_20, %dma_start3A_62] : memref<10240x128xf32, #tpu.memory_space<vmem_shared>> -> memref<64x128xf32, #tpu.memory_space<vmem_shared>>
      %dma_start3A_64 = arith.constant 0 : i32
      %dma_start3A_65 = arith.constant 0 : i32
      %dma_start3A_66 = tpu.memref_slice %arg8[%dma_start3A_64, %dma_start3A_65] : memref<96x128xf32, #tpu.memory_space<vmem>> -> memref<64x128xf32, #tpu.memory_space<vmem>>
      tpu.enqueue_dma source(%dma_start3A_66 : memref<64x128xf32, #tpu.memory_space<vmem>>) target(%dma_start3A_63 : memref<64x128xf32, #tpu.memory_space<vmem_shared>>) target_semaphore(%run_scoped3A : memref<!tpu.dma_semaphore, #tpu.memory_space<semaphore_mem>>)
      %dma_wait3A = arith.constant 0 : i32
      %dma_wait3A_67 = arith.constant 0 : i32
      %dma_wait3A_68 = tpu.memref_slice %arg8[%dma_wait3A, %dma_wait3A_67] : memref<96x128xf32, #tpu.memory_space<vmem>> -> memref<64x128xf32, #tpu.memory_space<vmem>>
      %dma_wait3A_69 = arith.constant 0 : i32
      %dma_wait3A_70 = tpu.memref_slice %arg10[%add3A_20, %dma_wait3A_69] : memref<10240x128xf32, #tpu.memory_space<vmem_shared>> -> memref<64x128xf32, #tpu.memory_space<vmem_shared>>
      %dma_wait3A_71 = arith.constant 0 : i32
      %dma_wait3A_72 = tpu.memref_slice %arg10[%add3A_20, %dma_wait3A_71] : memref<10240x128xf32, #tpu.memory_space<vmem_shared>> -> memref<64x128xf32, #tpu.memory_space<vmem_shared>>
      %dma_wait3A_73 = arith.constant 0 : i32
      %dma_wait3A_74 = arith.constant 0 : i32
      %dma_wait3A_75 = tpu.memref_slice %arg8[%dma_wait3A_73, %dma_wait3A_74] : memref<96x128xf32, #tpu.memory_space<vmem>> -> memref<64x128xf32, #tpu.memory_space<vmem>>
      tpu.wait_dma2 semaphore(%run_scoped3A : memref<!tpu.dma_semaphore, #tpu.memory_space<semaphore_mem>>) src(%dma_wait3A_75 : memref<64x128xf32, #tpu.memory_space<vmem>>) dst(%dma_wait3A_72 : memref<64x128xf32, #tpu.memory_space<vmem_shared>>)
      tpu.yield
    }) : () -> ()
    %mul3A_21 = arith.constant 640 : i32
    %mul3A_22 = arith.muli %arg1, %mul3A_21 : i32
    %add3A_23 = arith.constant 320 : i32
    %add3A_24 = arith.addi %mul3A_22, %add3A_23 : i32
    "tpu.region"() ({
      %run_scoped3A = tpu.sem_alloc : memref<!tpu.dma_semaphore, #tpu.memory_space<semaphore_mem>>
      %dma_start3A_57 = arith.constant 0 : i32
      %dma_start3A_58 = arith.constant 0 : i32
      %dma_start3A_59 = tpu.memref_slice %arg8[%dma_start3A_57, %dma_start3A_58] : memref<96x128xf32, #tpu.memory_space<vmem>> -> memref<64x128xf32, #tpu.memory_space<vmem>>
      %dma_start3A_60 = arith.constant 0 : i32
      %dma_start3A_61 = tpu.memref_slice %arg10[%add3A_24, %dma_start3A_60] : memref<10240x128xf32, #tpu.memory_space<vmem_shared>> -> memref<64x128xf32, #tpu.memory_space<vmem_shared>>
      %dma_start3A_62 = arith.constant 0 : i32
      %dma_start3A_63 = tpu.memref_slice %arg10[%add3A_24, %dma_start3A_62] : memref<10240x128xf32, #tpu.memory_space<vmem_shared>> -> memref<64x128xf32, #tpu.memory_space<vmem_shared>>
      %dma_start3A_64 = arith.constant 0 : i32
      %dma_start3A_65 = arith.constant 0 : i32
      %dma_start3A_66 = tpu.memref_slice %arg8[%dma_start3A_64, %dma_start3A_65] : memref<96x128xf32, #tpu.memory_space<vmem>> -> memref<64x128xf32, #tpu.memory_space<vmem>>
      tpu.enqueue_dma source(%dma_start3A_66 : memref<64x128xf32, #tpu.memory_space<vmem>>) target(%dma_start3A_63 : memref<64x128xf32, #tpu.memory_space<vmem_shared>>) target_semaphore(%run_scoped3A : memref<!tpu.dma_semaphore, #tpu.memory_space<semaphore_mem>>)
      %dma_wait3A = arith.constant 0 : i32
      %dma_wait3A_67 = arith.constant 0 : i32
      %dma_wait3A_68 = tpu.memref_slice %arg8[%dma_wait3A, %dma_wait3A_67] : memref<96x128xf32, #tpu.memory_space<vmem>> -> memref<64x128xf32, #tpu.memory_space<vmem>>
      %dma_wait3A_69 = arith.constant 0 : i32
      %dma_wait3A_70 = tpu.memref_slice %arg10[%add3A_24, %dma_wait3A_69] : memref<10240x128xf32, #tpu.memory_space<vmem_shared>> -> memref<64x128xf32, #tpu.memory_space<vmem_shared>>
      %dma_wait3A_71 = arith.constant 0 : i32
      %dma_wait3A_72 = tpu.memref_slice %arg10[%add3A_24, %dma_wait3A_71] : memref<10240x128xf32, #tpu.memory_space<vmem_shared>> -> memref<64x128xf32, #tpu.memory_space<vmem_shared>>
      %dma_wait3A_73 = arith.constant 0 : i32
      %dma_wait3A_74 = arith.constant 0 : i32
      %dma_wait3A_75 = tpu.memref_slice %arg8[%dma_wait3A_73, %dma_wait3A_74] : memref<96x128xf32, #tpu.memory_space<vmem>> -> memref<64x128xf32, #tpu.memory_space<vmem>>
      tpu.wait_dma2 semaphore(%run_scoped3A : memref<!tpu.dma_semaphore, #tpu.memory_space<semaphore_mem>>) src(%dma_wait3A_75 : memref<64x128xf32, #tpu.memory_space<vmem>>) dst(%dma_wait3A_72 : memref<64x128xf32, #tpu.memory_space<vmem_shared>>)
      tpu.yield
    }) : () -> ()
    %mul3A_25 = arith.constant 640 : i32
    %mul3A_26 = arith.muli %arg1, %mul3A_25 : i32
    %add3A_27 = arith.constant 384 : i32
    %add3A_28 = arith.addi %mul3A_26, %add3A_27 : i32
    "tpu.region"() ({
      %run_scoped3A = tpu.sem_alloc : memref<!tpu.dma_semaphore, #tpu.memory_space<semaphore_mem>>
      %dma_start3A_57 = arith.constant 0 : i32
      %dma_start3A_58 = arith.constant 0 : i32
      %dma_start3A_59 = tpu.memref_slice %arg8[%dma_start3A_57, %dma_start3A_58] : memref<96x128xf32, #tpu.memory_space<vmem>> -> memref<64x128xf32, #tpu.memory_space<vmem>>
      %dma_start3A_60 = arith.constant 0 : i32
      %dma_start3A_61 = tpu.memref_slice %arg10[%add3A_28, %dma_start3A_60] : memref<10240x128xf32, #tpu.memory_space<vmem_shared>> -> memref<64x128xf32, #tpu.memory_space<vmem_shared>>
      %dma_start3A_62 = arith.constant 0 : i32
      %dma_start3A_63 = tpu.memref_slice %arg10[%add3A_28, %dma_start3A_62] : memref<10240x128xf32, #tpu.memory_space<vmem_shared>> -> memref<64x128xf32, #tpu.memory_space<vmem_shared>>
      %dma_start3A_64 = arith.constant 0 : i32
      %dma_start3A_65 = arith.constant 0 : i32
      %dma_start3A_66 = tpu.memref_slice %arg8[%dma_start3A_64, %dma_start3A_65] : memref<96x128xf32, #tpu.memory_space<vmem>> -> memref<64x128xf32, #tpu.memory_space<vmem>>
      tpu.enqueue_dma source(%dma_start3A_66 : memref<64x128xf32, #tpu.memory_space<vmem>>) target(%dma_start3A_63 : memref<64x128xf32, #tpu.memory_space<vmem_shared>>) target_semaphore(%run_scoped3A : memref<!tpu.dma_semaphore, #tpu.memory_space<semaphore_mem>>)
      %dma_wait3A = arith.constant 0 : i32
      %dma_wait3A_67 = arith.constant 0 : i32
      %dma_wait3A_68 = tpu.memref_slice %arg8[%dma_wait3A, %dma_wait3A_67] : memref<96x128xf32, #tpu.memory_space<vmem>> -> memref<64x128xf32, #tpu.memory_space<vmem>>
      %dma_wait3A_69 = arith.constant 0 : i32
      %dma_wait3A_70 = tpu.memref_slice %arg10[%add3A_28, %dma_wait3A_69] : memref<10240x128xf32, #tpu.memory_space<vmem_shared>> -> memref<64x128xf32, #tpu.memory_space<vmem_shared>>
      %dma_wait3A_71 = arith.constant 0 : i32
      %dma_wait3A_72 = tpu.memref_slice %arg10[%add3A_28, %dma_wait3A_71] : memref<10240x128xf32, #tpu.memory_space<vmem_shared>> -> memref<64x128xf32, #tpu.memory_space<vmem_shared>>
      %dma_wait3A_73 = arith.constant 0 : i32
      %dma_wait3A_74 = arith.constant 0 : i32
      %dma_wait3A_75 = tpu.memref_slice %arg8[%dma_wait3A_73, %dma_wait3A_74] : memref<96x128xf32, #tpu.memory_space<vmem>> -> memref<64x128xf32, #tpu.memory_space<vmem>>
      tpu.wait_dma2 semaphore(%run_scoped3A : memref<!tpu.dma_semaphore, #tpu.memory_space<semaphore_mem>>) src(%dma_wait3A_75 : memref<64x128xf32, #tpu.memory_space<vmem>>) dst(%dma_wait3A_72 : memref<64x128xf32, #tpu.memory_space<vmem_shared>>)
      tpu.yield
    }) : () -> ()
    %mul3A_29 = arith.constant 640 : i32
    %mul3A_30 = arith.muli %arg1, %mul3A_29 : i32
    %add3A_31 = arith.constant 448 : i32
    %add3A_32 = arith.addi %mul3A_30, %add3A_31 : i32
    "tpu.region"() ({
      %run_scoped3A = tpu.sem_alloc : memref<!tpu.dma_semaphore, #tpu.memory_space<semaphore_mem>>
      %dma_start3A_57 = arith.constant 0 : i32
      %dma_start3A_58 = arith.constant 0 : i32
      %dma_start3A_59 = tpu.memref_slice %arg8[%dma_start3A_57, %dma_start3A_58] : memref<96x128xf32, #tpu.memory_space<vmem>> -> memref<64x128xf32, #tpu.memory_space<vmem>>
      %dma_start3A_60 = arith.constant 0 : i32
      %dma_start3A_61 = tpu.memref_slice %arg10[%add3A_32, %dma_start3A_60] : memref<10240x128xf32, #tpu.memory_space<vmem_shared>> -> memref<64x128xf32, #tpu.memory_space<vmem_shared>>
      %dma_start3A_62 = arith.constant 0 : i32
      %dma_start3A_63 = tpu.memref_slice %arg10[%add3A_32, %dma_start3A_62] : memref<10240x128xf32, #tpu.memory_space<vmem_shared>> -> memref<64x128xf32, #tpu.memory_space<vmem_shared>>
      %dma_start3A_64 = arith.constant 0 : i32
      %dma_start3A_65 = arith.constant 0 : i32
      %dma_start3A_66 = tpu.memref_slice %arg8[%dma_start3A_64, %dma_start3A_65] : memref<96x128xf32, #tpu.memory_space<vmem>> -> memref<64x128xf32, #tpu.memory_space<vmem>>
      tpu.enqueue_dma source(%dma_start3A_66 : memref<64x128xf32, #tpu.memory_space<vmem>>) target(%dma_start3A_63 : memref<64x128xf32, #tpu.memory_space<vmem_shared>>) target_semaphore(%run_scoped3A : memref<!tpu.dma_semaphore, #tpu.memory_space<semaphore_mem>>)
      %dma_wait3A = arith.constant 0 : i32
      %dma_wait3A_67 = arith.constant 0 : i32
      %dma_wait3A_68 = tpu.memref_slice %arg8[%dma_wait3A, %dma_wait3A_67] : memref<96x128xf32, #tpu.memory_space<vmem>> -> memref<64x128xf32, #tpu.memory_space<vmem>>
      %dma_wait3A_69 = arith.constant 0 : i32
      %dma_wait3A_70 = tpu.memref_slice %arg10[%add3A_32, %dma_wait3A_69] : memref<10240x128xf32, #tpu.memory_space<vmem_shared>> -> memref<64x128xf32, #tpu.memory_space<vmem_shared>>
      %dma_wait3A_71 = arith.constant 0 : i32
      %dma_wait3A_72 = tpu.memref_slice %arg10[%add3A_32, %dma_wait3A_71] : memref<10240x128xf32, #tpu.memory_space<vmem_shared>> -> memref<64x128xf32, #tpu.memory_space<vmem_shared>>
      %dma_wait3A_73 = arith.constant 0 : i32
      %dma_wait3A_74 = arith.constant 0 : i32
      %dma_wait3A_75 = tpu.memref_slice %arg8[%dma_wait3A_73, %dma_wait3A_74] : memref<96x128xf32, #tpu.memory_space<vmem>> -> memref<64x128xf32, #tpu.memory_space<vmem>>
      tpu.wait_dma2 semaphore(%run_scoped3A : memref<!tpu.dma_semaphore, #tpu.memory_space<semaphore_mem>>) src(%dma_wait3A_75 : memref<64x128xf32, #tpu.memory_space<vmem>>) dst(%dma_wait3A_72 : memref<64x128xf32, #tpu.memory_space<vmem_shared>>)
      tpu.yield
    }) : () -> ()
    %mul3A_33 = arith.constant 640 : i32
    %mul3A_34 = arith.muli %arg1, %mul3A_33 : i32
    %add3A_35 = arith.constant 512 : i32
    %add3A_36 = arith.addi %mul3A_34, %add3A_35 : i32
    "tpu.region"() ({
      %run_scoped3A = tpu.sem_alloc : memref<!tpu.dma_semaphore, #tpu.memory_space<semaphore_mem>>
      %dma_start3A_57 = arith.constant 0 : i32
      %dma_start3A_58 = arith.constant 0 : i32
      %dma_start3A_59 = tpu.memref_slice %arg8[%dma_start3A_57, %dma_start3A_58] : memref<96x128xf32, #tpu.memory_space<vmem>> -> memref<64x128xf32, #tpu.memory_space<vmem>>
      %dma_start3A_60 = arith.constant 0 : i32
      %dma_start3A_61 = tpu.memref_slice %arg10[%add3A_36, %dma_start3A_60] : memref<10240x128xf32, #tpu.memory_space<vmem_shared>> -> memref<64x128xf32, #tpu.memory_space<vmem_shared>>
      %dma_start3A_62 = arith.constant 0 : i32
      %dma_start3A_63 = tpu.memref_slice %arg10[%add3A_36, %dma_start3A_62] : memref<10240x128xf32, #tpu.memory_space<vmem_shared>> -> memref<64x128xf32, #tpu.memory_space<vmem_shared>>
      %dma_start3A_64 = arith.constant 0 : i32
      %dma_start3A_65 = arith.constant 0 : i32
      %dma_start3A_66 = tpu.memref_slice %arg8[%dma_start3A_64, %dma_start3A_65] : memref<96x128xf32, #tpu.memory_space<vmem>> -> memref<64x128xf32, #tpu.memory_space<vmem>>
      tpu.enqueue_dma source(%dma_start3A_66 : memref<64x128xf32, #tpu.memory_space<vmem>>) target(%dma_start3A_63 : memref<64x128xf32, #tpu.memory_space<vmem_shared>>) target_semaphore(%run_scoped3A : memref<!tpu.dma_semaphore, #tpu.memory_space<semaphore_mem>>)
      %dma_wait3A = arith.constant 0 : i32
      %dma_wait3A_67 = arith.constant 0 : i32
      %dma_wait3A_68 = tpu.memref_slice %arg8[%dma_wait3A, %dma_wait3A_67] : memref<96x128xf32, #tpu.memory_space<vmem>> -> memref<64x128xf32, #tpu.memory_space<vmem>>
      %dma_wait3A_69 = arith.constant 0 : i32
      %dma_wait3A_70 = tpu.memref_slice %arg10[%add3A_36, %dma_wait3A_69] : memref<10240x128xf32, #tpu.memory_space<vmem_shared>> -> memref<64x128xf32, #tpu.memory_space<vmem_shared>>
      %dma_wait3A_71 = arith.constant 0 : i32
      %dma_wait3A_72 = tpu.memref_slice %arg10[%add3A_36, %dma_wait3A_71] : memref<10240x128xf32, #tpu.memory_space<vmem_shared>> -> memref<64x128xf32, #tpu.memory_space<vmem_shared>>
      %dma_wait3A_73 = arith.constant 0 : i32
      %dma_wait3A_74 = arith.constant 0 : i32
      %dma_wait3A_75 = tpu.memref_slice %arg8[%dma_wait3A_73, %dma_wait3A_74] : memref<96x128xf32, #tpu.memory_space<vmem>> -> memref<64x128xf32, #tpu.memory_space<vmem>>
      tpu.wait_dma2 semaphore(%run_scoped3A : memref<!tpu.dma_semaphore, #tpu.memory_space<semaphore_mem>>) src(%dma_wait3A_75 : memref<64x128xf32, #tpu.memory_space<vmem>>) dst(%dma_wait3A_72 : memref<64x128xf32, #tpu.memory_space<vmem_shared>>)
      tpu.yield
    }) : () -> ()
    %mul3A_37 = arith.constant 640 : i32
    %mul3A_38 = arith.muli %arg1, %mul3A_37 : i32
    %add3A_39 = arith.constant 576 : i32
    %add3A_40 = arith.addi %mul3A_38, %add3A_39 : i32
    "tpu.region"() ({
      %run_scoped3A = tpu.sem_alloc : memref<!tpu.dma_semaphore, #tpu.memory_space<semaphore_mem>>
      %dma_start3A_57 = arith.constant 0 : i32
      %dma_start3A_58 = arith.constant 0 : i32
      %dma_start3A_59 = tpu.memref_slice %arg8[%dma_start3A_57, %dma_start3A_58] : memref<96x128xf32, #tpu.memory_space<vmem>> -> memref<64x128xf32, #tpu.memory_space<vmem>>
      %dma_start3A_60 = arith.constant 0 : i32
      %dma_start3A_61 = tpu.memref_slice %arg10[%add3A_40, %dma_start3A_60] : memref<10240x128xf32, #tpu.memory_space<vmem_shared>> -> memref<64x128xf32, #tpu.memory_space<vmem_shared>>
      %dma_start3A_62 = arith.constant 0 : i32
      %dma_start3A_63 = tpu.memref_slice %arg10[%add3A_40, %dma_start3A_62] : memref<10240x128xf32, #tpu.memory_space<vmem_shared>> -> memref<64x128xf32, #tpu.memory_space<vmem_shared>>
      %dma_start3A_64 = arith.constant 0 : i32
      %dma_start3A_65 = arith.constant 0 : i32
      %dma_start3A_66 = tpu.memref_slice %arg8[%dma_start3A_64, %dma_start3A_65] : memref<96x128xf32, #tpu.memory_space<vmem>> -> memref<64x128xf32, #tpu.memory_space<vmem>>
      tpu.enqueue_dma source(%dma_start3A_66 : memref<64x128xf32, #tpu.memory_space<vmem>>) target(%dma_start3A_63 : memref<64x128xf32, #tpu.memory_space<vmem_shared>>) target_semaphore(%run_scoped3A : memref<!tpu.dma_semaphore, #tpu.memory_space<semaphore_mem>>)
      %dma_wait3A = arith.constant 0 : i32
      %dma_wait3A_67 = arith.constant 0 : i32
      %dma_wait3A_68 = tpu.memref_slice %arg8[%dma_wait3A, %dma_wait3A_67] : memref<96x128xf32, #tpu.memory_space<vmem>> -> memref<64x128xf32, #tpu.memory_space<vmem>>
      %dma_wait3A_69 = arith.constant 0 : i32
      %dma_wait3A_70 = tpu.memref_slice %arg10[%add3A_40, %dma_wait3A_69] : memref<10240x128xf32, #tpu.memory_space<vmem_shared>> -> memref<64x128xf32, #tpu.memory_space<vmem_shared>>
      %dma_wait3A_71 = arith.constant 0 : i32
      %dma_wait3A_72 = tpu.memref_slice %arg10[%add3A_40, %dma_wait3A_71] : memref<10240x128xf32, #tpu.memory_space<vmem_shared>> -> memref<64x128xf32, #tpu.memory_space<vmem_shared>>
      %dma_wait3A_73 = arith.constant 0 : i32
      %dma_wait3A_74 = arith.constant 0 : i32
      %dma_wait3A_75 = tpu.memref_slice %arg8[%dma_wait3A_73, %dma_wait3A_74] : memref<96x128xf32, #tpu.memory_space<vmem>> -> memref<64x128xf32, #tpu.memory_space<vmem>>
      tpu.wait_dma2 semaphore(%run_scoped3A : memref<!tpu.dma_semaphore, #tpu.memory_space<semaphore_mem>>) src(%dma_wait3A_75 : memref<64x128xf32, #tpu.memory_space<vmem>>) dst(%dma_wait3A_72 : memref<64x128xf32, #tpu.memory_space<vmem_shared>>)
      tpu.yield
    }) : () -> ()
    %barrier3A = arith.constant 0 : index
    tpu.barrier barrier_id(%barrier3A)
    %dma_start3A = arith.constant 0 : i32
    %dma_start3A_41 = arith.constant 0 : i32
    %dma_start3A_42 = tpu.memref_slice %arg6[%dma_start3A, %dma_start3A_41] : memref<106x96xi32, #tpu.memory_space<vmem>> -> memref<1x96xi32, #tpu.memory_space<vmem>>
    %dma_start3A_43 = tpu.memref_squeeze %dma_start3A_42 : memref<1x96xi32, #tpu.memory_space<vmem>> -> memref<96xi32, #tpu.memory_space<vmem>>
    %dma_start3A_44 = arith.constant 0 : i32
    %dma_start3A_45 = arith.constant 0 : i32
    %dma_start3A_46 = tpu.memref_slice %arg2[%dma_start3A_44, %dma_start3A_45] : memref<10240x128xf32, #tpu.memory_space<hbm>> -> memref<10240x128xf32, #tpu.memory_space<hbm>>
    tpu.enqueue_indirect_dma source(%dma_start3A_46 : memref<10240x128xf32, #tpu.memory_space<hbm>>) target(%arg8 : memref<96x128xf32, #tpu.memory_space<vmem>>) offsets(%dma_start3A_43 : memref<96xi32, #tpu.memory_space<vmem>>) semaphore(%arg11 : memref<!tpu.dma_semaphore, #tpu.memory_space<semaphore_mem>>)
    %scan3A = arith.constant 0 : i32
    %scan3A_47 = arith.constant 0 : i32
    %scan3A_48 = arith.constant 53 : i32
    %scan3A_49 = arith.addi %scan3A_47, %scan3A_48 : i32
    %scan3A_50 = arith.constant 1 : i32
    scf.for %scan3A_57 = %scan3A_47 to %scan3A_49 step %scan3A_50  : i32 {
      %mul3A_58 = arith.constant 2 : i32
      %mul3A_59 = arith.muli %scan3A_57, %mul3A_58 : i32
      %dma_wait3A = arith.constant 0 : i32
      %dma_wait3A_60 = tpu.memref_slice %arg6[%mul3A_59, %dma_wait3A] : memref<106x96xi32, #tpu.memory_space<vmem>> -> memref<1x96xi32, #tpu.memory_space<vmem>>
      %dma_wait3A_61 = tpu.memref_squeeze %dma_wait3A_60 : memref<1x96xi32, #tpu.memory_space<vmem>> -> memref<96xi32, #tpu.memory_space<vmem>>
      %dma_wait3A_62 = arith.constant 0 : i32
      %dma_wait3A_63 = arith.constant 0 : i32
      %dma_wait3A_64 = tpu.memref_slice %arg2[%dma_wait3A_62, %dma_wait3A_63] : memref<10240x128xf32, #tpu.memory_space<hbm>> -> memref<10240x128xf32, #tpu.memory_space<hbm>>
      tpu.wait_indirect_dma semaphore(%arg11 : memref<!tpu.dma_semaphore, #tpu.memory_space<semaphore_mem>>) src(%dma_wait3A_64 : memref<10240x128xf32, #tpu.memory_space<hbm>>) dst(%arg8 : memref<96x128xf32, #tpu.memory_space<vmem>>)
      %add3A_65 = arith.constant 1 : i32
      %add3A_66 = arith.addi %mul3A_59, %add3A_65 : i32
      %dma_start3A_67 = arith.constant 0 : i32
      %dma_start3A_68 = tpu.memref_slice %arg6[%add3A_66, %dma_start3A_67] : memref<106x96xi32, #tpu.memory_space<vmem>> -> memref<1x96xi32, #tpu.memory_space<vmem>>
      %dma_start3A_69 = tpu.memref_squeeze %dma_start3A_68 : memref<1x96xi32, #tpu.memory_space<vmem>> -> memref<96xi32, #tpu.memory_space<vmem>>
      %dma_start3A_70 = arith.constant 0 : i32
      %dma_start3A_71 = arith.constant 0 : i32
      %dma_start3A_72 = tpu.memref_slice %arg2[%dma_start3A_70, %dma_start3A_71] : memref<10240x128xf32, #tpu.memory_space<hbm>> -> memref<10240x128xf32, #tpu.memory_space<hbm>>
      tpu.enqueue_indirect_dma source(%dma_start3A_72 : memref<10240x128xf32, #tpu.memory_space<hbm>>) target(%arg9 : memref<96x128xf32, #tpu.memory_space<vmem>>) offsets(%dma_start3A_69 : memref<96xi32, #tpu.memory_space<vmem>>) semaphore(%arg12 : memref<!tpu.dma_semaphore, #tpu.memory_space<semaphore_mem>>)
      "tpu.region"() ({
        %run_scoped3A = tpu.sem_alloc : memref<!tpu.dma_semaphore, #tpu.memory_space<semaphore_mem>>
        %dma_start3A_87 = arith.constant 0 : i32
        %dma_start3A_88 = tpu.memref_slice %arg7[%mul3A_59, %dma_start3A_87] : memref<106x96xi32, #tpu.memory_space<vmem>> -> memref<1x96xi32, #tpu.memory_space<vmem>>
        %dma_start3A_89 = tpu.memref_squeeze %dma_start3A_88 : memref<1x96xi32, #tpu.memory_space<vmem>> -> memref<96xi32, #tpu.memory_space<vmem>>
        %dma_start3A_90 = arith.constant 0 : i32
        %dma_start3A_91 = arith.constant 0 : i32
        %dma_start3A_92 = tpu.memref_slice %arg10[%dma_start3A_90, %dma_start3A_91] : memref<10240x128xf32, #tpu.memory_space<vmem_shared>> -> memref<10240x128xf32, #tpu.memory_space<vmem_shared>>
        tpu.enqueue_indirect_dma source(%arg8 : memref<96x128xf32, #tpu.memory_space<vmem>>) target(%dma_start3A_92 : memref<10240x128xf32, #tpu.memory_space<vmem_shared>>) offsets(%dma_start3A_89 : memref<96xi32, #tpu.memory_space<vmem>>) semaphore(%run_scoped3A : memref<!tpu.dma_semaphore, #tpu.memory_space<semaphore_mem>>) {add = true}
        %dma_wait3A_93 = arith.constant 0 : i32
        %dma_wait3A_94 = tpu.memref_slice %arg7[%mul3A_59, %dma_wait3A_93] : memref<106x96xi32, #tpu.memory_space<vmem>> -> memref<1x96xi32, #tpu.memory_space<vmem>>
        %dma_wait3A_95 = tpu.memref_squeeze %dma_wait3A_94 : memref<1x96xi32, #tpu.memory_space<vmem>> -> memref<96xi32, #tpu.memory_space<vmem>>
        %dma_wait3A_96 = arith.constant 0 : i32
        %dma_wait3A_97 = arith.constant 0 : i32
        %dma_wait3A_98 = tpu.memref_slice %arg10[%dma_wait3A_96, %dma_wait3A_97] : memref<10240x128xf32, #tpu.memory_space<vmem_shared>> -> memref<10240x128xf32, #tpu.memory_space<vmem_shared>>
        tpu.wait_indirect_dma semaphore(%run_scoped3A : memref<!tpu.dma_semaphore, #tpu.memory_space<semaphore_mem>>) src(%arg8 : memref<96x128xf32, #tpu.memory_space<vmem>>) dst(%dma_wait3A_98 : memref<10240x128xf32, #tpu.memory_space<vmem_shared>>)
        tpu.yield
      }) : () -> ()
      %add3A_73 = arith.constant 1 : i32
      %add3A_74 = arith.addi %mul3A_59, %add3A_73 : i32
      %dma_wait3A_75 = arith.constant 0 : i32
      %dma_wait3A_76 = tpu.memref_slice %arg6[%add3A_74, %dma_wait3A_75] : memref<106x96xi32, #tpu.memory_space<vmem>> -> memref<1x96xi32, #tpu.memory_space<vmem>>
      %dma_wait3A_77 = tpu.memref_squeeze %dma_wait3A_76 : memref<1x96xi32, #tpu.memory_space<vmem>> -> memref<96xi32, #tpu.memory_space<vmem>>
      %dma_wait3A_78 = arith.constant 0 : i32
      %dma_wait3A_79 = arith.constant 0 : i32
      %dma_wait3A_80 = tpu.memref_slice %arg2[%dma_wait3A_78, %dma_wait3A_79] : memref<10240x128xf32, #tpu.memory_space<hbm>> -> memref<10240x128xf32, #tpu.memory_space<hbm>>
      tpu.wait_indirect_dma semaphore(%arg12 : memref<!tpu.dma_semaphore, #tpu.memory_space<semaphore_mem>>) src(%dma_wait3A_80 : memref<10240x128xf32, #tpu.memory_space<hbm>>) dst(%arg9 : memref<96x128xf32, #tpu.memory_space<vmem>>)
      %add3A_81 = arith.constant 2 : i32
      %add3A_82 = arith.addi %mul3A_59, %add3A_81 : i32
      %lt3A = arith.constant 106 : i32
      %lt3A_83 = arith.cmpi slt, %add3A_82, %lt3A : i32
      %convert_element_type3A = arith.extui %lt3A_83 : i1 to i32
      %cond3A = arith.constant 0 : i32
      %cond3A_84 = arith.cmpi ne, %convert_element_type3A, %cond3A : i32
      scf.if %cond3A_84 {
        %add3A_87 = arith.constant 2 : i32
        %add3A_88 = arith.addi %mul3A_59, %add3A_87 : i32
        %dma_start3A_89 = arith.constant 0 : i32
        %dma_start3A_90 = tpu.memref_slice %arg6[%add3A_88, %dma_start3A_89] : memref<106x96xi32, #tpu.memory_space<vmem>> -> memref<1x96xi32, #tpu.memory_space<vmem>>
        %dma_start3A_91 = tpu.memref_squeeze %dma_start3A_90 : memref<1x96xi32, #tpu.memory_space<vmem>> -> memref<96xi32, #tpu.memory_space<vmem>>
        %dma_start3A_92 = arith.constant 0 : i32
        %dma_start3A_93 = arith.constant 0 : i32
        %dma_start3A_94 = tpu.memref_slice %arg2[%dma_start3A_92, %dma_start3A_93] : memref<10240x128xf32, #tpu.memory_space<hbm>> -> memref<10240x128xf32, #tpu.memory_space<hbm>>
        tpu.enqueue_indirect_dma source(%dma_start3A_94 : memref<10240x128xf32, #tpu.memory_space<hbm>>) target(%arg8 : memref<96x128xf32, #tpu.memory_space<vmem>>) offsets(%dma_start3A_91 : memref<96xi32, #tpu.memory_space<vmem>>) semaphore(%arg11 : memref<!tpu.dma_semaphore, #tpu.memory_space<semaphore_mem>>)
      } else {
      }
      %add3A_85 = arith.constant 1 : i32
      %add3A_86 = arith.addi %mul3A_59, %add3A_85 : i32
      "tpu.region"() ({
        %run_scoped3A = tpu.sem_alloc : memref<!tpu.dma_semaphore, #tpu.memory_space<semaphore_mem>>
        %dma_start3A_87 = arith.constant 0 : i32
        %dma_start3A_88 = tpu.memref_slice %arg7[%add3A_86, %dma_start3A_87] : memref<106x96xi32, #tpu.memory_space<vmem>> -> memref<1x96xi32, #tpu.memory_space<vmem>>
        %dma_start3A_89 = tpu.memref_squeeze %dma_start3A_88 : memref<1x96xi32, #tpu.memory_space<vmem>> -> memref<96xi32, #tpu.memory_space<vmem>>
        %dma_start3A_90 = arith.constant 0 : i32
        %dma_start3A_91 = arith.constant 0 : i32
        %dma_start3A_92 = tpu.memref_slice %arg10[%dma_start3A_90, %dma_start3A_91] : memref<10240x128xf32, #tpu.memory_space<vmem_shared>> -> memref<10240x128xf32, #tpu.memory_space<vmem_shared>>
        tpu.enqueue_indirect_dma source(%arg9 : memref<96x128xf32, #tpu.memory_space<vmem>>) target(%dma_start3A_92 : memref<10240x128xf32, #tpu.memory_space<vmem_shared>>) offsets(%dma_start3A_89 : memref<96xi32, #tpu.memory_space<vmem>>) semaphore(%run_scoped3A : memref<!tpu.dma_semaphore, #tpu.memory_space<semaphore_mem>>) {add = true}
        %dma_wait3A_93 = arith.constant 0 : i32
        %dma_wait3A_94 = tpu.memref_slice %arg7[%add3A_86, %dma_wait3A_93] : memref<106x96xi32, #tpu.memory_space<vmem>> -> memref<1x96xi32, #tpu.memory_space<vmem>>
        %dma_wait3A_95 = tpu.memref_squeeze %dma_wait3A_94 : memref<1x96xi32, #tpu.memory_space<vmem>> -> memref<96xi32, #tpu.memory_space<vmem>>
        %dma_wait3A_96 = arith.constant 0 : i32
        %dma_wait3A_97 = arith.constant 0 : i32
        %dma_wait3A_98 = tpu.memref_slice %arg10[%dma_wait3A_96, %dma_wait3A_97] : memref<10240x128xf32, #tpu.memory_space<vmem_shared>> -> memref<10240x128xf32, #tpu.memory_space<vmem_shared>>
        tpu.wait_indirect_dma semaphore(%run_scoped3A : memref<!tpu.dma_semaphore, #tpu.memory_space<semaphore_mem>>) src(%arg9 : memref<96x128xf32, #tpu.memory_space<vmem>>) dst(%dma_wait3A_98 : memref<10240x128xf32, #tpu.memory_space<vmem_shared>>)
        tpu.yield
      }) : () -> ()
    }
    %scan3A_51 = arith.constant 53 : i32
    %barrier3A_52 = arith.constant 0 : index
    tpu.barrier barrier_id(%barrier3A_52)
    %mul3A_53 = arith.constant 640 : i32
    %mul3A_54 = arith.muli %arg1, %mul3A_53 : i32
    %mul3A_55 = arith.constant 640 : i32
    %mul3A_56 = arith.muli %arg1, %mul3A_55 : i32
    "tpu.region"() ({
      %run_scoped3A = tpu.sem_alloc : memref<!tpu.dma_semaphore, #tpu.memory_space<semaphore_mem>>
      %dma_start3A_57 = arith.constant 0 : i32
      %dma_start3A_58 = tpu.memref_slice %arg5[%arg0, %mul3A_56, %dma_start3A_57] : memref<2x10240x128xf32, #tpu.memory_space<hbm>> -> memref<1x640x128xf32, #tpu.memory_space<hbm>>
      %dma_start3A_59 = tpu.memref_squeeze %dma_start3A_58 : memref<1x640x128xf32, #tpu.memory_space<hbm>> -> memref<640x128xf32, #tpu.memory_space<hbm>>
      %dma_start3A_60 = arith.constant 0 : i32
      %dma_start3A_61 = tpu.memref_slice %arg10[%mul3A_54, %dma_start3A_60] : memref<10240x128xf32, #tpu.memory_space<vmem_shared>> -> memref<640x128xf32, #tpu.memory_space<vmem_shared>>
      tpu.enqueue_dma source(%dma_start3A_61 : memref<640x128xf32, #tpu.memory_space<vmem_shared>>) target(%dma_start3A_59 : memref<640x128xf32, #tpu.memory_space<hbm>>) target_semaphore(%run_scoped3A : memref<!tpu.dma_semaphore, #tpu.memory_space<semaphore_mem>>)
      %dma_wait3A = arith.constant 0 : i32
      %dma_wait3A_62 = tpu.memref_slice %arg5[%arg0, %mul3A_56, %dma_wait3A] : memref<2x10240x128xf32, #tpu.memory_space<hbm>> -> memref<1x640x128xf32, #tpu.memory_space<hbm>>
      %dma_wait3A_63 = tpu.memref_squeeze %dma_wait3A_62 : memref<1x640x128xf32, #tpu.memory_space<hbm>> -> memref<640x128xf32, #tpu.memory_space<hbm>>
      %dma_wait3A_64 = arith.constant 0 : i32
      %dma_wait3A_65 = tpu.memref_slice %arg10[%mul3A_54, %dma_wait3A_64] : memref<10240x128xf32, #tpu.memory_space<vmem_shared>> -> memref<640x128xf32, #tpu.memory_space<vmem_shared>>
      tpu.wait_dma2 semaphore(%run_scoped3A : memref<!tpu.dma_semaphore, #tpu.memory_space<semaphore_mem>>) src(%dma_wait3A_65 : memref<640x128xf32, #tpu.memory_space<vmem_shared>>) dst(%dma_wait3A_63 : memref<640x128xf32, #tpu.memory_space<hbm>>)
      tpu.yield
    }) : () -> ()
    return
  }
}

#map = affine_map<(d0, d1) -> (0, 0)>
#map1 = affine_map<(d0, d1) -> (0, 0, 0)>
module attributes {stable_mosaic.version = 14 : i64} {
  func.func @_sc_scatter_body(%arg0: i32, %arg1: i32, %arg2: memref<10240x16xf32, #tpu.memory_space<hbm>>, %arg3: memref<32x106x96xi32, #tpu.memory_space<hbm>>, %arg4: memref<32x106x96xi32, #tpu.memory_space<hbm>>, %arg5: memref<2x10240x16xf32, #tpu.memory_space<hbm>>, %arg6: memref<106x96xi32, #tpu.memory_space<vmem>>, %arg7: memref<106x96xi32, #tpu.memory_space<vmem>>, %arg8: memref<96x16xf32, #tpu.memory_space<vmem>>, %arg9: memref<96x16xf32, #tpu.memory_space<vmem>>, %arg10: memref<10240x16xf32, #tpu.memory_space<vmem_shared>>, %arg11: memref<!tpu.dma_semaphore, #tpu.memory_space<semaphore_mem>>, %arg12: memref<!tpu.dma_semaphore, #tpu.memory_space<semaphore_mem>>) attributes {dimension_semantics = [#tpu.dimension_semantics<core_parallel>, #tpu.dimension_semantics<subcore_parallel>], iteration_bounds = array<i64: 2, 16>, scalar_prefetch = 0 : i64, scratch_operands = 7 : i64, tpu.core_type = #tpu.core_type<sc_vector_subcore>, window_params = [{transform_indices = #map}, {transform_indices = #map1}, {transform_indices = #map1}, {transform_indices = #map1}]} {
    %mul3A = arith.constant 2 : i32
    %mul3A_0 = arith.muli %arg1, %mul3A : i32
    %add3A = arith.addi %mul3A_0, %arg0 : i32
    "tpu.region"() ({
      %run_scoped3A = tpu.sem_alloc : memref<!tpu.dma_semaphore, #tpu.memory_space<semaphore_mem>>
      %dma_start3A_57 = arith.constant 0 : i32
      %dma_start3A_58 = arith.constant 0 : i32
      %dma_start3A_59 = tpu.memref_slice %arg3[%add3A, %dma_start3A_57, %dma_start3A_58] : memref<32x106x96xi32, #tpu.memory_space<hbm>> -> memref<1x106x96xi32, #tpu.memory_space<hbm>>
      %dma_start3A_60 = tpu.memref_squeeze %dma_start3A_59 : memref<1x106x96xi32, #tpu.memory_space<hbm>> -> memref<106x96xi32, #tpu.memory_space<hbm>>
      %dma_start3A_61 = arith.constant 0 : i32
      %dma_start3A_62 = arith.constant 0 : i32
      %dma_start3A_63 = tpu.memref_slice %arg3[%add3A, %dma_start3A_61, %dma_start3A_62] : memref<32x106x96xi32, #tpu.memory_space<hbm>> -> memref<1x106x96xi32, #tpu.memory_space<hbm>>
      %dma_start3A_64 = tpu.memref_squeeze %dma_start3A_63 : memref<1x106x96xi32, #tpu.memory_space<hbm>> -> memref<106x96xi32, #tpu.memory_space<hbm>>
      tpu.enqueue_dma source(%dma_start3A_64 : memref<106x96xi32, #tpu.memory_space<hbm>>) target(%arg6 : memref<106x96xi32, #tpu.memory_space<vmem>>) target_semaphore(%run_scoped3A : memref<!tpu.dma_semaphore, #tpu.memory_space<semaphore_mem>>)
      %dma_wait3A = arith.constant 0 : i32
      %dma_wait3A_65 = arith.constant 0 : i32
      %dma_wait3A_66 = tpu.memref_slice %arg3[%add3A, %dma_wait3A, %dma_wait3A_65] : memref<32x106x96xi32, #tpu.memory_space<hbm>> -> memref<1x106x96xi32, #tpu.memory_space<hbm>>
      %dma_wait3A_67 = tpu.memref_squeeze %dma_wait3A_66 : memref<1x106x96xi32, #tpu.memory_space<hbm>> -> memref<106x96xi32, #tpu.memory_space<hbm>>
      %dma_wait3A_68 = arith.constant 0 : i32
      %dma_wait3A_69 = arith.constant 0 : i32
      %dma_wait3A_70 = tpu.memref_slice %arg3[%add3A, %dma_wait3A_68, %dma_wait3A_69] : memref<32x106x96xi32, #tpu.memory_space<hbm>> -> memref<1x106x96xi32, #tpu.memory_space<hbm>>
      %dma_wait3A_71 = tpu.memref_squeeze %dma_wait3A_70 : memref<1x106x96xi32, #tpu.memory_space<hbm>> -> memref<106x96xi32, #tpu.memory_space<hbm>>
      tpu.wait_dma2 semaphore(%run_scoped3A : memref<!tpu.dma_semaphore, #tpu.memory_space<semaphore_mem>>) src(%dma_wait3A_71 : memref<106x96xi32, #tpu.memory_space<hbm>>) dst(%arg6 : memref<106x96xi32, #tpu.memory_space<vmem>>)
      tpu.yield
    }) : () -> ()
    "tpu.region"() ({
      %run_scoped3A = tpu.sem_alloc : memref<!tpu.dma_semaphore, #tpu.memory_space<semaphore_mem>>
      %dma_start3A_57 = arith.constant 0 : i32
      %dma_start3A_58 = arith.constant 0 : i32
      %dma_start3A_59 = tpu.memref_slice %arg4[%add3A, %dma_start3A_57, %dma_start3A_58] : memref<32x106x96xi32, #tpu.memory_space<hbm>> -> memref<1x106x96xi32, #tpu.memory_space<hbm>>
      %dma_start3A_60 = tpu.memref_squeeze %dma_start3A_59 : memref<1x106x96xi32, #tpu.memory_space<hbm>> -> memref<106x96xi32, #tpu.memory_space<hbm>>
      %dma_start3A_61 = arith.constant 0 : i32
      %dma_start3A_62 = arith.constant 0 : i32
      %dma_start3A_63 = tpu.memref_slice %arg4[%add3A, %dma_start3A_61, %dma_start3A_62] : memref<32x106x96xi32, #tpu.memory_space<hbm>> -> memref<1x106x96xi32, #tpu.memory_space<hbm>>
      %dma_start3A_64 = tpu.memref_squeeze %dma_start3A_63 : memref<1x106x96xi32, #tpu.memory_space<hbm>> -> memref<106x96xi32, #tpu.memory_space<hbm>>
      tpu.enqueue_dma source(%dma_start3A_64 : memref<106x96xi32, #tpu.memory_space<hbm>>) target(%arg7 : memref<106x96xi32, #tpu.memory_space<vmem>>) target_semaphore(%run_scoped3A : memref<!tpu.dma_semaphore, #tpu.memory_space<semaphore_mem>>)
      %dma_wait3A = arith.constant 0 : i32
      %dma_wait3A_65 = arith.constant 0 : i32
      %dma_wait3A_66 = tpu.memref_slice %arg4[%add3A, %dma_wait3A, %dma_wait3A_65] : memref<32x106x96xi32, #tpu.memory_space<hbm>> -> memref<1x106x96xi32, #tpu.memory_space<hbm>>
      %dma_wait3A_67 = tpu.memref_squeeze %dma_wait3A_66 : memref<1x106x96xi32, #tpu.memory_space<hbm>> -> memref<106x96xi32, #tpu.memory_space<hbm>>
      %dma_wait3A_68 = arith.constant 0 : i32
      %dma_wait3A_69 = arith.constant 0 : i32
      %dma_wait3A_70 = tpu.memref_slice %arg4[%add3A, %dma_wait3A_68, %dma_wait3A_69] : memref<32x106x96xi32, #tpu.memory_space<hbm>> -> memref<1x106x96xi32, #tpu.memory_space<hbm>>
      %dma_wait3A_71 = tpu.memref_squeeze %dma_wait3A_70 : memref<1x106x96xi32, #tpu.memory_space<hbm>> -> memref<106x96xi32, #tpu.memory_space<hbm>>
      tpu.wait_dma2 semaphore(%run_scoped3A : memref<!tpu.dma_semaphore, #tpu.memory_space<semaphore_mem>>) src(%dma_wait3A_71 : memref<106x96xi32, #tpu.memory_space<hbm>>) dst(%arg7 : memref<106x96xi32, #tpu.memory_space<vmem>>)
      tpu.yield
    }) : () -> ()
    "tpu.region"() ({
      %run_scoped3A = tpu.sem_alloc : memref<!tpu.dma_semaphore, #tpu.memory_space<semaphore_mem>>
      %dma_start3A_57 = arith.constant 0 : i32
      %dma_start3A_58 = arith.constant 0 : i32
      %dma_start3A_59 = tpu.memref_slice %arg8[%dma_start3A_57, %dma_start3A_58] : memref<96x16xf32, #tpu.memory_space<vmem>> -> memref<64x16xf32, #tpu.memory_space<vmem>>
      %dma_start3A_60 = arith.constant 10176 : i32
      %dma_start3A_61 = arith.constant 0 : i32
      %dma_start3A_62 = tpu.memref_slice %arg2[%dma_start3A_60, %dma_start3A_61] : memref<10240x16xf32, #tpu.memory_space<hbm>> -> memref<64x16xf32, #tpu.memory_space<hbm>>
      %dma_start3A_63 = arith.constant 0 : i32
      %dma_start3A_64 = arith.constant 0 : i32
      %dma_start3A_65 = tpu.memref_slice %arg8[%dma_start3A_63, %dma_start3A_64] : memref<96x16xf32, #tpu.memory_space<vmem>> -> memref<64x16xf32, #tpu.memory_space<vmem>>
      %dma_start3A_66 = arith.constant 10176 : i32
      %dma_start3A_67 = arith.constant 0 : i32
      %dma_start3A_68 = tpu.memref_slice %arg2[%dma_start3A_66, %dma_start3A_67] : memref<10240x16xf32, #tpu.memory_space<hbm>> -> memref<64x16xf32, #tpu.memory_space<hbm>>
      tpu.enqueue_dma source(%dma_start3A_68 : memref<64x16xf32, #tpu.memory_space<hbm>>) target(%dma_start3A_65 : memref<64x16xf32, #tpu.memory_space<vmem>>) target_semaphore(%run_scoped3A : memref<!tpu.dma_semaphore, #tpu.memory_space<semaphore_mem>>)
      %dma_wait3A = arith.constant 0 : i32
      %dma_wait3A_69 = arith.constant 0 : i32
      %dma_wait3A_70 = tpu.memref_slice %arg8[%dma_wait3A, %dma_wait3A_69] : memref<96x16xf32, #tpu.memory_space<vmem>> -> memref<64x16xf32, #tpu.memory_space<vmem>>
      %dma_wait3A_71 = arith.constant 10176 : i32
      %dma_wait3A_72 = arith.constant 0 : i32
      %dma_wait3A_73 = tpu.memref_slice %arg2[%dma_wait3A_71, %dma_wait3A_72] : memref<10240x16xf32, #tpu.memory_space<hbm>> -> memref<64x16xf32, #tpu.memory_space<hbm>>
      %dma_wait3A_74 = arith.constant 0 : i32
      %dma_wait3A_75 = arith.constant 0 : i32
      %dma_wait3A_76 = tpu.memref_slice %arg8[%dma_wait3A_74, %dma_wait3A_75] : memref<96x16xf32, #tpu.memory_space<vmem>> -> memref<64x16xf32, #tpu.memory_space<vmem>>
      %dma_wait3A_77 = arith.constant 10176 : i32
      %dma_wait3A_78 = arith.constant 0 : i32
      %dma_wait3A_79 = tpu.memref_slice %arg2[%dma_wait3A_77, %dma_wait3A_78] : memref<10240x16xf32, #tpu.memory_space<hbm>> -> memref<64x16xf32, #tpu.memory_space<hbm>>
      tpu.wait_dma2 semaphore(%run_scoped3A : memref<!tpu.dma_semaphore, #tpu.memory_space<semaphore_mem>>) src(%dma_wait3A_79 : memref<64x16xf32, #tpu.memory_space<hbm>>) dst(%dma_wait3A_76 : memref<64x16xf32, #tpu.memory_space<vmem>>)
      tpu.yield
    }) : () -> ()
    %mul3A_1 = arith.constant 640 : i32
    %mul3A_2 = arith.muli %arg1, %mul3A_1 : i32
    %add3A_3 = arith.constant 0 : i32
    %add3A_4 = arith.addi %mul3A_2, %add3A_3 : i32
    "tpu.region"() ({
      %run_scoped3A = tpu.sem_alloc : memref<!tpu.dma_semaphore, #tpu.memory_space<semaphore_mem>>
      %dma_start3A_57 = arith.constant 0 : i32
      %dma_start3A_58 = arith.constant 0 : i32
      %dma_start3A_59 = tpu.memref_slice %arg8[%dma_start3A_57, %dma_start3A_58] : memref<96x16xf32, #tpu.memory_space<vmem>> -> memref<64x16xf32, #tpu.memory_space<vmem>>
      %dma_start3A_60 = arith.constant 0 : i32
      %dma_start3A_61 = tpu.memref_slice %arg10[%add3A_4, %dma_start3A_60] : memref<10240x16xf32, #tpu.memory_space<vmem_shared>> -> memref<64x16xf32, #tpu.memory_space<vmem_shared>>
      %dma_start3A_62 = arith.constant 0 : i32
      %dma_start3A_63 = tpu.memref_slice %arg10[%add3A_4, %dma_start3A_62] : memref<10240x16xf32, #tpu.memory_space<vmem_shared>> -> memref<64x16xf32, #tpu.memory_space<vmem_shared>>
      %dma_start3A_64 = arith.constant 0 : i32
      %dma_start3A_65 = arith.constant 0 : i32
      %dma_start3A_66 = tpu.memref_slice %arg8[%dma_start3A_64, %dma_start3A_65] : memref<96x16xf32, #tpu.memory_space<vmem>> -> memref<64x16xf32, #tpu.memory_space<vmem>>
      tpu.enqueue_dma source(%dma_start3A_66 : memref<64x16xf32, #tpu.memory_space<vmem>>) target(%dma_start3A_63 : memref<64x16xf32, #tpu.memory_space<vmem_shared>>) target_semaphore(%run_scoped3A : memref<!tpu.dma_semaphore, #tpu.memory_space<semaphore_mem>>)
      %dma_wait3A = arith.constant 0 : i32
      %dma_wait3A_67 = arith.constant 0 : i32
      %dma_wait3A_68 = tpu.memref_slice %arg8[%dma_wait3A, %dma_wait3A_67] : memref<96x16xf32, #tpu.memory_space<vmem>> -> memref<64x16xf32, #tpu.memory_space<vmem>>
      %dma_wait3A_69 = arith.constant 0 : i32
      %dma_wait3A_70 = tpu.memref_slice %arg10[%add3A_4, %dma_wait3A_69] : memref<10240x16xf32, #tpu.memory_space<vmem_shared>> -> memref<64x16xf32, #tpu.memory_space<vmem_shared>>
      %dma_wait3A_71 = arith.constant 0 : i32
      %dma_wait3A_72 = tpu.memref_slice %arg10[%add3A_4, %dma_wait3A_71] : memref<10240x16xf32, #tpu.memory_space<vmem_shared>> -> memref<64x16xf32, #tpu.memory_space<vmem_shared>>
      %dma_wait3A_73 = arith.constant 0 : i32
      %dma_wait3A_74 = arith.constant 0 : i32
      %dma_wait3A_75 = tpu.memref_slice %arg8[%dma_wait3A_73, %dma_wait3A_74] : memref<96x16xf32, #tpu.memory_space<vmem>> -> memref<64x16xf32, #tpu.memory_space<vmem>>
      tpu.wait_dma2 semaphore(%run_scoped3A : memref<!tpu.dma_semaphore, #tpu.memory_space<semaphore_mem>>) src(%dma_wait3A_75 : memref<64x16xf32, #tpu.memory_space<vmem>>) dst(%dma_wait3A_72 : memref<64x16xf32, #tpu.memory_space<vmem_shared>>)
      tpu.yield
    }) : () -> ()
    %mul3A_5 = arith.constant 640 : i32
    %mul3A_6 = arith.muli %arg1, %mul3A_5 : i32
    %add3A_7 = arith.constant 64 : i32
    %add3A_8 = arith.addi %mul3A_6, %add3A_7 : i32
    "tpu.region"() ({
      %run_scoped3A = tpu.sem_alloc : memref<!tpu.dma_semaphore, #tpu.memory_space<semaphore_mem>>
      %dma_start3A_57 = arith.constant 0 : i32
      %dma_start3A_58 = arith.constant 0 : i32
      %dma_start3A_59 = tpu.memref_slice %arg8[%dma_start3A_57, %dma_start3A_58] : memref<96x16xf32, #tpu.memory_space<vmem>> -> memref<64x16xf32, #tpu.memory_space<vmem>>
      %dma_start3A_60 = arith.constant 0 : i32
      %dma_start3A_61 = tpu.memref_slice %arg10[%add3A_8, %dma_start3A_60] : memref<10240x16xf32, #tpu.memory_space<vmem_shared>> -> memref<64x16xf32, #tpu.memory_space<vmem_shared>>
      %dma_start3A_62 = arith.constant 0 : i32
      %dma_start3A_63 = tpu.memref_slice %arg10[%add3A_8, %dma_start3A_62] : memref<10240x16xf32, #tpu.memory_space<vmem_shared>> -> memref<64x16xf32, #tpu.memory_space<vmem_shared>>
      %dma_start3A_64 = arith.constant 0 : i32
      %dma_start3A_65 = arith.constant 0 : i32
      %dma_start3A_66 = tpu.memref_slice %arg8[%dma_start3A_64, %dma_start3A_65] : memref<96x16xf32, #tpu.memory_space<vmem>> -> memref<64x16xf32, #tpu.memory_space<vmem>>
      tpu.enqueue_dma source(%dma_start3A_66 : memref<64x16xf32, #tpu.memory_space<vmem>>) target(%dma_start3A_63 : memref<64x16xf32, #tpu.memory_space<vmem_shared>>) target_semaphore(%run_scoped3A : memref<!tpu.dma_semaphore, #tpu.memory_space<semaphore_mem>>)
      %dma_wait3A = arith.constant 0 : i32
      %dma_wait3A_67 = arith.constant 0 : i32
      %dma_wait3A_68 = tpu.memref_slice %arg8[%dma_wait3A, %dma_wait3A_67] : memref<96x16xf32, #tpu.memory_space<vmem>> -> memref<64x16xf32, #tpu.memory_space<vmem>>
      %dma_wait3A_69 = arith.constant 0 : i32
      %dma_wait3A_70 = tpu.memref_slice %arg10[%add3A_8, %dma_wait3A_69] : memref<10240x16xf32, #tpu.memory_space<vmem_shared>> -> memref<64x16xf32, #tpu.memory_space<vmem_shared>>
      %dma_wait3A_71 = arith.constant 0 : i32
      %dma_wait3A_72 = tpu.memref_slice %arg10[%add3A_8, %dma_wait3A_71] : memref<10240x16xf32, #tpu.memory_space<vmem_shared>> -> memref<64x16xf32, #tpu.memory_space<vmem_shared>>
      %dma_wait3A_73 = arith.constant 0 : i32
      %dma_wait3A_74 = arith.constant 0 : i32
      %dma_wait3A_75 = tpu.memref_slice %arg8[%dma_wait3A_73, %dma_wait3A_74] : memref<96x16xf32, #tpu.memory_space<vmem>> -> memref<64x16xf32, #tpu.memory_space<vmem>>
      tpu.wait_dma2 semaphore(%run_scoped3A : memref<!tpu.dma_semaphore, #tpu.memory_space<semaphore_mem>>) src(%dma_wait3A_75 : memref<64x16xf32, #tpu.memory_space<vmem>>) dst(%dma_wait3A_72 : memref<64x16xf32, #tpu.memory_space<vmem_shared>>)
      tpu.yield
    }) : () -> ()
    %mul3A_9 = arith.constant 640 : i32
    %mul3A_10 = arith.muli %arg1, %mul3A_9 : i32
    %add3A_11 = arith.constant 128 : i32
    %add3A_12 = arith.addi %mul3A_10, %add3A_11 : i32
    "tpu.region"() ({
      %run_scoped3A = tpu.sem_alloc : memref<!tpu.dma_semaphore, #tpu.memory_space<semaphore_mem>>
      %dma_start3A_57 = arith.constant 0 : i32
      %dma_start3A_58 = arith.constant 0 : i32
      %dma_start3A_59 = tpu.memref_slice %arg8[%dma_start3A_57, %dma_start3A_58] : memref<96x16xf32, #tpu.memory_space<vmem>> -> memref<64x16xf32, #tpu.memory_space<vmem>>
      %dma_start3A_60 = arith.constant 0 : i32
      %dma_start3A_61 = tpu.memref_slice %arg10[%add3A_12, %dma_start3A_60] : memref<10240x16xf32, #tpu.memory_space<vmem_shared>> -> memref<64x16xf32, #tpu.memory_space<vmem_shared>>
      %dma_start3A_62 = arith.constant 0 : i32
      %dma_start3A_63 = tpu.memref_slice %arg10[%add3A_12, %dma_start3A_62] : memref<10240x16xf32, #tpu.memory_space<vmem_shared>> -> memref<64x16xf32, #tpu.memory_space<vmem_shared>>
      %dma_start3A_64 = arith.constant 0 : i32
      %dma_start3A_65 = arith.constant 0 : i32
      %dma_start3A_66 = tpu.memref_slice %arg8[%dma_start3A_64, %dma_start3A_65] : memref<96x16xf32, #tpu.memory_space<vmem>> -> memref<64x16xf32, #tpu.memory_space<vmem>>
      tpu.enqueue_dma source(%dma_start3A_66 : memref<64x16xf32, #tpu.memory_space<vmem>>) target(%dma_start3A_63 : memref<64x16xf32, #tpu.memory_space<vmem_shared>>) target_semaphore(%run_scoped3A : memref<!tpu.dma_semaphore, #tpu.memory_space<semaphore_mem>>)
      %dma_wait3A = arith.constant 0 : i32
      %dma_wait3A_67 = arith.constant 0 : i32
      %dma_wait3A_68 = tpu.memref_slice %arg8[%dma_wait3A, %dma_wait3A_67] : memref<96x16xf32, #tpu.memory_space<vmem>> -> memref<64x16xf32, #tpu.memory_space<vmem>>
      %dma_wait3A_69 = arith.constant 0 : i32
      %dma_wait3A_70 = tpu.memref_slice %arg10[%add3A_12, %dma_wait3A_69] : memref<10240x16xf32, #tpu.memory_space<vmem_shared>> -> memref<64x16xf32, #tpu.memory_space<vmem_shared>>
      %dma_wait3A_71 = arith.constant 0 : i32
      %dma_wait3A_72 = tpu.memref_slice %arg10[%add3A_12, %dma_wait3A_71] : memref<10240x16xf32, #tpu.memory_space<vmem_shared>> -> memref<64x16xf32, #tpu.memory_space<vmem_shared>>
      %dma_wait3A_73 = arith.constant 0 : i32
      %dma_wait3A_74 = arith.constant 0 : i32
      %dma_wait3A_75 = tpu.memref_slice %arg8[%dma_wait3A_73, %dma_wait3A_74] : memref<96x16xf32, #tpu.memory_space<vmem>> -> memref<64x16xf32, #tpu.memory_space<vmem>>
      tpu.wait_dma2 semaphore(%run_scoped3A : memref<!tpu.dma_semaphore, #tpu.memory_space<semaphore_mem>>) src(%dma_wait3A_75 : memref<64x16xf32, #tpu.memory_space<vmem>>) dst(%dma_wait3A_72 : memref<64x16xf32, #tpu.memory_space<vmem_shared>>)
      tpu.yield
    }) : () -> ()
    %mul3A_13 = arith.constant 640 : i32
    %mul3A_14 = arith.muli %arg1, %mul3A_13 : i32
    %add3A_15 = arith.constant 192 : i32
    %add3A_16 = arith.addi %mul3A_14, %add3A_15 : i32
    "tpu.region"() ({
      %run_scoped3A = tpu.sem_alloc : memref<!tpu.dma_semaphore, #tpu.memory_space<semaphore_mem>>
      %dma_start3A_57 = arith.constant 0 : i32
      %dma_start3A_58 = arith.constant 0 : i32
      %dma_start3A_59 = tpu.memref_slice %arg8[%dma_start3A_57, %dma_start3A_58] : memref<96x16xf32, #tpu.memory_space<vmem>> -> memref<64x16xf32, #tpu.memory_space<vmem>>
      %dma_start3A_60 = arith.constant 0 : i32
      %dma_start3A_61 = tpu.memref_slice %arg10[%add3A_16, %dma_start3A_60] : memref<10240x16xf32, #tpu.memory_space<vmem_shared>> -> memref<64x16xf32, #tpu.memory_space<vmem_shared>>
      %dma_start3A_62 = arith.constant 0 : i32
      %dma_start3A_63 = tpu.memref_slice %arg10[%add3A_16, %dma_start3A_62] : memref<10240x16xf32, #tpu.memory_space<vmem_shared>> -> memref<64x16xf32, #tpu.memory_space<vmem_shared>>
      %dma_start3A_64 = arith.constant 0 : i32
      %dma_start3A_65 = arith.constant 0 : i32
      %dma_start3A_66 = tpu.memref_slice %arg8[%dma_start3A_64, %dma_start3A_65] : memref<96x16xf32, #tpu.memory_space<vmem>> -> memref<64x16xf32, #tpu.memory_space<vmem>>
      tpu.enqueue_dma source(%dma_start3A_66 : memref<64x16xf32, #tpu.memory_space<vmem>>) target(%dma_start3A_63 : memref<64x16xf32, #tpu.memory_space<vmem_shared>>) target_semaphore(%run_scoped3A : memref<!tpu.dma_semaphore, #tpu.memory_space<semaphore_mem>>)
      %dma_wait3A = arith.constant 0 : i32
      %dma_wait3A_67 = arith.constant 0 : i32
      %dma_wait3A_68 = tpu.memref_slice %arg8[%dma_wait3A, %dma_wait3A_67] : memref<96x16xf32, #tpu.memory_space<vmem>> -> memref<64x16xf32, #tpu.memory_space<vmem>>
      %dma_wait3A_69 = arith.constant 0 : i32
      %dma_wait3A_70 = tpu.memref_slice %arg10[%add3A_16, %dma_wait3A_69] : memref<10240x16xf32, #tpu.memory_space<vmem_shared>> -> memref<64x16xf32, #tpu.memory_space<vmem_shared>>
      %dma_wait3A_71 = arith.constant 0 : i32
      %dma_wait3A_72 = tpu.memref_slice %arg10[%add3A_16, %dma_wait3A_71] : memref<10240x16xf32, #tpu.memory_space<vmem_shared>> -> memref<64x16xf32, #tpu.memory_space<vmem_shared>>
      %dma_wait3A_73 = arith.constant 0 : i32
      %dma_wait3A_74 = arith.constant 0 : i32
      %dma_wait3A_75 = tpu.memref_slice %arg8[%dma_wait3A_73, %dma_wait3A_74] : memref<96x16xf32, #tpu.memory_space<vmem>> -> memref<64x16xf32, #tpu.memory_space<vmem>>
      tpu.wait_dma2 semaphore(%run_scoped3A : memref<!tpu.dma_semaphore, #tpu.memory_space<semaphore_mem>>) src(%dma_wait3A_75 : memref<64x16xf32, #tpu.memory_space<vmem>>) dst(%dma_wait3A_72 : memref<64x16xf32, #tpu.memory_space<vmem_shared>>)
      tpu.yield
    }) : () -> ()
    %mul3A_17 = arith.constant 640 : i32
    %mul3A_18 = arith.muli %arg1, %mul3A_17 : i32
    %add3A_19 = arith.constant 256 : i32
    %add3A_20 = arith.addi %mul3A_18, %add3A_19 : i32
    "tpu.region"() ({
      %run_scoped3A = tpu.sem_alloc : memref<!tpu.dma_semaphore, #tpu.memory_space<semaphore_mem>>
      %dma_start3A_57 = arith.constant 0 : i32
      %dma_start3A_58 = arith.constant 0 : i32
      %dma_start3A_59 = tpu.memref_slice %arg8[%dma_start3A_57, %dma_start3A_58] : memref<96x16xf32, #tpu.memory_space<vmem>> -> memref<64x16xf32, #tpu.memory_space<vmem>>
      %dma_start3A_60 = arith.constant 0 : i32
      %dma_start3A_61 = tpu.memref_slice %arg10[%add3A_20, %dma_start3A_60] : memref<10240x16xf32, #tpu.memory_space<vmem_shared>> -> memref<64x16xf32, #tpu.memory_space<vmem_shared>>
      %dma_start3A_62 = arith.constant 0 : i32
      %dma_start3A_63 = tpu.memref_slice %arg10[%add3A_20, %dma_start3A_62] : memref<10240x16xf32, #tpu.memory_space<vmem_shared>> -> memref<64x16xf32, #tpu.memory_space<vmem_shared>>
      %dma_start3A_64 = arith.constant 0 : i32
      %dma_start3A_65 = arith.constant 0 : i32
      %dma_start3A_66 = tpu.memref_slice %arg8[%dma_start3A_64, %dma_start3A_65] : memref<96x16xf32, #tpu.memory_space<vmem>> -> memref<64x16xf32, #tpu.memory_space<vmem>>
      tpu.enqueue_dma source(%dma_start3A_66 : memref<64x16xf32, #tpu.memory_space<vmem>>) target(%dma_start3A_63 : memref<64x16xf32, #tpu.memory_space<vmem_shared>>) target_semaphore(%run_scoped3A : memref<!tpu.dma_semaphore, #tpu.memory_space<semaphore_mem>>)
      %dma_wait3A = arith.constant 0 : i32
      %dma_wait3A_67 = arith.constant 0 : i32
      %dma_wait3A_68 = tpu.memref_slice %arg8[%dma_wait3A, %dma_wait3A_67] : memref<96x16xf32, #tpu.memory_space<vmem>> -> memref<64x16xf32, #tpu.memory_space<vmem>>
      %dma_wait3A_69 = arith.constant 0 : i32
      %dma_wait3A_70 = tpu.memref_slice %arg10[%add3A_20, %dma_wait3A_69] : memref<10240x16xf32, #tpu.memory_space<vmem_shared>> -> memref<64x16xf32, #tpu.memory_space<vmem_shared>>
      %dma_wait3A_71 = arith.constant 0 : i32
      %dma_wait3A_72 = tpu.memref_slice %arg10[%add3A_20, %dma_wait3A_71] : memref<10240x16xf32, #tpu.memory_space<vmem_shared>> -> memref<64x16xf32, #tpu.memory_space<vmem_shared>>
      %dma_wait3A_73 = arith.constant 0 : i32
      %dma_wait3A_74 = arith.constant 0 : i32
      %dma_wait3A_75 = tpu.memref_slice %arg8[%dma_wait3A_73, %dma_wait3A_74] : memref<96x16xf32, #tpu.memory_space<vmem>> -> memref<64x16xf32, #tpu.memory_space<vmem>>
      tpu.wait_dma2 semaphore(%run_scoped3A : memref<!tpu.dma_semaphore, #tpu.memory_space<semaphore_mem>>) src(%dma_wait3A_75 : memref<64x16xf32, #tpu.memory_space<vmem>>) dst(%dma_wait3A_72 : memref<64x16xf32, #tpu.memory_space<vmem_shared>>)
      tpu.yield
    }) : () -> ()
    %mul3A_21 = arith.constant 640 : i32
    %mul3A_22 = arith.muli %arg1, %mul3A_21 : i32
    %add3A_23 = arith.constant 320 : i32
    %add3A_24 = arith.addi %mul3A_22, %add3A_23 : i32
    "tpu.region"() ({
      %run_scoped3A = tpu.sem_alloc : memref<!tpu.dma_semaphore, #tpu.memory_space<semaphore_mem>>
      %dma_start3A_57 = arith.constant 0 : i32
      %dma_start3A_58 = arith.constant 0 : i32
      %dma_start3A_59 = tpu.memref_slice %arg8[%dma_start3A_57, %dma_start3A_58] : memref<96x16xf32, #tpu.memory_space<vmem>> -> memref<64x16xf32, #tpu.memory_space<vmem>>
      %dma_start3A_60 = arith.constant 0 : i32
      %dma_start3A_61 = tpu.memref_slice %arg10[%add3A_24, %dma_start3A_60] : memref<10240x16xf32, #tpu.memory_space<vmem_shared>> -> memref<64x16xf32, #tpu.memory_space<vmem_shared>>
      %dma_start3A_62 = arith.constant 0 : i32
      %dma_start3A_63 = tpu.memref_slice %arg10[%add3A_24, %dma_start3A_62] : memref<10240x16xf32, #tpu.memory_space<vmem_shared>> -> memref<64x16xf32, #tpu.memory_space<vmem_shared>>
      %dma_start3A_64 = arith.constant 0 : i32
      %dma_start3A_65 = arith.constant 0 : i32
      %dma_start3A_66 = tpu.memref_slice %arg8[%dma_start3A_64, %dma_start3A_65] : memref<96x16xf32, #tpu.memory_space<vmem>> -> memref<64x16xf32, #tpu.memory_space<vmem>>
      tpu.enqueue_dma source(%dma_start3A_66 : memref<64x16xf32, #tpu.memory_space<vmem>>) target(%dma_start3A_63 : memref<64x16xf32, #tpu.memory_space<vmem_shared>>) target_semaphore(%run_scoped3A : memref<!tpu.dma_semaphore, #tpu.memory_space<semaphore_mem>>)
      %dma_wait3A = arith.constant 0 : i32
      %dma_wait3A_67 = arith.constant 0 : i32
      %dma_wait3A_68 = tpu.memref_slice %arg8[%dma_wait3A, %dma_wait3A_67] : memref<96x16xf32, #tpu.memory_space<vmem>> -> memref<64x16xf32, #tpu.memory_space<vmem>>
      %dma_wait3A_69 = arith.constant 0 : i32
      %dma_wait3A_70 = tpu.memref_slice %arg10[%add3A_24, %dma_wait3A_69] : memref<10240x16xf32, #tpu.memory_space<vmem_shared>> -> memref<64x16xf32, #tpu.memory_space<vmem_shared>>
      %dma_wait3A_71 = arith.constant 0 : i32
      %dma_wait3A_72 = tpu.memref_slice %arg10[%add3A_24, %dma_wait3A_71] : memref<10240x16xf32, #tpu.memory_space<vmem_shared>> -> memref<64x16xf32, #tpu.memory_space<vmem_shared>>
      %dma_wait3A_73 = arith.constant 0 : i32
      %dma_wait3A_74 = arith.constant 0 : i32
      %dma_wait3A_75 = tpu.memref_slice %arg8[%dma_wait3A_73, %dma_wait3A_74] : memref<96x16xf32, #tpu.memory_space<vmem>> -> memref<64x16xf32, #tpu.memory_space<vmem>>
      tpu.wait_dma2 semaphore(%run_scoped3A : memref<!tpu.dma_semaphore, #tpu.memory_space<semaphore_mem>>) src(%dma_wait3A_75 : memref<64x16xf32, #tpu.memory_space<vmem>>) dst(%dma_wait3A_72 : memref<64x16xf32, #tpu.memory_space<vmem_shared>>)
      tpu.yield
    }) : () -> ()
    %mul3A_25 = arith.constant 640 : i32
    %mul3A_26 = arith.muli %arg1, %mul3A_25 : i32
    %add3A_27 = arith.constant 384 : i32
    %add3A_28 = arith.addi %mul3A_26, %add3A_27 : i32
    "tpu.region"() ({
      %run_scoped3A = tpu.sem_alloc : memref<!tpu.dma_semaphore, #tpu.memory_space<semaphore_mem>>
      %dma_start3A_57 = arith.constant 0 : i32
      %dma_start3A_58 = arith.constant 0 : i32
      %dma_start3A_59 = tpu.memref_slice %arg8[%dma_start3A_57, %dma_start3A_58] : memref<96x16xf32, #tpu.memory_space<vmem>> -> memref<64x16xf32, #tpu.memory_space<vmem>>
      %dma_start3A_60 = arith.constant 0 : i32
      %dma_start3A_61 = tpu.memref_slice %arg10[%add3A_28, %dma_start3A_60] : memref<10240x16xf32, #tpu.memory_space<vmem_shared>> -> memref<64x16xf32, #tpu.memory_space<vmem_shared>>
      %dma_start3A_62 = arith.constant 0 : i32
      %dma_start3A_63 = tpu.memref_slice %arg10[%add3A_28, %dma_start3A_62] : memref<10240x16xf32, #tpu.memory_space<vmem_shared>> -> memref<64x16xf32, #tpu.memory_space<vmem_shared>>
      %dma_start3A_64 = arith.constant 0 : i32
      %dma_start3A_65 = arith.constant 0 : i32
      %dma_start3A_66 = tpu.memref_slice %arg8[%dma_start3A_64, %dma_start3A_65] : memref<96x16xf32, #tpu.memory_space<vmem>> -> memref<64x16xf32, #tpu.memory_space<vmem>>
      tpu.enqueue_dma source(%dma_start3A_66 : memref<64x16xf32, #tpu.memory_space<vmem>>) target(%dma_start3A_63 : memref<64x16xf32, #tpu.memory_space<vmem_shared>>) target_semaphore(%run_scoped3A : memref<!tpu.dma_semaphore, #tpu.memory_space<semaphore_mem>>)
      %dma_wait3A = arith.constant 0 : i32
      %dma_wait3A_67 = arith.constant 0 : i32
      %dma_wait3A_68 = tpu.memref_slice %arg8[%dma_wait3A, %dma_wait3A_67] : memref<96x16xf32, #tpu.memory_space<vmem>> -> memref<64x16xf32, #tpu.memory_space<vmem>>
      %dma_wait3A_69 = arith.constant 0 : i32
      %dma_wait3A_70 = tpu.memref_slice %arg10[%add3A_28, %dma_wait3A_69] : memref<10240x16xf32, #tpu.memory_space<vmem_shared>> -> memref<64x16xf32, #tpu.memory_space<vmem_shared>>
      %dma_wait3A_71 = arith.constant 0 : i32
      %dma_wait3A_72 = tpu.memref_slice %arg10[%add3A_28, %dma_wait3A_71] : memref<10240x16xf32, #tpu.memory_space<vmem_shared>> -> memref<64x16xf32, #tpu.memory_space<vmem_shared>>
      %dma_wait3A_73 = arith.constant 0 : i32
      %dma_wait3A_74 = arith.constant 0 : i32
      %dma_wait3A_75 = tpu.memref_slice %arg8[%dma_wait3A_73, %dma_wait3A_74] : memref<96x16xf32, #tpu.memory_space<vmem>> -> memref<64x16xf32, #tpu.memory_space<vmem>>
      tpu.wait_dma2 semaphore(%run_scoped3A : memref<!tpu.dma_semaphore, #tpu.memory_space<semaphore_mem>>) src(%dma_wait3A_75 : memref<64x16xf32, #tpu.memory_space<vmem>>) dst(%dma_wait3A_72 : memref<64x16xf32, #tpu.memory_space<vmem_shared>>)
      tpu.yield
    }) : () -> ()
    %mul3A_29 = arith.constant 640 : i32
    %mul3A_30 = arith.muli %arg1, %mul3A_29 : i32
    %add3A_31 = arith.constant 448 : i32
    %add3A_32 = arith.addi %mul3A_30, %add3A_31 : i32
    "tpu.region"() ({
      %run_scoped3A = tpu.sem_alloc : memref<!tpu.dma_semaphore, #tpu.memory_space<semaphore_mem>>
      %dma_start3A_57 = arith.constant 0 : i32
      %dma_start3A_58 = arith.constant 0 : i32
      %dma_start3A_59 = tpu.memref_slice %arg8[%dma_start3A_57, %dma_start3A_58] : memref<96x16xf32, #tpu.memory_space<vmem>> -> memref<64x16xf32, #tpu.memory_space<vmem>>
      %dma_start3A_60 = arith.constant 0 : i32
      %dma_start3A_61 = tpu.memref_slice %arg10[%add3A_32, %dma_start3A_60] : memref<10240x16xf32, #tpu.memory_space<vmem_shared>> -> memref<64x16xf32, #tpu.memory_space<vmem_shared>>
      %dma_start3A_62 = arith.constant 0 : i32
      %dma_start3A_63 = tpu.memref_slice %arg10[%add3A_32, %dma_start3A_62] : memref<10240x16xf32, #tpu.memory_space<vmem_shared>> -> memref<64x16xf32, #tpu.memory_space<vmem_shared>>
      %dma_start3A_64 = arith.constant 0 : i32
      %dma_start3A_65 = arith.constant 0 : i32
      %dma_start3A_66 = tpu.memref_slice %arg8[%dma_start3A_64, %dma_start3A_65] : memref<96x16xf32, #tpu.memory_space<vmem>> -> memref<64x16xf32, #tpu.memory_space<vmem>>
      tpu.enqueue_dma source(%dma_start3A_66 : memref<64x16xf32, #tpu.memory_space<vmem>>) target(%dma_start3A_63 : memref<64x16xf32, #tpu.memory_space<vmem_shared>>) target_semaphore(%run_scoped3A : memref<!tpu.dma_semaphore, #tpu.memory_space<semaphore_mem>>)
      %dma_wait3A = arith.constant 0 : i32
      %dma_wait3A_67 = arith.constant 0 : i32
      %dma_wait3A_68 = tpu.memref_slice %arg8[%dma_wait3A, %dma_wait3A_67] : memref<96x16xf32, #tpu.memory_space<vmem>> -> memref<64x16xf32, #tpu.memory_space<vmem>>
      %dma_wait3A_69 = arith.constant 0 : i32
      %dma_wait3A_70 = tpu.memref_slice %arg10[%add3A_32, %dma_wait3A_69] : memref<10240x16xf32, #tpu.memory_space<vmem_shared>> -> memref<64x16xf32, #tpu.memory_space<vmem_shared>>
      %dma_wait3A_71 = arith.constant 0 : i32
      %dma_wait3A_72 = tpu.memref_slice %arg10[%add3A_32, %dma_wait3A_71] : memref<10240x16xf32, #tpu.memory_space<vmem_shared>> -> memref<64x16xf32, #tpu.memory_space<vmem_shared>>
      %dma_wait3A_73 = arith.constant 0 : i32
      %dma_wait3A_74 = arith.constant 0 : i32
      %dma_wait3A_75 = tpu.memref_slice %arg8[%dma_wait3A_73, %dma_wait3A_74] : memref<96x16xf32, #tpu.memory_space<vmem>> -> memref<64x16xf32, #tpu.memory_space<vmem>>
      tpu.wait_dma2 semaphore(%run_scoped3A : memref<!tpu.dma_semaphore, #tpu.memory_space<semaphore_mem>>) src(%dma_wait3A_75 : memref<64x16xf32, #tpu.memory_space<vmem>>) dst(%dma_wait3A_72 : memref<64x16xf32, #tpu.memory_space<vmem_shared>>)
      tpu.yield
    }) : () -> ()
    %mul3A_33 = arith.constant 640 : i32
    %mul3A_34 = arith.muli %arg1, %mul3A_33 : i32
    %add3A_35 = arith.constant 512 : i32
    %add3A_36 = arith.addi %mul3A_34, %add3A_35 : i32
    "tpu.region"() ({
      %run_scoped3A = tpu.sem_alloc : memref<!tpu.dma_semaphore, #tpu.memory_space<semaphore_mem>>
      %dma_start3A_57 = arith.constant 0 : i32
      %dma_start3A_58 = arith.constant 0 : i32
      %dma_start3A_59 = tpu.memref_slice %arg8[%dma_start3A_57, %dma_start3A_58] : memref<96x16xf32, #tpu.memory_space<vmem>> -> memref<64x16xf32, #tpu.memory_space<vmem>>
      %dma_start3A_60 = arith.constant 0 : i32
      %dma_start3A_61 = tpu.memref_slice %arg10[%add3A_36, %dma_start3A_60] : memref<10240x16xf32, #tpu.memory_space<vmem_shared>> -> memref<64x16xf32, #tpu.memory_space<vmem_shared>>
      %dma_start3A_62 = arith.constant 0 : i32
      %dma_start3A_63 = tpu.memref_slice %arg10[%add3A_36, %dma_start3A_62] : memref<10240x16xf32, #tpu.memory_space<vmem_shared>> -> memref<64x16xf32, #tpu.memory_space<vmem_shared>>
      %dma_start3A_64 = arith.constant 0 : i32
      %dma_start3A_65 = arith.constant 0 : i32
      %dma_start3A_66 = tpu.memref_slice %arg8[%dma_start3A_64, %dma_start3A_65] : memref<96x16xf32, #tpu.memory_space<vmem>> -> memref<64x16xf32, #tpu.memory_space<vmem>>
      tpu.enqueue_dma source(%dma_start3A_66 : memref<64x16xf32, #tpu.memory_space<vmem>>) target(%dma_start3A_63 : memref<64x16xf32, #tpu.memory_space<vmem_shared>>) target_semaphore(%run_scoped3A : memref<!tpu.dma_semaphore, #tpu.memory_space<semaphore_mem>>)
      %dma_wait3A = arith.constant 0 : i32
      %dma_wait3A_67 = arith.constant 0 : i32
      %dma_wait3A_68 = tpu.memref_slice %arg8[%dma_wait3A, %dma_wait3A_67] : memref<96x16xf32, #tpu.memory_space<vmem>> -> memref<64x16xf32, #tpu.memory_space<vmem>>
      %dma_wait3A_69 = arith.constant 0 : i32
      %dma_wait3A_70 = tpu.memref_slice %arg10[%add3A_36, %dma_wait3A_69] : memref<10240x16xf32, #tpu.memory_space<vmem_shared>> -> memref<64x16xf32, #tpu.memory_space<vmem_shared>>
      %dma_wait3A_71 = arith.constant 0 : i32
      %dma_wait3A_72 = tpu.memref_slice %arg10[%add3A_36, %dma_wait3A_71] : memref<10240x16xf32, #tpu.memory_space<vmem_shared>> -> memref<64x16xf32, #tpu.memory_space<vmem_shared>>
      %dma_wait3A_73 = arith.constant 0 : i32
      %dma_wait3A_74 = arith.constant 0 : i32
      %dma_wait3A_75 = tpu.memref_slice %arg8[%dma_wait3A_73, %dma_wait3A_74] : memref<96x16xf32, #tpu.memory_space<vmem>> -> memref<64x16xf32, #tpu.memory_space<vmem>>
      tpu.wait_dma2 semaphore(%run_scoped3A : memref<!tpu.dma_semaphore, #tpu.memory_space<semaphore_mem>>) src(%dma_wait3A_75 : memref<64x16xf32, #tpu.memory_space<vmem>>) dst(%dma_wait3A_72 : memref<64x16xf32, #tpu.memory_space<vmem_shared>>)
      tpu.yield
    }) : () -> ()
    %mul3A_37 = arith.constant 640 : i32
    %mul3A_38 = arith.muli %arg1, %mul3A_37 : i32
    %add3A_39 = arith.constant 576 : i32
    %add3A_40 = arith.addi %mul3A_38, %add3A_39 : i32
    "tpu.region"() ({
      %run_scoped3A = tpu.sem_alloc : memref<!tpu.dma_semaphore, #tpu.memory_space<semaphore_mem>>
      %dma_start3A_57 = arith.constant 0 : i32
      %dma_start3A_58 = arith.constant 0 : i32
      %dma_start3A_59 = tpu.memref_slice %arg8[%dma_start3A_57, %dma_start3A_58] : memref<96x16xf32, #tpu.memory_space<vmem>> -> memref<64x16xf32, #tpu.memory_space<vmem>>
      %dma_start3A_60 = arith.constant 0 : i32
      %dma_start3A_61 = tpu.memref_slice %arg10[%add3A_40, %dma_start3A_60] : memref<10240x16xf32, #tpu.memory_space<vmem_shared>> -> memref<64x16xf32, #tpu.memory_space<vmem_shared>>
      %dma_start3A_62 = arith.constant 0 : i32
      %dma_start3A_63 = tpu.memref_slice %arg10[%add3A_40, %dma_start3A_62] : memref<10240x16xf32, #tpu.memory_space<vmem_shared>> -> memref<64x16xf32, #tpu.memory_space<vmem_shared>>
      %dma_start3A_64 = arith.constant 0 : i32
      %dma_start3A_65 = arith.constant 0 : i32
      %dma_start3A_66 = tpu.memref_slice %arg8[%dma_start3A_64, %dma_start3A_65] : memref<96x16xf32, #tpu.memory_space<vmem>> -> memref<64x16xf32, #tpu.memory_space<vmem>>
      tpu.enqueue_dma source(%dma_start3A_66 : memref<64x16xf32, #tpu.memory_space<vmem>>) target(%dma_start3A_63 : memref<64x16xf32, #tpu.memory_space<vmem_shared>>) target_semaphore(%run_scoped3A : memref<!tpu.dma_semaphore, #tpu.memory_space<semaphore_mem>>)
      %dma_wait3A = arith.constant 0 : i32
      %dma_wait3A_67 = arith.constant 0 : i32
      %dma_wait3A_68 = tpu.memref_slice %arg8[%dma_wait3A, %dma_wait3A_67] : memref<96x16xf32, #tpu.memory_space<vmem>> -> memref<64x16xf32, #tpu.memory_space<vmem>>
      %dma_wait3A_69 = arith.constant 0 : i32
      %dma_wait3A_70 = tpu.memref_slice %arg10[%add3A_40, %dma_wait3A_69] : memref<10240x16xf32, #tpu.memory_space<vmem_shared>> -> memref<64x16xf32, #tpu.memory_space<vmem_shared>>
      %dma_wait3A_71 = arith.constant 0 : i32
      %dma_wait3A_72 = tpu.memref_slice %arg10[%add3A_40, %dma_wait3A_71] : memref<10240x16xf32, #tpu.memory_space<vmem_shared>> -> memref<64x16xf32, #tpu.memory_space<vmem_shared>>
      %dma_wait3A_73 = arith.constant 0 : i32
      %dma_wait3A_74 = arith.constant 0 : i32
      %dma_wait3A_75 = tpu.memref_slice %arg8[%dma_wait3A_73, %dma_wait3A_74] : memref<96x16xf32, #tpu.memory_space<vmem>> -> memref<64x16xf32, #tpu.memory_space<vmem>>
      tpu.wait_dma2 semaphore(%run_scoped3A : memref<!tpu.dma_semaphore, #tpu.memory_space<semaphore_mem>>) src(%dma_wait3A_75 : memref<64x16xf32, #tpu.memory_space<vmem>>) dst(%dma_wait3A_72 : memref<64x16xf32, #tpu.memory_space<vmem_shared>>)
      tpu.yield
    }) : () -> ()
    %barrier3A = arith.constant 0 : index
    tpu.barrier barrier_id(%barrier3A)
    %dma_start3A = arith.constant 0 : i32
    %dma_start3A_41 = arith.constant 0 : i32
    %dma_start3A_42 = tpu.memref_slice %arg6[%dma_start3A, %dma_start3A_41] : memref<106x96xi32, #tpu.memory_space<vmem>> -> memref<1x96xi32, #tpu.memory_space<vmem>>
    %dma_start3A_43 = tpu.memref_squeeze %dma_start3A_42 : memref<1x96xi32, #tpu.memory_space<vmem>> -> memref<96xi32, #tpu.memory_space<vmem>>
    %dma_start3A_44 = arith.constant 0 : i32
    %dma_start3A_45 = arith.constant 0 : i32
    %dma_start3A_46 = tpu.memref_slice %arg2[%dma_start3A_44, %dma_start3A_45] : memref<10240x16xf32, #tpu.memory_space<hbm>> -> memref<10240x16xf32, #tpu.memory_space<hbm>>
    tpu.enqueue_indirect_dma source(%dma_start3A_46 : memref<10240x16xf32, #tpu.memory_space<hbm>>) target(%arg8 : memref<96x16xf32, #tpu.memory_space<vmem>>) offsets(%dma_start3A_43 : memref<96xi32, #tpu.memory_space<vmem>>) semaphore(%arg11 : memref<!tpu.dma_semaphore, #tpu.memory_space<semaphore_mem>>)
    %scan3A = arith.constant 0 : i32
    %scan3A_47 = arith.constant 0 : i32
    %scan3A_48 = arith.constant 53 : i32
    %scan3A_49 = arith.addi %scan3A_47, %scan3A_48 : i32
    %scan3A_50 = arith.constant 1 : i32
    scf.for %scan3A_57 = %scan3A_47 to %scan3A_49 step %scan3A_50  : i32 {
      %mul3A_58 = arith.constant 2 : i32
      %mul3A_59 = arith.muli %scan3A_57, %mul3A_58 : i32
      %dma_wait3A = arith.constant 0 : i32
      %dma_wait3A_60 = tpu.memref_slice %arg6[%mul3A_59, %dma_wait3A] : memref<106x96xi32, #tpu.memory_space<vmem>> -> memref<1x96xi32, #tpu.memory_space<vmem>>
      %dma_wait3A_61 = tpu.memref_squeeze %dma_wait3A_60 : memref<1x96xi32, #tpu.memory_space<vmem>> -> memref<96xi32, #tpu.memory_space<vmem>>
      %dma_wait3A_62 = arith.constant 0 : i32
      %dma_wait3A_63 = arith.constant 0 : i32
      %dma_wait3A_64 = tpu.memref_slice %arg2[%dma_wait3A_62, %dma_wait3A_63] : memref<10240x16xf32, #tpu.memory_space<hbm>> -> memref<10240x16xf32, #tpu.memory_space<hbm>>
      tpu.wait_indirect_dma semaphore(%arg11 : memref<!tpu.dma_semaphore, #tpu.memory_space<semaphore_mem>>) src(%dma_wait3A_64 : memref<10240x16xf32, #tpu.memory_space<hbm>>) dst(%arg8 : memref<96x16xf32, #tpu.memory_space<vmem>>)
      %add3A_65 = arith.constant 1 : i32
      %add3A_66 = arith.addi %mul3A_59, %add3A_65 : i32
      %dma_start3A_67 = arith.constant 0 : i32
      %dma_start3A_68 = tpu.memref_slice %arg6[%add3A_66, %dma_start3A_67] : memref<106x96xi32, #tpu.memory_space<vmem>> -> memref<1x96xi32, #tpu.memory_space<vmem>>
      %dma_start3A_69 = tpu.memref_squeeze %dma_start3A_68 : memref<1x96xi32, #tpu.memory_space<vmem>> -> memref<96xi32, #tpu.memory_space<vmem>>
      %dma_start3A_70 = arith.constant 0 : i32
      %dma_start3A_71 = arith.constant 0 : i32
      %dma_start3A_72 = tpu.memref_slice %arg2[%dma_start3A_70, %dma_start3A_71] : memref<10240x16xf32, #tpu.memory_space<hbm>> -> memref<10240x16xf32, #tpu.memory_space<hbm>>
      tpu.enqueue_indirect_dma source(%dma_start3A_72 : memref<10240x16xf32, #tpu.memory_space<hbm>>) target(%arg9 : memref<96x16xf32, #tpu.memory_space<vmem>>) offsets(%dma_start3A_69 : memref<96xi32, #tpu.memory_space<vmem>>) semaphore(%arg12 : memref<!tpu.dma_semaphore, #tpu.memory_space<semaphore_mem>>)
      "tpu.region"() ({
        %run_scoped3A = tpu.sem_alloc : memref<!tpu.dma_semaphore, #tpu.memory_space<semaphore_mem>>
        %dma_start3A_87 = arith.constant 0 : i32
        %dma_start3A_88 = tpu.memref_slice %arg7[%mul3A_59, %dma_start3A_87] : memref<106x96xi32, #tpu.memory_space<vmem>> -> memref<1x96xi32, #tpu.memory_space<vmem>>
        %dma_start3A_89 = tpu.memref_squeeze %dma_start3A_88 : memref<1x96xi32, #tpu.memory_space<vmem>> -> memref<96xi32, #tpu.memory_space<vmem>>
        %dma_start3A_90 = arith.constant 0 : i32
        %dma_start3A_91 = arith.constant 0 : i32
        %dma_start3A_92 = tpu.memref_slice %arg10[%dma_start3A_90, %dma_start3A_91] : memref<10240x16xf32, #tpu.memory_space<vmem_shared>> -> memref<10240x16xf32, #tpu.memory_space<vmem_shared>>
        tpu.enqueue_indirect_dma source(%arg8 : memref<96x16xf32, #tpu.memory_space<vmem>>) target(%dma_start3A_92 : memref<10240x16xf32, #tpu.memory_space<vmem_shared>>) offsets(%dma_start3A_89 : memref<96xi32, #tpu.memory_space<vmem>>) semaphore(%run_scoped3A : memref<!tpu.dma_semaphore, #tpu.memory_space<semaphore_mem>>) {add = true}
        %dma_wait3A_93 = arith.constant 0 : i32
        %dma_wait3A_94 = tpu.memref_slice %arg7[%mul3A_59, %dma_wait3A_93] : memref<106x96xi32, #tpu.memory_space<vmem>> -> memref<1x96xi32, #tpu.memory_space<vmem>>
        %dma_wait3A_95 = tpu.memref_squeeze %dma_wait3A_94 : memref<1x96xi32, #tpu.memory_space<vmem>> -> memref<96xi32, #tpu.memory_space<vmem>>
        %dma_wait3A_96 = arith.constant 0 : i32
        %dma_wait3A_97 = arith.constant 0 : i32
        %dma_wait3A_98 = tpu.memref_slice %arg10[%dma_wait3A_96, %dma_wait3A_97] : memref<10240x16xf32, #tpu.memory_space<vmem_shared>> -> memref<10240x16xf32, #tpu.memory_space<vmem_shared>>
        tpu.wait_indirect_dma semaphore(%run_scoped3A : memref<!tpu.dma_semaphore, #tpu.memory_space<semaphore_mem>>) src(%arg8 : memref<96x16xf32, #tpu.memory_space<vmem>>) dst(%dma_wait3A_98 : memref<10240x16xf32, #tpu.memory_space<vmem_shared>>)
        tpu.yield
      }) : () -> ()
      %add3A_73 = arith.constant 1 : i32
      %add3A_74 = arith.addi %mul3A_59, %add3A_73 : i32
      %dma_wait3A_75 = arith.constant 0 : i32
      %dma_wait3A_76 = tpu.memref_slice %arg6[%add3A_74, %dma_wait3A_75] : memref<106x96xi32, #tpu.memory_space<vmem>> -> memref<1x96xi32, #tpu.memory_space<vmem>>
      %dma_wait3A_77 = tpu.memref_squeeze %dma_wait3A_76 : memref<1x96xi32, #tpu.memory_space<vmem>> -> memref<96xi32, #tpu.memory_space<vmem>>
      %dma_wait3A_78 = arith.constant 0 : i32
      %dma_wait3A_79 = arith.constant 0 : i32
      %dma_wait3A_80 = tpu.memref_slice %arg2[%dma_wait3A_78, %dma_wait3A_79] : memref<10240x16xf32, #tpu.memory_space<hbm>> -> memref<10240x16xf32, #tpu.memory_space<hbm>>
      tpu.wait_indirect_dma semaphore(%arg12 : memref<!tpu.dma_semaphore, #tpu.memory_space<semaphore_mem>>) src(%dma_wait3A_80 : memref<10240x16xf32, #tpu.memory_space<hbm>>) dst(%arg9 : memref<96x16xf32, #tpu.memory_space<vmem>>)
      %add3A_81 = arith.constant 2 : i32
      %add3A_82 = arith.addi %mul3A_59, %add3A_81 : i32
      %lt3A = arith.constant 106 : i32
      %lt3A_83 = arith.cmpi slt, %add3A_82, %lt3A : i32
      %convert_element_type3A = arith.extui %lt3A_83 : i1 to i32
      %cond3A = arith.constant 0 : i32
      %cond3A_84 = arith.cmpi ne, %convert_element_type3A, %cond3A : i32
      scf.if %cond3A_84 {
        %add3A_87 = arith.constant 2 : i32
        %add3A_88 = arith.addi %mul3A_59, %add3A_87 : i32
        %dma_start3A_89 = arith.constant 0 : i32
        %dma_start3A_90 = tpu.memref_slice %arg6[%add3A_88, %dma_start3A_89] : memref<106x96xi32, #tpu.memory_space<vmem>> -> memref<1x96xi32, #tpu.memory_space<vmem>>
        %dma_start3A_91 = tpu.memref_squeeze %dma_start3A_90 : memref<1x96xi32, #tpu.memory_space<vmem>> -> memref<96xi32, #tpu.memory_space<vmem>>
        %dma_start3A_92 = arith.constant 0 : i32
        %dma_start3A_93 = arith.constant 0 : i32
        %dma_start3A_94 = tpu.memref_slice %arg2[%dma_start3A_92, %dma_start3A_93] : memref<10240x16xf32, #tpu.memory_space<hbm>> -> memref<10240x16xf32, #tpu.memory_space<hbm>>
        tpu.enqueue_indirect_dma source(%dma_start3A_94 : memref<10240x16xf32, #tpu.memory_space<hbm>>) target(%arg8 : memref<96x16xf32, #tpu.memory_space<vmem>>) offsets(%dma_start3A_91 : memref<96xi32, #tpu.memory_space<vmem>>) semaphore(%arg11 : memref<!tpu.dma_semaphore, #tpu.memory_space<semaphore_mem>>)
      } else {
      }
      %add3A_85 = arith.constant 1 : i32
      %add3A_86 = arith.addi %mul3A_59, %add3A_85 : i32
      "tpu.region"() ({
        %run_scoped3A = tpu.sem_alloc : memref<!tpu.dma_semaphore, #tpu.memory_space<semaphore_mem>>
        %dma_start3A_87 = arith.constant 0 : i32
        %dma_start3A_88 = tpu.memref_slice %arg7[%add3A_86, %dma_start3A_87] : memref<106x96xi32, #tpu.memory_space<vmem>> -> memref<1x96xi32, #tpu.memory_space<vmem>>
        %dma_start3A_89 = tpu.memref_squeeze %dma_start3A_88 : memref<1x96xi32, #tpu.memory_space<vmem>> -> memref<96xi32, #tpu.memory_space<vmem>>
        %dma_start3A_90 = arith.constant 0 : i32
        %dma_start3A_91 = arith.constant 0 : i32
        %dma_start3A_92 = tpu.memref_slice %arg10[%dma_start3A_90, %dma_start3A_91] : memref<10240x16xf32, #tpu.memory_space<vmem_shared>> -> memref<10240x16xf32, #tpu.memory_space<vmem_shared>>
        tpu.enqueue_indirect_dma source(%arg9 : memref<96x16xf32, #tpu.memory_space<vmem>>) target(%dma_start3A_92 : memref<10240x16xf32, #tpu.memory_space<vmem_shared>>) offsets(%dma_start3A_89 : memref<96xi32, #tpu.memory_space<vmem>>) semaphore(%run_scoped3A : memref<!tpu.dma_semaphore, #tpu.memory_space<semaphore_mem>>) {add = true}
        %dma_wait3A_93 = arith.constant 0 : i32
        %dma_wait3A_94 = tpu.memref_slice %arg7[%add3A_86, %dma_wait3A_93] : memref<106x96xi32, #tpu.memory_space<vmem>> -> memref<1x96xi32, #tpu.memory_space<vmem>>
        %dma_wait3A_95 = tpu.memref_squeeze %dma_wait3A_94 : memref<1x96xi32, #tpu.memory_space<vmem>> -> memref<96xi32, #tpu.memory_space<vmem>>
        %dma_wait3A_96 = arith.constant 0 : i32
        %dma_wait3A_97 = arith.constant 0 : i32
        %dma_wait3A_98 = tpu.memref_slice %arg10[%dma_wait3A_96, %dma_wait3A_97] : memref<10240x16xf32, #tpu.memory_space<vmem_shared>> -> memref<10240x16xf32, #tpu.memory_space<vmem_shared>>
        tpu.wait_indirect_dma semaphore(%run_scoped3A : memref<!tpu.dma_semaphore, #tpu.memory_space<semaphore_mem>>) src(%arg9 : memref<96x16xf32, #tpu.memory_space<vmem>>) dst(%dma_wait3A_98 : memref<10240x16xf32, #tpu.memory_space<vmem_shared>>)
        tpu.yield
      }) : () -> ()
    }
    %scan3A_51 = arith.constant 53 : i32
    %barrier3A_52 = arith.constant 0 : index
    tpu.barrier barrier_id(%barrier3A_52)
    %mul3A_53 = arith.constant 640 : i32
    %mul3A_54 = arith.muli %arg1, %mul3A_53 : i32
    %mul3A_55 = arith.constant 640 : i32
    %mul3A_56 = arith.muli %arg1, %mul3A_55 : i32
    "tpu.region"() ({
      %run_scoped3A = tpu.sem_alloc : memref<!tpu.dma_semaphore, #tpu.memory_space<semaphore_mem>>
      %dma_start3A_57 = arith.constant 0 : i32
      %dma_start3A_58 = tpu.memref_slice %arg5[%arg0, %mul3A_56, %dma_start3A_57] : memref<2x10240x16xf32, #tpu.memory_space<hbm>> -> memref<1x640x16xf32, #tpu.memory_space<hbm>>
      %dma_start3A_59 = tpu.memref_squeeze %dma_start3A_58 : memref<1x640x16xf32, #tpu.memory_space<hbm>> -> memref<640x16xf32, #tpu.memory_space<hbm>>
      %dma_start3A_60 = arith.constant 0 : i32
      %dma_start3A_61 = tpu.memref_slice %arg10[%mul3A_54, %dma_start3A_60] : memref<10240x16xf32, #tpu.memory_space<vmem_shared>> -> memref<640x16xf32, #tpu.memory_space<vmem_shared>>
      tpu.enqueue_dma source(%dma_start3A_61 : memref<640x16xf32, #tpu.memory_space<vmem_shared>>) target(%dma_start3A_59 : memref<640x16xf32, #tpu.memory_space<hbm>>) target_semaphore(%run_scoped3A : memref<!tpu.dma_semaphore, #tpu.memory_space<semaphore_mem>>)
      %dma_wait3A = arith.constant 0 : i32
      %dma_wait3A_62 = tpu.memref_slice %arg5[%arg0, %mul3A_56, %dma_wait3A] : memref<2x10240x16xf32, #tpu.memory_space<hbm>> -> memref<1x640x16xf32, #tpu.memory_space<hbm>>
      %dma_wait3A_63 = tpu.memref_squeeze %dma_wait3A_62 : memref<1x640x16xf32, #tpu.memory_space<hbm>> -> memref<640x16xf32, #tpu.memory_space<hbm>>
      %dma_wait3A_64 = arith.constant 0 : i32
      %dma_wait3A_65 = tpu.memref_slice %arg10[%mul3A_54, %dma_wait3A_64] : memref<10240x16xf32, #tpu.memory_space<vmem_shared>> -> memref<640x16xf32, #tpu.memory_space<vmem_shared>>
      tpu.wait_dma2 semaphore(%run_scoped3A : memref<!tpu.dma_semaphore, #tpu.memory_space<semaphore_mem>>) src(%dma_wait3A_65 : memref<640x16xf32, #tpu.memory_space<vmem_shared>>) dst(%dma_wait3A_63 : memref<640x16xf32, #tpu.memory_space<hbm>>)
      tpu.yield
    }) : () -> ()
    return
  }
}

module attributes {stable_mosaic.version = 14 : i64} {
  func.func @_mm_body(%arg0: i32, %arg1: memref<512x128xf32, #tpu.memory_space<vmem>>, %arg2: memref<128x128xf32, #tpu.memory_space<vmem>>, %arg3: memref<512x128xf32, #tpu.memory_space<vmem>>) attributes {dimension_semantics = [#tpu.dimension_semantics<arbitrary>], iteration_bounds = array<i64: 20>, scalar_prefetch = 0 : i64, scratch_operands = 0 : i64, tpu.core_type = #tpu.core_type<tc>, window_params = [{transform_indices = @transform_0, window_bounds = array<i64: 512, 128>}, {pipeline_mode = #tpu.pipeline_mode<synchronous>, transform_indices = @transform_1, window_bounds = array<i64: 128, 128>}, {transform_indices = @transform_2, window_bounds = array<i64: 512, 128>}]} {
    %get3A = arith.constant 0 : index
    %get3A_0 = arith.constant 0 : index
    %get3A_1 = vector.load %arg1[%get3A, %get3A_0] : memref<512x128xf32, #tpu.memory_space<vmem>>, vector<512x128xf32>
    %get3A_2 = arith.constant 0 : index
    %get3A_3 = arith.constant 0 : index
    %get3A_4 = vector.load %arg2[%get3A_2, %get3A_3] : memref<128x128xf32, #tpu.memory_space<vmem>>, vector<128x128xf32>
    %dot_general3A = arith.constant dense<0.000000e+00> : vector<512x128xf32>
    %dot_general3A_5 = tpu.matmul %get3A_1, %get3A_4, %dot_general3A {dimension_numbers = #tpu.dot_dimension_numbers<[1], [0], [0], [1], [0, 0, 1, 1], [], []>, transpose_lhs_hint = false} : vector<512x128xf32>, vector<128x128xf32>, vector<512x128xf32> -> vector<512x128xf32>
    %swap3A = arith.constant 0 : index
    %swap3A_6 = arith.constant 0 : index
    %swap3A_7 = vector.load %arg3[%swap3A, %swap3A_6] : memref<512x128xf32, #tpu.memory_space<vmem>>, vector<512x128xf32>
    tpu.vector_store %arg3[%swap3A, %swap3A_6], %dot_general3A_5 {strides = array<i32>} : memref<512x128xf32, #tpu.memory_space<vmem>>, vector<512x128xf32>,
    return
  }
  func.func @transform_0(%arg0: i32) -> (i32, i32) {
    %c0_i32 = arith.constant 0 : i32
    %c0_i32_0 = arith.constant 0 : i32
    return %arg0, %c0_i32 : i32, i32
  }
  func.func @transform_1(%arg0: i32) -> (i32, i32) {
    %c0_i32 = arith.constant 0 : i32
    %c0_i32_0 = arith.constant 0 : i32
    %c0_i32_1 = arith.constant 0 : i32
    return %c0_i32, %c0_i32_0 : i32, i32
  }
  func.func @transform_2(%arg0: i32) -> (i32, i32) {
    %c0_i32 = arith.constant 0 : i32
    %c0_i32_0 = arith.constant 0 : i32
    return %arg0, %c0_i32 : i32, i32
  }
}

module attributes {stable_mosaic.version = 14 : i64} {
  func.func @_scale_body(%arg0: i32, %arg1: memref<512x128xf32, #tpu.memory_space<vmem>>, %arg2: memref<512x16xf32, #tpu.memory_space<vmem>>, %arg3: memref<512x16xf32, #tpu.memory_space<vmem>>, %arg4: memref<512x1xf32, #tpu.memory_space<vmem>>, %arg5: memref<512x128xf32, #tpu.memory_space<vmem>>, %arg6: memref<512x1xf32, #tpu.memory_space<vmem>>) attributes {dimension_semantics = [#tpu.dimension_semantics<arbitrary>], iteration_bounds = array<i64: 20>, scalar_prefetch = 0 : i64, scratch_operands = 0 : i64, tpu.core_type = #tpu.core_type<tc>, window_params = [{transform_indices = @transform_0, window_bounds = array<i64: 512, 128>}, {transform_indices = @transform_1, window_bounds = array<i64: 512, 16>}, {transform_indices = @transform_2, window_bounds = array<i64: 512, 16>}, {transform_indices = @transform_3, window_bounds = array<i64: 512, 1>}, {transform_indices = @transform_4, window_bounds = array<i64: 512, 128>}, {transform_indices = @transform_5, window_bounds = array<i64: 512, 1>}]} {
    %get3A = arith.constant 0 : index
    %get3A_0 = arith.constant 0 : index
    %get3A_1 = vector.load %arg2[%get3A, %get3A_0] : memref<512x16xf32, #tpu.memory_space<vmem>>, vector<512x1xf32>
    %get3A_2 = arith.constant 0 : index
    %get3A_3 = arith.constant 0 : index
    %get3A_4 = vector.load %arg3[%get3A_2, %get3A_3] : memref<512x16xf32, #tpu.memory_space<vmem>>, vector<512x1xf32>
    %add3A = arith.addf %get3A_1, %get3A_4 : vector<512x1xf32>
    %get3A_5 = arith.constant 0 : index
    %get3A_6 = arith.constant 0 : index
    %get3A_7 = vector.load %arg4[%get3A_5, %get3A_6] : memref<512x1xf32, #tpu.memory_space<vmem>>, vector<512x1xf32>
    %add3A_8 = arith.constant 1.000000e+00 : f32
    %add3A_9 = vector.broadcast %add3A_8 : f32 to vector<512x1xf32>
    %add3A_10 = arith.addf %add3A, %add3A_9 : vector<512x1xf32>
    %sqrt3A = math.sqrt %add3A_10 : vector<512x1xf32>
    %div3A = arith.divf %get3A_7, %sqrt3A : vector<512x1xf32>
    %swap3A = arith.constant 0 : index
    %swap3A_11 = arith.constant 0 : index
    %swap3A_12 = vector.load %arg6[%swap3A, %swap3A_11] : memref<512x1xf32, #tpu.memory_space<vmem>>, vector<512x1xf32>
    tpu.vector_store %arg6[%swap3A, %swap3A_11], %div3A {strides = array<i32>} : memref<512x1xf32, #tpu.memory_space<vmem>>, vector<512x1xf32>,
    %get3A_13 = arith.constant 0 : index
    %get3A_14 = arith.constant 0 : index
    %get3A_15 = vector.load %arg1[%get3A_13, %get3A_14] : memref<512x128xf32, #tpu.memory_space<vmem>>, vector<512x128xf32>
    %mul3A = vector.broadcast %div3A : vector<512x1xf32> to vector<512x128xf32>
    %mul3A_16 = arith.mulf %get3A_15, %mul3A : vector<512x128xf32>
    %swap3A_17 = arith.constant 0 : index
    %swap3A_18 = arith.constant 0 : index
    %swap3A_19 = vector.load %arg5[%swap3A_17, %swap3A_18] : memref<512x128xf32, #tpu.memory_space<vmem>>, vector<512x128xf32>
    tpu.vector_store %arg5[%swap3A_17, %swap3A_18], %mul3A_16 {strides = array<i32>} : memref<512x128xf32, #tpu.memory_space<vmem>>, vector<512x128xf32>,
    return
  }
  func.func @transform_0(%arg0: i32) -> (i32, i32) {
    %c0_i32 = arith.constant 0 : i32
    %c0_i32_0 = arith.constant 0 : i32
    return %arg0, %c0_i32 : i32, i32
  }
  func.func @transform_1(%arg0: i32) -> (i32, i32) {
    %c0_i32 = arith.constant 0 : i32
    %c0_i32_0 = arith.constant 0 : i32
    return %arg0, %c0_i32 : i32, i32
  }
  func.func @transform_2(%arg0: i32) -> (i32, i32) {
    %c0_i32 = arith.constant 0 : i32
    %c0_i32_0 = arith.constant 0 : i32
    return %arg0, %c0_i32 : i32, i32
  }
  func.func @transform_3(%arg0: i32) -> (i32, i32) {
    %c0_i32 = arith.constant 0 : i32
    %c0_i32_0 = arith.constant 0 : i32
    return %arg0, %c0_i32 : i32, i32
  }
  func.func @transform_4(%arg0: i32) -> (i32, i32) {
    %c0_i32 = arith.constant 0 : i32
    %c0_i32_0 = arith.constant 0 : i32
    return %arg0, %c0_i32 : i32, i32
  }
  func.func @transform_5(%arg0: i32) -> (i32, i32) {
    %c0_i32 = arith.constant 0 : i32
    %c0_i32_0 = arith.constant 0 : i32
    return %arg0, %c0_i32 : i32, i32
  }
}

module attributes {stable_mosaic.version = 14 : i64} {
  func.func @_post_body(%arg0: i32, %arg1: memref<512x128xf32, #tpu.memory_space<vmem>>, %arg2: memref<512x128xf32, #tpu.memory_space<vmem>>, %arg3: memref<512x128xf32, #tpu.memory_space<vmem>>, %arg4: memref<512x1xf32, #tpu.memory_space<vmem>>, %arg5: memref<512x1xf32, #tpu.memory_space<vmem>>, %arg6: memref<1x128xf32, #tpu.memory_space<vmem>>, %arg7: memref<128x1xf32, #tpu.memory_space<vmem>>, %arg8: memref<512x128xf32, #tpu.memory_space<vmem>>, %arg9: memref<512x1xf32, #tpu.memory_space<vmem>>, %arg10: memref<512x16xf32, #tpu.memory_space<vmem>>) attributes {dimension_semantics = [#tpu.dimension_semantics<arbitrary>], iteration_bounds = array<i64: 20>, scalar_prefetch = 0 : i64, scratch_operands = 0 : i64, tpu.core_type = #tpu.core_type<tc>, window_params = [{transform_indices = @transform_0, window_bounds = array<i64: 512, 128>}, {transform_indices = @transform_1, window_bounds = array<i64: 512, 128>}, {transform_indices = @transform_2, window_bounds = array<i64: 512, 128>}, {transform_indices = @transform_3, window_bounds = array<i64: 512, 1>}, {transform_indices = @transform_4, window_bounds = array<i64: 512, 1>}, {pipeline_mode = #tpu.pipeline_mode<synchronous>, transform_indices = @transform_5, window_bounds = array<i64: 1, 128>}, {pipeline_mode = #tpu.pipeline_mode<synchronous>, transform_indices = @transform_6, window_bounds = array<i64: 128, 1>}, {transform_indices = @transform_7, window_bounds = array<i64: 512, 128>}, {transform_indices = @transform_8, window_bounds = array<i64: 512, 1>}, {transform_indices = @transform_9, window_bounds = array<i64: 512, 16>}]} {
    %get3A = arith.constant 0 : index
    %get3A_0 = arith.constant 0 : index
    %get3A_1 = vector.load %arg4[%get3A, %get3A_0] : memref<512x1xf32, #tpu.memory_space<vmem>>, vector<512x1xf32>
    %get3A_2 = arith.constant 0 : index
    %get3A_3 = arith.constant 0 : index
    %get3A_4 = vector.load %arg1[%get3A_2, %get3A_3] : memref<512x128xf32, #tpu.memory_space<vmem>>, vector<512x128xf32>
    %get3A_5 = arith.constant 0 : index
    %get3A_6 = arith.constant 0 : index
    %get3A_7 = vector.load %arg2[%get3A_5, %get3A_6] : memref<512x128xf32, #tpu.memory_space<vmem>>, vector<512x128xf32>
    %add3A = arith.addf %get3A_4, %get3A_7 : vector<512x128xf32>
    %mul3A = vector.broadcast %get3A_1 : vector<512x1xf32> to vector<512x128xf32>
    %mul3A_8 = arith.mulf %mul3A, %add3A : vector<512x128xf32>
    %get3A_9 = arith.constant 0 : index
    %get3A_10 = arith.constant 0 : index
    %get3A_11 = vector.load %arg3[%get3A_9, %get3A_10] : memref<512x128xf32, #tpu.memory_space<vmem>>, vector<512x128xf32>
    %mul3A_12 = arith.mulf %get3A_1, %get3A_1 : vector<512x1xf32>
    %mul3A_13 = vector.broadcast %mul3A_12 : vector<512x1xf32> to vector<512x128xf32>
    %mul3A_14 = arith.mulf %get3A_11, %mul3A_13 : vector<512x128xf32>
    %add3A_15 = arith.addf %mul3A_8, %mul3A_14 : vector<512x128xf32>
    %get3A_16 = arith.constant 0 : index
    %get3A_17 = arith.constant 0 : index
    %get3A_18 = vector.load %arg6[%get3A_16, %get3A_17] : memref<1x128xf32, #tpu.memory_space<vmem>>, vector<1x128xf32>
    %add3A_19 = vector.broadcast %get3A_18 : vector<1x128xf32> to vector<512x128xf32>
    %add3A_20 = arith.addf %add3A_15, %add3A_19 : vector<512x128xf32>
    %get3A_21 = arith.constant 0 : index
    %get3A_22 = arith.constant 0 : index
    %get3A_23 = vector.load %arg5[%get3A_21, %get3A_22] : memref<512x1xf32, #tpu.memory_space<vmem>>, vector<512x1xf32>
    %mul3A_24 = vector.broadcast %get3A_23 : vector<512x1xf32> to vector<512x128xf32>
    %mul3A_25 = arith.mulf %add3A_20, %mul3A_24 : vector<512x128xf32>
    %swap3A = arith.constant 0 : index
    %swap3A_26 = arith.constant 0 : index
    %swap3A_27 = vector.load %arg8[%swap3A, %swap3A_26] : memref<512x128xf32, #tpu.memory_space<vmem>>, vector<512x128xf32>
    tpu.vector_store %arg8[%swap3A, %swap3A_26], %mul3A_25 {strides = array<i32>} : memref<512x128xf32, #tpu.memory_space<vmem>>, vector<512x128xf32>,
    %get3A_28 = arith.constant 0 : index
    %get3A_29 = arith.constant 0 : index
    %get3A_30 = vector.load %arg7[%get3A_28, %get3A_29] : memref<128x1xf32, #tpu.memory_space<vmem>>, vector<128x1xf32>
    %dot_general3A = arith.constant dense<0.000000e+00> : vector<512x1xf32>
    %dot_general3A_31 = tpu.matmul %mul3A_25, %get3A_30, %dot_general3A {dimension_numbers = #tpu.dot_dimension_numbers<[1], [0], [0], [1], [0, 0, 1, 1], [], []>, transpose_lhs_hint = false} : vector<512x128xf32>, vector<128x1xf32>, vector<512x1xf32> -> vector<512x1xf32>
    %swap3A_32 = arith.constant 0 : index
    %swap3A_33 = arith.constant 0 : index
    %swap3A_34 = vector.load %arg9[%swap3A_32, %swap3A_33] : memref<512x1xf32, #tpu.memory_space<vmem>>, vector<512x1xf32>
    tpu.vector_store %arg9[%swap3A_32, %swap3A_33], %dot_general3A_31 {strides = array<i32>} : memref<512x1xf32, #tpu.memory_space<vmem>>, vector<512x1xf32>,
    %mul3A_35 = arith.mulf %dot_general3A_31, %get3A_1 : vector<512x1xf32>
    %broadcast_in_dim3A = vector.shape_cast %mul3A_35 : vector<512x1xf32> to vector<512x1xf32>
    %broadcast_in_dim3A_36 = vector.broadcast %broadcast_in_dim3A : vector<512x1xf32> to vector<512x16xf32>
    %swap3A_37 = arith.constant 0 : index
    %swap3A_38 = arith.constant 0 : index
    %swap3A_39 = vector.load %arg10[%swap3A_37, %swap3A_38] : memref<512x16xf32, #tpu.memory_space<vmem>>, vector<512x16xf32>
    tpu.vector_store %arg10[%swap3A_37, %swap3A_38], %broadcast_in_dim3A_36 {strides = array<i32>} : memref<512x16xf32, #tpu.memory_space<vmem>>, vector<512x16xf32>,
    return
  }
  func.func @transform_0(%arg0: i32) -> (i32, i32) {
    %c0_i32 = arith.constant 0 : i32
    %c0_i32_0 = arith.constant 0 : i32
    return %arg0, %c0_i32 : i32, i32
  }
  func.func @transform_1(%arg0: i32) -> (i32, i32) {
    %c0_i32 = arith.constant 0 : i32
    %c0_i32_0 = arith.constant 0 : i32
    return %arg0, %c0_i32 : i32, i32
  }
  func.func @transform_2(%arg0: i32) -> (i32, i32) {
    %c0_i32 = arith.constant 0 : i32
    %c0_i32_0 = arith.constant 0 : i32
    return %arg0, %c0_i32 : i32, i32
  }
  func.func @transform_3(%arg0: i32) -> (i32, i32) {
    %c0_i32 = arith.constant 0 : i32
    %c0_i32_0 = arith.constant 0 : i32
    return %arg0, %c0_i32 : i32, i32
  }
  func.func @transform_4(%arg0: i32) -> (i32, i32) {
    %c0_i32 = arith.constant 0 : i32
    %c0_i32_0 = arith.constant 0 : i32
    return %arg0, %c0_i32 : i32, i32
  }
  func.func @transform_5(%arg0: i32) -> (i32, i32) {
    %c0_i32 = arith.constant 0 : i32
    %c0_i32_0 = arith.constant 0 : i32
    %c0_i32_1 = arith.constant 0 : i32
    return %c0_i32, %c0_i32_0 : i32, i32
  }
  func.func @transform_6(%arg0: i32) -> (i32, i32) {
    %c0_i32 = arith.constant 0 : i32
    %c0_i32_0 = arith.constant 0 : i32
    %c0_i32_1 = arith.constant 0 : i32
    return %c0_i32, %c0_i32_0 : i32, i32
  }
  func.func @transform_7(%arg0: i32) -> (i32, i32) {
    %c0_i32 = arith.constant 0 : i32
    %c0_i32_0 = arith.constant 0 : i32
    return %arg0, %c0_i32 : i32, i32
  }
  func.func @transform_8(%arg0: i32) -> (i32, i32) {
    %c0_i32 = arith.constant 0 : i32
    %c0_i32_0 = arith.constant 0 : i32
    return %arg0, %c0_i32 : i32, i32
  }
  func.func @transform_9(%arg0: i32) -> (i32, i32) {
    %c0_i32 = arith.constant 0 : i32
    %c0_i32_0 = arith.constant 0 : i32
    return %arg0, %c0_i32 : i32, i32
  }
}

module attributes {stable_mosaic.version = 14 : i64} {
  func.func @_score_body(%arg0: i32, %arg1: memref<512x16xf32, #tpu.memory_space<vmem>>, %arg2: memref<512x16xf32, #tpu.memory_space<vmem>>, %arg3: memref<512x1xf32, #tpu.memory_space<vmem>>, %arg4: memref<512x1xf32, #tpu.memory_space<vmem>>, %arg5: memref<512x1xf32, #tpu.memory_space<vmem>>, %arg6: memref<1x1xf32, #tpu.memory_space<vmem>>, %arg7: memref<512x1xf32, #tpu.memory_space<vmem>>) attributes {dimension_semantics = [#tpu.dimension_semantics<arbitrary>], iteration_bounds = array<i64: 20>, scalar_prefetch = 0 : i64, scratch_operands = 0 : i64, tpu.core_type = #tpu.core_type<tc>, window_params = [{transform_indices = @transform_0, window_bounds = array<i64: 512, 16>}, {transform_indices = @transform_1, window_bounds = array<i64: 512, 16>}, {transform_indices = @transform_2, window_bounds = array<i64: 512, 1>}, {transform_indices = @transform_3, window_bounds = array<i64: 512, 1>}, {transform_indices = @transform_4, window_bounds = array<i64: 512, 1>}, {pipeline_mode = #tpu.pipeline_mode<synchronous>, transform_indices = @transform_5, window_bounds = array<i64: 1, 1>}, {transform_indices = @transform_6, window_bounds = array<i64: 512, 1>}]} {
    %get3A = arith.constant 0 : index
    %get3A_0 = arith.constant 0 : index
    %get3A_1 = vector.load %arg4[%get3A, %get3A_0] : memref<512x1xf32, #tpu.memory_space<vmem>>, vector<512x1xf32>
    %get3A_2 = arith.constant 0 : index
    %get3A_3 = arith.constant 0 : index
    %get3A_4 = vector.load %arg1[%get3A_2, %get3A_3] : memref<512x16xf32, #tpu.memory_space<vmem>>, vector<512x1xf32>
    %get3A_5 = arith.constant 0 : index
    %get3A_6 = arith.constant 0 : index
    %get3A_7 = vector.load %arg2[%get3A_5, %get3A_6] : memref<512x16xf32, #tpu.memory_space<vmem>>, vector<512x1xf32>
    %add3A = arith.addf %get3A_4, %get3A_7 : vector<512x1xf32>
    %mul3A = arith.mulf %get3A_1, %add3A : vector<512x1xf32>
    %get3A_8 = arith.constant 0 : index
    %get3A_9 = arith.constant 0 : index
    %get3A_10 = vector.load %arg3[%get3A_8, %get3A_9] : memref<512x1xf32, #tpu.memory_space<vmem>>, vector<512x1xf32>
    %mul3A_11 = arith.mulf %get3A_1, %get3A_1 : vector<512x1xf32>
    %mul3A_12 = arith.mulf %get3A_10, %mul3A_11 : vector<512x1xf32>
    %add3A_13 = arith.addf %mul3A, %mul3A_12 : vector<512x1xf32>
    %get3A_14 = arith.constant 0 : index
    %get3A_15 = arith.constant 0 : index
    %get3A_16 = vector.load %arg6[%get3A_14, %get3A_15] : memref<1x1xf32, #tpu.memory_space<vmem>>, vector<1x1xf32>
    %add3A_17 = vector.broadcast %get3A_16 : vector<1x1xf32> to vector<512x1xf32>
    %add3A_18 = arith.addf %add3A_13, %add3A_17 : vector<512x1xf32>
    %get3A_19 = arith.constant 0 : index
    %get3A_20 = arith.constant 0 : index
    %get3A_21 = vector.load %arg5[%get3A_19, %get3A_20] : memref<512x1xf32, #tpu.memory_space<vmem>>, vector<512x1xf32>
    %mul3A_22 = arith.mulf %add3A_18, %get3A_21 : vector<512x1xf32>
    %swap3A = arith.constant 0 : index
    %swap3A_23 = arith.constant 0 : index
    %swap3A_24 = vector.load %arg7[%swap3A, %swap3A_23] : memref<512x1xf32, #tpu.memory_space<vmem>>, vector<512x1xf32>
    tpu.vector_store %arg7[%swap3A, %swap3A_23], %mul3A_22 {strides = array<i32>} : memref<512x1xf32, #tpu.memory_space<vmem>>, vector<512x1xf32>,
    return
  }
  func.func @transform_0(%arg0: i32) -> (i32, i32) {
    %c0_i32 = arith.constant 0 : i32
    %c0_i32_0 = arith.constant 0 : i32
    return %arg0, %c0_i32 : i32, i32
  }
  func.func @transform_1(%arg0: i32) -> (i32, i32) {
    %c0_i32 = arith.constant 0 : i32
    %c0_i32_0 = arith.constant 0 : i32
    return %arg0, %c0_i32 : i32, i32
  }
  func.func @transform_2(%arg0: i32) -> (i32, i32) {
    %c0_i32 = arith.constant 0 : i32
    %c0_i32_0 = arith.constant 0 : i32
    return %arg0, %c0_i32 : i32, i32
  }
  func.func @transform_3(%arg0: i32) -> (i32, i32) {
    %c0_i32 = arith.constant 0 : i32
    %c0_i32_0 = arith.constant 0 : i32
    return %arg0, %c0_i32 : i32, i32
  }
  func.func @transform_4(%arg0: i32) -> (i32, i32) {
    %c0_i32 = arith.constant 0 : i32
    %c0_i32_0 = arith.constant 0 : i32
    return %arg0, %c0_i32 : i32, i32
  }
  func.func @transform_5(%arg0: i32) -> (i32, i32) {
    %c0_i32 = arith.constant 0 : i32
    %c0_i32_0 = arith.constant 0 : i32
    %c0_i32_1 = arith.constant 0 : i32
    return %c0_i32, %c0_i32_0 : i32, i32
  }
  func.func @transform_6(%arg0: i32) -> (i32, i32) {
    %c0_i32 = arith.constant 0 : i32
    %c0_i32_0 = arith.constant 0 : i32
    return %arg0, %c0_i32 : i32, i32
  }
}

module attributes {stable_mosaic.version = 14 : i64} {
  func.func @_topk_body(%arg0: i32, %arg1: memref<128x1xf32, #tpu.memory_space<vmem>>, %arg2: memref<128x1xf32, #tpu.memory_space<vmem>>, %arg3: memref<128x1xf32, #tpu.memory_space<vmem>>, %arg4: memref<20x512xf32, #tpu.memory_space<vmem>>, %arg5: memref<20x512xf32, #tpu.memory_space<vmem>>, %arg6: memref<20x512xf32, #tpu.memory_space<vmem>>, %arg7: memref<80xi32, #tpu.memory_space<smem>>, %arg8: memref<80xi32, #tpu.memory_space<smem>>, %arg9: memref<20xi32, #tpu.memory_space<smem>>, %arg10: memref<20xi32, #tpu.memory_space<smem>>, %arg11: memref<128x16xf32, #tpu.memory_space<vmem>>) attributes {dimension_semantics = [#tpu.dimension_semantics<arbitrary>], iteration_bounds = array<i64: 80>, scalar_prefetch = 0 : i64, scratch_operands = 0 : i64, tpu.core_type = #tpu.core_type<tc>, window_params = [{transform_indices = @transform_0, window_bounds = array<i64: 128, 1>}, {transform_indices = @transform_1, window_bounds = array<i64: 128, 1>}, {transform_indices = @transform_2, window_bounds = array<i64: 128, 1>}, {pipeline_mode = #tpu.pipeline_mode<synchronous>, transform_indices = @transform_3, window_bounds = array<i64: 20, 512>}, {pipeline_mode = #tpu.pipeline_mode<synchronous>, transform_indices = @transform_4, window_bounds = array<i64: 20, 512>}, {pipeline_mode = #tpu.pipeline_mode<synchronous>, transform_indices = @transform_5, window_bounds = array<i64: 20, 512>}, {transform_indices = @transform_6, window_bounds = array<i64: 80>}, {transform_indices = @transform_7, window_bounds = array<i64: 80>}, {transform_indices = @transform_8, window_bounds = array<i64: 20>}, {transform_indices = @transform_9, window_bounds = array<i64: 20>}, {transform_indices = @transform_10, window_bounds = array<i64: 128, 16>}]} {
    %get3A = arith.constant 0 : index
    %get3A_0 = arith.constant 0 : index
    %get3A_1 = vector.load %arg1[%get3A, %get3A_0] : memref<128x1xf32, #tpu.memory_space<vmem>>, vector<128x1xf32>
    %get3A_2 = arith.constant 0 : index
    %get3A_3 = arith.constant 0 : index
    %get3A_4 = vector.load %arg2[%get3A_2, %get3A_3] : memref<128x1xf32, #tpu.memory_space<vmem>>, vector<128x1xf32>
    %get3A_5 = arith.constant 0 : index
    %get3A_6 = arith.constant 0 : index
    %get3A_7 = vector.load %arg3[%get3A_5, %get3A_6] : memref<128x1xf32, #tpu.memory_space<vmem>>, vector<128x1xf32>
    %iota3A = tpu.iota {dimensions = array<i32: 0>} : vector<128x1xi32>
    %convert_element_type3A = arith.sitofp %iota3A : vector<128x1xi32> to vector<128x1xf32>
    %convert_element_type3A_8 = arith.sitofp %arg0 : i32 to f32
    %mul3A = arith.constant 1.280000e+02 : f32
    %mul3A_9 = arith.mulf %mul3A, %convert_element_type3A_8 : f32
    %add3A = vector.broadcast %mul3A_9 : f32 to vector<128x1xf32>
    %add3A_10 = arith.addf %convert_element_type3A, %add3A : vector<128x1xf32>
    %get3A_11 = arith.index_cast %arg0 : i32 to index
    %get3A_12 = memref.load %arg7[%get3A_11] : memref<80xi32, #tpu.memory_space<smem>>
    %get3A_13 = arith.index_cast %arg0 : i32 to index
    %get3A_14 = memref.load %arg8[%get3A_13] : memref<80xi32, #tpu.memory_space<smem>>
    %broadcast_in_dim3A = arith.constant 0.000000e+00 : f32
    %broadcast_in_dim3A_15 = vector.broadcast %broadcast_in_dim3A : f32 to vector<128x1xf32>
    %broadcast_in_dim3A_16 = arith.constant 0.000000e+00 : f32
    %broadcast_in_dim3A_17 = vector.broadcast %broadcast_in_dim3A_16 : f32 to vector<128x1xf32>
    %scan3A = arith.constant 0 : i32
    %scan3A_18 = arith.constant 20 : i32
    %scan3A_19 = arith.addi %scan3A, %scan3A_18 : i32
    %scan3A_20 = arith.constant 1 : i32
    %scan3A_21:2 = scf.for %scan3A_35 = %scan3A to %scan3A_19 step %scan3A_20 iter_args(%scan3A_36 = %broadcast_in_dim3A_15, %scan3A_37 = %broadcast_in_dim3A_17) -> (vector<128x1xf32>, vector<128x1xf32>)  : i32 {
      %get3A_38 = arith.index_cast %scan3A_35 : i32 to index
      %get3A_39 = memref.load %arg10[%get3A_38] : memref<20xi32, #tpu.memory_space<smem>>
      %le3A = arith.cmpi sle, %get3A_12, %get3A_39 : i32
      %get3A_40 = arith.index_cast %scan3A_35 : i32 to index
      %get3A_41 = memref.load %arg9[%get3A_40] : memref<20xi32, #tpu.memory_space<smem>>
      %le3A_42 = arith.cmpi sle, %get3A_41, %get3A_14 : i32
      %and3A_43 = arith.andi %le3A, %le3A_42 : i1
      %convert_element_type3A_44 = arith.extui %and3A_43 : i1 to i32
      %cond3A = arith.constant 0 : i32
      %cond3A_45 = arith.cmpi ne, %convert_element_type3A_44, %cond3A : i32
      %cond3A_46:2 = scf.if %cond3A_45 -> (vector<128x1xf32>, vector<128x1xf32>) {
        %get3A_47 = arith.index_cast %scan3A_35 : i32 to index
        %get3A_48 = arith.constant 0 : index
        %get3A_49 = vector.load %arg4[%get3A_47, %get3A_48] : memref<20x512xf32, #tpu.memory_space<vmem>>, vector<1x512xf32>
        %get3A_50 = arith.index_cast %scan3A_35 : i32 to index
        %get3A_51 = arith.constant 0 : index
        %get3A_52 = vector.load %arg5[%get3A_50, %get3A_51] : memref<20x512xf32, #tpu.memory_space<vmem>>, vector<1x512xf32>
        %get3A_53 = arith.index_cast %scan3A_35 : i32 to index
        %get3A_54 = arith.constant 0 : index
        %get3A_55 = vector.load %arg6[%get3A_53, %get3A_54] : memref<20x512xf32, #tpu.memory_space<vmem>>, vector<1x512xf32>
        %iota3A_56 = tpu.iota {dimensions = array<i32: 1>} : vector<1x512xi32>
        %convert_element_type3A_57 = arith.sitofp %iota3A_56 : vector<1x512xi32> to vector<1x512xf32>
        %convert_element_type3A_58 = arith.sitofp %scan3A_35 : i32 to f32
        %mul3A_59 = arith.constant 5.120000e+02 : f32
        %mul3A_60 = arith.mulf %mul3A_59, %convert_element_type3A_58 : f32
        %add3A_61 = vector.broadcast %mul3A_60 : f32 to vector<1x512xf32>
        %add3A_62 = arith.addf %convert_element_type3A_57, %add3A_61 : vector<1x512xf32>
        %eq3A = vector.broadcast %get3A_4 : vector<128x1xf32> to vector<128x512xf32>
        %eq3A_63 = vector.broadcast %get3A_52 : vector<1x512xf32> to vector<128x512xf32>
        %eq3A_64 = arith.cmpf oeq, %eq3A, %eq3A_63 : vector<128x512xf32>
        %gt3A_65 = arith.constant 0.000000e+00 : f32
        %gt3A_66 = vector.broadcast %gt3A_65 : f32 to vector<1x512xf32>
        %gt3A_67 = arith.cmpf ogt, %get3A_55, %gt3A_66 : vector<1x512xf32>
        %and3A_68 = vector.broadcast %gt3A_67 : vector<1x512xi1> to vector<128x512xi1>
        %and3A_69 = arith.andi %eq3A_64, %and3A_68 : vector<128x512xi1>
        %gt3A_70 = vector.broadcast %get3A_49 : vector<1x512xf32> to vector<128x512xf32>
        %gt3A_71 = vector.broadcast %get3A_1 : vector<128x1xf32> to vector<128x512xf32>
        %gt3A_72 = arith.cmpf ogt, %gt3A_70, %gt3A_71 : vector<128x512xf32>
        %eq3A_73 = vector.broadcast %get3A_49 : vector<1x512xf32> to vector<128x512xf32>
        %eq3A_74 = vector.broadcast %get3A_1 : vector<128x1xf32> to vector<128x512xf32>
        %eq3A_75 = arith.cmpf oeq, %eq3A_73, %eq3A_74 : vector<128x512xf32>
        %lt3A_76 = vector.broadcast %add3A_62 : vector<1x512xf32> to vector<128x512xf32>
        %lt3A_77 = vector.broadcast %add3A_10 : vector<128x1xf32> to vector<128x512xf32>
        %lt3A_78 = arith.cmpf olt, %lt3A_76, %lt3A_77 : vector<128x512xf32>
        %and3A_79 = arith.andi %eq3A_75, %lt3A_78 : vector<128x512xi1>
        %or3A = arith.ori %gt3A_72, %and3A_79 : vector<128x512xi1>
        %and3A_80 = arith.andi %and3A_69, %or3A : vector<128x512xi1>
        %jit3A_81 = arith.constant 1.000000e+00 : f32
        %jit3A_82 = arith.constant 0.000000e+00 : f32
        %broadcast_in_dim3A_83 = vector.broadcast %jit3A_81 : f32 to vector<128x512xf32>
        %broadcast_in_dim3A_84 = vector.broadcast %jit3A_82 : f32 to vector<128x512xf32>
        %select_n3A_85 = arith.select %and3A_80, %broadcast_in_dim3A_83, %broadcast_in_dim3A_84 : vector<128x512xi1>, vector<128x512xf32>
        %reduce_sum3A = arith.constant dense<0.000000e+00> : vector<128xf32>
        %reduce_sum3A_86 = vector.multi_reduction <add>, %select_n3A_85, %reduce_sum3A [1] : vector<128x512xf32> to vector<128xf32>
        %broadcast_in_dim3A_87 = vector.shape_cast %reduce_sum3A_86 : vector<128xf32> to vector<128x1xf32>
        %jit3A_88 = arith.constant 1.000000e+00 : f32
        %jit3A_89 = arith.constant 0.000000e+00 : f32
        %broadcast_in_dim3A_90 = vector.broadcast %jit3A_88 : f32 to vector<128x512xf32>
        %broadcast_in_dim3A_91 = vector.broadcast %jit3A_89 : f32 to vector<128x512xf32>
        %select_n3A_92 = arith.select %and3A_69, %broadcast_in_dim3A_90, %broadcast_in_dim3A_91 : vector<128x512xi1>, vector<128x512xf32>
        %reduce_sum3A_93 = arith.constant dense<0.000000e+00> : vector<128xf32>
        %reduce_sum3A_94 = vector.multi_reduction <add>, %select_n3A_92, %reduce_sum3A_93 [1] : vector<128x512xf32> to vector<128xf32>
        %broadcast_in_dim3A_95 = vector.shape_cast %reduce_sum3A_94 : vector<128xf32> to vector<128x1xf32>
        %add3A_96 = arith.addf %scan3A_36, %broadcast_in_dim3A_87 : vector<128x1xf32>
        %add3A_97 = arith.addf %scan3A_37, %broadcast_in_dim3A_95 : vector<128x1xf32>
        scf.yield %add3A_96, %add3A_97 : vector<128x1xf32>, vector<128x1xf32>
      } else {
        scf.yield %scan3A_36, %scan3A_37 : vector<128x1xf32>, vector<128x1xf32>
      }
      scf.yield %cond3A_46#0, %cond3A_46#1 : vector<128x1xf32>, vector<128x1xf32>
    }
    %scan3A_22 = arith.constant 20 : i32
    %mul3A_23 = arith.constant 5.000000e-01 : f32
    %mul3A_24 = vector.broadcast %mul3A_23 : f32 to vector<128x1xf32>
    %mul3A_25 = arith.mulf %mul3A_24, %scan3A_21#1 : vector<128x1xf32>
    %ceil3A = math.ceil %mul3A_25 : vector<128x1xf32>
    %gt3A = arith.constant 0.000000e+00 : f32
    %gt3A_26 = vector.broadcast %gt3A : f32 to vector<128x1xf32>
    %gt3A_27 = arith.cmpf ogt, %get3A_7, %gt3A_26 : vector<128x1xf32>
    %lt3A = arith.cmpf olt, %scan3A_21#0, %ceil3A : vector<128x1xf32>
    %and3A = arith.andi %gt3A_27, %lt3A : vector<128x1xi1>
    %jit3A = arith.constant 1.000000e+00 : f32
    %jit3A_28 = arith.constant 0.000000e+00 : f32
    %broadcast_in_dim3A_29 = vector.broadcast %jit3A : f32 to vector<128x1xf32>
    %broadcast_in_dim3A_30 = vector.broadcast %jit3A_28 : f32 to vector<128x1xf32>
    %select_n3A = arith.select %and3A, %broadcast_in_dim3A_29, %broadcast_in_dim3A_30 : vector<128x1xi1>, vector<128x1xf32>
    %broadcast_in_dim3A_31 = vector.shape_cast %select_n3A : vector<128x1xf32> to vector<128x1xf32>
    %broadcast_in_dim3A_32 = vector.broadcast %broadcast_in_dim3A_31 : vector<128x1xf32> to vector<128x16xf32>
    %swap3A = arith.constant 0 : index
    %swap3A_33 = arith.constant 0 : index
    %swap3A_34 = vector.load %arg11[%swap3A, %swap3A_33] : memref<128x16xf32, #tpu.memory_space<vmem>>, vector<128x16xf32>
    tpu.vector_store %arg11[%swap3A, %swap3A_33], %broadcast_in_dim3A_32 {strides = array<i32>} : memref<128x16xf32, #tpu.memory_space<vmem>>, vector<128x16xf32>,
    return
  }
  func.func @transform_0(%arg0: i32) -> (i32, i32) {
    %c0_i32 = arith.constant 0 : i32
    %c0_i32_0 = arith.constant 0 : i32
    return %arg0, %c0_i32 : i32, i32
  }
  func.func @transform_1(%arg0: i32) -> (i32, i32) {
    %c0_i32 = arith.constant 0 : i32
    %c0_i32_0 = arith.constant 0 : i32
    return %arg0, %c0_i32 : i32, i32
  }
  func.func @transform_2(%arg0: i32) -> (i32, i32) {
    %c0_i32 = arith.constant 0 : i32
    %c0_i32_0 = arith.constant 0 : i32
    return %arg0, %c0_i32 : i32, i32
  }
  func.func @transform_3(%arg0: i32) -> (i32, i32) {
    %c0_i32 = arith.constant 0 : i32
    %c0_i32_0 = arith.constant 0 : i32
    %c0_i32_1 = arith.constant 0 : i32
    return %c0_i32, %c0_i32_0 : i32, i32
  }
  func.func @transform_4(%arg0: i32) -> (i32, i32) {
    %c0_i32 = arith.constant 0 : i32
    %c0_i32_0 = arith.constant 0 : i32
    %c0_i32_1 = arith.constant 0 : i32
    return %c0_i32, %c0_i32_0 : i32, i32
  }
  func.func @transform_5(%arg0: i32) -> (i32, i32) {
    %c0_i32 = arith.constant 0 : i32
    %c0_i32_0 = arith.constant 0 : i32
    %c0_i32_1 = arith.constant 0 : i32
    return %c0_i32, %c0_i32_0 : i32, i32
  }
  func.func @transform_6(%arg0: i32) -> i32 {
    %c0_i32 = arith.constant 0 : i32
    %c0_i32_0 = arith.constant 0 : i32
    return %c0_i32 : i32
  }
  func.func @transform_7(%arg0: i32) -> i32 {
    %c0_i32 = arith.constant 0 : i32
    %c0_i32_0 = arith.constant 0 : i32
    return %c0_i32 : i32
  }
  func.func @transform_8(%arg0: i32) -> i32 {
    %c0_i32 = arith.constant 0 : i32
    %c0_i32_0 = arith.constant 0 : i32
    return %c0_i32 : i32
  }
  func.func @transform_9(%arg0: i32) -> i32 {
    %c0_i32 = arith.constant 0 : i32
    %c0_i32_0 = arith.constant 0 : i32
    return %c0_i32 : i32
  }
  func.func @transform_10(%arg0: i32) -> (i32, i32) {
    %c0_i32 = arith.constant 0 : i32
    %c0_i32_0 = arith.constant 0 : i32
    return %arg0, %c0_i32 : i32, i32
  }
}

module attributes {stable_mosaic.version = 14 : i64} {
  func.func @_stats_body(%arg0: i32, %arg1: memref<512x128xf32, #tpu.memory_space<vmem>>, %arg2: memref<512x1xf32, #tpu.memory_space<vmem>>, %arg3: memref<512x1xf32, #tpu.memory_space<vmem>>, %arg4: memref<1x128xf32, #tpu.memory_space<vmem>>, %arg5: memref<1x128xf32, #tpu.memory_space<vmem>>, %arg6: memref<1x1xf32, #tpu.memory_space<vmem>>) attributes {dimension_semantics = [#tpu.dimension_semantics<arbitrary>], iteration_bounds = array<i64: 20>, scalar_prefetch = 0 : i64, scratch_operands = 0 : i64, tpu.core_type = #tpu.core_type<tc>, window_params = [{transform_indices = @transform_0, window_bounds = array<i64: 512, 128>}, {transform_indices = @transform_1, window_bounds = array<i64: 512, 1>}, {transform_indices = @transform_2, window_bounds = array<i64: 512, 1>}, {pipeline_mode = #tpu.pipeline_mode<synchronous>, transform_indices = @transform_3, window_bounds = array<i64: 1, 128>}, {pipeline_mode = #tpu.pipeline_mode<synchronous>, transform_indices = @transform_4, window_bounds = array<i64: 1, 128>}, {pipeline_mode = #tpu.pipeline_mode<synchronous>, transform_indices = @transform_5, window_bounds = array<i64: 1, 1>}]} {
    %eq3A = arith.constant 0 : i32
    %eq3A_0 = arith.cmpi eq, %arg0, %eq3A : i32
    %convert_element_type3A = arith.extui %eq3A_0 : i1 to i32
    %cond3A = arith.constant 0 : i32
    %cond3A_1 = arith.cmpi ne, %convert_element_type3A, %cond3A : i32
    scf.if %cond3A_1 {
      %broadcast_in_dim3A_40 = arith.constant 0.000000e+00 : f32
      %broadcast_in_dim3A_41 = vector.broadcast %broadcast_in_dim3A_40 : f32 to vector<1x128xf32>
      %swap3A_42 = arith.constant 0 : index
      %swap3A_43 = arith.constant 0 : index
      %swap3A_44 = vector.load %arg4[%swap3A_42, %swap3A_43] : memref<1x128xf32, #tpu.memory_space<vmem>>, vector<1x128xf32>
      tpu.vector_store %arg4[%swap3A_42, %swap3A_43], %broadcast_in_dim3A_41 {strides = array<i32>} : memref<1x128xf32, #tpu.memory_space<vmem>>, vector<1x128xf32>,
      %broadcast_in_dim3A_45 = arith.constant 0.000000e+00 : f32
      %broadcast_in_dim3A_46 = vector.broadcast %broadcast_in_dim3A_45 : f32 to vector<1x128xf32>
      %swap3A_47 = arith.constant 0 : index
      %swap3A_48 = arith.constant 0 : index
      %swap3A_49 = vector.load %arg5[%swap3A_47, %swap3A_48] : memref<1x128xf32, #tpu.memory_space<vmem>>, vector<1x128xf32>
      tpu.vector_store %arg5[%swap3A_47, %swap3A_48], %broadcast_in_dim3A_46 {strides = array<i32>} : memref<1x128xf32, #tpu.memory_space<vmem>>, vector<1x128xf32>,
      %broadcast_in_dim3A_50 = arith.constant 0.000000e+00 : f32
      %broadcast_in_dim3A_51 = vector.broadcast %broadcast_in_dim3A_50 : f32 to vector<1x1xf32>
      %swap3A_52 = arith.constant 0 : index
      %swap3A_53 = arith.constant 0 : index
      %swap3A_54 = vector.load %arg6[%swap3A_52, %swap3A_53] : memref<1x1xf32, #tpu.memory_space<vmem>>, vector<1x1xf32>
      tpu.vector_store %arg6[%swap3A_52, %swap3A_53], %broadcast_in_dim3A_51 {strides = array<i32>} : memref<1x1xf32, #tpu.memory_space<vmem>>, vector<1x1xf32>,
    } else {
    }
    %get3A = arith.constant 0 : index
    %get3A_2 = arith.constant 0 : index
    %get3A_3 = vector.load %arg3[%get3A, %get3A_2] : memref<512x1xf32, #tpu.memory_space<vmem>>, vector<512x1xf32>
    %get3A_4 = arith.constant 0 : index
    %get3A_5 = arith.constant 0 : index
    %get3A_6 = vector.load %arg1[%get3A_4, %get3A_5] : memref<512x128xf32, #tpu.memory_space<vmem>>, vector<512x128xf32>
    %get3A_7 = arith.constant 0 : index
    %get3A_8 = arith.constant 0 : index
    %get3A_9 = vector.load %arg2[%get3A_7, %get3A_8] : memref<512x1xf32, #tpu.memory_space<vmem>>, vector<512x1xf32>
    %tanh3A = math.tanh %get3A_9 : vector<512x1xf32>
    %mul3A = vector.broadcast %tanh3A : vector<512x1xf32> to vector<512x128xf32>
    %mul3A_10 = arith.mulf %get3A_6, %mul3A : vector<512x128xf32>
    %mul3A_11 = vector.broadcast %get3A_3 : vector<512x1xf32> to vector<512x128xf32>
    %mul3A_12 = arith.mulf %mul3A_10, %mul3A_11 : vector<512x128xf32>
    %get3A_13 = arith.constant 0 : index
    %get3A_14 = arith.constant 0 : index
    %get3A_15 = vector.load %arg4[%get3A_13, %get3A_14] : memref<1x128xf32, #tpu.memory_space<vmem>>, vector<1x128xf32>
    %reduce_sum3A = arith.constant dense<0.000000e+00> : vector<128xf32>
    %reduce_sum3A_16 = vector.multi_reduction <add>, %mul3A_12, %reduce_sum3A [0] : vector<512x128xf32> to vector<128xf32>
    %broadcast_in_dim3A = vector.shape_cast %reduce_sum3A_16 : vector<128xf32> to vector<1x128xf32>
    %add3A = arith.addf %get3A_15, %broadcast_in_dim3A : vector<1x128xf32>
    %swap3A = arith.constant 0 : index
    %swap3A_17 = arith.constant 0 : index
    %swap3A_18 = vector.load %arg4[%swap3A, %swap3A_17] : memref<1x128xf32, #tpu.memory_space<vmem>>, vector<1x128xf32>
    tpu.vector_store %arg4[%swap3A, %swap3A_17], %add3A {strides = array<i32>} : memref<1x128xf32, #tpu.memory_space<vmem>>, vector<1x128xf32>,
    %get3A_19 = arith.constant 0 : index
    %get3A_20 = arith.constant 0 : index
    %get3A_21 = vector.load %arg5[%get3A_19, %get3A_20] : memref<1x128xf32, #tpu.memory_space<vmem>>, vector<1x128xf32>
    %mul3A_22 = arith.mulf %mul3A_12, %mul3A_12 : vector<512x128xf32>
    %reduce_sum3A_23 = arith.constant dense<0.000000e+00> : vector<128xf32>
    %reduce_sum3A_24 = vector.multi_reduction <add>, %mul3A_22, %reduce_sum3A_23 [0] : vector<512x128xf32> to vector<128xf32>
    %broadcast_in_dim3A_25 = vector.shape_cast %reduce_sum3A_24 : vector<128xf32> to vector<1x128xf32>
    %add3A_26 = arith.addf %get3A_21, %broadcast_in_dim3A_25 : vector<1x128xf32>
    %swap3A_27 = arith.constant 0 : index
    %swap3A_28 = arith.constant 0 : index
    %swap3A_29 = vector.load %arg5[%swap3A_27, %swap3A_28] : memref<1x128xf32, #tpu.memory_space<vmem>>, vector<1x128xf32>
    tpu.vector_store %arg5[%swap3A_27, %swap3A_28], %add3A_26 {strides = array<i32>} : memref<1x128xf32, #tpu.memory_space<vmem>>, vector<1x128xf32>,
    %get3A_30 = arith.constant 0 : index
    %get3A_31 = arith.constant 0 : index
    %get3A_32 = vector.load %arg6[%get3A_30, %get3A_31] : memref<1x1xf32, #tpu.memory_space<vmem>>, vector<1x1xf32>
    %reduce_sum3A_33 = arith.constant dense<0.000000e+00> : vector<1xf32>
    %reduce_sum3A_34 = vector.multi_reduction <add>, %get3A_3, %reduce_sum3A_33 [0] : vector<512x1xf32> to vector<1xf32>
    %broadcast_in_dim3A_35 = vector.shape_cast %reduce_sum3A_34 : vector<1xf32> to vector<1x1xf32>
    %add3A_36 = arith.addf %get3A_32, %broadcast_in_dim3A_35 : vector<1x1xf32>
    %swap3A_37 = arith.constant 0 : index
    %swap3A_38 = arith.constant 0 : index
    %swap3A_39 = vector.load %arg6[%swap3A_37, %swap3A_38] : memref<1x1xf32, #tpu.memory_space<vmem>>, vector<1x1xf32>
    tpu.vector_store %arg6[%swap3A_37, %swap3A_38], %add3A_36 {strides = array<i32>} : memref<1x1xf32, #tpu.memory_space<vmem>>, vector<1x1xf32>,
    return
  }
  func.func @transform_0(%arg0: i32) -> (i32, i32) {
    %c0_i32 = arith.constant 0 : i32
    %c0_i32_0 = arith.constant 0 : i32
    return %arg0, %c0_i32 : i32, i32
  }
  func.func @transform_1(%arg0: i32) -> (i32, i32) {
    %c0_i32 = arith.constant 0 : i32
    %c0_i32_0 = arith.constant 0 : i32
    return %arg0, %c0_i32 : i32, i32
  }
  func.func @transform_2(%arg0: i32) -> (i32, i32) {
    %c0_i32 = arith.constant 0 : i32
    %c0_i32_0 = arith.constant 0 : i32
    return %arg0, %c0_i32 : i32, i32
  }
  func.func @transform_3(%arg0: i32) -> (i32, i32) {
    %c0_i32 = arith.constant 0 : i32
    %c0_i32_0 = arith.constant 0 : i32
    %c0_i32_1 = arith.constant 0 : i32
    return %c0_i32, %c0_i32_0 : i32, i32
  }
  func.func @transform_4(%arg0: i32) -> (i32, i32) {
    %c0_i32 = arith.constant 0 : i32
    %c0_i32_0 = arith.constant 0 : i32
    %c0_i32_1 = arith.constant 0 : i32
    return %c0_i32, %c0_i32_0 : i32, i32
  }
  func.func @transform_5(%arg0: i32) -> (i32, i32) {
    %c0_i32 = arith.constant 0 : i32
    %c0_i32_0 = arith.constant 0 : i32
    %c0_i32_1 = arith.constant 0 : i32
    return %c0_i32, %c0_i32_0 : i32, i32
  }
}

module attributes {stable_mosaic.version = 14 : i64} {
  func.func @_bnorm_body(%arg0: i32, %arg1: memref<512x128xf32, #tpu.memory_space<vmem>>, %arg2: memref<512x1xf32, #tpu.memory_space<vmem>>, %arg3: memref<512x1xf32, #tpu.memory_space<vmem>>, %arg4: memref<1x128xf32, #tpu.memory_space<vmem>>, %arg5: memref<1x128xf32, #tpu.memory_space<vmem>>, %arg6: memref<1x1xf32, #tpu.memory_space<vmem>>, %arg7: memref<1x128xf32, #tpu.memory_space<vmem>>, %arg8: memref<1x128xf32, #tpu.memory_space<vmem>>, %arg9: memref<128x128xf32, #tpu.memory_space<vmem>>, %arg10: memref<512x128xf32, #tpu.memory_space<vmem>>, %arg11: memref<512x128xf32, #tpu.memory_space<vmem>>) attributes {dimension_semantics = [#tpu.dimension_semantics<arbitrary>], iteration_bounds = array<i64: 20>, scalar_prefetch = 0 : i64, scratch_operands = 0 : i64, tpu.core_type = #tpu.core_type<tc>, window_params = [{transform_indices = @transform_0, window_bounds = array<i64: 512, 128>}, {transform_indices = @transform_1, window_bounds = array<i64: 512, 1>}, {transform_indices = @transform_2, window_bounds = array<i64: 512, 1>}, {pipeline_mode = #tpu.pipeline_mode<synchronous>, transform_indices = @transform_3, window_bounds = array<i64: 1, 128>}, {pipeline_mode = #tpu.pipeline_mode<synchronous>, transform_indices = @transform_4, window_bounds = array<i64: 1, 128>}, {pipeline_mode = #tpu.pipeline_mode<synchronous>, transform_indices = @transform_5, window_bounds = array<i64: 1, 1>}, {pipeline_mode = #tpu.pipeline_mode<synchronous>, transform_indices = @transform_6, window_bounds = array<i64: 1, 128>}, {pipeline_mode = #tpu.pipeline_mode<synchronous>, transform_indices = @transform_7, window_bounds = array<i64: 1, 128>}, {pipeline_mode = #tpu.pipeline_mode<synchronous>, transform_indices = @transform_8, window_bounds = array<i64: 128, 128>}, {transform_indices = @transform_9, window_bounds = array<i64: 512, 128>}, {transform_indices = @transform_10, window_bounds = array<i64: 512, 128>}]} {
    %get3A = arith.constant 0 : index
    %get3A_0 = arith.constant 0 : index
    %get3A_1 = vector.load %arg6[%get3A, %get3A_0] : memref<1x1xf32, #tpu.memory_space<vmem>>, vector<1x1xf32>
    %get3A_2 = vector.extract %get3A_1[0, 0] : f32 from vector<1x1xf32>
    %max3A = arith.constant 1.000000e+00 : f32
    %max3A_3 = arith.maximumf %get3A_2, %max3A : f32
    %get3A_4 = arith.constant 0 : index
    %get3A_5 = arith.constant 0 : index
    %get3A_6 = vector.load %arg4[%get3A_4, %get3A_5] : memref<1x128xf32, #tpu.memory_space<vmem>>, vector<1x128xf32>
    %div3A = vector.broadcast %max3A_3 : f32 to vector<1x128xf32>
    %div3A_7 = arith.divf %get3A_6, %div3A : vector<1x128xf32>
    %get3A_8 = arith.constant 0 : index
    %get3A_9 = arith.constant 0 : index
    %get3A_10 = vector.load %arg5[%get3A_8, %get3A_9] : memref<1x128xf32, #tpu.memory_space<vmem>>, vector<1x128xf32>
    %div3A_11 = vector.broadcast %max3A_3 : f32 to vector<1x128xf32>
    %div3A_12 = arith.divf %get3A_10, %div3A_11 : vector<1x128xf32>
    %mul3A = arith.mulf %div3A_7, %div3A_7 : vector<1x128xf32>
    %sub3A = arith.subf %div3A_12, %mul3A : vector<1x128xf32>
    %add3A = arith.constant 9.99999974E-6 : f32
    %add3A_13 = vector.broadcast %add3A : f32 to vector<1x128xf32>
    %add3A_14 = arith.addf %sub3A, %add3A_13 : vector<1x128xf32>
    %rsqrt3A = math.rsqrt %add3A_14 : vector<1x128xf32>
    %get3A_15 = arith.constant 0 : index
    %get3A_16 = arith.constant 0 : index
    %get3A_17 = vector.load %arg3[%get3A_15, %get3A_16] : memref<512x1xf32, #tpu.memory_space<vmem>>, vector<512x1xf32>
    %get3A_18 = arith.constant 0 : index
    %get3A_19 = arith.constant 0 : index
    %get3A_20 = vector.load %arg1[%get3A_18, %get3A_19] : memref<512x128xf32, #tpu.memory_space<vmem>>, vector<512x128xf32>
    %get3A_21 = arith.constant 0 : index
    %get3A_22 = arith.constant 0 : index
    %get3A_23 = vector.load %arg2[%get3A_21, %get3A_22] : memref<512x1xf32, #tpu.memory_space<vmem>>, vector<512x1xf32>
    %tanh3A = math.tanh %get3A_23 : vector<512x1xf32>
    %mul3A_24 = vector.broadcast %tanh3A : vector<512x1xf32> to vector<512x128xf32>
    %mul3A_25 = arith.mulf %get3A_20, %mul3A_24 : vector<512x128xf32>
    %mul3A_26 = vector.broadcast %get3A_17 : vector<512x1xf32> to vector<512x128xf32>
    %mul3A_27 = arith.mulf %mul3A_25, %mul3A_26 : vector<512x128xf32>
    %sub3A_28 = vector.broadcast %div3A_7 : vector<1x128xf32> to vector<512x128xf32>
    %sub3A_29 = arith.subf %mul3A_27, %sub3A_28 : vector<512x128xf32>
    %mul3A_30 = vector.broadcast %rsqrt3A : vector<1x128xf32> to vector<512x128xf32>
    %mul3A_31 = arith.mulf %sub3A_29, %mul3A_30 : vector<512x128xf32>
    %get3A_32 = arith.constant 0 : index
    %get3A_33 = arith.constant 0 : index
    %get3A_34 = vector.load %arg7[%get3A_32, %get3A_33] : memref<1x128xf32, #tpu.memory_space<vmem>>, vector<1x128xf32>
    %mul3A_35 = vector.broadcast %get3A_34 : vector<1x128xf32> to vector<512x128xf32>
    %mul3A_36 = arith.mulf %mul3A_31, %mul3A_35 : vector<512x128xf32>
    %get3A_37 = arith.constant 0 : index
    %get3A_38 = arith.constant 0 : index
    %get3A_39 = vector.load %arg8[%get3A_37, %get3A_38] : memref<1x128xf32, #tpu.memory_space<vmem>>, vector<1x128xf32>
    %add3A_40 = vector.broadcast %get3A_39 : vector<1x128xf32> to vector<512x128xf32>
    %add3A_41 = arith.addf %mul3A_36, %add3A_40 : vector<512x128xf32>
    %mul3A_42 = vector.broadcast %get3A_17 : vector<512x1xf32> to vector<512x128xf32>
    %mul3A_43 = arith.mulf %add3A_41, %mul3A_42 : vector<512x128xf32>
    %max3A_44 = arith.constant 0.000000e+00 : f32
    %max3A_45 = vector.broadcast %max3A_44 : f32 to vector<512x128xf32>
    %max3A_46 = arith.maximumf %mul3A_43, %max3A_45 : vector<512x128xf32>
    %swap3A = arith.constant 0 : index
    %swap3A_47 = arith.constant 0 : index
    %swap3A_48 = vector.load %arg10[%swap3A, %swap3A_47] : memref<512x128xf32, #tpu.memory_space<vmem>>, vector<512x128xf32>
    tpu.vector_store %arg10[%swap3A, %swap3A_47], %max3A_46 {strides = array<i32>} : memref<512x128xf32, #tpu.memory_space<vmem>>, vector<512x128xf32>,
    %get3A_49 = arith.constant 0 : index
    %get3A_50 = arith.constant 0 : index
    %get3A_51 = vector.load %arg9[%get3A_49, %get3A_50] : memref<128x128xf32, #tpu.memory_space<vmem>>, vector<128x128xf32>
    %dot_general3A = arith.constant dense<0.000000e+00> : vector<512x128xf32>
    %dot_general3A_52 = tpu.matmul %max3A_46, %get3A_51, %dot_general3A {dimension_numbers = #tpu.dot_dimension_numbers<[1], [0], [0], [1], [0, 0, 1, 1], [], []>, transpose_lhs_hint = false} : vector<512x128xf32>, vector<128x128xf32>, vector<512x128xf32> -> vector<512x128xf32>
    %swap3A_53 = arith.constant 0 : index
    %swap3A_54 = arith.constant 0 : index
    %swap3A_55 = vector.load %arg11[%swap3A_53, %swap3A_54] : memref<512x128xf32, #tpu.memory_space<vmem>>, vector<512x128xf32>
    tpu.vector_store %arg11[%swap3A_53, %swap3A_54], %dot_general3A_52 {strides = array<i32>} : memref<512x128xf32, #tpu.memory_space<vmem>>, vector<512x128xf32>,
    return
  }
  func.func @transform_0(%arg0: i32) -> (i32, i32) {
    %c0_i32 = arith.constant 0 : i32
    %c0_i32_0 = arith.constant 0 : i32
    return %arg0, %c0_i32 : i32, i32
  }
  func.func @transform_1(%arg0: i32) -> (i32, i32) {
    %c0_i32 = arith.constant 0 : i32
    %c0_i32_0 = arith.constant 0 : i32
    return %arg0, %c0_i32 : i32, i32
  }
  func.func @transform_2(%arg0: i32) -> (i32, i32) {
    %c0_i32 = arith.constant 0 : i32
    %c0_i32_0 = arith.constant 0 : i32
    return %arg0, %c0_i32 : i32, i32
  }
  func.func @transform_3(%arg0: i32) -> (i32, i32) {
    %c0_i32 = arith.constant 0 : i32
    %c0_i32_0 = arith.constant 0 : i32
    %c0_i32_1 = arith.constant 0 : i32
    return %c0_i32, %c0_i32_0 : i32, i32
  }
  func.func @transform_4(%arg0: i32) -> (i32, i32) {
    %c0_i32 = arith.constant 0 : i32
    %c0_i32_0 = arith.constant 0 : i32
    %c0_i32_1 = arith.constant 0 : i32
    return %c0_i32, %c0_i32_0 : i32, i32
  }
  func.func @transform_5(%arg0: i32) -> (i32, i32) {
    %c0_i32 = arith.constant 0 : i32
    %c0_i32_0 = arith.constant 0 : i32
    %c0_i32_1 = arith.constant 0 : i32
    return %c0_i32, %c0_i32_0 : i32, i32
  }
  func.func @transform_6(%arg0: i32) -> (i32, i32) {
    %c0_i32 = arith.constant 0 : i32
    %c0_i32_0 = arith.constant 0 : i32
    %c0_i32_1 = arith.constant 0 : i32
    return %c0_i32, %c0_i32_0 : i32, i32
  }
  func.func @transform_7(%arg0: i32) -> (i32, i32) {
    %c0_i32 = arith.constant 0 : i32
    %c0_i32_0 = arith.constant 0 : i32
    %c0_i32_1 = arith.constant 0 : i32
    return %c0_i32, %c0_i32_0 : i32, i32
  }
  func.func @transform_8(%arg0: i32) -> (i32, i32) {
    %c0_i32 = arith.constant 0 : i32
    %c0_i32_0 = arith.constant 0 : i32
    %c0_i32_1 = arith.constant 0 : i32
    return %c0_i32, %c0_i32_0 : i32, i32
  }
  func.func @transform_9(%arg0: i32) -> (i32, i32) {
    %c0_i32 = arith.constant 0 : i32
    %c0_i32_0 = arith.constant 0 : i32
    return %arg0, %c0_i32 : i32, i32
  }
  func.func @transform_10(%arg0: i32) -> (i32, i32) {
    %c0_i32 = arith.constant 0 : i32
    %c0_i32_0 = arith.constant 0 : i32
    return %arg0, %c0_i32 : i32, i32
  }
}

module attributes {stable_mosaic.version = 14 : i64} {
  func.func @body(%arg0: i32, %arg1: memref<512x128xf32, #tpu.memory_space<vmem>>, %arg2: memref<512x1xf32, #tpu.memory_space<vmem>>, %arg3: memref<512x1xf32, #tpu.memory_space<vmem>>, %arg4: memref<1x128xf32, #tpu.memory_space<vmem>>, %arg5: memref<1x128xf32, #tpu.memory_space<vmem>>, %arg6: memref<1x1xf32, #tpu.memory_space<vmem>>, %arg7: memref<1x128xf32, #tpu.memory_space<vmem>>, %arg8: memref<1x128xf32, #tpu.memory_space<vmem>>, %arg9: memref<128x8xf32, #tpu.memory_space<vmem>>, %arg10: memref<512x128xf32, #tpu.memory_space<vmem>>) attributes {dimension_semantics = [#tpu.dimension_semantics<arbitrary>], iteration_bounds = array<i64: 20>, scalar_prefetch = 0 : i64, scratch_operands = 0 : i64, tpu.core_type = #tpu.core_type<tc>, window_params = [{transform_indices = @transform_0, window_bounds = array<i64: 512, 128>}, {transform_indices = @transform_1, window_bounds = array<i64: 512, 1>}, {transform_indices = @transform_2, window_bounds = array<i64: 512, 1>}, {pipeline_mode = #tpu.pipeline_mode<synchronous>, transform_indices = @transform_3, window_bounds = array<i64: 1, 128>}, {pipeline_mode = #tpu.pipeline_mode<synchronous>, transform_indices = @transform_4, window_bounds = array<i64: 1, 128>}, {pipeline_mode = #tpu.pipeline_mode<synchronous>, transform_indices = @transform_5, window_bounds = array<i64: 1, 1>}, {pipeline_mode = #tpu.pipeline_mode<synchronous>, transform_indices = @transform_6, window_bounds = array<i64: 1, 128>}, {pipeline_mode = #tpu.pipeline_mode<synchronous>, transform_indices = @transform_7, window_bounds = array<i64: 1, 128>}, {pipeline_mode = #tpu.pipeline_mode<synchronous>, transform_indices = @transform_8, window_bounds = array<i64: 128, 8>}, {transform_indices = @transform_9, window_bounds = array<i64: 512, 128>}]} {
    %get3A = arith.constant 0 : index
    %get3A_0 = arith.constant 0 : index
    %get3A_1 = vector.load %arg6[%get3A, %get3A_0] : memref<1x1xf32, #tpu.memory_space<vmem>>, vector<1x1xf32>
    %get3A_2 = vector.extract %get3A_1[0, 0] : f32 from vector<1x1xf32>
    %max3A = arith.constant 1.000000e+00 : f32
    %max3A_3 = arith.maximumf %get3A_2, %max3A : f32
    %get3A_4 = arith.constant 0 : index
    %get3A_5 = arith.constant 0 : index
    %get3A_6 = vector.load %arg4[%get3A_4, %get3A_5] : memref<1x128xf32, #tpu.memory_space<vmem>>, vector<1x128xf32>
    %div3A = vector.broadcast %max3A_3 : f32 to vector<1x128xf32>
    %div3A_7 = arith.divf %get3A_6, %div3A : vector<1x128xf32>
    %get3A_8 = arith.constant 0 : index
    %get3A_9 = arith.constant 0 : index
    %get3A_10 = vector.load %arg5[%get3A_8, %get3A_9] : memref<1x128xf32, #tpu.memory_space<vmem>>, vector<1x128xf32>
    %div3A_11 = vector.broadcast %max3A_3 : f32 to vector<1x128xf32>
    %div3A_12 = arith.divf %get3A_10, %div3A_11 : vector<1x128xf32>
    %mul3A = arith.mulf %div3A_7, %div3A_7 : vector<1x128xf32>
    %sub3A = arith.subf %div3A_12, %mul3A : vector<1x128xf32>
    %add3A = arith.constant 9.99999974E-6 : f32
    %add3A_13 = vector.broadcast %add3A : f32 to vector<1x128xf32>
    %add3A_14 = arith.addf %sub3A, %add3A_13 : vector<1x128xf32>
    %rsqrt3A = math.rsqrt %add3A_14 : vector<1x128xf32>
    %get3A_15 = arith.constant 0 : index
    %get3A_16 = arith.constant 0 : index
    %get3A_17 = vector.load %arg3[%get3A_15, %get3A_16] : memref<512x1xf32, #tpu.memory_space<vmem>>, vector<512x1xf32>
    %get3A_18 = arith.constant 0 : index
    %get3A_19 = arith.constant 0 : index
    %get3A_20 = vector.load %arg1[%get3A_18, %get3A_19] : memref<512x128xf32, #tpu.memory_space<vmem>>, vector<512x128xf32>
    %get3A_21 = arith.constant 0 : index
    %get3A_22 = arith.constant 0 : index
    %get3A_23 = vector.load %arg2[%get3A_21, %get3A_22] : memref<512x1xf32, #tpu.memory_space<vmem>>, vector<512x1xf32>
    %tanh3A = math.tanh %get3A_23 : vector<512x1xf32>
    %mul3A_24 = vector.broadcast %tanh3A : vector<512x1xf32> to vector<512x128xf32>
    %mul3A_25 = arith.mulf %get3A_20, %mul3A_24 : vector<512x128xf32>
    %mul3A_26 = vector.broadcast %get3A_17 : vector<512x1xf32> to vector<512x128xf32>
    %mul3A_27 = arith.mulf %mul3A_25, %mul3A_26 : vector<512x128xf32>
    %sub3A_28 = vector.broadcast %div3A_7 : vector<1x128xf32> to vector<512x128xf32>
    %sub3A_29 = arith.subf %mul3A_27, %sub3A_28 : vector<512x128xf32>
    %mul3A_30 = vector.broadcast %rsqrt3A : vector<1x128xf32> to vector<512x128xf32>
    %mul3A_31 = arith.mulf %sub3A_29, %mul3A_30 : vector<512x128xf32>
    %get3A_32 = arith.constant 0 : index
    %get3A_33 = arith.constant 0 : index
    %get3A_34 = vector.load %arg7[%get3A_32, %get3A_33] : memref<1x128xf32, #tpu.memory_space<vmem>>, vector<1x128xf32>
    %mul3A_35 = vector.broadcast %get3A_34 : vector<1x128xf32> to vector<512x128xf32>
    %mul3A_36 = arith.mulf %mul3A_31, %mul3A_35 : vector<512x128xf32>
    %get3A_37 = arith.constant 0 : index
    %get3A_38 = arith.constant 0 : index
    %get3A_39 = vector.load %arg8[%get3A_37, %get3A_38] : memref<1x128xf32, #tpu.memory_space<vmem>>, vector<1x128xf32>
    %add3A_40 = vector.broadcast %get3A_39 : vector<1x128xf32> to vector<512x128xf32>
    %add3A_41 = arith.addf %mul3A_36, %add3A_40 : vector<512x128xf32>
    %mul3A_42 = vector.broadcast %get3A_17 : vector<512x1xf32> to vector<512x128xf32>
    %mul3A_43 = arith.mulf %add3A_41, %mul3A_42 : vector<512x128xf32>
    %max3A_44 = arith.constant 0.000000e+00 : f32
    %max3A_45 = vector.broadcast %max3A_44 : f32 to vector<512x128xf32>
    %max3A_46 = arith.maximumf %mul3A_43, %max3A_45 : vector<512x128xf32>
    %swap3A = arith.constant 0 : index
    %swap3A_47 = arith.constant 0 : index
    %swap3A_48 = vector.load %arg10[%swap3A, %swap3A_47] : memref<512x128xf32, #tpu.memory_space<vmem>>, vector<512x128xf32>
    tpu.vector_store %arg10[%swap3A, %swap3A_47], %max3A_46 {strides = array<i32>} : memref<512x128xf32, #tpu.memory_space<vmem>>, vector<512x128xf32>,
    return
  }
  func.func @transform_0(%arg0: i32) -> (i32, i32) {
    %c0_i32 = arith.constant 0 : i32
    %c0_i32_0 = arith.constant 0 : i32
    return %arg0, %c0_i32 : i32, i32
  }
  func.func @transform_1(%arg0: i32) -> (i32, i32) {
    %c0_i32 = arith.constant 0 : i32
    %c0_i32_0 = arith.constant 0 : i32
    return %arg0, %c0_i32 : i32, i32
  }
  func.func @transform_2(%arg0: i32) -> (i32, i32) {
    %c0_i32 = arith.constant 0 : i32
    %c0_i32_0 = arith.constant 0 : i32
    return %arg0, %c0_i32 : i32, i32
  }
  func.func @transform_3(%arg0: i32) -> (i32, i32) {
    %c0_i32 = arith.constant 0 : i32
    %c0_i32_0 = arith.constant 0 : i32
    %c0_i32_1 = arith.constant 0 : i32
    return %c0_i32, %c0_i32_0 : i32, i32
  }
  func.func @transform_4(%arg0: i32) -> (i32, i32) {
    %c0_i32 = arith.constant 0 : i32
    %c0_i32_0 = arith.constant 0 : i32
    %c0_i32_1 = arith.constant 0 : i32
    return %c0_i32, %c0_i32_0 : i32, i32
  }
  func.func @transform_5(%arg0: i32) -> (i32, i32) {
    %c0_i32 = arith.constant 0 : i32
    %c0_i32_0 = arith.constant 0 : i32
    %c0_i32_1 = arith.constant 0 : i32
    return %c0_i32, %c0_i32_0 : i32, i32
  }
  func.func @transform_6(%arg0: i32) -> (i32, i32) {
    %c0_i32 = arith.constant 0 : i32
    %c0_i32_0 = arith.constant 0 : i32
    %c0_i32_1 = arith.constant 0 : i32
    return %c0_i32, %c0_i32_0 : i32, i32
  }
  func.func @transform_7(%arg0: i32) -> (i32, i32) {
    %c0_i32 = arith.constant 0 : i32
    %c0_i32_0 = arith.constant 0 : i32
    %c0_i32_1 = arith.constant 0 : i32
    return %c0_i32, %c0_i32_0 : i32, i32
  }
  func.func @transform_8(%arg0: i32) -> (i32, i32) {
    %c0_i32 = arith.constant 0 : i32
    %c0_i32_0 = arith.constant 0 : i32
    %c0_i32_1 = arith.constant 0 : i32
    return %c0_i32, %c0_i32_0 : i32, i32
  }
  func.func @transform_9(%arg0: i32) -> (i32, i32) {
    %c0_i32 = arith.constant 0 : i32
    %c0_i32_0 = arith.constant 0 : i32
    return %arg0, %c0_i32 : i32, i32
  }
}

module attributes {stable_mosaic.version = 14 : i64} {
  func.func @_combine_body(%arg0: i32, %arg1: memref<512x128xf32, #tpu.memory_space<vmem>>, %arg2: memref<512x128xf32, #tpu.memory_space<vmem>>, %arg3: memref<512x128xf32, #tpu.memory_space<vmem>>, %arg4: memref<1x1x512xf32, #tpu.memory_space<vmem>>, %arg5: memref<128x10xf32, #tpu.memory_space<vmem>>, %arg6: memref<128x10xf32, #tpu.memory_space<vmem>>, %arg7: memref<128x10xf32, #tpu.memory_space<vmem>>, %arg8: memref<1x10xf32, #tpu.memory_space<vmem>>, %arg9: memref<64x10xf32, #tpu.memory_space<vmem>>, %arg10: memref<64x128xf32, #tpu.memory_space<vmem>>, %arg11: memref<64x128xf32, #tpu.memory_space<vmem>>, %arg12: memref<64x128xf32, #tpu.memory_space<vmem>>) attributes {dimension_semantics = [#tpu.dimension_semantics<arbitrary>], iteration_bounds = array<i64: 20>, scalar_prefetch = 0 : i64, scratch_operands = 3 : i64, tpu.core_type = #tpu.core_type<tc>, window_params = [{transform_indices = @transform_0, window_bounds = array<i64: 512, 128>}, {transform_indices = @transform_1, window_bounds = array<i64: 512, 128>}, {transform_indices = @transform_2, window_bounds = array<i64: 512, 128>}, {transform_indices = @transform_3, window_bounds = array<i64: 1, 1, 512>}, {pipeline_mode = #tpu.pipeline_mode<synchronous>, transform_indices = @transform_4, window_bounds = array<i64: 128, 10>}, {pipeline_mode = #tpu.pipeline_mode<synchronous>, transform_indices = @transform_5, window_bounds = array<i64: 128, 10>}, {pipeline_mode = #tpu.pipeline_mode<synchronous>, transform_indices = @transform_6, window_bounds = array<i64: 128, 10>}, {pipeline_mode = #tpu.pipeline_mode<synchronous>, transform_indices = @transform_7, window_bounds = array<i64: 1, 10>}, {pipeline_mode = #tpu.pipeline_mode<synchronous>, transform_indices = @transform_8, window_bounds = array<i64: 64, 10>}]} {
    %eq3A = arith.constant 0 : i32
    %eq3A_0 = arith.cmpi eq, %arg0, %eq3A : i32
    %convert_element_type3A = arith.extui %eq3A_0 : i1 to i32
    %cond3A = arith.constant 0 : i32
    %cond3A_1 = arith.cmpi ne, %convert_element_type3A, %cond3A : i32
    scf.if %cond3A_1 {
      %broadcast_in_dim3A_50 = arith.constant 0.000000e+00 : f32
      %broadcast_in_dim3A_51 = vector.broadcast %broadcast_in_dim3A_50 : f32 to vector<64x128xf32>
      %swap3A_52 = arith.constant 0 : index
      %swap3A_53 = arith.constant 0 : index
      %swap3A_54 = vector.load %arg10[%swap3A_52, %swap3A_53] : memref<64x128xf32, #tpu.memory_space<vmem>>, vector<64x128xf32>
      tpu.vector_store %arg10[%swap3A_52, %swap3A_53], %broadcast_in_dim3A_51 {strides = array<i32>} : memref<64x128xf32, #tpu.memory_space<vmem>>, vector<64x128xf32>,
      %broadcast_in_dim3A_55 = arith.constant 0.000000e+00 : f32
      %broadcast_in_dim3A_56 = vector.broadcast %broadcast_in_dim3A_55 : f32 to vector<64x128xf32>
      %swap3A_57 = arith.constant 0 : index
      %swap3A_58 = arith.constant 0 : index
      %swap3A_59 = vector.load %arg11[%swap3A_57, %swap3A_58] : memref<64x128xf32, #tpu.memory_space<vmem>>, vector<64x128xf32>
      tpu.vector_store %arg11[%swap3A_57, %swap3A_58], %broadcast_in_dim3A_56 {strides = array<i32>} : memref<64x128xf32, #tpu.memory_space<vmem>>, vector<64x128xf32>,
      %broadcast_in_dim3A_60 = arith.constant 0.000000e+00 : f32
      %broadcast_in_dim3A_61 = vector.broadcast %broadcast_in_dim3A_60 : f32 to vector<64x128xf32>
      %swap3A_62 = arith.constant 0 : index
      %swap3A_63 = arith.constant 0 : index
      %swap3A_64 = vector.load %arg12[%swap3A_62, %swap3A_63] : memref<64x128xf32, #tpu.memory_space<vmem>>, vector<64x128xf32>
      tpu.vector_store %arg12[%swap3A_62, %swap3A_63], %broadcast_in_dim3A_61 {strides = array<i32>} : memref<64x128xf32, #tpu.memory_space<vmem>>, vector<64x128xf32>,
    } else {
    }
    %iota3A = tpu.iota {dimensions = array<i32: 0>} : vector<64x1xi32>
    %convert_element_type3A_2 = arith.sitofp %iota3A : vector<64x1xi32> to vector<64x1xf32>
    %get3A = arith.constant 0 : index
    %get3A_3 = arith.constant 0 : index
    %get3A_4 = arith.constant 0 : index
    %get3A_5 = vector.load %arg4[%get3A, %get3A_3, %get3A_4] : memref<1x1x512xf32, #tpu.memory_space<vmem>>, vector<1x1x512xf32>
    %get3A_6 = vector.shape_cast %get3A_5 : vector<1x1x512xf32> to vector<1x512xf32>
    %eq3A_7 = vector.broadcast %get3A_6 : vector<1x512xf32> to vector<64x512xf32>
    %eq3A_8 = vector.broadcast %convert_element_type3A_2 : vector<64x1xf32> to vector<64x512xf32>
    %eq3A_9 = arith.cmpf oeq, %eq3A_7, %eq3A_8 : vector<64x512xf32>
    %jit3A = arith.constant 1.000000e+00 : f32
    %jit3A_10 = arith.constant 0.000000e+00 : f32
    %broadcast_in_dim3A = vector.broadcast %jit3A : f32 to vector<64x512xf32>
    %broadcast_in_dim3A_11 = vector.broadcast %jit3A_10 : f32 to vector<64x512xf32>
    %select_n3A = arith.select %eq3A_9, %broadcast_in_dim3A, %broadcast_in_dim3A_11 : vector<64x512xi1>, vector<64x512xf32>
    %get3A_12 = arith.constant 0 : index
    %get3A_13 = arith.constant 0 : index
    %get3A_14 = vector.load %arg10[%get3A_12, %get3A_13] : memref<64x128xf32, #tpu.memory_space<vmem>>, vector<64x128xf32>
    %get3A_15 = arith.constant 0 : index
    %get3A_16 = arith.constant 0 : index
    %get3A_17 = vector.load %arg1[%get3A_15, %get3A_16] : memref<512x128xf32, #tpu.memory_space<vmem>>, vector<512x128xf32>
    %dot_general3A = arith.constant dense<0.000000e+00> : vector<64x128xf32>
    %dot_general3A_18 = tpu.matmul %select_n3A, %get3A_17, %dot_general3A {dimension_numbers = #tpu.dot_dimension_numbers<[1], [0], [0], [1], [0, 0, 1, 1], [], []>, precision = #tpu.contract_precision<fp32>, transpose_lhs_hint = false} : vector<64x512xf32>, vector<512x128xf32>, vector<64x128xf32> -> vector<64x128xf32>
    %add3A = arith.addf %get3A_14, %dot_general3A_18 : vector<64x128xf32>
    %swap3A = arith.constant 0 : index
    %swap3A_19 = arith.constant 0 : index
    %swap3A_20 = vector.load %arg10[%swap3A, %swap3A_19] : memref<64x128xf32, #tpu.memory_space<vmem>>, vector<64x128xf32>
    tpu.vector_store %arg10[%swap3A, %swap3A_19], %add3A {strides = array<i32>} : memref<64x128xf32, #tpu.memory_space<vmem>>, vector<64x128xf32>,
    %get3A_21 = arith.constant 0 : index
    %get3A_22 = arith.constant 0 : index
    %get3A_23 = vector.load %arg11[%get3A_21, %get3A_22] : memref<64x128xf32, #tpu.memory_space<vmem>>, vector<64x128xf32>
    %get3A_24 = arith.constant 0 : index
    %get3A_25 = arith.constant 0 : index
    %get3A_26 = vector.load %arg2[%get3A_24, %get3A_25] : memref<512x128xf32, #tpu.memory_space<vmem>>, vector<512x128xf32>
    %dot_general3A_27 = arith.constant dense<0.000000e+00> : vector<64x128xf32>
    %dot_general3A_28 = tpu.matmul %select_n3A, %get3A_26, %dot_general3A_27 {dimension_numbers = #tpu.dot_dimension_numbers<[1], [0], [0], [1], [0, 0, 1, 1], [], []>, precision = #tpu.contract_precision<fp32>, transpose_lhs_hint = false} : vector<64x512xf32>, vector<512x128xf32>, vector<64x128xf32> -> vector<64x128xf32>
    %add3A_29 = arith.addf %get3A_23, %dot_general3A_28 : vector<64x128xf32>
    %swap3A_30 = arith.constant 0 : index
    %swap3A_31 = arith.constant 0 : index
    %swap3A_32 = vector.load %arg11[%swap3A_30, %swap3A_31] : memref<64x128xf32, #tpu.memory_space<vmem>>, vector<64x128xf32>
    tpu.vector_store %arg11[%swap3A_30, %swap3A_31], %add3A_29 {strides = array<i32>} : memref<64x128xf32, #tpu.memory_space<vmem>>, vector<64x128xf32>,
    %get3A_33 = arith.constant 0 : index
    %get3A_34 = arith.constant 0 : index
    %get3A_35 = vector.load %arg12[%get3A_33, %get3A_34] : memref<64x128xf32, #tpu.memory_space<vmem>>, vector<64x128xf32>
    %get3A_36 = arith.constant 0 : index
    %get3A_37 = arith.constant 0 : index
    %get3A_38 = vector.load %arg3[%get3A_36, %get3A_37] : memref<512x128xf32, #tpu.memory_space<vmem>>, vector<512x128xf32>
    %dot_general3A_39 = arith.constant dense<0.000000e+00> : vector<64x128xf32>
    %dot_general3A_40 = tpu.matmul %select_n3A, %get3A_38, %dot_general3A_39 {dimension_numbers = #tpu.dot_dimension_numbers<[1], [0], [0], [1], [0, 0, 1, 1], [], []>, precision = #tpu.contract_precision<fp32>, transpose_lhs_hint = false} : vector<64x512xf32>, vector<512x128xf32>, vector<64x128xf32> -> vector<64x128xf32>
    %add3A_41 = arith.addf %get3A_35, %dot_general3A_40 : vector<64x128xf32>
    %swap3A_42 = arith.constant 0 : index
    %swap3A_43 = arith.constant 0 : index
    %swap3A_44 = vector.load %arg12[%swap3A_42, %swap3A_43] : memref<64x128xf32, #tpu.memory_space<vmem>>, vector<64x128xf32>
    tpu.vector_store %arg12[%swap3A_42, %swap3A_43], %add3A_41 {strides = array<i32>} : memref<64x128xf32, #tpu.memory_space<vmem>>, vector<64x128xf32>,
    %eq3A_45 = arith.constant 19 : i32
    %eq3A_46 = arith.cmpi eq, %arg0, %eq3A_45 : i32
    %convert_element_type3A_47 = arith.extui %eq3A_46 : i1 to i32
    %cond3A_48 = arith.constant 0 : i32
    %cond3A_49 = arith.cmpi ne, %convert_element_type3A_47, %cond3A_48 : i32
    scf.if %cond3A_49 {
      %get3A_50 = arith.constant 0 : index
      %get3A_51 = arith.constant 0 : index
      %get3A_52 = vector.load %arg10[%get3A_50, %get3A_51] : memref<64x128xf32, #tpu.memory_space<vmem>>, vector<64x128xf32>
      %get3A_53 = arith.constant 0 : index
      %get3A_54 = arith.constant 0 : index
      %get3A_55 = vector.load %arg5[%get3A_53, %get3A_54] : memref<128x10xf32, #tpu.memory_space<vmem>>, vector<128x10xf32>
      %dot_general3A_56 = arith.constant dense<0.000000e+00> : vector<64x10xf32>
      %dot_general3A_57 = tpu.matmul %get3A_52, %get3A_55, %dot_general3A_56 {dimension_numbers = #tpu.dot_dimension_numbers<[1], [0], [0], [1], [0, 0, 1, 1], [], []>, transpose_lhs_hint = false} : vector<64x128xf32>, vector<128x10xf32>, vector<64x10xf32> -> vector<64x10xf32>
      %get3A_58 = arith.constant 0 : index
      %get3A_59 = arith.constant 0 : index
      %get3A_60 = vector.load %arg11[%get3A_58, %get3A_59] : memref<64x128xf32, #tpu.memory_space<vmem>>, vector<64x128xf32>
      %get3A_61 = arith.constant 0 : index
      %get3A_62 = arith.constant 0 : index
      %get3A_63 = vector.load %arg6[%get3A_61, %get3A_62] : memref<128x10xf32, #tpu.memory_space<vmem>>, vector<128x10xf32>
      %dot_general3A_64 = arith.constant dense<0.000000e+00> : vector<64x10xf32>
      %dot_general3A_65 = tpu.matmul %get3A_60, %get3A_63, %dot_general3A_64 {dimension_numbers = #tpu.dot_dimension_numbers<[1], [0], [0], [1], [0, 0, 1, 1], [], []>, transpose_lhs_hint = false} : vector<64x128xf32>, vector<128x10xf32>, vector<64x10xf32> -> vector<64x10xf32>
      %add3A_66 = arith.addf %dot_general3A_57, %dot_general3A_65 : vector<64x10xf32>
      %get3A_67 = arith.constant 0 : index
      %get3A_68 = arith.constant 0 : index
      %get3A_69 = vector.load %arg12[%get3A_67, %get3A_68] : memref<64x128xf32, #tpu.memory_space<vmem>>, vector<64x128xf32>
      %get3A_70 = arith.constant 0 : index
      %get3A_71 = arith.constant 0 : index
      %get3A_72 = vector.load %arg7[%get3A_70, %get3A_71] : memref<128x10xf32, #tpu.memory_space<vmem>>, vector<128x10xf32>
      %dot_general3A_73 = arith.constant dense<0.000000e+00> : vector<64x10xf32>
      %dot_general3A_74 = tpu.matmul %get3A_69, %get3A_72, %dot_general3A_73 {dimension_numbers = #tpu.dot_dimension_numbers<[1], [0], [0], [1], [0, 0, 1, 1], [], []>, transpose_lhs_hint = false} : vector<64x128xf32>, vector<128x10xf32>, vector<64x10xf32> -> vector<64x10xf32>
      %add3A_75 = arith.addf %add3A_66, %dot_general3A_74 : vector<64x10xf32>
      %get3A_76 = arith.constant 0 : index
      %get3A_77 = arith.constant 0 : index
      %get3A_78 = vector.load %arg8[%get3A_76, %get3A_77] : memref<1x10xf32, #tpu.memory_space<vmem>>, vector<1x10xf32>
      %add3A_79 = vector.broadcast %get3A_78 : vector<1x10xf32> to vector<64x10xf32>
      %add3A_80 = arith.addf %add3A_75, %add3A_79 : vector<64x10xf32>
      %swap3A_81 = arith.constant 0 : index
      %swap3A_82 = arith.constant 0 : index
      %swap3A_83 = vector.load %arg9[%swap3A_81, %swap3A_82] : memref<64x10xf32, #tpu.memory_space<vmem>>, vector<64x10xf32>
      tpu.vector_store %arg9[%swap3A_81, %swap3A_82], %add3A_80 {strides = array<i32>} : memref<64x10xf32, #tpu.memory_space<vmem>>, vector<64x10xf32>,
    } else {
    }
    return
  }
  func.func @transform_0(%arg0: i32) -> (i32, i32) {
    %c0_i32 = arith.constant 0 : i32
    %c0_i32_0 = arith.constant 0 : i32
    return %arg0, %c0_i32 : i32, i32
  }
  func.func @transform_1(%arg0: i32) -> (i32, i32) {
    %c0_i32 = arith.constant 0 : i32
    %c0_i32_0 = arith.constant 0 : i32
    return %arg0, %c0_i32 : i32, i32
  }
  func.func @transform_2(%arg0: i32) -> (i32, i32) {
    %c0_i32 = arith.constant 0 : i32
    %c0_i32_0 = arith.constant 0 : i32
    return %arg0, %c0_i32 : i32, i32
  }
  func.func @transform_3(%arg0: i32) -> (i32, i32, i32) {
    %c0_i32 = arith.constant 0 : i32
    %c0_i32_0 = arith.constant 0 : i32
    %c0_i32_1 = arith.constant 0 : i32
    return %arg0, %c0_i32, %c0_i32_0 : i32, i32, i32
  }
  func.func @transform_4(%arg0: i32) -> (i32, i32) {
    %c0_i32 = arith.constant 0 : i32
    %c0_i32_0 = arith.constant 0 : i32
    %c0_i32_1 = arith.constant 0 : i32
    return %c0_i32, %c0_i32_0 : i32, i32
  }
  func.func @transform_5(%arg0: i32) -> (i32, i32) {
    %c0_i32 = arith.constant 0 : i32
    %c0_i32_0 = arith.constant 0 : i32
    %c0_i32_1 = arith.constant 0 : i32
    return %c0_i32, %c0_i32_0 : i32, i32
  }
  func.func @transform_6(%arg0: i32) -> (i32, i32) {
    %c0_i32 = arith.constant 0 : i32
    %c0_i32_0 = arith.constant 0 : i32
    %c0_i32_1 = arith.constant 0 : i32
    return %c0_i32, %c0_i32_0 : i32, i32
  }
  func.func @transform_7(%arg0: i32) -> (i32, i32) {
    %c0_i32 = arith.constant 0 : i32
    %c0_i32_0 = arith.constant 0 : i32
    %c0_i32_1 = arith.constant 0 : i32
    return %c0_i32, %c0_i32_0 : i32, i32
  }
  func.func @transform_8(%arg0: i32) -> (i32, i32) {
    %c0_i32 = arith.constant 0 : i32
    %c0_i32_0 = arith.constant 0 : i32
    %c0_i32_1 = arith.constant 0 : i32
    return %c0_i32, %c0_i32_0 : i32, i32
  }
}

</mosaic_0001>

<sc_bundles>
// kernel: kernel.22.cloned.1.call-start
scs
__scs_entry_jumppad:
0x0: {  	(pc) =	sbr.rel $0x88, $3  }
0x1: {  	(tag) =	ssettag $0x0;
	lr =	simm.s32 $0x1  }
0x2: {  	[smem:$0x3F8C] =	sst lr;
	_ =	strace $0xD0000000  }
0x3: {  	_ = 	snop  }
0x4: {  	_ = 	snop  }
0x5: {  	_ = 	snop  }
0x6: {  	_ = 	snop  }
0x7: {  	_ = 	snop  }
__scs_overlays_trampoline_lowered:
0x8: {  	[smem:$0x3F9B] =	sst s0  }
0x9: {  	[smem:$0x3F9C] =	sst s1  }
0xa: {  	[smem:$0x3F9D] =	sst s2  }
0xb: {  	[smem:$0x3F9E] =	sst s3  }
0xc: {  	[smem:$0x3F9F] =	sst s4  }
0xd: {  	[smem:$0x3FA0] =	sst s5  }
0xe: {  	[smem:$0x3FA1] =	sst s6  }
0xf: {  	[smem:$0x3FA2] =	sst s7  }
0x10: {  	[smem:$0x3FA3] =	sst s8  }
0x11: {  	[smem:$0x3FA4] =	sst s9;
	s0 =	simm.s32 @!p0 $0x0  }
0x12: {  	s1 =	sld [smem:$0x3F8A];
	s0 =	simm.s32 @p0 $0x1  }
0x13: {  	[smem:$0x3FA5] =	sst s0;
	s0 =	simm.s32 @!p1 $0x0  }
0x14: {  	s2 =	sld [smem:$0x3F89];
	s0 =	simm.s32 @p1 $0x1  }
0x15: {  	[smem:$0x3FA6] =	sst s0;
	s0 =	simm.s32 @!p2 $0x0  }
0x16: {  	s3 =	sld [smem:$0x3FDB];
	s0 =	simm.s32 @p2 $0x1  }
0x17: {  	s4 =	simm.s32 $0x1BF5;
	[smem:$0x3FA8] =	sst s0  }
0x18: {  	s0 =	sld [smem:$0x3F8B];
	_ =	swait.ge [sflag:s4], $0x0  }
0x19: {  	s7 =	sld [smem:$0x3F8C]  }
0x1a: {  	s8 =	sadd.s32 $0xFFFFE003, lr  }
0x1b: {  	s9 =	sadd.s32 $0xFFFFFEF7, lr;
	s5 =	simm.s32 $0xFFFFFFFF;
	p2 =	slt.u32 s8, $0xFFFFF086  }
0x1c: {  	p1 =	slt.u32 s9, $0xF7A;
	s5 =	simm.s32 @!p2 $0x0  }
0x1d: {  	s5 =	simm.s32 @p1 $0x1;
	p0 =	seq.s32 s7, s2  }
0x1e: {  	s7 =	smul.u32 @!p0 $0xF7A, s2;
	p2 =	seq.s32 @!p0 s5, $0x0  }
0x1f: {  	s9 =	smul.u32 $0xF7A, s1;
	s8 =	simm.s32 @!p0 $0x1BF5;
	p2 =	por !p2, p0  }
0x20: {  	[sflag:s8] =	ssyncset.s32 @!p0 $0xFFFFF086;
	s6 =	sadd.s32 @!p0 s3, s7;
	s7 =	simm.s32 @!p0 $0x108  }
0x21: {  	s3 =	sadd.s32 s3, s9;
	s6 =	sadd.s32 @!p0 $0x88, s6;
	s7 =	simm.s32 @p2 $0x1082  }
0x22: {  	[simem:s7], [sflag:s8] =	dma.local @!p0 [hbm:s6], $0xF7A  }
0x23: {  	s9 =	sor.u32 $0xD0000000, s2;
	s6 =	simm.s32 $0x108;
	_ =	swait.ge @!p0 [sflag:s8], $0x0  }
0x24: {  	s3 =	sadd.s32 $0x88, s3;
	s6 =	simm.s32 @!p1 $0x1082;
	[sflag:s4] =	ssyncset.s32 $0xFFFFF086  }
0x25: {  	[simem:s6], [sflag:s4] =	dma.local [hbm:s3], $0xF7A  }
0x26: {  	[smem:$0x3F8C] =	sst s1;
	(tag) =	ssettag s2;
	_ =	strace s9  }
0x27: {  	s1 =	sld [smem:$0x3F9C]  }
0x28: {  	s2 =	sld [smem:$0x3F9D]  }
0x29: {  	s4 =	sld [smem:$0x3F9F]  }
0x2a: {  	p0 =	seq.s32 s5, $0x0;
	s5 =	sld [smem:$0x3FA0]  }
0x2b: {  	s6 =	sld [smem:$0x3FA1]  }
0x2c: {  	s7 =	sld [smem:$0x3FA2]  }
0x2d: {  	s3 =	simm.s32 $0x108;
	s8 =	sld [smem:$0x3FA3]  }
0x2e: {  	s3 =	simm.s32 @!p0 $0x1082;
	s9 =	sld [smem:$0x3FA4]  }
0x2f: {  	lr =	sadd.s32 s0, s3;
	s0 =	sld [smem:$0x3F9B]  }
0x30: {  	s3 =	sld [smem:$0x3F9E]  }
0x31: {  	[smem:$0x3FA7] =	sst s10  }
0x32: {  	s10 =	sld [smem:$0x3FA5];
	_ =	sdelay $0x3  }
0x33: {  	p0 =	seq.s32 s10, $0x1;
	s10 =	sld [smem:$0x3FA7];
	_ =	sdelay $0x3  }
0x34: {  	[smem:$0x3FA7] =	sst s10  }
0x35: {  	s10 =	sld [smem:$0x3FA6];
	_ =	sdelay $0x3  }
0x36: {  	p1 =	seq.s32 s10, $0x1;
	s10 =	sld [smem:$0x3FA7];
	_ =	sdelay $0x3  }
0x37: {  	[smem:$0x3FA7] =	sst s10  }
0x38: {  	s10 =	sld [smem:$0x3FA8]  }
0x39: {  	_ = 	snop;
	(pc) =	sbr.ind lr, $3  }
0x3a: {  	_ = 	snop  }
0x3b: {  	_ = 	snop  }
0x3c: {  	p2 =	seq.s32 s10, $0x1;
	s10 =	sld [smem:$0x3FA7]  }
0x3d: {  	_ =	shalt  }
0x3e: {  	_ =	shalt  }
0x3f: {  	_ =	shalt  }
0x40: {  	_ =	shalt  }
0x41: {  	_ =	shalt  }
0x42: {  	_ =	shalt  }
0x43: {  	_ =	shalt  }
0x44: {  	_ =	shalt  }
0x45: {  	_ =	shalt  }
0x46: {  	_ =	shalt  }
0x47: {  	_ =	shalt  }
0x48: {  	_ =	shalt  }
0x49: {  	_ =	shalt  }
0x4a: {  	_ =	shalt  }
0x4b: {  	_ =	shalt  }
0x4c: {  	_ =	shalt  }
0x4d: {  	_ =	shalt  }
0x4e: {  	_ =	shalt  }
0x4f: {  	_ =	shalt  }
0x50: {  	_ =	shalt  }
0x51: {  	_ =	shalt  }
0x52: {  	_ =	shalt  }
0x53: {  	_ =	shalt  }
0x54: {  	_ =	shalt  }
0x55: {  	_ =	shalt  }
0x56: {  	_ =	shalt  }
0x57: {  	_ =	shalt  }
0x58: {  	_ =	shalt  }
0x59: {  	_ =	shalt  }
0x5a: {  	_ =	shalt  }
0x5b: {  	_ =	shalt  }
0x5c: {  	_ =	shalt  }
0x5d: {  	_ =	shalt  }
0x5e: {  	_ =	shalt  }
0x5f: {  	_ =	shalt  }
0x60: {  	_ =	shalt  }
0x61: {  	_ =	shalt  }
0x62: {  	_ =	shalt  }
0x63: {  	_ =	shalt  }
0x64: {  	_ =	shalt  }
0x65: {  	_ =	shalt  }
0x66: {  	_ =	shalt  }
0x67: {  	_ =	shalt  }
0x68: {  	_ =	shalt  }
0x69: {  	_ =	shalt  }
0x6a: {  	_ =	shalt  }
0x6b: {  	_ =	shalt  }
0x6c: {  	_ =	shalt  }
0x6d: {  	_ =	shalt  }
0x6e: {  	_ =	shalt  }
0x6f: {  	_ =	shalt  }
0x70: {  	_ =	shalt  }
0x71: {  	_ =	shalt  }
0x72: {  	_ =	shalt  }
0x73: {  	_ =	shalt  }
0x74: {  	_ =	shalt  }
0x75: {  	_ =	shalt  }
0x76: {  	_ =	shalt  }
0x77: {  	_ =	shalt  }
0x78: {  	_ =	shalt  }
0x79: {  	_ =	shalt  }
0x7a: {  	_ =	shalt  }
0x7b: {  	_ =	shalt  }
0x7c: {  	_ =	shalt  }
0x7d: {  	_ =	shalt  }
0x7e: {  	_ =	shalt  }
0x7f: {  	_ =	shalt  }
0x80: {  	_ =	shalt  }
0x81: {  	_ =	shalt  }
0x82: {  	_ =	shalt  }
0x83: {  	_ =	shalt  }
0x84: {  	_ =	shalt  }
0x85: {  	_ =	shalt  }
0x86: {  	_ =	shalt  }
0x87: {  	_ =	shalt  }
.Lfunc_end0:
.L_simem_size_0:
called_computation_lowered:
.L_overlay_start_0:
0x88: {  	s2 =	sld [smem:$0x3FD9]  }
0x89: {  	s3 =	sld [smem:$0x3FFE];
	_ =	sdelay $0x1  }
0x8a: {  	s1 =	srdreg.scid  }
0x8b: {  	s0 =	sand.u32 $0x1, s1  }
0x8c: {  	s16 =	sshll.u32 s0, $0xA;
	s2 =	sadd.s32 s3, s2  }
0x8d: {  	s2 =	sadd.s32 s2, s16  }
0x8e: {  	[smem:$0x3FB3] =	sst s2  }
0x8f: {  	_ = 	snop  }
0x90: {  	(tm) =	ssettm $0x1  }
0x91: {  	s17 =	sld [smem:$0x3FFB];
	_ =	sdelay $0x3  }
0x92: {  	_ =	strace s17  }
0x93: {  	s2 =	sld [smem:$0x3FFC];
	_ =	sdelay $0x3  }
0x94: {  	_ =	strace s2  }
0x95: {  	s2 =	sld [smem:$0x3FFD];
	_ =	sdelay $0x3  }
0x96: {  	_ =	strace s2  }
0x97: {  	_ =	strace $0x8FFFFFFF  }
0x98: {  	s18 =	sld [smem:$0x3FDB];
	_ =	sdelay $0x1  }
0x99: {  	s19 =	simm.s32 $_scs_section_size  }
0x9a: {  	s4 =	simm.s32 $_size__tile_overlayer_lowered;
	s5 =	simm.s32 $_tile_overlayer_lowered  }
0x9b: {  	s22 =	simm.s32 $0x1BFF;
	s21 =	sshll.u32 s5, $0x1;
	s2 =	sadd.s32 s19, s18  }
0x9c: {  	s6 =	simm.s32 $0x0;
	s20 =	sshll.u32 s4, $0x1;
	s4 =	sadd.s32 s21, s2  }
0x9d: {  	[timem:s6], [sflag:s22] =	dma.local [hbm:s4], s20  }
0x9e: {  	_ =	swait.ge [sflag:s22], s20  }
0x9f: {  	s3 =	ssub.s32 $0x0, s20;
	[sflag:s22] =	ssyncset.done $0x0  }
0xa0: {  	[sflag:s22] =	ssyncadd.s32 s3;
	_ =	sdelay $0x1  }
0xa1: {  	s23 =	simm.s32 $0x1B8B  }
0xa2: {  	_ =	swait.ge [sflag:s23], $0x1  }
0xa3: {  	[sflag:s23] =	ssyncset.done $0x0  }
0xa4: {  	s25 =	simm.s32 $0x1B8E;
	s24 =	sld [smem:$0x3FFE];
	[sflag:s23] =	ssyncadd.s32 $0xFFFFFFFF  }
0xa5: {  	s26 =	simm.s32 $execute0_lowered;
	[smem:$0x3FD2] =	sst s25  }
0xa6: {  	s4 =	sshll.u32 s26, $0x1;
	_ =	strace $0x80000046;
	[dreg:$0x1] =	wrdreg $0xFFFFFFFF  }
0xa7: {  	s28 =	simm.s32 $_size_execute0_lowered;
	s2 =	sadd.s32 s2, s4;
	[dreg:$0x0] =	wrdreg $0x0  }
0xa8: {  	s4 =	sshll.u32 s28, $0x1;
	[dreg:$0x2] =	wrdreg s2  }
0xa9: {  	[dreg:$0x3] =	wrdreg s4  }
0xaa: {  	[dreg:$0x4] =	wrdreg $0xC0  }
0xab: {  	_ =	task [dreg:s6], $0x5FFFF  }
0xac: {  	[dreg:$0x1] =	wrdreg $0xFFFFFFFF  }
0xad: {  	[dreg:$0x0] =	wrdreg $0x60  }
0xae: {  	[dreg:$0x2] =	wrdreg s24  }
0xaf: {  	[dreg:$0x3] =	wrdreg $0x5B800  }
0xb0: {  	[dreg:$0x4] =	wrdreg $0x9  }
0xb1: {  	_ =	task.clear_ibuf [dreg:s6], $0x5FFFF;
	_ =	strace $0x90000046  }
0xb2: {  	s29 =	simm.s32 $0x9;
	_ =	strace $0x80000048  }
0xb3: {  	_ =	swait.ge [sflag:s29], $0x1  }
0xb4: {  	[sflag:s29] =	ssyncadd.s32 $0xFFFFFFFF  }
0xb5: {  	_ =	strace $0x90000048  }
0xb6: {  	_ =	sfence  }
0xb7: {  	s30 =	sld [smem:$0x0];
	_ =	sdelay $0x2  }
0xb8: {  	s31 =	sshll.u32 s1, $0xD;
	s1 =	sshrl.u32 s1, $0x2  }
0xb9: {  	s3 =	sand.u32 $0x4000, s31;
	s1 =	sadd.s32 s1, s30  }
0xba: {  	s0 =	sor.u32 s3, s0;
	s1 =	sshll.u32 s1, $0x11  }
0xbb: {  	s0 =	sor.u32 s1, s0  }
0xbc: {  	s0 =	sadd.s32 $0x8F2B, s0  }
0xbd: {  	[sflag:s0] =	ssyncadd.remote.s32 $0x1  }
0xbe: {  	_ =	sfence.sel $0xFFFF  }
0xbf: {  	[dreg:$0x0] =	wrdreg $0xFFFFFFFF;
	(pc) =	sbr.abs _section_cstart, $3  }
0xc0: {  	[dreg:$0x1] =	wrdreg $0xFFFFFFFF  }
0xc1: {  	_ =	task.clear_ibuf [dreg:s6], $0x2FFFF;
	_ =	strace $0x9FFFFFFF  }
0xc2: {  	(tm) =	ssettm $0x7FFFFFFF  }
0xc3: {  	_ =	shalt  }
tec
execute0_lowered:
.L_overlay_start_1:
0x0: {  	(tag) =	ssettag $0x1  }
0x1: {  	s0 =	rddreg [dreg:$0x0]  }
0x2: {  	s2 =	rddreg [dreg:$0x1];
	s3 =	simm.s32 $0x0;
	s4 =	srdreg.scid  }
0x3: {  	s1 =	stileid.u32;
	s20 =	simm.s32 $0x3;
	s22 =	simm.s32 $0x4F80  }
0x4: {  	s23 =	simm.s32 $0x60;
	s24 =	simm.s32 $0x1;
	s28 =	simm.s32 $0x2760  }
0x5: {  	s29 =	simm.s32 $0x4EC0;
	s30 =	simm.s32 $0x4F20;
	s31 =	simm.s32 $0x0  }
0x6: {  	s5 =	sand.u32 $0x1, s4;
	s25 =	sshll.u32 s1, $0x1;
	s8 =	smul.u32 $0x2800, s1  }
0x7: {  	[smem:$0x7FF] =	sst s3;
	s4 =	sadd.s32 $0x8C00, s0;
	s9 =	smul.u32 $0xA000, s1  }
0x8: {  	s6 =	sor.u32 s5, s25;
	s7 =	smul.u32 $0x28000, s5;
	_ =	strace $0x80000047  }
0x9: {  	s5 =	ssub.s32 $0x2, s5;
	s25 =	simm.s32 $0x5580;
	s6 =	smul.u32 $0x4F8, s6  }
0xa: {  	s10 =	sshrl.u32 s5, $0x1;
	s26 =	sshrl.u32 s9, $0x2;
	s7 =	sadd.s32 s8, s7  }
0xb: {  	s19 =	ssub.s32 s5, s10;
	s17 =	sadd.s32 s26, s2;
	s8 =	sadd.s32 s8, s2  }
0xc: {  	s26 =	simm.s32 $0x2;
	s6 =	sadd.s32 s6, s0;
	s7 =	sshrl.u32 s7, $0x3  }
0xd: {  	s9 =	sadd.s32 $0x400, s17;
	s10 =	sadd.s32 $0x800, s17;
	s11 =	sadd.s32 $0xC00, s17  }
0xe: {  	s12 =	sadd.s32 $0x1000, s17;
	s13 =	sadd.s32 $0x1400, s17;
	s14 =	sadd.s32 $0x1800, s17  }
0xf: {  	s15 =	sadd.s32 $0x1C00, s17;
	s16 =	sadd.s32 $0x2000, s17;
	s17 =	sadd.s32 $0x2400, s17  }
0x10: {  	s19 =	smax.u32 s19, $0x1;
	s18 =	sadd.s32 s7, s0;
	s5 =	sadd.s32 $0x17C00, s6  }
0x11: {  	s6 =	sadd.s32 $0xDC00, s6;
	s7 =	sadd.s32 $0xDB80, s0;
	s18 =	sadd.s32 $0x21C00, s18  }
.LBB2_1:
0x12: {  	[tilespmem:s3], [sflag:$0x3] =	stream.linear.gather [hbm4b:s5+s3], $0x27C0, $0x38;
	[tilespmem:$0x8380] =	vst v63  }
0x13: {  	_ =	swait.ge [sflag:s20], $0x27C0  }
0x14: {  	[sflag:s20] =	ssyncset.done $0x0  }
0x15: {  	s0 =	simm.s32 $0x27C0;
	[sflag:s20] =	ssyncadd.s32 $0xFFFFD840  }
0x16: {  	[tilespmem:s0], [sflag:$0x3] =	stream.linear.gather [hbm4b:s6+s3], $0x27C0, $0x38;
	[tilespmem:$0x8380] =	vst v63  }
0x17: {  	_ =	swait.ge [sflag:s20], $0x27C0  }
0x18: {  	[sflag:s20] =	ssyncset.done $0x0  }
0x19: {  	[sflag:s20] =	ssyncadd.s32 $0xFFFFD840  }
0x1a: {  	[tilespmem:s22], [sflag:$0x3] =	stream.linear.gather [hbm4b:s7+s3], $0x400, $0x38;
	[tilespmem:$0x8380] =	vst v63  }
0x1b: {  	_ =	swait.ge [sflag:s20], $0x400  }
0x1c: {  	[sflag:s20] =	ssyncset.done $0x0  }
0x1d: {  	[sflag:s20] =	ssyncadd.s32 $0xFFFFFC00  }
0x1e: {  	[spmem:s8] =	stream.linear.scatter [tilespmem:s22], [sflag:$0x3], $0x400, $0x38;
	[tilespmem:$0x8380] =	vst v63  }
0x1f: {  	_ =	swait.ge [sflag:s20], $0x400  }
0x20: {  	[sflag:s20] =	ssyncset.done $0x0  }
0x21: {  	[sflag:s20] =	ssyncadd.s32 $0xFFFFFC00  }
0x22: {  	[spmem:s9] =	stream.linear.scatter [tilespmem:s22], [sflag:$0x3], $0x400, $0x38;
	[tilespmem:$0x8380] =	vst v63  }
0x23: {  	_ =	swait.ge [sflag:s20], $0x400  }
0x24: {  	[sflag:s20] =	ssyncset.done $0x0  }
0x25: {  	[sflag:s20] =	ssyncadd.s32 $0xFFFFFC00  }
0x26: {  	[spmem:s10] =	stream.linear.scatter [tilespmem:s22], [sflag:$0x3], $0x400, $0x38;
	[tilespmem:$0x8380] =	vst v63  }
0x27: {  	_ =	swait.ge [sflag:s20], $0x400  }
0x28: {  	[sflag:s20] =	ssyncset.done $0x0  }
0x29: {  	[sflag:s20] =	ssyncadd.s32 $0xFFFFFC00  }
0x2a: {  	[spmem:s11] =	stream.linear.scatter [tilespmem:s22], [sflag:$0x3], $0x400, $0x38;
	[tilespmem:$0x8380] =	vst v63  }
0x2b: {  	_ =	swait.ge [sflag:s20], $0x400  }
0x2c: {  	[sflag:s20] =	ssyncset.done $0x0  }
0x2d: {  	[sflag:s20] =	ssyncadd.s32 $0xFFFFFC00  }
0x2e: {  	[spmem:s12] =	stream.linear.scatter [tilespmem:s22], [sflag:$0x3], $0x400, $0x38;
	[tilespmem:$0x8380] =	vst v63  }
0x2f: {  	_ =	swait.ge [sflag:s20], $0x400  }
0x30: {  	[sflag:s20] =	ssyncset.done $0x0  }
0x31: {  	[sflag:s20] =	ssyncadd.s32 $0xFFFFFC00  }
0x32: {  	[spmem:s13] =	stream.linear.scatter [tilespmem:s22], [sflag:$0x3], $0x400, $0x38;
	[tilespmem:$0x8380] =	vst v63  }
0x33: {  	_ =	swait.ge [sflag:s20], $0x400  }
0x34: {  	[sflag:s20] =	ssyncset.done $0x0  }
0x35: {  	[sflag:s20] =	ssyncadd.s32 $0xFFFFFC00  }
0x36: {  	[spmem:s14] =	stream.linear.scatter [tilespmem:s22], [sflag:$0x3], $0x400, $0x38;
	[tilespmem:$0x8380] =	vst v63  }
0x37: {  	_ =	swait.ge [sflag:s20], $0x400  }
0x38: {  	[sflag:s20] =	ssyncset.done $0x0  }
0x39: {  	[sflag:s20] =	ssyncadd.s32 $0xFFFFFC00  }
0x3a: {  	[spmem:s15] =	stream.linear.scatter [tilespmem:s22], [sflag:$0x3], $0x400, $0x38;
	[tilespmem:$0x8380] =	vst v63  }
0x3b: {  	_ =	swait.ge [sflag:s20], $0x400  }
0x3c: {  	[sflag:s20] =	ssyncset.done $0x0  }
0x3d: {  	[sflag:s20] =	ssyncadd.s32 $0xFFFFFC00  }
0x3e: {  	[spmem:s16] =	stream.linear.scatter [tilespmem:s22], [sflag:$0x3], $0x400, $0x38;
	[tilespmem:$0x8380] =	vst v63  }
0x3f: {  	_ =	swait.ge [sflag:s20], $0x400  }
0x40: {  	[sflag:s20] =	ssyncset.done $0x0  }
0x41: {  	[sflag:s20] =	ssyncadd.s32 $0xFFFFFC00  }
0x42: {  	[spmem:s17] =	stream.linear.scatter [tilespmem:s22], [sflag:$0x3], $0x400, $0x38;
	[tilespmem:$0x8380] =	vst v63  }
0x43: {  	_ =	swait.ge [sflag:s20], $0x400  }
0x44: {  	[sflag:s20] =	ssyncset.done $0x0  }
0x45: {  	[sflag:s20] =	ssyncadd.s32 $0xFFFFFC00  }
0x46: {  	[bflag:$0x0] =	sbarrier.arrive $0xFFFF  }
0x47: {  	[tilespmem:s22], [sflag:$0x1] =	stream.indirect.gather [hbm4b:s4+s23], $0x10, s3, s23, $0xb8;
	[tilespmem:$0x8380] =	vst v63  }
0x48: {  	_ =	swait.ge [sflag:s24], $0x600  }
0x49: {  	[sflag:s24] =	ssyncset.done $0x0  }
0x4a: {  	s1 =	simm.s32 $0x60;
	[sflag:s24] =	ssyncadd.s32 $0xFFFFFA00  }
0x4b: {  	[tilespmem:s25], [sflag:$0x2] =	stream.indirect.gather [hbm4b:s4+s23], $0x10, s1, s23, $0xb8;
	[tilespmem:$0x8380] =	vst v63  }
0x4c: {  	s21 =	simm.s32 $0x27C0  }
0x4d: {  	[spmem:s2] =	stream.indirect.scatter.add.f32 [tilespmem:s22], [sflag:$0x3], $0x10, s21, s23, $0xb8;
	[tilespmem:$0x8380] =	vst v63  }
0x4e: {  	_ =	swait.ge [sflag:s20], $0x600  }
0x4f: {  	[sflag:s20] =	ssyncset.done $0x0  }
0x50: {  	[sflag:s20] =	ssyncadd.s32 $0xFFFFFA00  }
0x51: {  	_ =	swait.ge [sflag:s26], $0x600  }
0x52: {  	[sflag:s26] =	ssyncset.done $0x0  }
0x53: {  	s1 =	simm.s32 $0xC0;
	[sflag:s26] =	ssyncadd.s32 $0xFFFFFA00  }
0x54: {  	[tilespmem:s22], [sflag:$0x1] =	stream.indirect.gather [hbm4b:s4+s23], $0x10, s1, s23, $0xb8;
	[tilespmem:$0x8380] =	vst v63  }
0x55: {  	s21 =	simm.s32 $0x2820  }
0x56: {  	[spmem:s2] =	stream.indirect.scatter.add.f32 [tilespmem:s25], [sflag:$0x3], $0x10, s21, s23, $0xb8;
	[tilespmem:$0x8380] =	vst v63  }
0x57: {  	_ =	swait.ge [sflag:s20], $0x600  }
0x58: {  	s0 =	simm.s32 $0x300;
	[sflag:s20] =	ssyncset.done $0x0  }
.LBB2_2:
0x59: {  	p0 =	sne.s32 s0, $0x9900  }
0x5a: {  	[sflag:s20] =	ssyncadd.s32 $0xFFFFFA00;
	s1 =	smov.u32 s0;
	s0 =	sadd.s32 $0x300, s0  }
0x5b: {  	_ = 	snop  }
0x5c: {  	_ =	swait.ge [sflag:s24], $0x600  }
0x5d: {  	s1 =	sshra.s32 s1, $0x2;
	[sflag:s24] =	ssyncset.done $0x0  }
0x5e: {  	s21 =	sadd.s32 $0x60, s1;
	[sflag:s24] =	ssyncadd.s32 $0xFFFFFA00  }
0x5f: {  	[tilespmem:s25], [sflag:$0x2] =	stream.indirect.gather [hbm4b:s4+s23], $0x10, s21, s23, $0xb8;
	[tilespmem:$0x8380] =	vst v63  }
0x60: {  	s21 =	sadd.s32 $0x27C0, s1  }
0x61: {  	[spmem:s2] =	stream.indirect.scatter.add.f32 [tilespmem:s22], [sflag:$0x3], $0x10, s21, s23, $0xb8;
	[tilespmem:$0x8380] =	vst v63  }
0x62: {  	_ =	swait.ge [sflag:s20], $0x600  }
0x63: {  	[sflag:s20] =	ssyncset.done $0x0  }
0x64: {  	[sflag:s20] =	ssyncadd.s32 $0xFFFFFA00  }
0x65: {  	_ =	swait.ge [sflag:s26], $0x600  }
0x66: {  	[sflag:s26] =	ssyncset.done $0x0  }
0x67: {  	s21 =	sadd.s32 $0xC0, s1;
	[sflag:s26] =	ssyncadd.s32 $0xFFFFFA00  }
0x68: {  	[tilespmem:s22], [sflag:$0x1] =	stream.indirect.gather [hbm4b:s4+s23], $0x10, s21, s23, $0xb8;
	[tilespmem:$0x8380] =	vst v63  }
.Ltmp0:
0x69: {  	_ = 	snop;
	(pc) =	sbr.rel @p0 .LBB2_2-.Ltmp0, $4  }
0x6a: {  	s1 =	sadd.s32 $0x2820, s1  }
0x6b: {  	[spmem:s2] =	stream.indirect.scatter.add.f32 [tilespmem:s25], [sflag:$0x3], $0x10, s1, s23, $0xb8;
	[tilespmem:$0x8380] =	vst v63  }
0x6c: {  	_ =	swait.ge [sflag:s20], $0x600  }
0x6d: {  	[sflag:s20] =	ssyncset.done $0x0  }
0x6e: {  	[sflag:s20] =	ssyncadd.s32 $0xFFFFFA00  }
0x6f: {  	_ =	swait.ge [sflag:s24], $0x600  }
0x70: {  	[sflag:s24] =	ssyncset.done $0x0  }
0x71: {  	[sflag:s24] =	ssyncadd.s32 $0xFFFFFA00  }
0x72: {  	[tilespmem:s25], [sflag:$0x2] =	stream.indirect.gather [hbm4b:s4+s23], $0x10, s28, s23, $0xb8;
	[tilespmem:$0x8380] =	vst v63  }
0x73: {  	_ = 	snop  }
0x74: {  	[spmem:s2] =	stream.indirect.scatter.add.f32 [tilespmem:s22], [sflag:$0x3], $0x10, s29, s23, $0xb8;
	[tilespmem:$0x8380] =	vst v63  }
0x75: {  	_ =	swait.ge [sflag:s20], $0x600  }
0x76: {  	[sflag:s20] =	ssyncset.done $0x0  }
0x77: {  	[sflag:s20] =	ssyncadd.s32 $0xFFFFFA00  }
0x78: {  	_ =	swait.ge [sflag:s26], $0x600  }
0x79: {  	[sflag:s26] =	ssyncset.done $0x0  }
0x7a: {  	[sflag:s26] =	ssyncadd.s32 $0xFFFFFA00  }
0x7b: {  	[spmem:s2] =	stream.indirect.scatter.add.f32 [tilespmem:s25], [sflag:$0x3], $0x10, s30, s23, $0xb8;
	[tilespmem:$0x8380] =	vst v63  }
0x7c: {  	s0 =	stileid.u32;
	_ =	swait.ge [sflag:s20], $0x600  }
0x7d: {  	s1 =	sshrl.u32 s8, $0x3;
	s31 =	sadd.s32 $0x1, s31;
	[sflag:s20] =	ssyncset.done $0x0  }
0x7e: {  	s0 =	sshll.u32 s0, $0x6;
	p0 =	sne.s32 s31, s19;
	[sflag:s20] =	ssyncadd.s32 $0xFFFFFA00  }
.Ltmp1:
0x7f: {  	s0 =	sor.u32 $0x1C03, s0;
	[bflag:$0x0] =	sbarrier.arrive $0xFFFF;
	(pc) =	sbr.rel @p0 .LBB2_1-.Ltmp1, $4  }
0x80: {  	[hbm:s18], [sflag:s0] =	dma.local [spmem:s1], $0x500  }
0x81: {  	_ =	swait.ge [sflag:s20], $0x500  }
0x82: {  	[sflag:s20] =	ssyncset.done $0x0  }
0x83: {  	[sflag:s20] =	ssyncadd.s32 $0xFFFFFB00  }
0x84: {  	_ =	sfence.sel $0x180000  }
0x85: {  	[bflag:$0x0] =	sbarrier.arrive $0xFFFF  }
0x86: {  	_ =	strace $0x90000047  }
0x87: {  	s0 =	stileid.u32;
	[bflag:$0x2] =	sbarrier.arrive $0xFFFF  }
0x88: {  	p0 =	sne.s32 s0, $0x0;
	s0 =	rddreg [dreg:$0x2]  }
0x89: {  	s0 =	sadd.s32 @!p0 $0x100000, s0  }
0x8a: {  	[sflag:s0] =	ssyncadd.tile.s32 @!p0 $0x1;
	_ =	shalt  }
.Lfunc_end2:
_tile_overlayer_lowered:
.L_overlay_start_2:
0x8b: {  	(tag) =	ssettag $0x2  }
0x8c: {  	s0 =	rddreg [dreg:$0x0];
	s2 =	stileid.u32  }
0x8d: {  	s1 =	rddreg [dreg:$0x1];
	p0 =	sne.s32 s2, $0x0  }
0x8e: {  	s3 =	rddreg [dreg:$0x2];
	[bflag:$0x3] =	sbarrier.arrive $0xFFFF;
	s2 =	simm.s32 @!p0 $0x1C03  }
0x8f: {  	[timem:s3], [sflag:s2] =	dma.local @!p0 [hbm:s0], s1  }
0x90: {  	s0 =	simm.s32 @!p0 $0x3  }
0x91: {  	_ =	swait.ge @!p0 [sflag:s0], s1  }
0x92: {  	s1 =	ssub.s32 @!p0 $0x0, s1;
	[sflag:s0] =	ssyncset.done @!p0 $0x0  }
0x93: {  	[sflag:s0] =	ssyncadd.s32 @!p0 s1  }
0x94: {  	[bflag:$0x3] =	sbarrier.arrive $0xFFFF  }
0x95: {  	_ =	shalt  }

// kernel: kernel.25.cloned.1.call-start
scs
__scs_entry_jumppad:
0x0: {  	(pc) =	sbr.rel $0x88, $3  }
0x1: {  	(tag) =	ssettag $0x0;
	lr =	simm.s32 $0x1  }
0x2: {  	[smem:$0x3F8C] =	sst lr;
	_ =	strace $0xD0000000  }
0x3: {  	_ = 	snop  }
0x4: {  	_ = 	snop  }
0x5: {  	_ = 	snop  }
0x6: {  	_ = 	snop  }
0x7: {  	_ = 	snop  }
__scs_overlays_trampoline_lowered:
0x8: {  	[smem:$0x3F9B] =	sst s0  }
0x9: {  	[smem:$0x3F9C] =	sst s1  }
0xa: {  	[smem:$0x3F9D] =	sst s2  }
0xb: {  	[smem:$0x3F9E] =	sst s3  }
0xc: {  	[smem:$0x3F9F] =	sst s4  }
0xd: {  	[smem:$0x3FA0] =	sst s5  }
0xe: {  	[smem:$0x3FA1] =	sst s6  }
0xf: {  	[smem:$0x3FA2] =	sst s7  }
0x10: {  	[smem:$0x3FA3] =	sst s8  }
0x11: {  	[smem:$0x3FA4] =	sst s9;
	s0 =	simm.s32 @!p0 $0x0  }
0x12: {  	s1 =	sld [smem:$0x3F8A];
	s0 =	simm.s32 @p0 $0x1  }
0x13: {  	[smem:$0x3FA5] =	sst s0;
	s0 =	simm.s32 @!p1 $0x0  }
0x14: {  	s2 =	sld [smem:$0x3F89];
	s0 =	simm.s32 @p1 $0x1  }
0x15: {  	[smem:$0x3FA6] =	sst s0;
	s0 =	simm.s32 @!p2 $0x0  }
0x16: {  	s3 =	sld [smem:$0x3FDB];
	s0 =	simm.s32 @p2 $0x1  }
0x17: {  	s4 =	simm.s32 $0x1BF5;
	[smem:$0x3FA8] =	sst s0  }
0x18: {  	s0 =	sld [smem:$0x3F8B];
	_ =	swait.ge [sflag:s4], $0x0  }
0x19: {  	s7 =	sld [smem:$0x3F8C]  }
0x1a: {  	s8 =	sadd.s32 $0xFFFFE003, lr  }
0x1b: {  	s9 =	sadd.s32 $0xFFFFFEF7, lr;
	s5 =	simm.s32 $0xFFFFFFFF;
	p2 =	slt.u32 s8, $0xFFFFF086  }
0x1c: {  	p1 =	slt.u32 s9, $0xF7A;
	s5 =	simm.s32 @!p2 $0x0  }
0x1d: {  	s5 =	simm.s32 @p1 $0x1;
	p0 =	seq.s32 s7, s2  }
0x1e: {  	s7 =	smul.u32 @!p0 $0xF7A, s2;
	p2 =	seq.s32 @!p0 s5, $0x0  }
0x1f: {  	s9 =	smul.u32 $0xF7A, s1;
	s8 =	simm.s32 @!p0 $0x1BF5;
	p2 =	por !p2, p0  }
0x20: {  	[sflag:s8] =	ssyncset.s32 @!p0 $0xFFFFF086;
	s6 =	sadd.s32 @!p0 s3, s7;
	s7 =	simm.s32 @!p0 $0x108  }
0x21: {  	s3 =	sadd.s32 s3, s9;
	s6 =	sadd.s32 @!p0 $0x88, s6;
	s7 =	simm.s32 @p2 $0x1082  }
0x22: {  	[simem:s7], [sflag:s8] =	dma.local @!p0 [hbm:s6], $0xF7A  }
0x23: {  	s9 =	sor.u32 $0xD0000000, s2;
	s6 =	simm.s32 $0x108;
	_ =	swait.ge @!p0 [sflag:s8], $0x0  }
0x24: {  	s3 =	sadd.s32 $0x88, s3;
	s6 =	simm.s32 @!p1 $0x1082;
	[sflag:s4] =	ssyncset.s32 $0xFFFFF086  }
0x25: {  	[simem:s6], [sflag:s4] =	dma.local [hbm:s3], $0xF7A  }
0x26: {  	[smem:$0x3F8C] =	sst s1;
	(tag) =	ssettag s2;
	_ =	strace s9  }
0x27: {  	s1 =	sld [smem:$0x3F9C]  }
0x28: {  	s2 =	sld [smem:$0x3F9D]  }
0x29: {  	s4 =	sld [smem:$0x3F9F]  }
0x2a: {  	p0 =	seq.s32 s5, $0x0;
	s5 =	sld [smem:$0x3FA0]  }
0x2b: {  	s6 =	sld [smem:$0x3FA1]  }
0x2c: {  	s7 =	sld [smem:$0x3FA2]  }
0x2d: {  	s3 =	simm.s32 $0x108;
	s8 =	sld [smem:$0x3FA3]  }
0x2e: {  	s3 =	simm.s32 @!p0 $0x1082;
	s9 =	sld [smem:$0x3FA4]  }
0x2f: {  	lr =	sadd.s32 s0, s3;
	s0 =	sld [smem:$0x3F9B]  }
0x30: {  	s3 =	sld [smem:$0x3F9E]  }
0x31: {  	[smem:$0x3FA7] =	sst s10  }
0x32: {  	s10 =	sld [smem:$0x3FA5];
	_ =	sdelay $0x3  }
0x33: {  	p0 =	seq.s32 s10, $0x1;
	s10 =	sld [smem:$0x3FA7];
	_ =	sdelay $0x3  }
0x34: {  	[smem:$0x3FA7] =	sst s10  }
0x35: {  	s10 =	sld [smem:$0x3FA6];
	_ =	sdelay $0x3  }
0x36: {  	p1 =	seq.s32 s10, $0x1;
	s10 =	sld [smem:$0x3FA7];
	_ =	sdelay $0x3  }
0x37: {  	[smem:$0x3FA7] =	sst s10  }
0x38: {  	s10 =	sld [smem:$0x3FA8]  }
0x39: {  	_ = 	snop;
	(pc) =	sbr.ind lr, $3  }
0x3a: {  	_ = 	snop  }
0x3b: {  	_ = 	snop  }
0x3c: {  	p2 =	seq.s32 s10, $0x1;
	s10 =	sld [smem:$0x3FA7]  }
0x3d: {  	_ =	shalt  }
0x3e: {  	_ =	shalt  }
0x3f: {  	_ =	shalt  }
0x40: {  	_ =	shalt  }
0x41: {  	_ =	shalt  }
0x42: {  	_ =	shalt  }
0x43: {  	_ =	shalt  }
0x44: {  	_ =	shalt  }
0x45: {  	_ =	shalt  }
0x46: {  	_ =	shalt  }
0x47: {  	_ =	shalt  }
0x48: {  	_ =	shalt  }
0x49: {  	_ =	shalt  }
0x4a: {  	_ =	shalt  }
0x4b: {  	_ =	shalt  }
0x4c: {  	_ =	shalt  }
0x4d: {  	_ =	shalt  }
0x4e: {  	_ =	shalt  }
0x4f: {  	_ =	shalt  }
0x50: {  	_ =	shalt  }
0x51: {  	_ =	shalt  }
0x52: {  	_ =	shalt  }
0x53: {  	_ =	shalt  }
0x54: {  	_ =	shalt  }
0x55: {  	_ =	shalt  }
0x56: {  	_ =	shalt  }
0x57: {  	_ =	shalt  }
0x58: {  	_ =	shalt  }
0x59: {  	_ =	shalt  }
0x5a: {  	_ =	shalt  }
0x5b: {  	_ =	shalt  }
0x5c: {  	_ =	shalt  }
0x5d: {  	_ =	shalt  }
0x5e: {  	_ =	shalt  }
0x5f: {  	_ =	shalt  }
0x60: {  	_ =	shalt  }
0x61: {  	_ =	shalt  }
0x62: {  	_ =	shalt  }
0x63: {  	_ =	shalt  }
0x64: {  	_ =	shalt  }
0x65: {  	_ =	shalt  }
0x66: {  	_ =	shalt  }
0x67: {  	_ =	shalt  }
0x68: {  	_ =	shalt  }
0x69: {  	_ =	shalt  }
0x6a: {  	_ =	shalt  }
0x6b: {  	_ =	shalt  }
0x6c: {  	_ =	shalt  }
0x6d: {  	_ =	shalt  }
0x6e: {  	_ =	shalt  }
0x6f: {  	_ =	shalt  }
0x70: {  	_ =	shalt  }
0x71: {  	_ =	shalt  }
0x72: {  	_ =	shalt  }
0x73: {  	_ =	shalt  }
0x74: {  	_ =	shalt  }
0x75: {  	_ =	shalt  }
0x76: {  	_ =	shalt  }
0x77: {  	_ =	shalt  }
0x78: {  	_ =	shalt  }
0x79: {  	_ =	shalt  }
0x7a: {  	_ =	shalt  }
0x7b: {  	_ =	shalt  }
0x7c: {  	_ =	shalt  }
0x7d: {  	_ =	shalt  }
0x7e: {  	_ =	shalt  }
0x7f: {  	_ =	shalt  }
0x80: {  	_ =	shalt  }
0x81: {  	_ =	shalt  }
0x82: {  	_ =	shalt  }
0x83: {  	_ =	shalt  }
0x84: {  	_ =	shalt  }
0x85: {  	_ =	shalt  }
0x86: {  	_ =	shalt  }
0x87: {  	_ =	shalt  }
.Lfunc_end0:
.L_simem_size_0:
called_computation.1_lowered:
.L_overlay_start_0:
0x88: {  	s2 =	sld [smem:$0x3FD9]  }
0x89: {  	s3 =	sld [smem:$0x3FFE];
	_ =	sdelay $0x1  }
0x8a: {  	s1 =	srdreg.scid  }
0x8b: {  	s0 =	sand.u32 $0x1, s1  }
0x8c: {  	s16 =	sshll.u32 s0, $0xA;
	s2 =	sadd.s32 s3, s2  }
0x8d: {  	s2 =	sadd.s32 s2, s16  }
0x8e: {  	[smem:$0x3FB3] =	sst s2  }
0x8f: {  	_ = 	snop  }
0x90: {  	(tm) =	ssettm $0x1  }
0x91: {  	s17 =	sld [smem:$0x3FFB];
	_ =	sdelay $0x3  }
0x92: {  	_ =	strace s17  }
0x93: {  	s2 =	sld [smem:$0x3FFC];
	_ =	sdelay $0x3  }
0x94: {  	_ =	strace s2  }
0x95: {  	s2 =	sld [smem:$0x3FFD];
	_ =	sdelay $0x3  }
0x96: {  	_ =	strace s2  }
0x97: {  	_ =	strace $0x8FFFFFFF  }
0x98: {  	s18 =	sld [smem:$0x3FDB];
	_ =	sdelay $0x1  }
0x99: {  	s19 =	simm.s32 $_scs_section_size  }
0x9a: {  	s4 =	simm.s32 $_size__tile_overlayer_lowered;
	s5 =	simm.s32 $_tile_overlayer_lowered  }
0x9b: {  	s22 =	simm.s32 $0x1BFF;
	s21 =	sshll.u32 s5, $0x1;
	s2 =	sadd.s32 s19, s18  }
0x9c: {  	s6 =	simm.s32 $0x0;
	s20 =	sshll.u32 s4, $0x1;
	s4 =	sadd.s32 s21, s2  }
0x9d: {  	[timem:s6], [sflag:s22] =	dma.local [hbm:s4], s20  }
0x9e: {  	_ =	swait.ge [sflag:s22], s20  }
0x9f: {  	s3 =	ssub.s32 $0x0, s20;
	[sflag:s22] =	ssyncset.done $0x0  }
0xa0: {  	[sflag:s22] =	ssyncadd.s32 s3;
	_ =	sdelay $0x1  }
0xa1: {  	s23 =	simm.s32 $0x1B8B  }
0xa2: {  	_ =	swait.ge [sflag:s23], $0x1  }
0xa3: {  	[sflag:s23] =	ssyncset.done $0x0  }
0xa4: {  	s25 =	simm.s32 $0x1B8E;
	s24 =	sld [smem:$0x3FFE];
	[sflag:s23] =	ssyncadd.s32 $0xFFFFFFFF  }
0xa5: {  	s26 =	simm.s32 $execute0_lowered;
	[smem:$0x3FD2] =	sst s25  }
0xa6: {  	s4 =	sshll.u32 s26, $0x1;
	_ =	strace $0x80000049;
	[dreg:$0x1] =	wrdreg $0xFFFFFFFF  }
0xa7: {  	s28 =	simm.s32 $_size_execute0_lowered;
	s2 =	sadd.s32 s2, s4;
	[dreg:$0x0] =	wrdreg $0x0  }
0xa8: {  	s4 =	sshll.u32 s28, $0x1;
	[dreg:$0x2] =	wrdreg s2  }
0xa9: {  	[dreg:$0x3] =	wrdreg s4  }
0xaa: {  	[dreg:$0x4] =	wrdreg $0xC0  }
0xab: {  	_ =	task [dreg:s6], $0x5FFFF  }
0xac: {  	[dreg:$0x1] =	wrdreg $0xFFFFFFFF  }
0xad: {  	[dreg:$0x0] =	wrdreg $0x60  }
0xae: {  	[dreg:$0x2] =	wrdreg s24  }
0xaf: {  	[dreg:$0x3] =	wrdreg $0xAF800  }
0xb0: {  	[dreg:$0x4] =	wrdreg $0x9  }
0xb1: {  	_ =	task.clear_ibuf [dreg:s6], $0x5FFFF;
	_ =	strace $0x90000049  }
0xb2: {  	s29 =	simm.s32 $0x9;
	_ =	strace $0x8000004B  }
0xb3: {  	_ =	swait.ge [sflag:s29], $0x1  }
0xb4: {  	[sflag:s29] =	ssyncadd.s32 $0xFFFFFFFF  }
0xb5: {  	_ =	strace $0x9000004B  }
0xb6: {  	_ =	sfence  }
0xb7: {  	s30 =	sld [smem:$0x0];
	_ =	sdelay $0x2  }
0xb8: {  	s31 =	sshll.u32 s1, $0xD;
	s1 =	sshrl.u32 s1, $0x2  }
0xb9: {  	s3 =	sand.u32 $0x4000, s31;
	s1 =	sadd.s32 s1, s30  }
0xba: {  	s0 =	sor.u32 s3, s0;
	s1 =	sshll.u32 s1, $0x11  }
0xbb: {  	s0 =	sor.u32 s1, s0  }
0xbc: {  	s0 =	sadd.s32 $0x8F2B, s0  }
0xbd: {  	[sflag:s0] =	ssyncadd.remote.s32 $0x1  }
0xbe: {  	_ =	sfence.sel $0xFFFF  }
0xbf: {  	[dreg:$0x0] =	wrdreg $0xFFFFFFFF;
	(pc) =	sbr.abs _section_cstart, $3  }
0xc0: {  	[dreg:$0x1] =	wrdreg $0xFFFFFFFF  }
0xc1: {  	_ =	task.clear_ibuf [dreg:s6], $0x2FFFF;
	_ =	strace $0x9FFFFFFF  }
0xc2: {  	(tm) =	ssettm $0x7FFFFFFF  }
0xc3: {  	_ =	shalt  }
tec
execute0_lowered:
.L_overlay_start_1:
0x0: {  	(tag) =	ssettag $0x1  }
0x1: {  	s0 =	rddreg [dreg:$0x0]  }
0x2: {  	s2 =	rddreg [dreg:$0x1];
	s3 =	simm.s32 $0x0;
	s4 =	srdreg.scid  }
0x3: {  	s1 =	stileid.u32;
	s20 =	simm.s32 $0x3;
	s22 =	simm.s32 $0x4F80  }
0x4: {  	s23 =	simm.s32 $0x60;
	s24 =	simm.s32 $0x1;
	s28 =	simm.s32 $0x2760  }
0x5: {  	s29 =	simm.s32 $0x4EC0;
	s30 =	simm.s32 $0x4F20;
	s31 =	simm.s32 $0x0  }
0x6: {  	s5 =	sand.u32 $0x1, s4;
	s25 =	sshll.u32 s1, $0x1;
	s8 =	smul.u32 $0x14000, s1  }
0x7: {  	[smem:$0x7FF] =	sst s3;
	s4 =	sadd.s32 $0xA3C00, s0;
	s9 =	smul.u32 $0x50000, s1  }
0x8: {  	s6 =	sor.u32 s5, s25;
	s7 =	smul.u32 $0x140000, s5;
	_ =	strace $0x8000004A  }
0x9: {  	s5 =	ssub.s32 $0x2, s5;
	s25 =	simm.s32 $0x7F80;
	s6 =	smul.u32 $0x4F8, s6  }
0xa: {  	s10 =	sshrl.u32 s5, $0x1;
	s26 =	sshrl.u32 s9, $0x2;
	s7 =	sadd.s32 s8, s7  }
0xb: {  	s19 =	ssub.s32 s5, s10;
	s17 =	sadd.s32 s26, s2;
	s8 =	sadd.s32 s8, s2  }
0xc: {  	s26 =	simm.s32 $0x2;
	s6 =	sadd.s32 s6, s0;
	s7 =	sshrl.u32 s7, $0x3  }
0xd: {  	s9 =	sadd.s32 $0x2000, s17;
	s10 =	sadd.s32 $0x4000, s17;
	s11 =	sadd.s32 $0x6000, s17  }
0xe: {  	s12 =	sadd.s32 $0x8000, s17;
	s13 =	sadd.s32 $0xA000, s17;
	s14 =	sadd.s32 $0xC000, s17  }
0xf: {  	s15 =	sadd.s32 $0xE000, s17;
	s16 =	sadd.s32 $0x10000, s17;
	s17 =	sadd.s32 $0x12000, s17  }
0x10: {  	s19 =	smax.u32 s19, $0x1;
	s18 =	sadd.s32 s7, s0;
	s5 =	sadd.s32 $0x17C00, s6  }
0x11: {  	s6 =	sadd.s32 $0xDC00, s6;
	s7 =	sadd.s32 $0xCB800, s0;
	s18 =	sadd.s32 $0xF3C00, s18  }
.LBB2_1:
0x12: {  	[tilespmem:s3], [sflag:$0x3] =	stream.linear.gather [hbm4b:s5+s3], $0x27C0, $0x38;
	[tilespmem:$0x1EF80] =	vst v63  }
0x13: {  	_ =	swait.ge [sflag:s20], $0x27C0  }
0x14: {  	[sflag:s20] =	ssyncset.done $0x0  }
0x15: {  	s0 =	simm.s32 $0x27C0;
	[sflag:s20] =	ssyncadd.s32 $0xFFFFD840  }
0x16: {  	[tilespmem:s0], [sflag:$0x3] =	stream.linear.gather [hbm4b:s6+s3], $0x27C0, $0x38;
	[tilespmem:$0x1EF80] =	vst v63  }
0x17: {  	_ =	swait.ge [sflag:s20], $0x27C0  }
0x18: {  	[sflag:s20] =	ssyncset.done $0x0  }
0x19: {  	[sflag:s20] =	ssyncadd.s32 $0xFFFFD840  }
0x1a: {  	[tilespmem:s22], [sflag:$0x3] =	stream.linear.gather [hbm4b:s7+s3], $0x2000, $0x38;
	[tilespmem:$0x1EF80] =	vst v63  }
0x1b: {  	_ =	swait.ge [sflag:s20], $0x2000  }
0x1c: {  	[sflag:s20] =	ssyncset.done $0x0  }
0x1d: {  	[sflag:s20] =	ssyncadd.s32 $0xFFFFE000  }
0x1e: {  	[spmem:s8] =	stream.linear.scatter [tilespmem:s22], [sflag:$0x3], $0x2000, $0x38;
	[tilespmem:$0x1EF80] =	vst v63  }
0x1f: {  	_ =	swait.ge [sflag:s20], $0x2000  }
0x20: {  	[sflag:s20] =	ssyncset.done $0x0  }
0x21: {  	[sflag:s20] =	ssyncadd.s32 $0xFFFFE000  }
0x22: {  	[spmem:s9] =	stream.linear.scatter [tilespmem:s22], [sflag:$0x3], $0x2000, $0x38;
	[tilespmem:$0x1EF80] =	vst v63  }
0x23: {  	_ =	swait.ge [sflag:s20], $0x2000  }
0x24: {  	[sflag:s20] =	ssyncset.done $0x0  }
0x25: {  	[sflag:s20] =	ssyncadd.s32 $0xFFFFE000  }
0x26: {  	[spmem:s10] =	stream.linear.scatter [tilespmem:s22], [sflag:$0x3], $0x2000, $0x38;
	[tilespmem:$0x1EF80] =	vst v63  }
0x27: {  	_ =	swait.ge [sflag:s20], $0x2000  }
0x28: {  	[sflag:s20] =	ssyncset.done $0x0  }
0x29: {  	[sflag:s20] =	ssyncadd.s32 $0xFFFFE000  }
0x2a: {  	[spmem:s11] =	stream.linear.scatter [tilespmem:s22], [sflag:$0x3], $0x2000, $0x38;
	[tilespmem:$0x1EF80] =	vst v63  }
0x2b: {  	_ =	swait.ge [sflag:s20], $0x2000  }
0x2c: {  	[sflag:s20] =	ssyncset.done $0x0  }
0x2d: {  	[sflag:s20] =	ssyncadd.s32 $0xFFFFE000  }
0x2e: {  	[spmem:s12] =	stream.linear.scatter [tilespmem:s22], [sflag:$0x3], $0x2000, $0x38;
	[tilespmem:$0x1EF80] =	vst v63  }
0x2f: {  	_ =	swait.ge [sflag:s20], $0x2000  }
0x30: {  	[sflag:s20] =	ssyncset.done $0x0  }
0x31: {  	[sflag:s20] =	ssyncadd.s32 $0xFFFFE000  }
0x32: {  	[spmem:s13] =	stream.linear.scatter [tilespmem:s22], [sflag:$0x3], $0x2000, $0x38;
	[tilespmem:$0x1EF80] =	vst v63  }
0x33: {  	_ =	swait.ge [sflag:s20], $0x2000  }
0x34: {  	[sflag:s20] =	ssyncset.done $0x0  }
0x35: {  	[sflag:s20] =	ssyncadd.s32 $0xFFFFE000  }
0x36: {  	[spmem:s14] =	stream.linear.scatter [tilespmem:s22], [sflag:$0x3], $0x2000, $0x38;
	[tilespmem:$0x1EF80] =	vst v63  }
0x37: {  	_ =	swait.ge [sflag:s20], $0x2000  }
0x38: {  	[sflag:s20] =	ssyncset.done $0x0  }
0x39: {  	[sflag:s20] =	ssyncadd.s32 $0xFFFFE000  }
0x3a: {  	[spmem:s15] =	stream.linear.scatter [tilespmem:s22], [sflag:$0x3], $0x2000, $0x38;
	[tilespmem:$0x1EF80] =	vst v63  }
0x3b: {  	_ =	swait.ge [sflag:s20], $0x2000  }
0x3c: {  	[sflag:s20] =	ssyncset.done $0x0  }
0x3d: {  	[sflag:s20] =	ssyncadd.s32 $0xFFFFE000  }
0x3e: {  	[spmem:s16] =	stream.linear.scatter [tilespmem:s22], [sflag:$0x3], $0x2000, $0x38;
	[tilespmem:$0x1EF80] =	vst v63  }
0x3f: {  	_ =	swait.ge [sflag:s20], $0x2000  }
0x40: {  	[sflag:s20] =	ssyncset.done $0x0  }
0x41: {  	[sflag:s20] =	ssyncadd.s32 $0xFFFFE000  }
0x42: {  	[spmem:s17] =	stream.linear.scatter [tilespmem:s22], [sflag:$0x3], $0x2000, $0x38;
	[tilespmem:$0x1EF80] =	vst v63  }
0x43: {  	_ =	swait.ge [sflag:s20], $0x2000  }
0x44: {  	[sflag:s20] =	ssyncset.done $0x0  }
0x45: {  	[sflag:s20] =	ssyncadd.s32 $0xFFFFE000  }
0x46: {  	[bflag:$0x0] =	sbarrier.arrive $0xFFFF  }
0x47: {  	[tilespmem:s22], [sflag:$0x1] =	stream.indirect.gather [hbm4b:s4+s23], $0x80, s3, s23, $0xb8;
	[tilespmem:$0x1EF80] =	vst v63  }
0x48: {  	_ =	swait.ge [sflag:s24], $0x3000  }
0x49: {  	[sflag:s24] =	ssyncset.done $0x0  }
0x4a: {  	s1 =	simm.s32 $0x60;
	[sflag:s24] =	ssyncadd.s32 $0xFFFFD000  }
0x4b: {  	[tilespmem:s25], [sflag:$0x2] =	stream.indirect.gather [hbm4b:s4+s23], $0x80, s1, s23, $0xb8;
	[tilespmem:$0x1EF80] =	vst v63  }
0x4c: {  	s21 =	simm.s32 $0x27C0  }
0x4d: {  	[spmem:s2] =	stream.indirect.scatter.add.f32 [tilespmem:s22], [sflag:$0x3], $0x80, s21, s23, $0xb8;
	[tilespmem:$0x1EF80] =	vst v63  }
0x4e: {  	_ =	swait.ge [sflag:s20], $0x3000  }
0x4f: {  	[sflag:s20] =	ssyncset.done $0x0  }
0x50: {  	[sflag:s20] =	ssyncadd.s32 $0xFFFFD000  }
0x51: {  	_ =	swait.ge [sflag:s26], $0x3000  }
0x52: {  	[sflag:s26] =	ssyncset.done $0x0  }
0x53: {  	s1 =	simm.s32 $0xC0;
	[sflag:s26] =	ssyncadd.s32 $0xFFFFD000  }
0x54: {  	[tilespmem:s22], [sflag:$0x1] =	stream.indirect.gather [hbm4b:s4+s23], $0x80, s1, s23, $0xb8;
	[tilespmem:$0x1EF80] =	vst v63  }
0x55: {  	s21 =	simm.s32 $0x2820  }
0x56: {  	[spmem:s2] =	stream.indirect.scatter.add.f32 [tilespmem:s25], [sflag:$0x3], $0x80, s21, s23, $0xb8;
	[tilespmem:$0x1EF80] =	vst v63  }
0x57: {  	_ =	swait.ge [sflag:s20], $0x3000  }
0x58: {  	s0 =	simm.s32 $0x300;
	[sflag:s20] =	ssyncset.done $0x0  }
.LBB2_2:
0x59: {  	p0 =	sne.s32 s0, $0x9900  }
0x5a: {  	[sflag:s20] =	ssyncadd.s32 $0xFFFFD000;
	s1 =	smov.u32 s0;
	s0 =	sadd.s32 $0x300, s0  }
0x5b: {  	_ = 	snop  }
0x5c: {  	_ =	swait.ge [sflag:s24], $0x3000  }
0x5d: {  	s1 =	sshra.s32 s1, $0x2;
	[sflag:s24] =	ssyncset.done $0x0  }
0x5e: {  	s21 =	sadd.s32 $0x60, s1;
	[sflag:s24] =	ssyncadd.s32 $0xFFFFD000  }
0x5f: {  	[tilespmem:s25], [sflag:$0x2] =	stream.indirect.gather [hbm4b:s4+s23], $0x80, s21, s23, $0xb8;
	[tilespmem:$0x1EF80] =	vst v63  }
0x60: {  	s21 =	sadd.s32 $0x27C0, s1  }
0x61: {  	[spmem:s2] =	stream.indirect.scatter.add.f32 [tilespmem:s22], [sflag:$0x3], $0x80, s21, s23, $0xb8;
	[tilespmem:$0x1EF80] =	vst v63  }
0x62: {  	_ =	swait.ge [sflag:s20], $0x3000  }
0x63: {  	[sflag:s20] =	ssyncset.done $0x0  }
0x64: {  	[sflag:s20] =	ssyncadd.s32 $0xFFFFD000  }
0x65: {  	_ =	swait.ge [sflag:s26], $0x3000  }
0x66: {  	[sflag:s26] =	ssyncset.done $0x0  }
0x67: {  	s21 =	sadd.s32 $0xC0, s1;
	[sflag:s26] =	ssyncadd.s32 $0xFFFFD000  }
0x68: {  	[tilespmem:s22], [sflag:$0x1] =	stream.indirect.gather [hbm4b:s4+s23], $0x80, s21, s23, $0xb8;
	[tilespmem:$0x1EF80] =	vst v63  }
.Ltmp0:
0x69: {  	_ = 	snop;
	(pc) =	sbr.rel @p0 .LBB2_2-.Ltmp0, $4  }
0x6a: {  	s1 =	sadd.s32 $0x2820, s1  }
0x6b: {  	[spmem:s2] =	stream.indirect.scatter.add.f32 [tilespmem:s25], [sflag:$0x3], $0x80, s1, s23, $0xb8;
	[tilespmem:$0x1EF80] =	vst v63  }
0x6c: {  	_ =	swait.ge [sflag:s20], $0x3000  }
0x6d: {  	[sflag:s20] =	ssyncset.done $0x0  }
0x6e: {  	[sflag:s20] =	ssyncadd.s32 $0xFFFFD000  }
0x6f: {  	_ =	swait.ge [sflag:s24], $0x3000  }
0x70: {  	[sflag:s24] =	ssyncset.done $0x0  }
0x71: {  	[sflag:s24] =	ssyncadd.s32 $0xFFFFD000  }
0x72: {  	[tilespmem:s25], [sflag:$0x2] =	stream.indirect.gather [hbm4b:s4+s23], $0x80, s28, s23, $0xb8;
	[tilespmem:$0x1EF80] =	vst v63  }
0x73: {  	_ = 	snop  }
0x74: {  	[spmem:s2] =	stream.indirect.scatter.add.f32 [tilespmem:s22], [sflag:$0x3], $0x80, s29, s23, $0xb8;
	[tilespmem:$0x1EF80] =	vst v63  }
0x75: {  	_ =	swait.ge [sflag:s20], $0x3000  }
0x76: {  	[sflag:s20] =	ssyncset.done $0x0  }
0x77: {  	[sflag:s20] =	ssyncadd.s32 $0xFFFFD000  }
0x78: {  	_ =	swait.ge [sflag:s26], $0x3000  }
0x79: {  	[sflag:s26] =	ssyncset.done $0x0  }
0x7a: {  	[sflag:s26] =	ssyncadd.s32 $0xFFFFD000  }
0x7b: {  	[spmem:s2] =	stream.indirect.scatter.add.f32 [tilespmem:s25], [sflag:$0x3], $0x80, s30, s23, $0xb8;
	[tilespmem:$0x1EF80] =	vst v63  }
0x7c: {  	s0 =	stileid.u32;
	_ =	swait.ge [sflag:s20], $0x3000  }
0x7d: {  	s1 =	sshrl.u32 s8, $0x3;
	s31 =	sadd.s32 $0x1, s31;
	[sflag:s20] =	ssyncset.done $0x0  }
0x7e: {  	s0 =	sshll.u32 s0, $0x6;
	p0 =	sne.s32 s31, s19;
	[sflag:s20] =	ssyncadd.s32 $0xFFFFD000  }
.Ltmp1:
0x7f: {  	s0 =	sor.u32 $0x1C03, s0;
	[bflag:$0x0] =	sbarrier.arrive $0xFFFF;
	(pc) =	sbr.rel @p0 .LBB2_1-.Ltmp1, $4  }
0x80: {  	[hbm:s18], [sflag:s0] =	dma.local [spmem:s1], $0x2800  }
0x81: {  	_ =	swait.ge [sflag:s20], $0x2800  }
0x82: {  	[sflag:s20] =	ssyncset.done $0x0  }
0x83: {  	[sflag:s20] =	ssyncadd.s32 $0xFFFFD800  }
0x84: {  	_ =	sfence.sel $0x180000  }
0x85: {  	[bflag:$0x0] =	sbarrier.arrive $0xFFFF  }
0x86: {  	_ =	strace $0x9000004A  }
0x87: {  	s0 =	stileid.u32;
	[bflag:$0x2] =	sbarrier.arrive $0xFFFF  }
0x88: {  	p0 =	sne.s32 s0, $0x0;
	s0 =	rddreg [dreg:$0x2]  }
0x89: {  	s0 =	sadd.s32 @!p0 $0x100000, s0  }
0x8a: {  	[sflag:s0] =	ssyncadd.tile.s32 @!p0 $0x1;
	_ =	shalt  }
.Lfunc_end2:
_tile_overlayer_lowered:
.L_overlay_start_2:
0x8b: {  	(tag) =	ssettag $0x2  }
0x8c: {  	s0 =	rddreg [dreg:$0x0];
	s2 =	stileid.u32  }
0x8d: {  	s1 =	rddreg [dreg:$0x1];
	p0 =	sne.s32 s2, $0x0  }
0x8e: {  	s3 =	rddreg [dreg:$0x2];
	[bflag:$0x3] =	sbarrier.arrive $0xFFFF;
	s2 =	simm.s32 @!p0 $0x1C03  }
0x8f: {  	[timem:s3], [sflag:s2] =	dma.local @!p0 [hbm:s0], s1  }
0x90: {  	s0 =	simm.s32 @!p0 $0x3  }
0x91: {  	_ =	swait.ge @!p0 [sflag:s0], s1  }
0x92: {  	s1 =	ssub.s32 @!p0 $0x0, s1;
	[sflag:s0] =	ssyncset.done @!p0 $0x0  }
0x93: {  	[sflag:s0] =	ssyncadd.s32 @!p0 s1  }
0x94: {  	[bflag:$0x3] =	sbarrier.arrive $0xFFFF  }
0x95: {  	_ =	shalt  }

// kernel: kernel.28.cloned.1.call-start
scs
__scs_entry_jumppad:
0x0: {  	(pc) =	sbr.rel $0x88, $3  }
0x1: {  	(tag) =	ssettag $0x0;
	lr =	simm.s32 $0x1  }
0x2: {  	[smem:$0x3F8C] =	sst lr;
	_ =	strace $0xD0000000  }
0x3: {  	_ = 	snop  }
0x4: {  	_ = 	snop  }
0x5: {  	_ = 	snop  }
0x6: {  	_ = 	snop  }
0x7: {  	_ = 	snop  }
__scs_overlays_trampoline_lowered:
0x8: {  	[smem:$0x3F9B] =	sst s0  }
0x9: {  	[smem:$0x3F9C] =	sst s1  }
0xa: {  	[smem:$0x3F9D] =	sst s2  }
0xb: {  	[smem:$0x3F9E] =	sst s3  }
0xc: {  	[smem:$0x3F9F] =	sst s4  }
0xd: {  	[smem:$0x3FA0] =	sst s5  }
0xe: {  	[smem:$0x3FA1] =	sst s6  }
0xf: {  	[smem:$0x3FA2] =	sst s7  }
0x10: {  	[smem:$0x3FA3] =	sst s8  }
0x11: {  	[smem:$0x3FA4] =	sst s9;
	s0 =	simm.s32 @!p0 $0x0  }
0x12: {  	s1 =	sld [smem:$0x3F8A];
	s0 =	simm.s32 @p0 $0x1  }
0x13: {  	[smem:$0x3FA5] =	sst s0;
	s0 =	simm.s32 @!p1 $0x0  }
0x14: {  	s2 =	sld [smem:$0x3F89];
	s0 =	simm.s32 @p1 $0x1  }
0x15: {  	[smem:$0x3FA6] =	sst s0;
	s0 =	simm.s32 @!p2 $0x0  }
0x16: {  	s3 =	sld [smem:$0x3FDB];
	s0 =	simm.s32 @p2 $0x1  }
0x17: {  	s4 =	simm.s32 $0x1BF5;
	[smem:$0x3FA8] =	sst s0  }
0x18: {  	s0 =	sld [smem:$0x3F8B];
	_ =	swait.ge [sflag:s4], $0x0  }
0x19: {  	s7 =	sld [smem:$0x3F8C]  }
0x1a: {  	s8 =	sadd.s32 $0xFFFFE003, lr  }
0x1b: {  	s9 =	sadd.s32 $0xFFFFFEF7, lr;
	s5 =	simm.s32 $0xFFFFFFFF;
	p2 =	slt.u32 s8, $0xFFFFF086  }
0x1c: {  	p1 =	slt.u32 s9, $0xF7A;
	s5 =	simm.s32 @!p2 $0x0  }
0x1d: {  	s5 =	simm.s32 @p1 $0x1;
	p0 =	seq.s32 s7, s2  }
0x1e: {  	s7 =	smul.u32 @!p0 $0xF7A, s2;
	p2 =	seq.s32 @!p0 s5, $0x0  }
0x1f: {  	s9 =	smul.u32 $0xF7A, s1;
	s8 =	simm.s32 @!p0 $0x1BF5;
	p2 =	por !p2, p0  }
0x20: {  	[sflag:s8] =	ssyncset.s32 @!p0 $0xFFFFF086;
	s6 =	sadd.s32 @!p0 s3, s7;
	s7 =	simm.s32 @!p0 $0x108  }
0x21: {  	s3 =	sadd.s32 s3, s9;
	s6 =	sadd.s32 @!p0 $0x88, s6;
	s7 =	simm.s32 @p2 $0x1082  }
0x22: {  	[simem:s7], [sflag:s8] =	dma.local @!p0 [hbm:s6], $0xF7A  }
0x23: {  	s9 =	sor.u32 $0xD0000000, s2;
	s6 =	simm.s32 $0x108;
	_ =	swait.ge @!p0 [sflag:s8], $0x0  }
0x24: {  	s3 =	sadd.s32 $0x88, s3;
	s6 =	simm.s32 @!p1 $0x1082;
	[sflag:s4] =	ssyncset.s32 $0xFFFFF086  }
0x25: {  	[simem:s6], [sflag:s4] =	dma.local [hbm:s3], $0xF7A  }
0x26: {  	[smem:$0x3F8C] =	sst s1;
	(tag) =	ssettag s2;
	_ =	strace s9  }
0x27: {  	s1 =	sld [smem:$0x3F9C]  }
0x28: {  	s2 =	sld [smem:$0x3F9D]  }
0x29: {  	s4 =	sld [smem:$0x3F9F]  }
0x2a: {  	p0 =	seq.s32 s5, $0x0;
	s5 =	sld [smem:$0x3FA0]  }
0x2b: {  	s6 =	sld [smem:$0x3FA1]  }
0x2c: {  	s7 =	sld [smem:$0x3FA2]  }
0x2d: {  	s3 =	simm.s32 $0x108;
	s8 =	sld [smem:$0x3FA3]  }
0x2e: {  	s3 =	simm.s32 @!p0 $0x1082;
	s9 =	sld [smem:$0x3FA4]  }
0x2f: {  	lr =	sadd.s32 s0, s3;
	s0 =	sld [smem:$0x3F9B]  }
0x30: {  	s3 =	sld [smem:$0x3F9E]  }
0x31: {  	[smem:$0x3FA7] =	sst s10  }
0x32: {  	s10 =	sld [smem:$0x3FA5];
	_ =	sdelay $0x3  }
0x33: {  	p0 =	seq.s32 s10, $0x1;
	s10 =	sld [smem:$0x3FA7];
	_ =	sdelay $0x3  }
0x34: {  	[smem:$0x3FA7] =	sst s10  }
0x35: {  	s10 =	sld [smem:$0x3FA6];
	_ =	sdelay $0x3  }
0x36: {  	p1 =	seq.s32 s10, $0x1;
	s10 =	sld [smem:$0x3FA7];
	_ =	sdelay $0x3  }
0x37: {  	[smem:$0x3FA7] =	sst s10  }
0x38: {  	s10 =	sld [smem:$0x3FA8]  }
0x39: {  	_ = 	snop;
	(pc) =	sbr.ind lr, $3  }
0x3a: {  	_ = 	snop  }
0x3b: {  	_ = 	snop  }
0x3c: {  	p2 =	seq.s32 s10, $0x1;
	s10 =	sld [smem:$0x3FA7]  }
0x3d: {  	_ =	shalt  }
0x3e: {  	_ =	shalt  }
0x3f: {  	_ =	shalt  }
0x40: {  	_ =	shalt  }
0x41: {  	_ =	shalt  }
0x42: {  	_ =	shalt  }
0x43: {  	_ =	shalt  }
0x44: {  	_ =	shalt  }
0x45: {  	_ =	shalt  }
0x46: {  	_ =	shalt  }
0x47: {  	_ =	shalt  }
0x48: {  	_ =	shalt  }
0x49: {  	_ =	shalt  }
0x4a: {  	_ =	shalt  }
0x4b: {  	_ =	shalt  }
0x4c: {  	_ =	shalt  }
0x4d: {  	_ =	shalt  }
0x4e: {  	_ =	shalt  }
0x4f: {  	_ =	shalt  }
0x50: {  	_ =	shalt  }
0x51: {  	_ =	shalt  }
0x52: {  	_ =	shalt  }
0x53: {  	_ =	shalt  }
0x54: {  	_ =	shalt  }
0x55: {  	_ =	shalt  }
0x56: {  	_ =	shalt  }
0x57: {  	_ =	shalt  }
0x58: {  	_ =	shalt  }
0x59: {  	_ =	shalt  }
0x5a: {  	_ =	shalt  }
0x5b: {  	_ =	shalt  }
0x5c: {  	_ =	shalt  }
0x5d: {  	_ =	shalt  }
0x5e: {  	_ =	shalt  }
0x5f: {  	_ =	shalt  }
0x60: {  	_ =	shalt  }
0x61: {  	_ =	shalt  }
0x62: {  	_ =	shalt  }
0x63: {  	_ =	shalt  }
0x64: {  	_ =	shalt  }
0x65: {  	_ =	shalt  }
0x66: {  	_ =	shalt  }
0x67: {  	_ =	shalt  }
0x68: {  	_ =	shalt  }
0x69: {  	_ =	shalt  }
0x6a: {  	_ =	shalt  }
0x6b: {  	_ =	shalt  }
0x6c: {  	_ =	shalt  }
0x6d: {  	_ =	shalt  }
0x6e: {  	_ =	shalt  }
0x6f: {  	_ =	shalt  }
0x70: {  	_ =	shalt  }
0x71: {  	_ =	shalt  }
0x72: {  	_ =	shalt  }
0x73: {  	_ =	shalt  }
0x74: {  	_ =	shalt  }
0x75: {  	_ =	shalt  }
0x76: {  	_ =	shalt  }
0x77: {  	_ =	shalt  }
0x78: {  	_ =	shalt  }
0x79: {  	_ =	shalt  }
0x7a: {  	_ =	shalt  }
0x7b: {  	_ =	shalt  }
0x7c: {  	_ =	shalt  }
0x7d: {  	_ =	shalt  }
0x7e: {  	_ =	shalt  }
0x7f: {  	_ =	shalt  }
0x80: {  	_ =	shalt  }
0x81: {  	_ =	shalt  }
0x82: {  	_ =	shalt  }
0x83: {  	_ =	shalt  }
0x84: {  	_ =	shalt  }
0x85: {  	_ =	shalt  }
0x86: {  	_ =	shalt  }
0x87: {  	_ =	shalt  }
.Lfunc_end0:
.L_simem_size_0:
called_computation.2_lowered:
.L_overlay_start_0:
0x88: {  	s2 =	sld [smem:$0x3FD9]  }
0x89: {  	s3 =	sld [smem:$0x3FFE];
	_ =	sdelay $0x1  }
0x8a: {  	s1 =	srdreg.scid  }
0x8b: {  	s0 =	sand.u32 $0x1, s1  }
0x8c: {  	s16 =	sshll.u32 s0, $0xA;
	s2 =	sadd.s32 s3, s2  }
0x8d: {  	s2 =	sadd.s32 s2, s16  }
0x8e: {  	[smem:$0x3FB3] =	sst s2  }
0x8f: {  	_ = 	snop  }
0x90: {  	(tm) =	ssettm $0x1  }
0x91: {  	s17 =	sld [smem:$0x3FFB];
	_ =	sdelay $0x3  }
0x92: {  	_ =	strace s17  }
0x93: {  	s2 =	sld [smem:$0x3FFC];
	_ =	sdelay $0x3  }
0x94: {  	_ =	strace s2  }
0x95: {  	s2 =	sld [smem:$0x3FFD];
	_ =	sdelay $0x3  }
0x96: {  	_ =	strace s2  }
0x97: {  	_ =	strace $0x8FFFFFFF  }
0x98: {  	s18 =	sld [smem:$0x3FDB];
	_ =	sdelay $0x1  }
0x99: {  	s19 =	simm.s32 $_scs_section_size  }
0x9a: {  	s4 =	simm.s32 $_size__tile_overlayer_lowered;
	s5 =	simm.s32 $_tile_overlayer_lowered  }
0x9b: {  	s22 =	simm.s32 $0x1BFF;
	s21 =	sshll.u32 s5, $0x1;
	s2 =	sadd.s32 s19, s18  }
0x9c: {  	s6 =	simm.s32 $0x0;
	s20 =	sshll.u32 s4, $0x1;
	s4 =	sadd.s32 s21, s2  }
0x9d: {  	[timem:s6], [sflag:s22] =	dma.local [hbm:s4], s20  }
0x9e: {  	_ =	swait.ge [sflag:s22], s20  }
0x9f: {  	s3 =	ssub.s32 $0x0, s20;
	[sflag:s22] =	ssyncset.done $0x0  }
0xa0: {  	[sflag:s22] =	ssyncadd.s32 s3;
	_ =	sdelay $0x1  }
0xa1: {  	s23 =	simm.s32 $0x1B8B  }
0xa2: {  	_ =	swait.ge [sflag:s23], $0x1  }
0xa3: {  	[sflag:s23] =	ssyncset.done $0x0  }
0xa4: {  	s25 =	simm.s32 $0x1B8E;
	s24 =	sld [smem:$0x3FFE];
	[sflag:s23] =	ssyncadd.s32 $0xFFFFFFFF  }
0xa5: {  	s26 =	simm.s32 $execute0_lowered;
	[smem:$0x3FD2] =	sst s25  }
0xa6: {  	s4 =	sshll.u32 s26, $0x1;
	_ =	strace $0x8000004C;
	[dreg:$0x1] =	wrdreg $0xFFFFFFFF  }
0xa7: {  	s28 =	simm.s32 $_size_execute0_lowered;
	s2 =	sadd.s32 s2, s4;
	[dreg:$0x0] =	wrdreg $0x0  }
0xa8: {  	s4 =	sshll.u32 s28, $0x1;
	[dreg:$0x2] =	wrdreg s2  }
0xa9: {  	[dreg:$0x3] =	wrdreg s4  }
0xaa: {  	[dreg:$0x4] =	wrdreg $0xC0  }
0xab: {  	_ =	task [dreg:s6], $0x5FFFF  }
0xac: {  	[dreg:$0x1] =	wrdreg $0xFFFFFFFF  }
0xad: {  	[dreg:$0x0] =	wrdreg $0x60  }
0xae: {  	[dreg:$0x2] =	wrdreg s24  }
0xaf: {  	[dreg:$0x3] =	wrdreg $0x5B800  }
0xb0: {  	[dreg:$0x4] =	wrdreg $0x9  }
0xb1: {  	_ =	task.clear_ibuf [dreg:s6], $0x5FFFF;
	_ =	strace $0x9000004C  }
0xb2: {  	s29 =	simm.s32 $0x9;
	_ =	strace $0x8000004E  }
0xb3: {  	_ =	swait.ge [sflag:s29], $0x1  }
0xb4: {  	[sflag:s29] =	ssyncadd.s32 $0xFFFFFFFF  }
0xb5: {  	_ =	strace $0x9000004E  }
0xb6: {  	_ =	sfence  }
0xb7: {  	s30 =	sld [smem:$0x0];
	_ =	sdelay $0x2  }
0xb8: {  	s31 =	sshll.u32 s1, $0xD;
	s1 =	sshrl.u32 s1, $0x2  }
0xb9: {  	s3 =	sand.u32 $0x4000, s31;
	s1 =	sadd.s32 s1, s30  }
0xba: {  	s0 =	sor.u32 s3, s0;
	s1 =	sshll.u32 s1, $0x11  }
0xbb: {  	s0 =	sor.u32 s1, s0  }
0xbc: {  	s0 =	sadd.s32 $0x8F2B, s0  }
0xbd: {  	[sflag:s0] =	ssyncadd.remote.s32 $0x1  }
0xbe: {  	_ =	sfence.sel $0xFFFF  }
0xbf: {  	[dreg:$0x0] =	wrdreg $0xFFFFFFFF;
	(pc) =	sbr.abs _section_cstart, $3  }
0xc0: {  	[dreg:$0x1] =	wrdreg $0xFFFFFFFF  }
0xc1: {  	_ =	task.clear_ibuf [dreg:s6], $0x2FFFF;
	_ =	strace $0x9FFFFFFF  }
0xc2: {  	(tm) =	ssettm $0x7FFFFFFF  }
0xc3: {  	_ =	shalt  }
tec
execute0_lowered:
.L_overlay_start_1:
0x0: {  	(tag) =	ssettag $0x1  }
0x1: {  	s0 =	rddreg [dreg:$0x0]  }
0x2: {  	s2 =	rddreg [dreg:$0x1];
	s3 =	simm.s32 $0x0;
	s4 =	srdreg.scid  }
0x3: {  	s1 =	stileid.u32;
	s20 =	simm.s32 $0x3;
	s22 =	simm.s32 $0x4F80  }
0x4: {  	s23 =	simm.s32 $0x60;
	s24 =	simm.s32 $0x1;
	s28 =	simm.s32 $0x2760  }
0x5: {  	s29 =	simm.s32 $0x4EC0;
	s30 =	simm.s32 $0x4F20;
	s31 =	simm.s32 $0x0  }
0x6: {  	s5 =	sand.u32 $0x1, s4;
	s25 =	sshll.u32 s1, $0x1;
	s8 =	smul.u32 $0x2800, s1  }
0x7: {  	[smem:$0x7FF] =	sst s3;
	s4 =	sadd.s32 $0x8C00, s0;
	s9 =	smul.u32 $0xA000, s1  }
0x8: {  	s6 =	sor.u32 s5, s25;
	s7 =	smul.u32 $0x28000, s5;
	_ =	strace $0x8000004D  }
0x9: {  	s5 =	ssub.s32 $0x2, s5;
	s25 =	simm.s32 $0x5580;
	s6 =	smul.u32 $0x4F8, s6  }
0xa: {  	s10 =	sshrl.u32 s5, $0x1;
	s26 =	sshrl.u32 s9, $0x2;
	s7 =	sadd.s32 s8, s7  }
0xb: {  	s19 =	ssub.s32 s5, s10;
	s17 =	sadd.s32 s26, s2;
	s8 =	sadd.s32 s8, s2  }
0xc: {  	s26 =	simm.s32 $0x2;
	s6 =	sadd.s32 s6, s0;
	s7 =	sshrl.u32 s7, $0x3  }
0xd: {  	s9 =	sadd.s32 $0x400, s17;
	s10 =	sadd.s32 $0x800, s17;
	s11 =	sadd.s32 $0xC00, s17  }
0xe: {  	s12 =	sadd.s32 $0x1000, s17;
	s13 =	sadd.s32 $0x1400, s17;
	s14 =	sadd.s32 $0x1800, s17  }
0xf: {  	s15 =	sadd.s32 $0x1C00, s17;
	s16 =	sadd.s32 $0x2000, s17;
	s17 =	sadd.s32 $0x2400, s17  }
0x10: {  	s19 =	smax.u32 s19, $0x1;
	s18 =	sadd.s32 s7, s0;
	s5 =	sadd.s32 $0x17C00, s6  }
0x11: {  	s6 =	sadd.s32 $0xDC00, s6;
	s7 =	sadd.s32 $0xDB80, s0;
	s18 =	sadd.s32 $0x21C00, s18  }
.LBB2_1:
0x12: {  	[tilespmem:s3], [sflag:$0x3] =	stream.linear.gather [hbm4b:s5+s3], $0x27C0, $0x38;
	[tilespmem:$0x8380] =	vst v63  }
0x13: {  	_ =	swait.ge [sflag:s20], $0x27C0  }
0x14: {  	[sflag:s20] =	ssyncset.done $0x0  }
0x15: {  	s0 =	simm.s32 $0x27C0;
	[sflag:s20] =	ssyncadd.s32 $0xFFFFD840  }
0x16: {  	[tilespmem:s0], [sflag:$0x3] =	stream.linear.gather [hbm4b:s6+s3], $0x27C0, $0x38;
	[tilespmem:$0x8380] =	vst v63  }
0x17: {  	_ =	swait.ge [sflag:s20], $0x27C0  }
0x18: {  	[sflag:s20] =	ssyncset.done $0x0  }
0x19: {  	[sflag:s20] =	ssyncadd.s32 $0xFFFFD840  }
0x1a: {  	[tilespmem:s22], [sflag:$0x3] =	stream.linear.gather [hbm4b:s7+s3], $0x400, $0x38;
	[tilespmem:$0x8380] =	vst v63  }
0x1b: {  	_ =	swait.ge [sflag:s20], $0x400  }
0x1c: {  	[sflag:s20] =	ssyncset.done $0x0  }
0x1d: {  	[sflag:s20] =	ssyncadd.s32 $0xFFFFFC00  }
0x1e: {  	[spmem:s8] =	stream.linear.scatter [tilespmem:s22], [sflag:$0x3], $0x400, $0x38;
	[tilespmem:$0x8380] =	vst v63  }
0x1f: {  	_ =	swait.ge [sflag:s20], $0x400  }
0x20: {  	[sflag:s20] =	ssyncset.done $0x0  }
0x21: {  	[sflag:s20] =	ssyncadd.s32 $0xFFFFFC00  }
0x22: {  	[spmem:s9] =	stream.linear.scatter [tilespmem:s22], [sflag:$0x3], $0x400, $0x38;
	[tilespmem:$0x8380] =	vst v63  }
0x23: {  	_ =	swait.ge [sflag:s20], $0x400  }
0x24: {  	[sflag:s20] =	ssyncset.done $0x0  }
0x25: {  	[sflag:s20] =	ssyncadd.s32 $0xFFFFFC00  }
0x26: {  	[spmem:s10] =	stream.linear.scatter [tilespmem:s22], [sflag:$0x3], $0x400, $0x38;
	[tilespmem:$0x8380] =	vst v63  }
0x27: {  	_ =	swait.ge [sflag:s20], $0x400  }
0x28: {  	[sflag:s20] =	ssyncset.done $0x0  }
0x29: {  	[sflag:s20] =	ssyncadd.s32 $0xFFFFFC00  }
0x2a: {  	[spmem:s11] =	stream.linear.scatter [tilespmem:s22], [sflag:$0x3], $0x400, $0x38;
	[tilespmem:$0x8380] =	vst v63  }
0x2b: {  	_ =	swait.ge [sflag:s20], $0x400  }
0x2c: {  	[sflag:s20] =	ssyncset.done $0x0  }
0x2d: {  	[sflag:s20] =	ssyncadd.s32 $0xFFFFFC00  }
0x2e: {  	[spmem:s12] =	stream.linear.scatter [tilespmem:s22], [sflag:$0x3], $0x400, $0x38;
	[tilespmem:$0x8380] =	vst v63  }
0x2f: {  	_ =	swait.ge [sflag:s20], $0x400  }
0x30: {  	[sflag:s20] =	ssyncset.done $0x0  }
0x31: {  	[sflag:s20] =	ssyncadd.s32 $0xFFFFFC00  }
0x32: {  	[spmem:s13] =	stream.linear.scatter [tilespmem:s22], [sflag:$0x3], $0x400, $0x38;
	[tilespmem:$0x8380] =	vst v63  }
0x33: {  	_ =	swait.ge [sflag:s20], $0x400  }
0x34: {  	[sflag:s20] =	ssyncset.done $0x0  }
0x35: {  	[sflag:s20] =	ssyncadd.s32 $0xFFFFFC00  }
0x36: {  	[spmem:s14] =	stream.linear.scatter [tilespmem:s22], [sflag:$0x3], $0x400, $0x38;
	[tilespmem:$0x8380] =	vst v63  }
0x37: {  	_ =	swait.ge [sflag:s20], $0x400  }
0x38: {  	[sflag:s20] =	ssyncset.done $0x0  }
0x39: {  	[sflag:s20] =	ssyncadd.s32 $0xFFFFFC00  }
0x3a: {  	[spmem:s15] =	stream.linear.scatter [tilespmem:s22], [sflag:$0x3], $0x400, $0x38;
	[tilespmem:$0x8380] =	vst v63  }
0x3b: {  	_ =	swait.ge [sflag:s20], $0x400  }
0x3c: {  	[sflag:s20] =	ssyncset.done $0x0  }
0x3d: {  	[sflag:s20] =	ssyncadd.s32 $0xFFFFFC00  }
0x3e: {  	[spmem:s16] =	stream.linear.scatter [tilespmem:s22], [sflag:$0x3], $0x400, $0x38;
	[tilespmem:$0x8380] =	vst v63  }
0x3f: {  	_ =	swait.ge [sflag:s20], $0x400  }
0x40: {  	[sflag:s20] =	ssyncset.done $0x0  }
0x41: {  	[sflag:s20] =	ssyncadd.s32 $0xFFFFFC00  }
0x42: {  	[spmem:s17] =	stream.linear.scatter [tilespmem:s22], [sflag:$0x3], $0x400, $0x38;
	[tilespmem:$0x8380] =	vst v63  }
0x43: {  	_ =	swait.ge [sflag:s20], $0x400  }
0x44: {  	[sflag:s20] =	ssyncset.done $0x0  }
0x45: {  	[sflag:s20] =	ssyncadd.s32 $0xFFFFFC00  }
0x46: {  	[bflag:$0x0] =	sbarrier.arrive $0xFFFF  }
0x47: {  	[tilespmem:s22], [sflag:$0x1] =	stream.indirect.gather [hbm4b:s4+s23], $0x10, s3, s23, $0xb8;
	[tilespmem:$0x8380] =	vst v63  }
0x48: {  	_ =	swait.ge [sflag:s24], $0x600  }
0x49: {  	[sflag:s24] =	ssyncset.done $0x0  }
0x4a: {  	s1 =	simm.s32 $0x60;
	[sflag:s24] =	ssyncadd.s32 $0xFFFFFA00  }
0x4b: {  	[tilespmem:s25], [sflag:$0x2] =	stream.indirect.gather [hbm4b:s4+s23], $0x10, s1, s23, $0xb8;
	[tilespmem:$0x8380] =	vst v63  }
0x4c: {  	s21 =	simm.s32 $0x27C0  }
0x4d: {  	[spmem:s2] =	stream.indirect.scatter.add.f32 [tilespmem:s22], [sflag:$0x3], $0x10, s21, s23, $0xb8;
	[tilespmem:$0x8380] =	vst v63  }
0x4e: {  	_ =	swait.ge [sflag:s20], $0x600  }
0x4f: {  	[sflag:s20] =	ssyncset.done $0x0  }
0x50: {  	[sflag:s20] =	ssyncadd.s32 $0xFFFFFA00  }
0x51: {  	_ =	swait.ge [sflag:s26], $0x600  }
0x52: {  	[sflag:s26] =	ssyncset.done $0x0  }
0x53: {  	s1 =	simm.s32 $0xC0;
	[sflag:s26] =	ssyncadd.s32 $0xFFFFFA00  }
0x54: {  	[tilespmem:s22], [sflag:$0x1] =	stream.indirect.gather [hbm4b:s4+s23], $0x10, s1, s23, $0xb8;
	[tilespmem:$0x8380] =	vst v63  }
0x55: {  	s21 =	simm.s32 $0x2820  }
0x56: {  	[spmem:s2] =	stream.indirect.scatter.add.f32 [tilespmem:s25], [sflag:$0x3], $0x10, s21, s23, $0xb8;
	[tilespmem:$0x8380] =	vst v63  }
0x57: {  	_ =	swait.ge [sflag:s20], $0x600  }
0x58: {  	s0 =	simm.s32 $0x300;
	[sflag:s20] =	ssyncset.done $0x0  }
.LBB2_2:
0x59: {  	p0 =	sne.s32 s0, $0x9900  }
0x5a: {  	[sflag:s20] =	ssyncadd.s32 $0xFFFFFA00;
	s1 =	smov.u32 s0;
	s0 =	sadd.s32 $0x300, s0  }
0x5b: {  	_ = 	snop  }
0x5c: {  	_ =	swait.ge [sflag:s24], $0x600  }
0x5d: {  	s1 =	sshra.s32 s1, $0x2;
	[sflag:s24] =	ssyncset.done $0x0  }
0x5e: {  	s21 =	sadd.s32 $0x60, s1;
	[sflag:s24] =	ssyncadd.s32 $0xFFFFFA00  }
0x5f: {  	[tilespmem:s25], [sflag:$0x2] =	stream.indirect.gather [hbm4b:s4+s23], $0x10, s21, s23, $0xb8;
	[tilespmem:$0x8380] =	vst v63  }
0x60: {  	s21 =	sadd.s32 $0x27C0, s1  }
0x61: {  	[spmem:s2] =	stream.indirect.scatter.add.f32 [tilespmem:s22], [sflag:$0x3], $0x10, s21, s23, $0xb8;
	[tilespmem:$0x8380] =	vst v63  }
0x62: {  	_ =	swait.ge [sflag:s20], $0x600  }
0x63: {  	[sflag:s20] =	ssyncset.done $0x0  }
0x64: {  	[sflag:s20] =	ssyncadd.s32 $0xFFFFFA00  }
0x65: {  	_ =	swait.ge [sflag:s26], $0x600  }
0x66: {  	[sflag:s26] =	ssyncset.done $0x0  }
0x67: {  	s21 =	sadd.s32 $0xC0, s1;
	[sflag:s26] =	ssyncadd.s32 $0xFFFFFA00  }
0x68: {  	[tilespmem:s22], [sflag:$0x1] =	stream.indirect.gather [hbm4b:s4+s23], $0x10, s21, s23, $0xb8;
	[tilespmem:$0x8380] =	vst v63  }
.Ltmp0:
0x69: {  	_ = 	snop;
	(pc) =	sbr.rel @p0 .LBB2_2-.Ltmp0, $4  }
0x6a: {  	s1 =	sadd.s32 $0x2820, s1  }
0x6b: {  	[spmem:s2] =	stream.indirect.scatter.add.f32 [tilespmem:s25], [sflag:$0x3], $0x10, s1, s23, $0xb8;
	[tilespmem:$0x8380] =	vst v63  }
0x6c: {  	_ =	swait.ge [sflag:s20], $0x600  }
0x6d: {  	[sflag:s20] =	ssyncset.done $0x0  }
0x6e: {  	[sflag:s20] =	ssyncadd.s32 $0xFFFFFA00  }
0x6f: {  	_ =	swait.ge [sflag:s24], $0x600  }
0x70: {  	[sflag:s24] =	ssyncset.done $0x0  }
0x71: {  	[sflag:s24] =	ssyncadd.s32 $0xFFFFFA00  }
0x72: {  	[tilespmem:s25], [sflag:$0x2] =	stream.indirect.gather [hbm4b:s4+s23], $0x10, s28, s23, $0xb8;
	[tilespmem:$0x8380] =	vst v63  }
0x73: {  	_ = 	snop  }
0x74: {  	[spmem:s2] =	stream.indirect.scatter.add.f32 [tilespmem:s22], [sflag:$0x3], $0x10, s29, s23, $0xb8;
	[tilespmem:$0x8380] =	vst v63  }
0x75: {  	_ =	swait.ge [sflag:s20], $0x600  }
0x76: {  	[sflag:s20] =	ssyncset.done $0x0  }
0x77: {  	[sflag:s20] =	ssyncadd.s32 $0xFFFFFA00  }
0x78: {  	_ =	swait.ge [sflag:s26], $0x600  }
0x79: {  	[sflag:s26] =	ssyncset.done $0x0  }
0x7a: {  	[sflag:s26] =	ssyncadd.s32 $0xFFFFFA00  }
0x7b: {  	[spmem:s2] =	stream.indirect.scatter.add.f32 [tilespmem:s25], [sflag:$0x3], $0x10, s30, s23, $0xb8;
	[tilespmem:$0x8380] =	vst v63  }
0x7c: {  	s0 =	stileid.u32;
	_ =	swait.ge [sflag:s20], $0x600  }
0x7d: {  	s1 =	sshrl.u32 s8, $0x3;
	s31 =	sadd.s32 $0x1, s31;
	[sflag:s20] =	ssyncset.done $0x0  }
0x7e: {  	s0 =	sshll.u32 s0, $0x6;
	p0 =	sne.s32 s31, s19;
	[sflag:s20] =	ssyncadd.s32 $0xFFFFFA00  }
.Ltmp1:
0x7f: {  	s0 =	sor.u32 $0x1C03, s0;
	[bflag:$0x0] =	sbarrier.arrive $0xFFFF;
	(pc) =	sbr.rel @p0 .LBB2_1-.Ltmp1, $4  }
0x80: {  	[hbm:s18], [sflag:s0] =	dma.local [spmem:s1], $0x500  }
0x81: {  	_ =	swait.ge [sflag:s20], $0x500  }
0x82: {  	[sflag:s20] =	ssyncset.done $0x0  }
0x83: {  	[sflag:s20] =	ssyncadd.s32 $0xFFFFFB00  }
0x84: {  	_ =	sfence.sel $0x180000  }
0x85: {  	[bflag:$0x0] =	sbarrier.arrive $0xFFFF  }
0x86: {  	_ =	strace $0x9000004D  }
0x87: {  	s0 =	stileid.u32;
	[bflag:$0x2] =	sbarrier.arrive $0xFFFF  }
0x88: {  	p0 =	sne.s32 s0, $0x0;
	s0 =	rddreg [dreg:$0x2]  }
0x89: {  	s0 =	sadd.s32 @!p0 $0x100000, s0  }
0x8a: {  	[sflag:s0] =	ssyncadd.tile.s32 @!p0 $0x1;
	_ =	shalt  }
.Lfunc_end2:
_tile_overlayer_lowered:
.L_overlay_start_2:
0x8b: {  	(tag) =	ssettag $0x2  }
0x8c: {  	s0 =	rddreg [dreg:$0x0];
	s2 =	stileid.u32  }
0x8d: {  	s1 =	rddreg [dreg:$0x1];
	p0 =	sne.s32 s2, $0x0  }
0x8e: {  	s3 =	rddreg [dreg:$0x2];
	[bflag:$0x3] =	sbarrier.arrive $0xFFFF;
	s2 =	simm.s32 @!p0 $0x1C03  }
0x8f: {  	[timem:s3], [sflag:s2] =	dma.local @!p0 [hbm:s0], s1  }
0x90: {  	s0 =	simm.s32 @!p0 $0x3  }
0x91: {  	_ =	swait.ge @!p0 [sflag:s0], s1  }
0x92: {  	s1 =	ssub.s32 @!p0 $0x0, s1;
	[sflag:s0] =	ssyncset.done @!p0 $0x0  }
0x93: {  	[sflag:s0] =	ssyncadd.s32 @!p0 s1  }
0x94: {  	[bflag:$0x3] =	sbarrier.arrive $0xFFFF  }
0x95: {  	_ =	shalt  }

// kernel: kernel.31.cloned.1.call-start
scs
__scs_entry_jumppad:
0x0: {  	(pc) =	sbr.rel $0x88, $3  }
0x1: {  	(tag) =	ssettag $0x0;
	lr =	simm.s32 $0x1  }
0x2: {  	[smem:$0x3F8C] =	sst lr;
	_ =	strace $0xD0000000  }
0x3: {  	_ = 	snop  }
0x4: {  	_ = 	snop  }
0x5: {  	_ = 	snop  }
0x6: {  	_ = 	snop  }
0x7: {  	_ = 	snop  }
__scs_overlays_trampoline_lowered:
0x8: {  	[smem:$0x3F9B] =	sst s0  }
0x9: {  	[smem:$0x3F9C] =	sst s1  }
0xa: {  	[smem:$0x3F9D] =	sst s2  }
0xb: {  	[smem:$0x3F9E] =	sst s3  }
0xc: {  	[smem:$0x3F9F] =	sst s4  }
0xd: {  	[smem:$0x3FA0] =	sst s5  }
0xe: {  	[smem:$0x3FA1] =	sst s6  }
0xf: {  	[smem:$0x3FA2] =	sst s7  }
0x10: {  	[smem:$0x3FA3] =	sst s8  }
0x11: {  	[smem:$0x3FA4] =	sst s9;
	s0 =	simm.s32 @!p0 $0x0  }
0x12: {  	s1 =	sld [smem:$0x3F8A];
	s0 =	simm.s32 @p0 $0x1  }
0x13: {  	[smem:$0x3FA5] =	sst s0;
	s0 =	simm.s32 @!p1 $0x0  }
0x14: {  	s2 =	sld [smem:$0x3F89];
	s0 =	simm.s32 @p1 $0x1  }
0x15: {  	[smem:$0x3FA6] =	sst s0;
	s0 =	simm.s32 @!p2 $0x0  }
0x16: {  	s3 =	sld [smem:$0x3FDB];
	s0 =	simm.s32 @p2 $0x1  }
0x17: {  	s4 =	simm.s32 $0x1BF5;
	[smem:$0x3FA8] =	sst s0  }
0x18: {  	s0 =	sld [smem:$0x3F8B];
	_ =	swait.ge [sflag:s4], $0x0  }
0x19: {  	s7 =	sld [smem:$0x3F8C]  }
0x1a: {  	s8 =	sadd.s32 $0xFFFFE003, lr  }
0x1b: {  	s9 =	sadd.s32 $0xFFFFFEF7, lr;
	s5 =	simm.s32 $0xFFFFFFFF;
	p2 =	slt.u32 s8, $0xFFFFF086  }
0x1c: {  	p1 =	slt.u32 s9, $0xF7A;
	s5 =	simm.s32 @!p2 $0x0  }
0x1d: {  	s5 =	simm.s32 @p1 $0x1;
	p0 =	seq.s32 s7, s2  }
0x1e: {  	s7 =	smul.u32 @!p0 $0xF7A, s2;
	p2 =	seq.s32 @!p0 s5, $0x0  }
0x1f: {  	s9 =	smul.u32 $0xF7A, s1;
	s8 =	simm.s32 @!p0 $0x1BF5;
	p2 =	por !p2, p0  }
0x20: {  	[sflag:s8] =	ssyncset.s32 @!p0 $0xFFFFF086;
	s6 =	sadd.s32 @!p0 s3, s7;
	s7 =	simm.s32 @!p0 $0x108  }
0x21: {  	s3 =	sadd.s32 s3, s9;
	s6 =	sadd.s32 @!p0 $0x88, s6;
	s7 =	simm.s32 @p2 $0x1082  }
0x22: {  	[simem:s7], [sflag:s8] =	dma.local @!p0 [hbm:s6], $0xF7A  }
0x23: {  	s9 =	sor.u32 $0xD0000000, s2;
	s6 =	simm.s32 $0x108;
	_ =	swait.ge @!p0 [sflag:s8], $0x0  }
0x24: {  	s3 =	sadd.s32 $0x88, s3;
	s6 =	simm.s32 @!p1 $0x1082;
	[sflag:s4] =	ssyncset.s32 $0xFFFFF086  }
0x25: {  	[simem:s6], [sflag:s4] =	dma.local [hbm:s3], $0xF7A  }
0x26: {  	[smem:$0x3F8C] =	sst s1;
	(tag) =	ssettag s2;
	_ =	strace s9  }
0x27: {  	s1 =	sld [smem:$0x3F9C]  }
0x28: {  	s2 =	sld [smem:$0x3F9D]  }
0x29: {  	s4 =	sld [smem:$0x3F9F]  }
0x2a: {  	p0 =	seq.s32 s5, $0x0;
	s5 =	sld [smem:$0x3FA0]  }
0x2b: {  	s6 =	sld [smem:$0x3FA1]  }
0x2c: {  	s7 =	sld [smem:$0x3FA2]  }
0x2d: {  	s3 =	simm.s32 $0x108;
	s8 =	sld [smem:$0x3FA3]  }
0x2e: {  	s3 =	simm.s32 @!p0 $0x1082;
	s9 =	sld [smem:$0x3FA4]  }
0x2f: {  	lr =	sadd.s32 s0, s3;
	s0 =	sld [smem:$0x3F9B]  }
0x30: {  	s3 =	sld [smem:$0x3F9E]  }
0x31: {  	[smem:$0x3FA7] =	sst s10  }
0x32: {  	s10 =	sld [smem:$0x3FA5];
	_ =	sdelay $0x3  }
0x33: {  	p0 =	seq.s32 s10, $0x1;
	s10 =	sld [smem:$0x3FA7];
	_ =	sdelay $0x3  }
0x34: {  	[smem:$0x3FA7] =	sst s10  }
0x35: {  	s10 =	sld [smem:$0x3FA6];
	_ =	sdelay $0x3  }
0x36: {  	p1 =	seq.s32 s10, $0x1;
	s10 =	sld [smem:$0x3FA7];
	_ =	sdelay $0x3  }
0x37: {  	[smem:$0x3FA7] =	sst s10  }
0x38: {  	s10 =	sld [smem:$0x3FA8]  }
0x39: {  	_ = 	snop;
	(pc) =	sbr.ind lr, $3  }
0x3a: {  	_ = 	snop  }
0x3b: {  	_ = 	snop  }
0x3c: {  	p2 =	seq.s32 s10, $0x1;
	s10 =	sld [smem:$0x3FA7]  }
0x3d: {  	_ =	shalt  }
0x3e: {  	_ =	shalt  }
0x3f: {  	_ =	shalt  }
0x40: {  	_ =	shalt  }
0x41: {  	_ =	shalt  }
0x42: {  	_ =	shalt  }
0x43: {  	_ =	shalt  }
0x44: {  	_ =	shalt  }
0x45: {  	_ =	shalt  }
0x46: {  	_ =	shalt  }
0x47: {  	_ =	shalt  }
0x48: {  	_ =	shalt  }
0x49: {  	_ =	shalt  }
0x4a: {  	_ =	shalt  }
0x4b: {  	_ =	shalt  }
0x4c: {  	_ =	shalt  }
0x4d: {  	_ =	shalt  }
0x4e: {  	_ =	shalt  }
0x4f: {  	_ =	shalt  }
0x50: {  	_ =	shalt  }
0x51: {  	_ =	shalt  }
0x52: {  	_ =	shalt  }
0x53: {  	_ =	shalt  }
0x54: {  	_ =	shalt  }
0x55: {  	_ =	shalt  }
0x56: {  	_ =	shalt  }
0x57: {  	_ =	shalt  }
0x58: {  	_ =	shalt  }
0x59: {  	_ =	shalt  }
0x5a: {  	_ =	shalt  }
0x5b: {  	_ =	shalt  }
0x5c: {  	_ =	shalt  }
0x5d: {  	_ =	shalt  }
0x5e: {  	_ =	shalt  }
0x5f: {  	_ =	shalt  }
0x60: {  	_ =	shalt  }
0x61: {  	_ =	shalt  }
0x62: {  	_ =	shalt  }
0x63: {  	_ =	shalt  }
0x64: {  	_ =	shalt  }
0x65: {  	_ =	shalt  }
0x66: {  	_ =	shalt  }
0x67: {  	_ =	shalt  }
0x68: {  	_ =	shalt  }
0x69: {  	_ =	shalt  }
0x6a: {  	_ =	shalt  }
0x6b: {  	_ =	shalt  }
0x6c: {  	_ =	shalt  }
0x6d: {  	_ =	shalt  }
0x6e: {  	_ =	shalt  }
0x6f: {  	_ =	shalt  }
0x70: {  	_ =	shalt  }
0x71: {  	_ =	shalt  }
0x72: {  	_ =	shalt  }
0x73: {  	_ =	shalt  }
0x74: {  	_ =	shalt  }
0x75: {  	_ =	shalt  }
0x76: {  	_ =	shalt  }
0x77: {  	_ =	shalt  }
0x78: {  	_ =	shalt  }
0x79: {  	_ =	shalt  }
0x7a: {  	_ =	shalt  }
0x7b: {  	_ =	shalt  }
0x7c: {  	_ =	shalt  }
0x7d: {  	_ =	shalt  }
0x7e: {  	_ =	shalt  }
0x7f: {  	_ =	shalt  }
0x80: {  	_ =	shalt  }
0x81: {  	_ =	shalt  }
0x82: {  	_ =	shalt  }
0x83: {  	_ =	shalt  }
0x84: {  	_ =	shalt  }
0x85: {  	_ =	shalt  }
0x86: {  	_ =	shalt  }
0x87: {  	_ =	shalt  }
.Lfunc_end0:
.L_simem_size_0:
called_computation.3_lowered:
.L_overlay_start_0:
0x88: {  	s2 =	sld [smem:$0x3FD9]  }
0x89: {  	s3 =	sld [smem:$0x3FFE];
	_ =	sdelay $0x1  }
0x8a: {  	s1 =	srdreg.scid  }
0x8b: {  	s0 =	sand.u32 $0x1, s1  }
0x8c: {  	s16 =	sshll.u32 s0, $0xA;
	s2 =	sadd.s32 s3, s2  }
0x8d: {  	s2 =	sadd.s32 s2, s16  }
0x8e: {  	[smem:$0x3FB3] =	sst s2  }
0x8f: {  	_ = 	snop  }
0x90: {  	(tm) =	ssettm $0x1  }
0x91: {  	s17 =	sld [smem:$0x3FFB];
	_ =	sdelay $0x3  }
0x92: {  	_ =	strace s17  }
0x93: {  	s2 =	sld [smem:$0x3FFC];
	_ =	sdelay $0x3  }
0x94: {  	_ =	strace s2  }
0x95: {  	s2 =	sld [smem:$0x3FFD];
	_ =	sdelay $0x3  }
0x96: {  	_ =	strace s2  }
0x97: {  	_ =	strace $0x8FFFFFFF  }
0x98: {  	s18 =	sld [smem:$0x3FDB];
	_ =	sdelay $0x1  }
0x99: {  	s19 =	simm.s32 $_scs_section_size  }
0x9a: {  	s4 =	simm.s32 $_size__tile_overlayer_lowered;
	s5 =	simm.s32 $_tile_overlayer_lowered  }
0x9b: {  	s22 =	simm.s32 $0x1BFF;
	s21 =	sshll.u32 s5, $0x1;
	s2 =	sadd.s32 s19, s18  }
0x9c: {  	s6 =	simm.s32 $0x0;
	s20 =	sshll.u32 s4, $0x1;
	s4 =	sadd.s32 s21, s2  }
0x9d: {  	[timem:s6], [sflag:s22] =	dma.local [hbm:s4], s20  }
0x9e: {  	_ =	swait.ge [sflag:s22], s20  }
0x9f: {  	s3 =	ssub.s32 $0x0, s20;
	[sflag:s22] =	ssyncset.done $0x0  }
0xa0: {  	[sflag:s22] =	ssyncadd.s32 s3;
	_ =	sdelay $0x1  }
0xa1: {  	s23 =	simm.s32 $0x1B8B  }
0xa2: {  	_ =	swait.ge [sflag:s23], $0x1  }
0xa3: {  	[sflag:s23] =	ssyncset.done $0x0  }
0xa4: {  	s25 =	simm.s32 $0x1B8E;
	s24 =	sld [smem:$0x3FFE];
	[sflag:s23] =	ssyncadd.s32 $0xFFFFFFFF  }
0xa5: {  	s26 =	simm.s32 $execute0_lowered;
	[smem:$0x3FD2] =	sst s25  }
0xa6: {  	s4 =	sshll.u32 s26, $0x1;
	_ =	strace $0x8000004F;
	[dreg:$0x1] =	wrdreg $0xFFFFFFFF  }
0xa7: {  	s28 =	simm.s32 $_size_execute0_lowered;
	s2 =	sadd.s32 s2, s4;
	[dreg:$0x0] =	wrdreg $0x0  }
0xa8: {  	s4 =	sshll.u32 s28, $0x1;
	[dreg:$0x2] =	wrdreg s2  }
0xa9: {  	[dreg:$0x3] =	wrdreg s4  }
0xaa: {  	[dreg:$0x4] =	wrdreg $0xC0  }
0xab: {  	_ =	task [dreg:s6], $0x5FFFF  }
0xac: {  	[dreg:$0x1] =	wrdreg $0xFFFFFFFF  }
0xad: {  	[dreg:$0x0] =	wrdreg $0x60  }
0xae: {  	[dreg:$0x2] =	wrdreg s24  }
0xaf: {  	[dreg:$0x3] =	wrdreg $0x5B800  }
0xb0: {  	[dreg:$0x4] =	wrdreg $0x9  }
0xb1: {  	_ =	task.clear_ibuf [dreg:s6], $0x5FFFF;
	_ =	strace $0x9000004F  }
0xb2: {  	s29 =	simm.s32 $0x9;
	_ =	strace $0x80000051  }
0xb3: {  	_ =	swait.ge [sflag:s29], $0x1  }
0xb4: {  	[sflag:s29] =	ssyncadd.s32 $0xFFFFFFFF  }
0xb5: {  	_ =	strace $0x90000051  }
0xb6: {  	_ =	sfence  }
0xb7: {  	s30 =	sld [smem:$0x0];
	_ =	sdelay $0x2  }
0xb8: {  	s31 =	sshll.u32 s1, $0xD;
	s1 =	sshrl.u32 s1, $0x2  }
0xb9: {  	s3 =	sand.u32 $0x4000, s31;
	s1 =	sadd.s32 s1, s30  }
0xba: {  	s0 =	sor.u32 s3, s0;
	s1 =	sshll.u32 s1, $0x11  }
0xbb: {  	s0 =	sor.u32 s1, s0  }
0xbc: {  	s0 =	sadd.s32 $0x8F2B, s0  }
0xbd: {  	[sflag:s0] =	ssyncadd.remote.s32 $0x1  }
0xbe: {  	_ =	sfence.sel $0xFFFF  }
0xbf: {  	[dreg:$0x0] =	wrdreg $0xFFFFFFFF;
	(pc) =	sbr.abs _section_cstart, $3  }
0xc0: {  	[dreg:$0x1] =	wrdreg $0xFFFFFFFF  }
0xc1: {  	_ =	task.clear_ibuf [dreg:s6], $0x2FFFF;
	_ =	strace $0x9FFFFFFF  }
0xc2: {  	(tm) =	ssettm $0x7FFFFFFF  }
0xc3: {  	_ =	shalt  }
tec
execute0_lowered:
.L_overlay_start_1:
0x0: {  	(tag) =	ssettag $0x1  }
0x1: {  	s0 =	rddreg [dreg:$0x0]  }
0x2: {  	s2 =	rddreg [dreg:$0x1];
	s3 =	simm.s32 $0x0;
	s4 =	srdreg.scid  }
0x3: {  	s1 =	stileid.u32;
	s20 =	simm.s32 $0x3;
	s22 =	simm.s32 $0x4F80  }
0x4: {  	s23 =	simm.s32 $0x60;
	s24 =	simm.s32 $0x1;
	s28 =	simm.s32 $0x2760  }
0x5: {  	s29 =	simm.s32 $0x4EC0;
	s30 =	simm.s32 $0x4F20;
	s31 =	simm.s32 $0x0  }
0x6: {  	s5 =	sand.u32 $0x1, s4;
	s25 =	sshll.u32 s1, $0x1;
	s8 =	smul.u32 $0x2800, s1  }
0x7: {  	[smem:$0x7FF] =	sst s3;
	s4 =	sadd.s32 $0x8C00, s0;
	s9 =	smul.u32 $0xA000, s1  }
0x8: {  	s6 =	sor.u32 s5, s25;
	s7 =	smul.u32 $0x28000, s5;
	_ =	strace $0x80000050  }
0x9: {  	s5 =	ssub.s32 $0x2, s5;
	s25 =	simm.s32 $0x5580;
	s6 =	smul.u32 $0x4F8, s6  }
0xa: {  	s10 =	sshrl.u32 s5, $0x1;
	s26 =	sshrl.u32 s9, $0x2;
	s7 =	sadd.s32 s8, s7  }
0xb: {  	s19 =	ssub.s32 s5, s10;
	s17 =	sadd.s32 s26, s2;
	s8 =	sadd.s32 s8, s2  }
0xc: {  	s26 =	simm.s32 $0x2;
	s6 =	sadd.s32 s6, s0;
	s7 =	sshrl.u32 s7, $0x3  }
0xd: {  	s9 =	sadd.s32 $0x400, s17;
	s10 =	sadd.s32 $0x800, s17;
	s11 =	sadd.s32 $0xC00, s17  }
0xe: {  	s12 =	sadd.s32 $0x1000, s17;
	s13 =	sadd.s32 $0x1400, s17;
	s14 =	sadd.s32 $0x1800, s17  }
0xf: {  	s15 =	sadd.s32 $0x1C00, s17;
	s16 =	sadd.s32 $0x2000, s17;
	s17 =	sadd.s32 $0x2400, s17  }
0x10: {  	s19 =	smax.u32 s19, $0x1;
	s18 =	sadd.s32 s7, s0;
	s5 =	sadd.s32 $0x17C00, s6  }
0x11: {  	s6 =	sadd.s32 $0xDC00, s6;
	s7 =	sadd.s32 $0xDB80, s0;
	s18 =	sadd.s32 $0x21C00, s18  }
.LBB2_1:
0x12: {  	[tilespmem:s3], [sflag:$0x3] =	stream.linear.gather [hbm4b:s5+s3], $0x27C0, $0x38;
	[tilespmem:$0x8380] =	vst v63  }
0x13: {  	_ =	swait.ge [sflag:s20], $0x27C0  }
0x14: {  	[sflag:s20] =	ssyncset.done $0x0  }
0x15: {  	s0 =	simm.s32 $0x27C0;
	[sflag:s20] =	ssyncadd.s32 $0xFFFFD840  }
0x16: {  	[tilespmem:s0], [sflag:$0x3] =	stream.linear.gather [hbm4b:s6+s3], $0x27C0, $0x38;
	[tilespmem:$0x8380] =	vst v63  }
0x17: {  	_ =	swait.ge [sflag:s20], $0x27C0  }
0x18: {  	[sflag:s20] =	ssyncset.done $0x0  }
0x19: {  	[sflag:s20] =	ssyncadd.s32 $0xFFFFD840  }
0x1a: {  	[tilespmem:s22], [sflag:$0x3] =	stream.linear.gather [hbm4b:s7+s3], $0x400, $0x38;
	[tilespmem:$0x8380] =	vst v63  }
0x1b: {  	_ =	swait.ge [sflag:s20], $0x400  }
0x1c: {  	[sflag:s20] =	ssyncset.done $0x0  }
0x1d: {  	[sflag:s20] =	ssyncadd.s32 $0xFFFFFC00  }
0x1e: {  	[spmem:s8] =	stream.linear.scatter [tilespmem:s22], [sflag:$0x3], $0x400, $0x38;
	[tilespmem:$0x8380] =	vst v63  }
0x1f: {  	_ =	swait.ge [sflag:s20], $0x400  }
0x20: {  	[sflag:s20] =	ssyncset.done $0x0  }
0x21: {  	[sflag:s20] =	ssyncadd.s32 $0xFFFFFC00  }
0x22: {  	[spmem:s9] =	stream.linear.scatter [tilespmem:s22], [sflag:$0x3], $0x400, $0x38;
	[tilespmem:$0x8380] =	vst v63  }
0x23: {  	_ =	swait.ge [sflag:s20], $0x400  }
0x24: {  	[sflag:s20] =	ssyncset.done $0x0  }
0x25: {  	[sflag:s20] =	ssyncadd.s32 $0xFFFFFC00  }
0x26: {  	[spmem:s10] =	stream.linear.scatter [tilespmem:s22], [sflag:$0x3], $0x400, $0x38;
	[tilespmem:$0x8380] =	vst v63  }
0x27: {  	_ =	swait.ge [sflag:s20], $0x400  }
0x28: {  	[sflag:s20] =	ssyncset.done $0x0  }
0x29: {  	[sflag:s20] =	ssyncadd.s32 $0xFFFFFC00  }
0x2a: {  	[spmem:s11] =	stream.linear.scatter [tilespmem:s22], [sflag:$0x3], $0x400, $0x38;
	[tilespmem:$0x8380] =	vst v63  }
0x2b: {  	_ =	swait.ge [sflag:s20], $0x400  }
0x2c: {  	[sflag:s20] =	ssyncset.done $0x0  }
0x2d: {  	[sflag:s20] =	ssyncadd.s32 $0xFFFFFC00  }
0x2e: {  	[spmem:s12] =	stream.linear.scatter [tilespmem:s22], [sflag:$0x3], $0x400, $0x38;
	[tilespmem:$0x8380] =	vst v63  }
0x2f: {  	_ =	swait.ge [sflag:s20], $0x400  }
0x30: {  	[sflag:s20] =	ssyncset.done $0x0  }
0x31: {  	[sflag:s20] =	ssyncadd.s32 $0xFFFFFC00  }
0x32: {  	[spmem:s13] =	stream.linear.scatter [tilespmem:s22], [sflag:$0x3], $0x400, $0x38;
	[tilespmem:$0x8380] =	vst v63  }
0x33: {  	_ =	swait.ge [sflag:s20], $0x400  }
0x34: {  	[sflag:s20] =	ssyncset.done $0x0  }
0x35: {  	[sflag:s20] =	ssyncadd.s32 $0xFFFFFC00  }
0x36: {  	[spmem:s14] =	stream.linear.scatter [tilespmem:s22], [sflag:$0x3], $0x400, $0x38;
	[tilespmem:$0x8380] =	vst v63  }
0x37: {  	_ =	swait.ge [sflag:s20], $0x400  }
0x38: {  	[sflag:s20] =	ssyncset.done $0x0  }
0x39: {  	[sflag:s20] =	ssyncadd.s32 $0xFFFFFC00  }
0x3a: {  	[spmem:s15] =	stream.linear.scatter [tilespmem:s22], [sflag:$0x3], $0x400, $0x38;
	[tilespmem:$0x8380] =	vst v63  }
0x3b: {  	_ =	swait.ge [sflag:s20], $0x400  }
0x3c: {  	[sflag:s20] =	ssyncset.done $0x0  }
0x3d: {  	[sflag:s20] =	ssyncadd.s32 $0xFFFFFC00  }
0x3e: {  	[spmem:s16] =	stream.linear.scatter [tilespmem:s22], [sflag:$0x3], $0x400, $0x38;
	[tilespmem:$0x8380] =	vst v63  }
0x3f: {  	_ =	swait.ge [sflag:s20], $0x400  }
0x40: {  	[sflag:s20] =	ssyncset.done $0x0  }
0x41: {  	[sflag:s20] =	ssyncadd.s32 $0xFFFFFC00  }
0x42: {  	[spmem:s17] =	stream.linear.scatter [tilespmem:s22], [sflag:$0x3], $0x400, $0x38;
	[tilespmem:$0x8380] =	vst v63  }
0x43: {  	_ =	swait.ge [sflag:s20], $0x400  }
0x44: {  	[sflag:s20] =	ssyncset.done $0x0  }
0x45: {  	[sflag:s20] =	ssyncadd.s32 $0xFFFFFC00  }
0x46: {  	[bflag:$0x0] =	sbarrier.arrive $0xFFFF  }
0x47: {  	[tilespmem:s22], [sflag:$0x1] =	stream.indirect.gather [hbm4b:s4+s23], $0x10, s3, s23, $0xb8;
	[tilespmem:$0x8380] =	vst v63  }
0x48: {  	_ =	swait.ge [sflag:s24], $0x600  }
0x49: {  	[sflag:s24] =	ssyncset.done $0x0  }
0x4a: {  	s1 =	simm.s32 $0x60;
	[sflag:s24] =	ssyncadd.s32 $0xFFFFFA00  }
0x4b: {  	[tilespmem:s25], [sflag:$0x2] =	stream.indirect.gather [hbm4b:s4+s23], $0x10, s1, s23, $0xb8;
	[tilespmem:$0x8380] =	vst v63  }
0x4c: {  	s21 =	simm.s32 $0x27C0  }
0x4d: {  	[spmem:s2] =	stream.indirect.scatter.add.f32 [tilespmem:s22], [sflag:$0x3], $0x10, s21, s23, $0xb8;
	[tilespmem:$0x8380] =	vst v63  }
0x4e: {  	_ =	swait.ge [sflag:s20], $0x600  }
0x4f: {  	[sflag:s20] =	ssyncset.done $0x0  }
0x50: {  	[sflag:s20] =	ssyncadd.s32 $0xFFFFFA00  }
0x51: {  	_ =	swait.ge [sflag:s26], $0x600  }
0x52: {  	[sflag:s26] =	ssyncset.done $0x0  }
0x53: {  	s1 =	simm.s32 $0xC0;
	[sflag:s26] =	ssyncadd.s32 $0xFFFFFA00  }
0x54: {  	[tilespmem:s22], [sflag:$0x1] =	stream.indirect.gather [hbm4b:s4+s23], $0x10, s1, s23, $0xb8;
	[tilespmem:$0x8380] =	vst v63  }
0x55: {  	s21 =	simm.s32 $0x2820  }
0x56: {  	[spmem:s2] =	stream.indirect.scatter.add.f32 [tilespmem:s25], [sflag:$0x3], $0x10, s21, s23, $0xb8;
	[tilespmem:$0x8380] =	vst v63  }
0x57: {  	_ =	swait.ge [sflag:s20], $0x600  }
0x58: {  	s0 =	simm.s32 $0x300;
	[sflag:s20] =	ssyncset.done $0x0  }
.LBB2_2:
0x59: {  	p0 =	sne.s32 s0, $0x9900  }
0x5a: {  	[sflag:s20] =	ssyncadd.s32 $0xFFFFFA00;
	s1 =	smov.u32 s0;
	s0 =	sadd.s32 $0x300, s0  }
0x5b: {  	_ = 	snop  }
0x5c: {  	_ =	swait.ge [sflag:s24], $0x600  }
0x5d: {  	s1 =	sshra.s32 s1, $0x2;
	[sflag:s24] =	ssyncset.done $0x0  }
0x5e: {  	s21 =	sadd.s32 $0x60, s1;
	[sflag:s24] =	ssyncadd.s32 $0xFFFFFA00  }
0x5f: {  	[tilespmem:s25], [sflag:$0x2] =	stream.indirect.gather [hbm4b:s4+s23], $0x10, s21, s23, $0xb8;
	[tilespmem:$0x8380] =	vst v63  }
0x60: {  	s21 =	sadd.s32 $0x27C0, s1  }
0x61: {  	[spmem:s2] =	stream.indirect.scatter.add.f32 [tilespmem:s22], [sflag:$0x3], $0x10, s21, s23, $0xb8;
	[tilespmem:$0x8380] =	vst v63  }
0x62: {  	_ =	swait.ge [sflag:s20], $0x600  }
0x63: {  	[sflag:s20] =	ssyncset.done $0x0  }
0x64: {  	[sflag:s20] =	ssyncadd.s32 $0xFFFFFA00  }
0x65: {  	_ =	swait.ge [sflag:s26], $0x600  }
0x66: {  	[sflag:s26] =	ssyncset.done $0x0  }
0x67: {  	s21 =	sadd.s32 $0xC0, s1;
	[sflag:s26] =	ssyncadd.s32 $0xFFFFFA00  }
0x68: {  	[tilespmem:s22], [sflag:$0x1] =	stream.indirect.gather [hbm4b:s4+s23], $0x10, s21, s23, $0xb8;
	[tilespmem:$0x8380] =	vst v63  }
.Ltmp0:
0x69: {  	_ = 	snop;
	(pc) =	sbr.rel @p0 .LBB2_2-.Ltmp0, $4  }
0x6a: {  	s1 =	sadd.s32 $0x2820, s1  }
0x6b: {  	[spmem:s2] =	stream.indirect.scatter.add.f32 [tilespmem:s25], [sflag:$0x3], $0x10, s1, s23, $0xb8;
	[tilespmem:$0x8380] =	vst v63  }
0x6c: {  	_ =	swait.ge [sflag:s20], $0x600  }
0x6d: {  	[sflag:s20] =	ssyncset.done $0x0  }
0x6e: {  	[sflag:s20] =	ssyncadd.s32 $0xFFFFFA00  }
0x6f: {  	_ =	swait.ge [sflag:s24], $0x600  }
0x70: {  	[sflag:s24] =	ssyncset.done $0x0  }
0x71: {  	[sflag:s24] =	ssyncadd.s32 $0xFFFFFA00  }
0x72: {  	[tilespmem:s25], [sflag:$0x2] =	stream.indirect.gather [hbm4b:s4+s23], $0x10, s28, s23, $0xb8;
	[tilespmem:$0x8380] =	vst v63  }
0x73: {  	_ = 	snop  }
0x74: {  	[spmem:s2] =	stream.indirect.scatter.add.f32 [tilespmem:s22], [sflag:$0x3], $0x10, s29, s23, $0xb8;
	[tilespmem:$0x8380] =	vst v63  }
0x75: {  	_ =	swait.ge [sflag:s20], $0x600  }
0x76: {  	[sflag:s20] =	ssyncset.done $0x0  }
0x77: {  	[sflag:s20] =	ssyncadd.s32 $0xFFFFFA00  }
0x78: {  	_ =	swait.ge [sflag:s26], $0x600  }
0x79: {  	[sflag:s26] =	ssyncset.done $0x0  }
0x7a: {  	[sflag:s26] =	ssyncadd.s32 $0xFFFFFA00  }
0x7b: {  	[spmem:s2] =	stream.indirect.scatter.add.f32 [tilespmem:s25], [sflag:$0x3], $0x10, s30, s23, $0xb8;
	[tilespmem:$0x8380] =	vst v63  }
0x7c: {  	s0 =	stileid.u32;
	_ =	swait.ge [sflag:s20], $0x600  }
0x7d: {  	s1 =	sshrl.u32 s8, $0x3;
	s31 =	sadd.s32 $0x1, s31;
	[sflag:s20] =	ssyncset.done $0x0  }
0x7e: {  	s0 =	sshll.u32 s0, $0x6;
	p0 =	sne.s32 s31, s19;
	[sflag:s20] =	ssyncadd.s32 $0xFFFFFA00  }
.Ltmp1:
0x7f: {  	s0 =	sor.u32 $0x1C03, s0;
	[bflag:$0x0] =	sbarrier.arrive $0xFFFF;
	(pc) =	sbr.rel @p0 .LBB2_1-.Ltmp1, $4  }
0x80: {  	[hbm:s18], [sflag:s0] =	dma.local [spmem:s1], $0x500  }
0x81: {  	_ =	swait.ge [sflag:s20], $0x500  }
0x82: {  	[sflag:s20] =	ssyncset.done $0x0  }
0x83: {  	[sflag:s20] =	ssyncadd.s32 $0xFFFFFB00  }
0x84: {  	_ =	sfence.sel $0x180000  }
0x85: {  	[bflag:$0x0] =	sbarrier.arrive $0xFFFF  }
0x86: {  	_ =	strace $0x90000050  }
0x87: {  	s0 =	stileid.u32;
	[bflag:$0x2] =	sbarrier.arrive $0xFFFF  }
0x88: {  	p0 =	sne.s32 s0, $0x0;
	s0 =	rddreg [dreg:$0x2]  }
0x89: {  	s0 =	sadd.s32 @!p0 $0x100000, s0  }
0x8a: {  	[sflag:s0] =	ssyncadd.tile.s32 @!p0 $0x1;
	_ =	shalt  }
.Lfunc_end2:
_tile_overlayer_lowered:
.L_overlay_start_2:
0x8b: {  	(tag) =	ssettag $0x2  }
0x8c: {  	s0 =	rddreg [dreg:$0x0];
	s2 =	stileid.u32  }
0x8d: {  	s1 =	rddreg [dreg:$0x1];
	p0 =	sne.s32 s2, $0x0  }
0x8e: {  	s3 =	rddreg [dreg:$0x2];
	[bflag:$0x3] =	sbarrier.arrive $0xFFFF;
	s2 =	simm.s32 @!p0 $0x1C03  }
0x8f: {  	[timem:s3], [sflag:s2] =	dma.local @!p0 [hbm:s0], s1  }
0x90: {  	s0 =	simm.s32 @!p0 $0x3  }
0x91: {  	_ =	swait.ge @!p0 [sflag:s0], s1  }
0x92: {  	s1 =	ssub.s32 @!p0 $0x0, s1;
	[sflag:s0] =	ssyncset.done @!p0 $0x0  }
0x93: {  	[sflag:s0] =	ssyncadd.s32 @!p0 s1  }
0x94: {  	[bflag:$0x3] =	sbarrier.arrive $0xFFFF  }
0x95: {  	_ =	shalt  }

// kernel: kernel.34.cloned.1.call-start
scs
__scs_entry_jumppad:
0x0: {  	(pc) =	sbr.rel $0x88, $3  }
0x1: {  	(tag) =	ssettag $0x0;
	lr =	simm.s32 $0x1  }
0x2: {  	[smem:$0x3F8C] =	sst lr;
	_ =	strace $0xD0000000  }
0x3: {  	_ = 	snop  }
0x4: {  	_ = 	snop  }
0x5: {  	_ = 	snop  }
0x6: {  	_ = 	snop  }
0x7: {  	_ = 	snop  }
__scs_overlays_trampoline_lowered:
0x8: {  	[smem:$0x3F9B] =	sst s0  }
0x9: {  	[smem:$0x3F9C] =	sst s1  }
0xa: {  	[smem:$0x3F9D] =	sst s2  }
0xb: {  	[smem:$0x3F9E] =	sst s3  }
0xc: {  	[smem:$0x3F9F] =	sst s4  }
0xd: {  	[smem:$0x3FA0] =	sst s5  }
0xe: {  	[smem:$0x3FA1] =	sst s6  }
0xf: {  	[smem:$0x3FA2] =	sst s7  }
0x10: {  	[smem:$0x3FA3] =	sst s8  }
0x11: {  	[smem:$0x3FA4] =	sst s9;
	s0 =	simm.s32 @!p0 $0x0  }
0x12: {  	s1 =	sld [smem:$0x3F8A];
	s0 =	simm.s32 @p0 $0x1  }
0x13: {  	[smem:$0x3FA5] =	sst s0;
	s0 =	simm.s32 @!p1 $0x0  }
0x14: {  	s2 =	sld [smem:$0x3F89];
	s0 =	simm.s32 @p1 $0x1  }
0x15: {  	[smem:$0x3FA6] =	sst s0;
	s0 =	simm.s32 @!p2 $0x0  }
0x16: {  	s3 =	sld [smem:$0x3FDB];
	s0 =	simm.s32 @p2 $0x1  }
0x17: {  	s4 =	simm.s32 $0x1BF5;
	[smem:$0x3FA8] =	sst s0  }
0x18: {  	s0 =	sld [smem:$0x3F8B];
	_ =	swait.ge [sflag:s4], $0x0  }
0x19: {  	s7 =	sld [smem:$0x3F8C]  }
0x1a: {  	s8 =	sadd.s32 $0xFFFFE003, lr  }
0x1b: {  	s9 =	sadd.s32 $0xFFFFFEF7, lr;
	s5 =	simm.s32 $0xFFFFFFFF;
	p2 =	slt.u32 s8, $0xFFFFF086  }
0x1c: {  	p1 =	slt.u32 s9, $0xF7A;
	s5 =	simm.s32 @!p2 $0x0  }
0x1d: {  	s5 =	simm.s32 @p1 $0x1;
	p0 =	seq.s32 s7, s2  }
0x1e: {  	s7 =	smul.u32 @!p0 $0xF7A, s2;
	p2 =	seq.s32 @!p0 s5, $0x0  }
0x1f: {  	s9 =	smul.u32 $0xF7A, s1;
	s8 =	simm.s32 @!p0 $0x1BF5;
	p2 =	por !p2, p0  }
0x20: {  	[sflag:s8] =	ssyncset.s32 @!p0 $0xFFFFF086;
	s6 =	sadd.s32 @!p0 s3, s7;
	s7 =	simm.s32 @!p0 $0x108  }
0x21: {  	s3 =	sadd.s32 s3, s9;
	s6 =	sadd.s32 @!p0 $0x88, s6;
	s7 =	simm.s32 @p2 $0x1082  }
0x22: {  	[simem:s7], [sflag:s8] =	dma.local @!p0 [hbm:s6], $0xF7A  }
0x23: {  	s9 =	sor.u32 $0xD0000000, s2;
	s6 =	simm.s32 $0x108;
	_ =	swait.ge @!p0 [sflag:s8], $0x0  }
0x24: {  	s3 =	sadd.s32 $0x88, s3;
	s6 =	simm.s32 @!p1 $0x1082;
	[sflag:s4] =	ssyncset.s32 $0xFFFFF086  }
0x25: {  	[simem:s6], [sflag:s4] =	dma.local [hbm:s3], $0xF7A  }
0x26: {  	[smem:$0x3F8C] =	sst s1;
	(tag) =	ssettag s2;
	_ =	strace s9  }
0x27: {  	s1 =	sld [smem:$0x3F9C]  }
0x28: {  	s2 =	sld [smem:$0x3F9D]  }
0x29: {  	s4 =	sld [smem:$0x3F9F]  }
0x2a: {  	p0 =	seq.s32 s5, $0x0;
	s5 =	sld [smem:$0x3FA0]  }
0x2b: {  	s6 =	sld [smem:$0x3FA1]  }
0x2c: {  	s7 =	sld [smem:$0x3FA2]  }
0x2d: {  	s3 =	simm.s32 $0x108;
	s8 =	sld [smem:$0x3FA3]  }
0x2e: {  	s3 =	simm.s32 @!p0 $0x1082;
	s9 =	sld [smem:$0x3FA4]  }
0x2f: {  	lr =	sadd.s32 s0, s3;
	s0 =	sld [smem:$0x3F9B]  }
0x30: {  	s3 =	sld [smem:$0x3F9E]  }
0x31: {  	[smem:$0x3FA7] =	sst s10  }
0x32: {  	s10 =	sld [smem:$0x3FA5];
	_ =	sdelay $0x3  }
0x33: {  	p0 =	seq.s32 s10, $0x1;
	s10 =	sld [smem:$0x3FA7];
	_ =	sdelay $0x3  }
0x34: {  	[smem:$0x3FA7] =	sst s10  }
0x35: {  	s10 =	sld [smem:$0x3FA6];
	_ =	sdelay $0x3  }
0x36: {  	p1 =	seq.s32 s10, $0x1;
	s10 =	sld [smem:$0x3FA7];
	_ =	sdelay $0x3  }
0x37: {  	[smem:$0x3FA7] =	sst s10  }
0x38: {  	s10 =	sld [smem:$0x3FA8]  }
0x39: {  	_ = 	snop;
	(pc) =	sbr.ind lr, $3  }
0x3a: {  	_ = 	snop  }
0x3b: {  	_ = 	snop  }
0x3c: {  	p2 =	seq.s32 s10, $0x1;
	s10 =	sld [smem:$0x3FA7]  }
0x3d: {  	_ =	shalt  }
0x3e: {  	_ =	shalt  }
0x3f: {  	_ =	shalt  }
0x40: {  	_ =	shalt  }
0x41: {  	_ =	shalt  }
0x42: {  	_ =	shalt  }
0x43: {  	_ =	shalt  }
0x44: {  	_ =	shalt  }
0x45: {  	_ =	shalt  }
0x46: {  	_ =	shalt  }
0x47: {  	_ =	shalt  }
0x48: {  	_ =	shalt  }
0x49: {  	_ =	shalt  }
0x4a: {  	_ =	shalt  }
0x4b: {  	_ =	shalt  }
0x4c: {  	_ =	shalt  }
0x4d: {  	_ =	shalt  }
0x4e: {  	_ =	shalt  }
0x4f: {  	_ =	shalt  }
0x50: {  	_ =	shalt  }
0x51: {  	_ =	shalt  }
0x52: {  	_ =	shalt  }
0x53: {  	_ =	shalt  }
0x54: {  	_ =	shalt  }
0x55: {  	_ =	shalt  }
0x56: {  	_ =	shalt  }
0x57: {  	_ =	shalt  }
0x58: {  	_ =	shalt  }
0x59: {  	_ =	shalt  }
0x5a: {  	_ =	shalt  }
0x5b: {  	_ =	shalt  }
0x5c: {  	_ =	shalt  }
0x5d: {  	_ =	shalt  }
0x5e: {  	_ =	shalt  }
0x5f: {  	_ =	shalt  }
0x60: {  	_ =	shalt  }
0x61: {  	_ =	shalt  }
0x62: {  	_ =	shalt  }
0x63: {  	_ =	shalt  }
0x64: {  	_ =	shalt  }
0x65: {  	_ =	shalt  }
0x66: {  	_ =	shalt  }
0x67: {  	_ =	shalt  }
0x68: {  	_ =	shalt  }
0x69: {  	_ =	shalt  }
0x6a: {  	_ =	shalt  }
0x6b: {  	_ =	shalt  }
0x6c: {  	_ =	shalt  }
0x6d: {  	_ =	shalt  }
0x6e: {  	_ =	shalt  }
0x6f: {  	_ =	shalt  }
0x70: {  	_ =	shalt  }
0x71: {  	_ =	shalt  }
0x72: {  	_ =	shalt  }
0x73: {  	_ =	shalt  }
0x74: {  	_ =	shalt  }
0x75: {  	_ =	shalt  }
0x76: {  	_ =	shalt  }
0x77: {  	_ =	shalt  }
0x78: {  	_ =	shalt  }
0x79: {  	_ =	shalt  }
0x7a: {  	_ =	shalt  }
0x7b: {  	_ =	shalt  }
0x7c: {  	_ =	shalt  }
0x7d: {  	_ =	shalt  }
0x7e: {  	_ =	shalt  }
0x7f: {  	_ =	shalt  }
0x80: {  	_ =	shalt  }
0x81: {  	_ =	shalt  }
0x82: {  	_ =	shalt  }
0x83: {  	_ =	shalt  }
0x84: {  	_ =	shalt  }
0x85: {  	_ =	shalt  }
0x86: {  	_ =	shalt  }
0x87: {  	_ =	shalt  }
.Lfunc_end0:
.L_simem_size_0:
called_computation.4_lowered:
.L_overlay_start_0:
0x88: {  	s2 =	sld [smem:$0x3FD9]  }
0x89: {  	s3 =	sld [smem:$0x3FFE];
	_ =	sdelay $0x1  }
0x8a: {  	s1 =	srdreg.scid  }
0x8b: {  	s0 =	sand.u32 $0x1, s1  }
0x8c: {  	s16 =	sshll.u32 s0, $0xA;
	s2 =	sadd.s32 s3, s2  }
0x8d: {  	s2 =	sadd.s32 s2, s16  }
0x8e: {  	[smem:$0x3FB3] =	sst s2  }
0x8f: {  	_ = 	snop  }
0x90: {  	(tm) =	ssettm $0x1  }
0x91: {  	s17 =	sld [smem:$0x3FFB];
	_ =	sdelay $0x3  }
0x92: {  	_ =	strace s17  }
0x93: {  	s2 =	sld [smem:$0x3FFC];
	_ =	sdelay $0x3  }
0x94: {  	_ =	strace s2  }
0x95: {  	s2 =	sld [smem:$0x3FFD];
	_ =	sdelay $0x3  }
0x96: {  	_ =	strace s2  }
0x97: {  	_ =	strace $0x8FFFFFFF  }
0x98: {  	s18 =	sld [smem:$0x3FDB];
	_ =	sdelay $0x1  }
0x99: {  	s19 =	simm.s32 $_scs_section_size  }
0x9a: {  	s4 =	simm.s32 $_size__tile_overlayer_lowered;
	s5 =	simm.s32 $_tile_overlayer_lowered  }
0x9b: {  	s22 =	simm.s32 $0x1BFF;
	s21 =	sshll.u32 s5, $0x1;
	s2 =	sadd.s32 s19, s18  }
0x9c: {  	s6 =	simm.s32 $0x0;
	s20 =	sshll.u32 s4, $0x1;
	s4 =	sadd.s32 s21, s2  }
0x9d: {  	[timem:s6], [sflag:s22] =	dma.local [hbm:s4], s20  }
0x9e: {  	_ =	swait.ge [sflag:s22], s20  }
0x9f: {  	s3 =	ssub.s32 $0x0, s20;
	[sflag:s22] =	ssyncset.done $0x0  }
0xa0: {  	[sflag:s22] =	ssyncadd.s32 s3;
	_ =	sdelay $0x1  }
0xa1: {  	s23 =	simm.s32 $0x1B8B  }
0xa2: {  	_ =	swait.ge [sflag:s23], $0x1  }
0xa3: {  	[sflag:s23] =	ssyncset.done $0x0  }
0xa4: {  	s25 =	simm.s32 $0x1B8E;
	s24 =	sld [smem:$0x3FFE];
	[sflag:s23] =	ssyncadd.s32 $0xFFFFFFFF  }
0xa5: {  	s26 =	simm.s32 $execute0_lowered;
	[smem:$0x3FD2] =	sst s25  }
0xa6: {  	s4 =	sshll.u32 s26, $0x1;
	_ =	strace $0x80000052;
	[dreg:$0x1] =	wrdreg $0xFFFFFFFF  }
0xa7: {  	s28 =	simm.s32 $_size_execute0_lowered;
	s2 =	sadd.s32 s2, s4;
	[dreg:$0x0] =	wrdreg $0x0  }
0xa8: {  	s4 =	sshll.u32 s28, $0x1;
	[dreg:$0x2] =	wrdreg s2  }
0xa9: {  	[dreg:$0x3] =	wrdreg s4  }
0xaa: {  	[dreg:$0x4] =	wrdreg $0xC0  }
0xab: {  	_ =	task [dreg:s6], $0x5FFFF  }
0xac: {  	[dreg:$0x1] =	wrdreg $0xFFFFFFFF  }
0xad: {  	[dreg:$0x0] =	wrdreg $0x60  }
0xae: {  	[dreg:$0x2] =	wrdreg s24  }
0xaf: {  	[dreg:$0x3] =	wrdreg $0xAF800  }
0xb0: {  	[dreg:$0x4] =	wrdreg $0x9  }
0xb1: {  	_ =	task.clear_ibuf [dreg:s6], $0x5FFFF;
	_ =	strace $0x90000052  }
0xb2: {  	s29 =	simm.s32 $0x9;
	_ =	strace $0x80000054  }
0xb3: {  	_ =	swait.ge [sflag:s29], $0x1  }
0xb4: {  	[sflag:s29] =	ssyncadd.s32 $0xFFFFFFFF  }
0xb5: {  	_ =	strace $0x90000054  }
0xb6: {  	_ =	sfence  }
0xb7: {  	s30 =	sld [smem:$0x0];
	_ =	sdelay $0x2  }
0xb8: {  	s31 =	sshll.u32 s1, $0xD;
	s1 =	sshrl.u32 s1, $0x2  }
0xb9: {  	s3 =	sand.u32 $0x4000, s31;
	s1 =	sadd.s32 s1, s30  }
0xba: {  	s0 =	sor.u32 s3, s0;
	s1 =	sshll.u32 s1, $0x11  }
0xbb: {  	s0 =	sor.u32 s1, s0  }
0xbc: {  	s0 =	sadd.s32 $0x8F2B, s0  }
0xbd: {  	[sflag:s0] =	ssyncadd.remote.s32 $0x1  }
0xbe: {  	_ =	sfence.sel $0xFFFF  }
0xbf: {  	[dreg:$0x0] =	wrdreg $0xFFFFFFFF;
	(pc) =	sbr.abs _section_cstart, $3  }
0xc0: {  	[dreg:$0x1] =	wrdreg $0xFFFFFFFF  }
0xc1: {  	_ =	task.clear_ibuf [dreg:s6], $0x2FFFF;
	_ =	strace $0x9FFFFFFF  }
0xc2: {  	(tm) =	ssettm $0x7FFFFFFF  }
0xc3: {  	_ =	shalt  }
tec
execute0_lowered:
.L_overlay_start_1:
0x0: {  	(tag) =	ssettag $0x1  }
0x1: {  	s0 =	rddreg [dreg:$0x0]  }
0x2: {  	s2 =	rddreg [dreg:$0x1];
	s3 =	simm.s32 $0x0;
	s4 =	srdreg.scid  }
0x3: {  	s1 =	stileid.u32;
	s20 =	simm.s32 $0x3;
	s22 =	simm.s32 $0x4F80  }
0x4: {  	s23 =	simm.s32 $0x60;
	s24 =	simm.s32 $0x1;
	s28 =	simm.s32 $0x2760  }
0x5: {  	s29 =	simm.s32 $0x4EC0;
	s30 =	simm.s32 $0x4F20;
	s31 =	simm.s32 $0x0  }
0x6: {  	s5 =	sand.u32 $0x1, s4;
	s25 =	sshll.u32 s1, $0x1;
	s8 =	smul.u32 $0x14000, s1  }
0x7: {  	[smem:$0x7FF] =	sst s3;
	s4 =	sadd.s32 $0xCBC00, s0;
	s9 =	smul.u32 $0x50000, s1  }
0x8: {  	s6 =	sor.u32 s5, s25;
	s7 =	smul.u32 $0x140000, s5;
	_ =	strace $0x80000053  }
0x9: {  	s5 =	ssub.s32 $0x2, s5;
	s25 =	simm.s32 $0x7F80;
	s6 =	smul.u32 $0x4F8, s6  }
0xa: {  	s10 =	sshrl.u32 s5, $0x1;
	s26 =	sshrl.u32 s9, $0x2;
	s7 =	sadd.s32 s8, s7  }
0xb: {  	s19 =	ssub.s32 s5, s10;
	s17 =	sadd.s32 s26, s2;
	s8 =	sadd.s32 s8, s2  }
0xc: {  	s26 =	simm.s32 $0x2;
	s6 =	sadd.s32 s6, s0;
	s7 =	sshrl.u32 s7, $0x3  }
0xd: {  	s9 =	sadd.s32 $0x2000, s17;
	s10 =	sadd.s32 $0x4000, s17;
	s11 =	sadd.s32 $0x6000, s17  }
0xe: {  	s12 =	sadd.s32 $0x8000, s17;
	s13 =	sadd.s32 $0xA000, s17;
	s14 =	sadd.s32 $0xC000, s17  }
0xf: {  	s15 =	sadd.s32 $0xE000, s17;
	s16 =	sadd.s32 $0x10000, s17;
	s17 =	sadd.s32 $0x12000, s17  }
0x10: {  	s19 =	smax.u32 s19, $0x1;
	s18 =	sadd.s32 s7, s0;
	s5 =	sadd.s32 $0x17C00, s6  }
0x11: {  	s6 =	sadd.s32 $0xDC00, s6;
	s7 =	sadd.s32 $0xF3800, s0;
	s18 =	sadd.s32 $0x143C00, s18  }
.LBB2_1:
0x12: {  	[tilespmem:s3], [sflag:$0x3] =	stream.linear.gather [hbm4b:s5+s3], $0x27C0, $0x38;
	[tilespmem:$0x1EF80] =	vst v63  }
0x13: {  	_ =	swait.ge [sflag:s20], $0x27C0  }
0x14: {  	[sflag:s20] =	ssyncset.done $0x0  }
0x15: {  	s0 =	simm.s32 $0x27C0;
	[sflag:s20] =	ssyncadd.s32 $0xFFFFD840  }
0x16: {  	[tilespmem:s0], [sflag:$0x3] =	stream.linear.gather [hbm4b:s6+s3], $0x27C0, $0x38;
	[tilespmem:$0x1EF80] =	vst v63  }
0x17: {  	_ =	swait.ge [sflag:s20], $0x27C0  }
0x18: {  	[sflag:s20] =	ssyncset.done $0x0  }
0x19: {  	[sflag:s20] =	ssyncadd.s32 $0xFFFFD840  }
0x1a: {  	[tilespmem:s22], [sflag:$0x3] =	stream.linear.gather [hbm4b:s7+s3], $0x2000, $0x38;
	[tilespmem:$0x1EF80] =	vst v63  }
0x1b: {  	_ =	swait.ge [sflag:s20], $0x2000  }
0x1c: {  	[sflag:s20] =	ssyncset.done $0x0  }
0x1d: {  	[sflag:s20] =	ssyncadd.s32 $0xFFFFE000  }
0x1e: {  	[spmem:s8] =	stream.linear.scatter [tilespmem:s22], [sflag:$0x3], $0x2000, $0x38;
	[tilespmem:$0x1EF80] =	vst v63  }
0x1f: {  	_ =	swait.ge [sflag:s20], $0x2000  }
0x20: {  	[sflag:s20] =	ssyncset.done $0x0  }
0x21: {  	[sflag:s20] =	ssyncadd.s32 $0xFFFFE000  }
0x22: {  	[spmem:s9] =	stream.linear.scatter [tilespmem:s22], [sflag:$0x3], $0x2000, $0x38;
	[tilespmem:$0x1EF80] =	vst v63  }
0x23: {  	_ =	swait.ge [sflag:s20], $0x2000  }
0x24: {  	[sflag:s20] =	ssyncset.done $0x0  }
0x25: {  	[sflag:s20] =	ssyncadd.s32 $0xFFFFE000  }
0x26: {  	[spmem:s10] =	stream.linear.scatter [tilespmem:s22], [sflag:$0x3], $0x2000, $0x38;
	[tilespmem:$0x1EF80] =	vst v63  }
0x27: {  	_ =	swait.ge [sflag:s20], $0x2000  }
0x28: {  	[sflag:s20] =	ssyncset.done $0x0  }
0x29: {  	[sflag:s20] =	ssyncadd.s32 $0xFFFFE000  }
0x2a: {  	[spmem:s11] =	stream.linear.scatter [tilespmem:s22], [sflag:$0x3], $0x2000, $0x38;
	[tilespmem:$0x1EF80] =	vst v63  }
0x2b: {  	_ =	swait.ge [sflag:s20], $0x2000  }
0x2c: {  	[sflag:s20] =	ssyncset.done $0x0  }
0x2d: {  	[sflag:s20] =	ssyncadd.s32 $0xFFFFE000  }
0x2e: {  	[spmem:s12] =	stream.linear.scatter [tilespmem:s22], [sflag:$0x3], $0x2000, $0x38;
	[tilespmem:$0x1EF80] =	vst v63  }
0x2f: {  	_ =	swait.ge [sflag:s20], $0x2000  }
0x30: {  	[sflag:s20] =	ssyncset.done $0x0  }
0x31: {  	[sflag:s20] =	ssyncadd.s32 $0xFFFFE000  }
0x32: {  	[spmem:s13] =	stream.linear.scatter [tilespmem:s22], [sflag:$0x3], $0x2000, $0x38;
	[tilespmem:$0x1EF80] =	vst v63  }
0x33: {  	_ =	swait.ge [sflag:s20], $0x2000  }
0x34: {  	[sflag:s20] =	ssyncset.done $0x0  }
0x35: {  	[sflag:s20] =	ssyncadd.s32 $0xFFFFE000  }
0x36: {  	[spmem:s14] =	stream.linear.scatter [tilespmem:s22], [sflag:$0x3], $0x2000, $0x38;
	[tilespmem:$0x1EF80] =	vst v63  }
0x37: {  	_ =	swait.ge [sflag:s20], $0x2000  }
0x38: {  	[sflag:s20] =	ssyncset.done $0x0  }
0x39: {  	[sflag:s20] =	ssyncadd.s32 $0xFFFFE000  }
0x3a: {  	[spmem:s15] =	stream.linear.scatter [tilespmem:s22], [sflag:$0x3], $0x2000, $0x38;
	[tilespmem:$0x1EF80] =	vst v63  }
0x3b: {  	_ =	swait.ge [sflag:s20], $0x2000  }
0x3c: {  	[sflag:s20] =	ssyncset.done $0x0  }
0x3d: {  	[sflag:s20] =	ssyncadd.s32 $0xFFFFE000  }
0x3e: {  	[spmem:s16] =	stream.linear.scatter [tilespmem:s22], [sflag:$0x3], $0x2000, $0x38;
	[tilespmem:$0x1EF80] =	vst v63  }
0x3f: {  	_ =	swait.ge [sflag:s20], $0x2000  }
0x40: {  	[sflag:s20] =	ssyncset.done $0x0  }
0x41: {  	[sflag:s20] =	ssyncadd.s32 $0xFFFFE000  }
0x42: {  	[spmem:s17] =	stream.linear.scatter [tilespmem:s22], [sflag:$0x3], $0x2000, $0x38;
	[tilespmem:$0x1EF80] =	vst v63  }
0x43: {  	_ =	swait.ge [sflag:s20], $0x2000  }
0x44: {  	[sflag:s20] =	ssyncset.done $0x0  }
0x45: {  	[sflag:s20] =	ssyncadd.s32 $0xFFFFE000  }
0x46: {  	[bflag:$0x0] =	sbarrier.arrive $0xFFFF  }
0x47: {  	[tilespmem:s22], [sflag:$0x1] =	stream.indirect.gather [hbm4b:s4+s23], $0x80, s3, s23, $0xb8;
	[tilespmem:$0x1EF80] =	vst v63  }
0x48: {  	_ =	swait.ge [sflag:s24], $0x3000  }
0x49: {  	[sflag:s24] =	ssyncset.done $0x0  }
0x4a: {  	s1 =	simm.s32 $0x60;
	[sflag:s24] =	ssyncadd.s32 $0xFFFFD000  }
0x4b: {  	[tilespmem:s25], [sflag:$0x2] =	stream.indirect.gather [hbm4b:s4+s23], $0x80, s1, s23, $0xb8;
	[tilespmem:$0x1EF80] =	vst v63  }
0x4c: {  	s21 =	simm.s32 $0x27C0  }
0x4d: {  	[spmem:s2] =	stream.indirect.scatter.add.f32 [tilespmem:s22], [sflag:$0x3], $0x80, s21, s23, $0xb8;
	[tilespmem:$0x1EF80] =	vst v63  }
0x4e: {  	_ =	swait.ge [sflag:s20], $0x3000  }
0x4f: {  	[sflag:s20] =	ssyncset.done $0x0  }
0x50: {  	[sflag:s20] =	ssyncadd.s32 $0xFFFFD000  }
0x51: {  	_ =	swait.ge [sflag:s26], $0x3000  }
0x52: {  	[sflag:s26] =	ssyncset.done $0x0  }
0x53: {  	s1 =	simm.s32 $0xC0;
	[sflag:s26] =	ssyncadd.s32 $0xFFFFD000  }
0x54: {  	[tilespmem:s22], [sflag:$0x1] =	stream.indirect.gather [hbm4b:s4+s23], $0x80, s1, s23, $0xb8;
	[tilespmem:$0x1EF80] =	vst v63  }
0x55: {  	s21 =	simm.s32 $0x2820  }
0x56: {  	[spmem:s2] =	stream.indirect.scatter.add.f32 [tilespmem:s25], [sflag:$0x3], $0x80, s21, s23, $0xb8;
	[tilespmem:$0x1EF80] =	vst v63  }
0x57: {  	_ =	swait.ge [sflag:s20], $0x3000  }
0x58: {  	s0 =	simm.s32 $0x300;
	[sflag:s20] =	ssyncset.done $0x0  }
.LBB2_2:
0x59: {  	p0 =	sne.s32 s0, $0x9900  }
0x5a: {  	[sflag:s20] =	ssyncadd.s32 $0xFFFFD000;
	s1 =	smov.u32 s0;
	s0 =	sadd.s32 $0x300, s0  }
0x5b: {  	_ = 	snop  }
0x5c: {  	_ =	swait.ge [sflag:s24], $0x3000  }
0x5d: {  	s1 =	sshra.s32 s1, $0x2;
	[sflag:s24] =	ssyncset.done $0x0  }
0x5e: {  	s21 =	sadd.s32 $0x60, s1;
	[sflag:s24] =	ssyncadd.s32 $0xFFFFD000  }
0x5f: {  	[tilespmem:s25], [sflag:$0x2] =	stream.indirect.gather [hbm4b:s4+s23], $0x80, s21, s23, $0xb8;
	[tilespmem:$0x1EF80] =	vst v63  }
0x60: {  	s21 =	sadd.s32 $0x27C0, s1  }
0x61: {  	[spmem:s2] =	stream.indirect.scatter.add.f32 [tilespmem:s22], [sflag:$0x3], $0x80, s21, s23, $0xb8;
	[tilespmem:$0x1EF80] =	vst v63  }
0x62: {  	_ =	swait.ge [sflag:s20], $0x3000  }
0x63: {  	[sflag:s20] =	ssyncset.done $0x0  }
0x64: {  	[sflag:s20] =	ssyncadd.s32 $0xFFFFD000  }
0x65: {  	_ =	swait.ge [sflag:s26], $0x3000  }
0x66: {  	[sflag:s26] =	ssyncset.done $0x0  }
0x67: {  	s21 =	sadd.s32 $0xC0, s1;
	[sflag:s26] =	ssyncadd.s32 $0xFFFFD000  }
0x68: {  	[tilespmem:s22], [sflag:$0x1] =	stream.indirect.gather [hbm4b:s4+s23], $0x80, s21, s23, $0xb8;
	[tilespmem:$0x1EF80] =	vst v63  }
.Ltmp0:
0x69: {  	_ = 	snop;
	(pc) =	sbr.rel @p0 .LBB2_2-.Ltmp0, $4  }
0x6a: {  	s1 =	sadd.s32 $0x2820, s1  }
0x6b: {  	[spmem:s2] =	stream.indirect.scatter.add.f32 [tilespmem:s25], [sflag:$0x3], $0x80, s1, s23, $0xb8;
	[tilespmem:$0x1EF80] =	vst v63  }
0x6c: {  	_ =	swait.ge [sflag:s20], $0x3000  }
0x6d: {  	[sflag:s20] =	ssyncset.done $0x0  }
0x6e: {  	[sflag:s20] =	ssyncadd.s32 $0xFFFFD000  }
0x6f: {  	_ =	swait.ge [sflag:s24], $0x3000  }
0x70: {  	[sflag:s24] =	ssyncset.done $0x0  }
0x71: {  	[sflag:s24] =	ssyncadd.s32 $0xFFFFD000  }
0x72: {  	[tilespmem:s25], [sflag:$0x2] =	stream.indirect.gather [hbm4b:s4+s23], $0x80, s28, s23, $0xb8;
	[tilespmem:$0x1EF80] =	vst v63  }
0x73: {  	_ = 	snop  }
0x74: {  	[spmem:s2] =	stream.indirect.scatter.add.f32 [tilespmem:s22], [sflag:$0x3], $0x80, s29, s23, $0xb8;
	[tilespmem:$0x1EF80] =	vst v63  }
0x75: {  	_ =	swait.ge [sflag:s20], $0x3000  }
0x76: {  	[sflag:s20] =	ssyncset.done $0x0  }
0x77: {  	[sflag:s20] =	ssyncadd.s32 $0xFFFFD000  }
0x78: {  	_ =	swait.ge [sflag:s26], $0x3000  }
0x79: {  	[sflag:s26] =	ssyncset.done $0x0  }
0x7a: {  	[sflag:s26] =	ssyncadd.s32 $0xFFFFD000  }
0x7b: {  	[spmem:s2] =	stream.indirect.scatter.add.f32 [tilespmem:s25], [sflag:$0x3], $0x80, s30, s23, $0xb8;
	[tilespmem:$0x1EF80] =	vst v63  }
0x7c: {  	s0 =	stileid.u32;
	_ =	swait.ge [sflag:s20], $0x3000  }
0x7d: {  	s1 =	sshrl.u32 s8, $0x3;
	s31 =	sadd.s32 $0x1, s31;
	[sflag:s20] =	ssyncset.done $0x0  }
0x7e: {  	s0 =	sshll.u32 s0, $0x6;
	p0 =	sne.s32 s31, s19;
	[sflag:s20] =	ssyncadd.s32 $0xFFFFD000  }
.Ltmp1:
0x7f: {  	s0 =	sor.u32 $0x1C03, s0;
	[bflag:$0x0] =	sbarrier.arrive $0xFFFF;
	(pc) =	sbr.rel @p0 .LBB2_1-.Ltmp1, $4  }
0x80: {  	[hbm:s18], [sflag:s0] =	dma.local [spmem:s1], $0x2800  }
0x81: {  	_ =	swait.ge [sflag:s20], $0x2800  }
0x82: {  	[sflag:s20] =	ssyncset.done $0x0  }
0x83: {  	[sflag:s20] =	ssyncadd.s32 $0xFFFFD800  }
0x84: {  	_ =	sfence.sel $0x180000  }
0x85: {  	[bflag:$0x0] =	sbarrier.arrive $0xFFFF  }
0x86: {  	_ =	strace $0x90000053  }
0x87: {  	s0 =	stileid.u32;
	[bflag:$0x2] =	sbarrier.arrive $0xFFFF  }
0x88: {  	p0 =	sne.s32 s0, $0x0;
	s0 =	rddreg [dreg:$0x2]  }
0x89: {  	s0 =	sadd.s32 @!p0 $0x100000, s0  }
0x8a: {  	[sflag:s0] =	ssyncadd.tile.s32 @!p0 $0x1;
	_ =	shalt  }
.Lfunc_end2:
_tile_overlayer_lowered:
.L_overlay_start_2:
0x8b: {  	(tag) =	ssettag $0x2  }
0x8c: {  	s0 =	rddreg [dreg:$0x0];
	s2 =	stileid.u32  }
0x8d: {  	s1 =	rddreg [dreg:$0x1];
	p0 =	sne.s32 s2, $0x0  }
0x8e: {  	s3 =	rddreg [dreg:$0x2];
	[bflag:$0x3] =	sbarrier.arrive $0xFFFF;
	s2 =	simm.s32 @!p0 $0x1C03  }
0x8f: {  	[timem:s3], [sflag:s2] =	dma.local @!p0 [hbm:s0], s1  }
0x90: {  	s0 =	simm.s32 @!p0 $0x3  }
0x91: {  	_ =	swait.ge @!p0 [sflag:s0], s1  }
0x92: {  	s1 =	ssub.s32 @!p0 $0x0, s1;
	[sflag:s0] =	ssyncset.done @!p0 $0x0  }
0x93: {  	[sflag:s0] =	ssyncadd.s32 @!p0 s1  }
0x94: {  	[bflag:$0x3] =	sbarrier.arrive $0xFFFF  }
0x95: {  	_ =	shalt  }

// kernel: kernel.37.cloned.1.call-start
scs
__scs_entry_jumppad:
0x0: {  	(pc) =	sbr.rel $0x88, $3  }
0x1: {  	(tag) =	ssettag $0x0;
	lr =	simm.s32 $0x1  }
0x2: {  	[smem:$0x3F8C] =	sst lr;
	_ =	strace $0xD0000000  }
0x3: {  	_ = 	snop  }
0x4: {  	_ = 	snop  }
0x5: {  	_ = 	snop  }
0x6: {  	_ = 	snop  }
0x7: {  	_ = 	snop  }
__scs_overlays_trampoline_lowered:
0x8: {  	[smem:$0x3F9B] =	sst s0  }
0x9: {  	[smem:$0x3F9C] =	sst s1  }
0xa: {  	[smem:$0x3F9D] =	sst s2  }
0xb: {  	[smem:$0x3F9E] =	sst s3  }
0xc: {  	[smem:$0x3F9F] =	sst s4  }
0xd: {  	[smem:$0x3FA0] =	sst s5  }
0xe: {  	[smem:$0x3FA1] =	sst s6  }
0xf: {  	[smem:$0x3FA2] =	sst s7  }
0x10: {  	[smem:$0x3FA3] =	sst s8  }
0x11: {  	[smem:$0x3FA4] =	sst s9;
	s0 =	simm.s32 @!p0 $0x0  }
0x12: {  	s1 =	sld [smem:$0x3F8A];
	s0 =	simm.s32 @p0 $0x1  }
0x13: {  	[smem:$0x3FA5] =	sst s0;
	s0 =	simm.s32 @!p1 $0x0  }
0x14: {  	s2 =	sld [smem:$0x3F89];
	s0 =	simm.s32 @p1 $0x1  }
0x15: {  	[smem:$0x3FA6] =	sst s0;
	s0 =	simm.s32 @!p2 $0x0  }
0x16: {  	s3 =	sld [smem:$0x3FDB];
	s0 =	simm.s32 @p2 $0x1  }
0x17: {  	s4 =	simm.s32 $0x1BF5;
	[smem:$0x3FA8] =	sst s0  }
0x18: {  	s0 =	sld [smem:$0x3F8B];
	_ =	swait.ge [sflag:s4], $0x0  }
0x19: {  	s7 =	sld [smem:$0x3F8C]  }
0x1a: {  	s8 =	sadd.s32 $0xFFFFE003, lr  }
0x1b: {  	s9 =	sadd.s32 $0xFFFFFEF7, lr;
	s5 =	simm.s32 $0xFFFFFFFF;
	p2 =	slt.u32 s8, $0xFFFFF086  }
0x1c: {  	p1 =	slt.u32 s9, $0xF7A;
	s5 =	simm.s32 @!p2 $0x0  }
0x1d: {  	s5 =	simm.s32 @p1 $0x1;
	p0 =	seq.s32 s7, s2  }
0x1e: {  	s7 =	smul.u32 @!p0 $0xF7A, s2;
	p2 =	seq.s32 @!p0 s5, $0x0  }
0x1f: {  	s9 =	smul.u32 $0xF7A, s1;
	s8 =	simm.s32 @!p0 $0x1BF5;
	p2 =	por !p2, p0  }
0x20: {  	[sflag:s8] =	ssyncset.s32 @!p0 $0xFFFFF086;
	s6 =	sadd.s32 @!p0 s3, s7;
	s7 =	simm.s32 @!p0 $0x108  }
0x21: {  	s3 =	sadd.s32 s3, s9;
	s6 =	sadd.s32 @!p0 $0x88, s6;
	s7 =	simm.s32 @p2 $0x1082  }
0x22: {  	[simem:s7], [sflag:s8] =	dma.local @!p0 [hbm:s6], $0xF7A  }
0x23: {  	s9 =	sor.u32 $0xD0000000, s2;
	s6 =	simm.s32 $0x108;
	_ =	swait.ge @!p0 [sflag:s8], $0x0  }
0x24: {  	s3 =	sadd.s32 $0x88, s3;
	s6 =	simm.s32 @!p1 $0x1082;
	[sflag:s4] =	ssyncset.s32 $0xFFFFF086  }
0x25: {  	[simem:s6], [sflag:s4] =	dma.local [hbm:s3], $0xF7A  }
0x26: {  	[smem:$0x3F8C] =	sst s1;
	(tag) =	ssettag s2;
	_ =	strace s9  }
0x27: {  	s1 =	sld [smem:$0x3F9C]  }
0x28: {  	s2 =	sld [smem:$0x3F9D]  }
0x29: {  	s4 =	sld [smem:$0x3F9F]  }
0x2a: {  	p0 =	seq.s32 s5, $0x0;
	s5 =	sld [smem:$0x3FA0]  }
0x2b: {  	s6 =	sld [smem:$0x3FA1]  }
0x2c: {  	s7 =	sld [smem:$0x3FA2]  }
0x2d: {  	s3 =	simm.s32 $0x108;
	s8 =	sld [smem:$0x3FA3]  }
0x2e: {  	s3 =	simm.s32 @!p0 $0x1082;
	s9 =	sld [smem:$0x3FA4]  }
0x2f: {  	lr =	sadd.s32 s0, s3;
	s0 =	sld [smem:$0x3F9B]  }
0x30: {  	s3 =	sld [smem:$0x3F9E]  }
0x31: {  	[smem:$0x3FA7] =	sst s10  }
0x32: {  	s10 =	sld [smem:$0x3FA5];
	_ =	sdelay $0x3  }
0x33: {  	p0 =	seq.s32 s10, $0x1;
	s10 =	sld [smem:$0x3FA7];
	_ =	sdelay $0x3  }
0x34: {  	[smem:$0x3FA7] =	sst s10  }
0x35: {  	s10 =	sld [smem:$0x3FA6];
	_ =	sdelay $0x3  }
0x36: {  	p1 =	seq.s32 s10, $0x1;
	s10 =	sld [smem:$0x3FA7];
	_ =	sdelay $0x3  }
0x37: {  	[smem:$0x3FA7] =	sst s10  }
0x38: {  	s10 =	sld [smem:$0x3FA8]  }
0x39: {  	_ = 	snop;
	(pc) =	sbr.ind lr, $3  }
0x3a: {  	_ = 	snop  }
0x3b: {  	_ = 	snop  }
0x3c: {  	p2 =	seq.s32 s10, $0x1;
	s10 =	sld [smem:$0x3FA7]  }
0x3d: {  	_ =	shalt  }
0x3e: {  	_ =	shalt  }
0x3f: {  	_ =	shalt  }
0x40: {  	_ =	shalt  }
0x41: {  	_ =	shalt  }
0x42: {  	_ =	shalt  }
0x43: {  	_ =	shalt  }
0x44: {  	_ =	shalt  }
0x45: {  	_ =	shalt  }
0x46: {  	_ =	shalt  }
0x47: {  	_ =	shalt  }
0x48: {  	_ =	shalt  }
0x49: {  	_ =	shalt  }
0x4a: {  	_ =	shalt  }
0x4b: {  	_ =	shalt  }
0x4c: {  	_ =	shalt  }
0x4d: {  	_ =	shalt  }
0x4e: {  	_ =	shalt  }
0x4f: {  	_ =	shalt  }
0x50: {  	_ =	shalt  }
0x51: {  	_ =	shalt  }
0x52: {  	_ =	shalt  }
0x53: {  	_ =	shalt  }
0x54: {  	_ =	shalt  }
0x55: {  	_ =	shalt  }
0x56: {  	_ =	shalt  }
0x57: {  	_ =	shalt  }
0x58: {  	_ =	shalt  }
0x59: {  	_ =	shalt  }
0x5a: {  	_ =	shalt  }
0x5b: {  	_ =	shalt  }
0x5c: {  	_ =	shalt  }
0x5d: {  	_ =	shalt  }
0x5e: {  	_ =	shalt  }
0x5f: {  	_ =	shalt  }
0x60: {  	_ =	shalt  }
0x61: {  	_ =	shalt  }
0x62: {  	_ =	shalt  }
0x63: {  	_ =	shalt  }
0x64: {  	_ =	shalt  }
0x65: {  	_ =	shalt  }
0x66: {  	_ =	shalt  }
0x67: {  	_ =	shalt  }
0x68: {  	_ =	shalt  }
0x69: {  	_ =	shalt  }
0x6a: {  	_ =	shalt  }
0x6b: {  	_ =	shalt  }
0x6c: {  	_ =	shalt  }
0x6d: {  	_ =	shalt  }
0x6e: {  	_ =	shalt  }
0x6f: {  	_ =	shalt  }
0x70: {  	_ =	shalt  }
0x71: {  	_ =	shalt  }
0x72: {  	_ =	shalt  }
0x73: {  	_ =	shalt  }
0x74: {  	_ =	shalt  }
0x75: {  	_ =	shalt  }
0x76: {  	_ =	shalt  }
0x77: {  	_ =	shalt  }
0x78: {  	_ =	shalt  }
0x79: {  	_ =	shalt  }
0x7a: {  	_ =	shalt  }
0x7b: {  	_ =	shalt  }
0x7c: {  	_ =	shalt  }
0x7d: {  	_ =	shalt  }
0x7e: {  	_ =	shalt  }
0x7f: {  	_ =	shalt  }
0x80: {  	_ =	shalt  }
0x81: {  	_ =	shalt  }
0x82: {  	_ =	shalt  }
0x83: {  	_ =	shalt  }
0x84: {  	_ =	shalt  }
0x85: {  	_ =	shalt  }
0x86: {  	_ =	shalt  }
0x87: {  	_ =	shalt  }
.Lfunc_end0:
.L_simem_size_0:
called_computation.5_lowered:
.L_overlay_start_0:
0x88: {  	s2 =	sld [smem:$0x3FD9]  }
0x89: {  	s3 =	sld [smem:$0x3FFE];
	_ =	sdelay $0x1  }
0x8a: {  	s1 =	srdreg.scid  }
0x8b: {  	s0 =	sand.u32 $0x1, s1  }
0x8c: {  	s16 =	sshll.u32 s0, $0xA;
	s2 =	sadd.s32 s3, s2  }
0x8d: {  	s2 =	sadd.s32 s2, s16  }
0x8e: {  	[smem:$0x3FB3] =	sst s2  }
0x8f: {  	_ = 	snop  }
0x90: {  	(tm) =	ssettm $0x1  }
0x91: {  	s17 =	sld [smem:$0x3FFB];
	_ =	sdelay $0x3  }
0x92: {  	_ =	strace s17  }
0x93: {  	s2 =	sld [smem:$0x3FFC];
	_ =	sdelay $0x3  }
0x94: {  	_ =	strace s2  }
0x95: {  	s2 =	sld [smem:$0x3FFD];
	_ =	sdelay $0x3  }
0x96: {  	_ =	strace s2  }
0x97: {  	_ =	strace $0x8FFFFFFF  }
0x98: {  	s18 =	sld [smem:$0x3FDB];
	_ =	sdelay $0x1  }
0x99: {  	s19 =	simm.s32 $_scs_section_size  }
0x9a: {  	s4 =	simm.s32 $_size__tile_overlayer_lowered;
	s5 =	simm.s32 $_tile_overlayer_lowered  }
0x9b: {  	s22 =	simm.s32 $0x1BFF;
	s21 =	sshll.u32 s5, $0x1;
	s2 =	sadd.s32 s19, s18  }
0x9c: {  	s6 =	simm.s32 $0x0;
	s20 =	sshll.u32 s4, $0x1;
	s4 =	sadd.s32 s21, s2  }
0x9d: {  	[timem:s6], [sflag:s22] =	dma.local [hbm:s4], s20  }
0x9e: {  	_ =	swait.ge [sflag:s22], s20  }
0x9f: {  	s3 =	ssub.s32 $0x0, s20;
	[sflag:s22] =	ssyncset.done $0x0  }
0xa0: {  	[sflag:s22] =	ssyncadd.s32 s3;
	_ =	sdelay $0x1  }
0xa1: {  	s23 =	simm.s32 $0x1B8B  }
0xa2: {  	_ =	swait.ge [sflag:s23], $0x1  }
0xa3: {  	[sflag:s23] =	ssyncset.done $0x0  }
0xa4: {  	s25 =	simm.s32 $0x1B8E;
	s24 =	sld [smem:$0x3FFE];
	[sflag:s23] =	ssyncadd.s32 $0xFFFFFFFF  }
0xa5: {  	s26 =	simm.s32 $execute0_lowered;
	[smem:$0x3FD2] =	sst s25  }
0xa6: {  	s4 =	sshll.u32 s26, $0x1;
	_ =	strace $0x80000055;
	[dreg:$0x1] =	wrdreg $0xFFFFFFFF  }
0xa7: {  	s28 =	simm.s32 $_size_execute0_lowered;
	s2 =	sadd.s32 s2, s4;
	[dreg:$0x0] =	wrdreg $0x0  }
0xa8: {  	s4 =	sshll.u32 s28, $0x1;
	[dreg:$0x2] =	wrdreg s2  }
0xa9: {  	[dreg:$0x3] =	wrdreg s4  }
0xaa: {  	[dreg:$0x4] =	wrdreg $0xC0  }
0xab: {  	_ =	task [dreg:s6], $0x5FFFF  }
0xac: {  	[dreg:$0x1] =	wrdreg $0xFFFFFFFF  }
0xad: {  	[dreg:$0x0] =	wrdreg $0x60  }
0xae: {  	[dreg:$0x2] =	wrdreg s24  }
0xaf: {  	[dreg:$0x3] =	wrdreg $0x5B800  }
0xb0: {  	[dreg:$0x4] =	wrdreg $0x9  }
0xb1: {  	_ =	task.clear_ibuf [dreg:s6], $0x5FFFF;
	_ =	strace $0x90000055  }
0xb2: {  	s29 =	simm.s32 $0x9;
	_ =	strace $0x80000057  }
0xb3: {  	_ =	swait.ge [sflag:s29], $0x1  }
0xb4: {  	[sflag:s29] =	ssyncadd.s32 $0xFFFFFFFF  }
0xb5: {  	_ =	strace $0x90000057  }
0xb6: {  	_ =	sfence  }
0xb7: {  	s30 =	sld [smem:$0x0];
	_ =	sdelay $0x2  }
0xb8: {  	s31 =	sshll.u32 s1, $0xD;
	s1 =	sshrl.u32 s1, $0x2  }
0xb9: {  	s3 =	sand.u32 $0x4000, s31;
	s1 =	sadd.s32 s1, s30  }
0xba: {  	s0 =	sor.u32 s3, s0;
	s1 =	sshll.u32 s1, $0x11  }
0xbb: {  	s0 =	sor.u32 s1, s0  }
0xbc: {  	s0 =	sadd.s32 $0x8F2B, s0  }
0xbd: {  	[sflag:s0] =	ssyncadd.remote.s32 $0x1  }
0xbe: {  	_ =	sfence.sel $0xFFFF  }
0xbf: {  	[dreg:$0x0] =	wrdreg $0xFFFFFFFF;
	(pc) =	sbr.abs _section_cstart, $3  }
0xc0: {  	[dreg:$0x1] =	wrdreg $0xFFFFFFFF  }
0xc1: {  	_ =	task.clear_ibuf [dreg:s6], $0x2FFFF;
	_ =	strace $0x9FFFFFFF  }
0xc2: {  	(tm) =	ssettm $0x7FFFFFFF  }
0xc3: {  	_ =	shalt  }
tec
execute0_lowered:
.L_overlay_start_1:
0x0: {  	(tag) =	ssettag $0x1  }
0x1: {  	s0 =	rddreg [dreg:$0x0]  }
0x2: {  	s2 =	rddreg [dreg:$0x1];
	s3 =	simm.s32 $0x0;
	s4 =	srdreg.scid  }
0x3: {  	s1 =	stileid.u32;
	s20 =	simm.s32 $0x3;
	s22 =	simm.s32 $0x4F80  }
0x4: {  	s23 =	simm.s32 $0x60;
	s24 =	simm.s32 $0x1;
	s28 =	simm.s32 $0x2760  }
0x5: {  	s29 =	simm.s32 $0x4EC0;
	s30 =	simm.s32 $0x4F20;
	s31 =	simm.s32 $0x0  }
0x6: {  	s5 =	sand.u32 $0x1, s4;
	s25 =	sshll.u32 s1, $0x1;
	s8 =	smul.u32 $0x2800, s1  }
0x7: {  	[smem:$0x7FF] =	sst s3;
	s4 =	sadd.s32 $0x8C00, s0;
	s9 =	smul.u32 $0xA000, s1  }
0x8: {  	s6 =	sor.u32 s5, s25;
	s7 =	smul.u32 $0x28000, s5;
	_ =	strace $0x80000056  }
0x9: {  	s5 =	ssub.s32 $0x2, s5;
	s25 =	simm.s32 $0x5580;
	s6 =	smul.u32 $0x4F8, s6  }
0xa: {  	s10 =	sshrl.u32 s5, $0x1;
	s26 =	sshrl.u32 s9, $0x2;
	s7 =	sadd.s32 s8, s7  }
0xb: {  	s19 =	ssub.s32 s5, s10;
	s17 =	sadd.s32 s26, s2;
	s8 =	sadd.s32 s8, s2  }
0xc: {  	s26 =	simm.s32 $0x2;
	s6 =	sadd.s32 s6, s0;
	s7 =	sshrl.u32 s7, $0x3  }
0xd: {  	s9 =	sadd.s32 $0x400, s17;
	s10 =	sadd.s32 $0x800, s17;
	s11 =	sadd.s32 $0xC00, s17  }
0xe: {  	s12 =	sadd.s32 $0x1000, s17;
	s13 =	sadd.s32 $0x1400, s17;
	s14 =	sadd.s32 $0x1800, s17  }
0xf: {  	s15 =	sadd.s32 $0x1C00, s17;
	s16 =	sadd.s32 $0x2000, s17;
	s17 =	sadd.s32 $0x2400, s17  }
0x10: {  	s19 =	smax.u32 s19, $0x1;
	s18 =	sadd.s32 s7, s0;
	s5 =	sadd.s32 $0x17C00, s6  }
0x11: {  	s6 =	sadd.s32 $0xDC00, s6;
	s7 =	sadd.s32 $0xDB80, s0;
	s18 =	sadd.s32 $0x21C00, s18  }
.LBB2_1:
0x12: {  	[tilespmem:s3], [sflag:$0x3] =	stream.linear.gather [hbm4b:s5+s3], $0x27C0, $0x38;
	[tilespmem:$0x8380] =	vst v63  }
0x13: {  	_ =	swait.ge [sflag:s20], $0x27C0  }
0x14: {  	[sflag:s20] =	ssyncset.done $0x0  }
0x15: {  	s0 =	simm.s32 $0x27C0;
	[sflag:s20] =	ssyncadd.s32 $0xFFFFD840  }
0x16: {  	[tilespmem:s0], [sflag:$0x3] =	stream.linear.gather [hbm4b:s6+s3], $0x27C0, $0x38;
	[tilespmem:$0x8380] =	vst v63  }
0x17: {  	_ =	swait.ge [sflag:s20], $0x27C0  }
0x18: {  	[sflag:s20] =	ssyncset.done $0x0  }
0x19: {  	[sflag:s20] =	ssyncadd.s32 $0xFFFFD840  }
0x1a: {  	[tilespmem:s22], [sflag:$0x3] =	stream.linear.gather [hbm4b:s7+s3], $0x400, $0x38;
	[tilespmem:$0x8380] =	vst v63  }
0x1b: {  	_ =	swait.ge [sflag:s20], $0x400  }
0x1c: {  	[sflag:s20] =	ssyncset.done $0x0  }
0x1d: {  	[sflag:s20] =	ssyncadd.s32 $0xFFFFFC00  }
0x1e: {  	[spmem:s8] =	stream.linear.scatter [tilespmem:s22], [sflag:$0x3], $0x400, $0x38;
	[tilespmem:$0x8380] =	vst v63  }
0x1f: {  	_ =	swait.ge [sflag:s20], $0x400  }
0x20: {  	[sflag:s20] =	ssyncset.done $0x0  }
0x21: {  	[sflag:s20] =	ssyncadd.s32 $0xFFFFFC00  }
0x22: {  	[spmem:s9] =	stream.linear.scatter [tilespmem:s22], [sflag:$0x3], $0x400, $0x38;
	[tilespmem:$0x8380] =	vst v63  }
0x23: {  	_ =	swait.ge [sflag:s20], $0x400  }
0x24: {  	[sflag:s20] =	ssyncset.done $0x0  }
0x25: {  	[sflag:s20] =	ssyncadd.s32 $0xFFFFFC00  }
0x26: {  	[spmem:s10] =	stream.linear.scatter [tilespmem:s22], [sflag:$0x3], $0x400, $0x38;
	[tilespmem:$0x8380] =	vst v63  }
0x27: {  	_ =	swait.ge [sflag:s20], $0x400  }
0x28: {  	[sflag:s20] =	ssyncset.done $0x0  }
0x29: {  	[sflag:s20] =	ssyncadd.s32 $0xFFFFFC00  }
0x2a: {  	[spmem:s11] =	stream.linear.scatter [tilespmem:s22], [sflag:$0x3], $0x400, $0x38;
	[tilespmem:$0x8380] =	vst v63  }
0x2b: {  	_ =	swait.ge [sflag:s20], $0x400  }
0x2c: {  	[sflag:s20] =	ssyncset.done $0x0  }
0x2d: {  	[sflag:s20] =	ssyncadd.s32 $0xFFFFFC00  }
0x2e: {  	[spmem:s12] =	stream.linear.scatter [tilespmem:s22], [sflag:$0x3], $0x400, $0x38;
	[tilespmem:$0x8380] =	vst v63  }
0x2f: {  	_ =	swait.ge [sflag:s20], $0x400  }
0x30: {  	[sflag:s20] =	ssyncset.done $0x0  }
0x31: {  	[sflag:s20] =	ssyncadd.s32 $0xFFFFFC00  }
0x32: {  	[spmem:s13] =	stream.linear.scatter [tilespmem:s22], [sflag:$0x3], $0x400, $0x38;
	[tilespmem:$0x8380] =	vst v63  }
0x33: {  	_ =	swait.ge [sflag:s20], $0x400  }
0x34: {  	[sflag:s20] =	ssyncset.done $0x0  }
0x35: {  	[sflag:s20] =	ssyncadd.s32 $0xFFFFFC00  }
0x36: {  	[spmem:s14] =	stream.linear.scatter [tilespmem:s22], [sflag:$0x3], $0x400, $0x38;
	[tilespmem:$0x8380] =	vst v63  }
0x37: {  	_ =	swait.ge [sflag:s20], $0x400  }
0x38: {  	[sflag:s20] =	ssyncset.done $0x0  }
0x39: {  	[sflag:s20] =	ssyncadd.s32 $0xFFFFFC00  }
0x3a: {  	[spmem:s15] =	stream.linear.scatter [tilespmem:s22], [sflag:$0x3], $0x400, $0x38;
	[tilespmem:$0x8380] =	vst v63  }
0x3b: {  	_ =	swait.ge [sflag:s20], $0x400  }
0x3c: {  	[sflag:s20] =	ssyncset.done $0x0  }
0x3d: {  	[sflag:s20] =	ssyncadd.s32 $0xFFFFFC00  }
0x3e: {  	[spmem:s16] =	stream.linear.scatter [tilespmem:s22], [sflag:$0x3], $0x400, $0x38;
	[tilespmem:$0x8380] =	vst v63  }
0x3f: {  	_ =	swait.ge [sflag:s20], $0x400  }
0x40: {  	[sflag:s20] =	ssyncset.done $0x0  }
0x41: {  	[sflag:s20] =	ssyncadd.s32 $0xFFFFFC00  }
0x42: {  	[spmem:s17] =	stream.linear.scatter [tilespmem:s22], [sflag:$0x3], $0x400, $0x38;
	[tilespmem:$0x8380] =	vst v63  }
0x43: {  	_ =	swait.ge [sflag:s20], $0x400  }
0x44: {  	[sflag:s20] =	ssyncset.done $0x0  }
0x45: {  	[sflag:s20] =	ssyncadd.s32 $0xFFFFFC00  }
0x46: {  	[bflag:$0x0] =	sbarrier.arrive $0xFFFF  }
0x47: {  	[tilespmem:s22], [sflag:$0x1] =	stream.indirect.gather [hbm4b:s4+s23], $0x10, s3, s23, $0xb8;
	[tilespmem:$0x8380] =	vst v63  }
0x48: {  	_ =	swait.ge [sflag:s24], $0x600  }
0x49: {  	[sflag:s24] =	ssyncset.done $0x0  }
0x4a: {  	s1 =	simm.s32 $0x60;
	[sflag:s24] =	ssyncadd.s32 $0xFFFFFA00  }
0x4b: {  	[tilespmem:s25], [sflag:$0x2] =	stream.indirect.gather [hbm4b:s4+s23], $0x10, s1, s23, $0xb8;
	[tilespmem:$0x8380] =	vst v63  }
0x4c: {  	s21 =	simm.s32 $0x27C0  }
0x4d: {  	[spmem:s2] =	stream.indirect.scatter.add.f32 [tilespmem:s22], [sflag:$0x3], $0x10, s21, s23, $0xb8;
	[tilespmem:$0x8380] =	vst v63  }
0x4e: {  	_ =	swait.ge [sflag:s20], $0x600  }
0x4f: {  	[sflag:s20] =	ssyncset.done $0x0  }
0x50: {  	[sflag:s20] =	ssyncadd.s32 $0xFFFFFA00  }
0x51: {  	_ =	swait.ge [sflag:s26], $0x600  }
0x52: {  	[sflag:s26] =	ssyncset.done $0x0  }
0x53: {  	s1 =	simm.s32 $0xC0;
	[sflag:s26] =	ssyncadd.s32 $0xFFFFFA00  }
0x54: {  	[tilespmem:s22], [sflag:$0x1] =	stream.indirect.gather [hbm4b:s4+s23], $0x10, s1, s23, $0xb8;
	[tilespmem:$0x8380] =	vst v63  }
0x55: {  	s21 =	simm.s32 $0x2820  }
0x56: {  	[spmem:s2] =	stream.indirect.scatter.add.f32 [tilespmem:s25], [sflag:$0x3], $0x10, s21, s23, $0xb8;
	[tilespmem:$0x8380] =	vst v63  }
0x57: {  	_ =	swait.ge [sflag:s20], $0x600  }
0x58: {  	s0 =	simm.s32 $0x300;
	[sflag:s20] =	ssyncset.done $0x0  }
.LBB2_2:
0x59: {  	p0 =	sne.s32 s0, $0x9900  }
0x5a: {  	[sflag:s20] =	ssyncadd.s32 $0xFFFFFA00;
	s1 =	smov.u32 s0;
	s0 =	sadd.s32 $0x300, s0  }
0x5b: {  	_ = 	snop  }
0x5c: {  	_ =	swait.ge [sflag:s24], $0x600  }
0x5d: {  	s1 =	sshra.s32 s1, $0x2;
	[sflag:s24] =	ssyncset.done $0x0  }
0x5e: {  	s21 =	sadd.s32 $0x60, s1;
	[sflag:s24] =	ssyncadd.s32 $0xFFFFFA00  }
0x5f: {  	[tilespmem:s25], [sflag:$0x2] =	stream.indirect.gather [hbm4b:s4+s23], $0x10, s21, s23, $0xb8;
	[tilespmem:$0x8380] =	vst v63  }
0x60: {  	s21 =	sadd.s32 $0x27C0, s1  }
0x61: {  	[spmem:s2] =	stream.indirect.scatter.add.f32 [tilespmem:s22], [sflag:$0x3], $0x10, s21, s23, $0xb8;
	[tilespmem:$0x8380] =	vst v63  }
0x62: {  	_ =	swait.ge [sflag:s20], $0x600  }
0x63: {  	[sflag:s20] =	ssyncset.done $0x0  }
0x64: {  	[sflag:s20] =	ssyncadd.s32 $0xFFFFFA00  }
0x65: {  	_ =	swait.ge [sflag:s26], $0x600  }
0x66: {  	[sflag:s26] =	ssyncset.done $0x0  }
0x67: {  	s21 =	sadd.s32 $0xC0, s1;
	[sflag:s26] =	ssyncadd.s32 $0xFFFFFA00  }
0x68: {  	[tilespmem:s22], [sflag:$0x1] =	stream.indirect.gather [hbm4b:s4+s23], $0x10, s21, s23, $0xb8;
	[tilespmem:$0x8380] =	vst v63  }
.Ltmp0:
0x69: {  	_ = 	snop;
	(pc) =	sbr.rel @p0 .LBB2_2-.Ltmp0, $4  }
0x6a: {  	s1 =	sadd.s32 $0x2820, s1  }
0x6b: {  	[spmem:s2] =	stream.indirect.scatter.add.f32 [tilespmem:s25], [sflag:$0x3], $0x10, s1, s23, $0xb8;
	[tilespmem:$0x8380] =	vst v63  }
0x6c: {  	_ =	swait.ge [sflag:s20], $0x600  }
0x6d: {  	[sflag:s20] =	ssyncset.done $0x0  }
0x6e: {  	[sflag:s20] =	ssyncadd.s32 $0xFFFFFA00  }
0x6f: {  	_ =	swait.ge [sflag:s24], $0x600  }
0x70: {  	[sflag:s24] =	ssyncset.done $0x0  }
0x71: {  	[sflag:s24] =	ssyncadd.s32 $0xFFFFFA00  }
0x72: {  	[tilespmem:s25], [sflag:$0x2] =	stream.indirect.gather [hbm4b:s4+s23], $0x10, s28, s23, $0xb8;
	[tilespmem:$0x8380] =	vst v63  }
0x73: {  	_ = 	snop  }
0x74: {  	[spmem:s2] =	stream.indirect.scatter.add.f32 [tilespmem:s22], [sflag:$0x3], $0x10, s29, s23, $0xb8;
	[tilespmem:$0x8380] =	vst v63  }
0x75: {  	_ =	swait.ge [sflag:s20], $0x600  }
0x76: {  	[sflag:s20] =	ssyncset.done $0x0  }
0x77: {  	[sflag:s20] =	ssyncadd.s32 $0xFFFFFA00  }
0x78: {  	_ =	swait.ge [sflag:s26], $0x600  }
0x79: {  	[sflag:s26] =	ssyncset.done $0x0  }
0x7a: {  	[sflag:s26] =	ssyncadd.s32 $0xFFFFFA00  }
0x7b: {  	[spmem:s2] =	stream.indirect.scatter.add.f32 [tilespmem:s25], [sflag:$0x3], $0x10, s30, s23, $0xb8;
	[tilespmem:$0x8380] =	vst v63  }
0x7c: {  	s0 =	stileid.u32;
	_ =	swait.ge [sflag:s20], $0x600  }
0x7d: {  	s1 =	sshrl.u32 s8, $0x3;
	s31 =	sadd.s32 $0x1, s31;
	[sflag:s20] =	ssyncset.done $0x0  }
0x7e: {  	s0 =	sshll.u32 s0, $0x6;
	p0 =	sne.s32 s31, s19;
	[sflag:s20] =	ssyncadd.s32 $0xFFFFFA00  }
.Ltmp1:
0x7f: {  	s0 =	sor.u32 $0x1C03, s0;
	[bflag:$0x0] =	sbarrier.arrive $0xFFFF;
	(pc) =	sbr.rel @p0 .LBB2_1-.Ltmp1, $4  }
0x80: {  	[hbm:s18], [sflag:s0] =	dma.local [spmem:s1], $0x500  }
0x81: {  	_ =	swait.ge [sflag:s20], $0x500  }
0x82: {  	[sflag:s20] =	ssyncset.done $0x0  }
0x83: {  	[sflag:s20] =	ssyncadd.s32 $0xFFFFFB00  }
0x84: {  	_ =	sfence.sel $0x180000  }
0x85: {  	[bflag:$0x0] =	sbarrier.arrive $0xFFFF  }
0x86: {  	_ =	strace $0x90000056  }
0x87: {  	s0 =	stileid.u32;
	[bflag:$0x2] =	sbarrier.arrive $0xFFFF  }
0x88: {  	p0 =	sne.s32 s0, $0x0;
	s0 =	rddreg [dreg:$0x2]  }
0x89: {  	s0 =	sadd.s32 @!p0 $0x100000, s0  }
0x8a: {  	[sflag:s0] =	ssyncadd.tile.s32 @!p0 $0x1;
	_ =	shalt  }
.Lfunc_end2:
_tile_overlayer_lowered:
.L_overlay_start_2:
0x8b: {  	(tag) =	ssettag $0x2  }
0x8c: {  	s0 =	rddreg [dreg:$0x0];
	s2 =	stileid.u32  }
0x8d: {  	s1 =	rddreg [dreg:$0x1];
	p0 =	sne.s32 s2, $0x0  }
0x8e: {  	s3 =	rddreg [dreg:$0x2];
	[bflag:$0x3] =	sbarrier.arrive $0xFFFF;
	s2 =	simm.s32 @!p0 $0x1C03  }
0x8f: {  	[timem:s3], [sflag:s2] =	dma.local @!p0 [hbm:s0], s1  }
0x90: {  	s0 =	simm.s32 @!p0 $0x3  }
0x91: {  	_ =	swait.ge @!p0 [sflag:s0], s1  }
0x92: {  	s1 =	ssub.s32 @!p0 $0x0, s1;
	[sflag:s0] =	ssyncset.done @!p0 $0x0  }
0x93: {  	[sflag:s0] =	ssyncadd.s32 @!p0 s1  }
0x94: {  	[bflag:$0x3] =	sbarrier.arrive $0xFFFF  }
0x95: {  	_ =	shalt  }

</sc_bundles>
